<compile_context>
chip_gen: v7x
topology: tpu7x:2x2x1
jax: 0.10.2.dev20260603
libtpu: 0.0.44.dev20260713+nightly
codegen_flags: <defaults>
</compile_context>

<pallas_src>
import functools

import jax
import jax.numpy as jnp
from jax import lax
from jax.experimental import pallas as pl
from jax.experimental.pallas import tpu as pltpu
from jax.experimental.pallas import tpu_sc as plsc

_NC, _NS = 2, 16
_NW = _NC * _NS

_B, _H, _D, _V = 16384, 50, 64, 100000
_BPW = _B // _NW
_IPW = _BPW * _H
_UNITS = 2 * _H


def _transform_table(table, W, b2d):
    V, E = table.shape
    O = W.shape[0]
    BLK = 4000

    def body(t_ref, w_ref, b_ref, o_ref):
        x = t_ref[...]
        row = lax.broadcasted_iota(jnp.int32, x.shape, 0)
        x = jnp.where((row == 0) & (pl.program_id(0) == 0), 0.0, x)
        y = lax.dot_general(x, w_ref[...], (((1,), (1,)), ((), ())),
                            preferred_element_type=jnp.float32)
        o_ref[...] = jnp.maximum(y + b_ref[...], 0.0)

    return pl.pallas_call(
        body,
        grid=(V // BLK,),
        in_specs=[
            pl.BlockSpec((BLK, E), lambda i: (i, 0)),
            pl.BlockSpec((O, E), lambda i: (0, 0)),
            pl.BlockSpec((1, O), lambda i: (0, 0)),
        ],
        out_specs=pl.BlockSpec((BLK, O), lambda i: (i, 0)),
        out_shape=jax.ShapeDtypeStruct((V, O), jnp.float32),
    )(table, W, b2d)


def _make_tgather():
    mesh = plsc.VectorSubcoreMesh(core_axis_name="c", subcore_axis_name="s")

    @functools.partial(
        pl.kernel,
        mesh=mesh,
        out_type=jax.ShapeDtypeStruct((_H, _D // 8, _B // 128, 8, 128),
                                      jnp.float32),
        compiler_params=pltpu.CompilerParams(use_tc_tiling_on_sc=False,
                                             needs_layout_passes=False,
                                             disable_bounds_checks=True),
        scratch_types=[
            pltpu.VMEM((_IPW,), jnp.int32),
            pltpu.VMEM((_IPW,), jnp.int32),
            pltpu.VMEM((256, _D), jnp.float32),
            pltpu.VMEM((256, _D), jnp.float32),
            pltpu.VMEM((8, 2, 9, 133), jnp.float32),
            pltpu.VMEM((8, 2, 9, 133), jnp.float32),
            pltpu.SemaphoreType.DMA,
            pltpu.SemaphoreType.DMA,
            pltpu.SemaphoreType.DMA,
            pltpu.SemaphoreType.DMA,
        ],
    )
    def tgather(t2_hbm, idx_hbm, out_hbm, idx_raw, idx_t,
                rows0, rows1, trans0, trans1, gs0, gs1, ws0, ws1):
        wid = lax.axis_index("s") * _NC + lax.axis_index("c")
        base = wid * _IPW
        lane = jnp.arange(16, dtype=jnp.int32)

        pltpu.sync_copy(idx_hbm.at[pl.ds(base, _IPW)], idx_raw)

        def blc_body(blc, _):
            bl0 = blc * 16
            iv0 = bl0 * _H + lane * _H

            def h_body(h, iv):
                vals = plsc.load_gather(idx_raw, [iv])
                idx_t[pl.ds(h * _BPW + bl0, 16)] = vals
                return iv + 1

            lax.fori_loop(0, _H, h_body, iv0)
            return _

        lax.fori_loop(0, _BPW // 16, blc_body, 0)

        rows = (rows0, rows1)
        trans = (trans0, trans1)
        gsem = (gs0, gs1)
        wsem = (ws0, ws1)

        def fire_gather(u, slot):
            off = u * 256
            for s in range(2):
                pltpu.async_copy(
                    t2_hbm.at[idx_t.at[pl.ds(off + s * 128, 128)]],
                    rows[slot].at[pl.ds(s * 128, 128)],
                    gsem[slot],
                )

        def wait_gather(slot):
            pltpu.make_async_copy(
                t2_hbm.at[pl.ds(0, 256)], rows[slot], gsem[slot]).wait()

        dt_vecs = [2 * dc + lane // 8 for dc in range(4)]
        cv_vecs = [jnp.full((16,), dc * 16, jnp.int32) + lane for dc in range(4)]
        di_vec = lane % 8
        zerov = jnp.zeros((16,), jnp.int32)

        def transpose(slot):
            r = rows[slot]
            t = trans[slot]

            def c_half(c_local):
                c_vec = jnp.full((16,), c_local, jnp.int32)

                @plsc.parallel_loop(0, 128, step=1, unroll=8)
                def _bl_body(i):
                    bi_vec = zerov + i
                    r_vec = bi_vec + (c_local * 128)
                    for dc in range(4):
                        vals = plsc.load_gather(r, [r_vec, cv_vecs[dc]])
                        plsc.store_scatter(
                            t, [dt_vecs[dc], c_vec, di_vec, bi_vec], vals)

            c_half(0)
            c_half(1)

        def fire_writes(u, slot):
            h = u // 2
            half = u % 2
            bt0 = wid * 4 + half * 2
            for dt in range(8):
                pltpu.async_copy(
                    trans[slot].at[dt, :, pl.ds(0, 8), pl.ds(0, 128)],
                    out_hbm.at[h, dt, pl.ds(bt0, 2)],
                    wsem[slot],
                )

        def wait_writes(u, slot):
            h = u // 2
            half = u % 2
            bt0 = wid * 4 + half * 2
            for dt in range(8):
                pltpu.make_async_copy(
                    trans[slot].at[dt, :, pl.ds(0, 8), pl.ds(0, 128)],
                    out_hbm.at[h, dt, pl.ds(bt0, 2)],
                    wsem[slot],
                ).wait()

        fire_gather(0, 0)

        def unit_pair(i, carry):
            u0 = i * 2
            fire_gather(u0 + 1, 1)
            wait_gather(0)

            @pl.when(i > 0)
            def _w0():
                wait_writes(u0 - 2, 0)

            transpose(0)
            fire_writes(u0, 0)

            @pl.when(i + 1 < _UNITS // 2)
            def _g0():
                fire_gather(u0 + 2, 0)

            wait_gather(1)

            @pl.when(i > 0)
            def _w1():
                wait_writes(u0 - 1, 1)

            transpose(1)
            fire_writes(u0 + 1, 1)
            return carry

        lax.fori_loop(0, _UNITS // 2, unit_pair, 0)
        wait_writes(_UNITS - 2, 0)
        wait_writes(_UNITS - 1, 1)

    return tgather


def kernel(category, table, W, b):
    B, H = category.shape
    D = W.shape[0]
    assert (B, H, D) == (_B, _H, _D)
    t2 = _transform_table(table, W, b.reshape(1, -1))
    idx = category.reshape(-1).astype(jnp.int32)
    out5 = _make_tgather()(t2, idx)
    return out5.transpose(2, 4, 0, 1, 3).reshape(B, H, D)

# --- scband reference (transcript-rebuilt; emitter-appended) ---
"""Pipeline reference for scband-namlcategory-encoder-31447750541532 (READ-ONLY COPY).

The authoritative reference and input builder live on the scoring server;
editing this copy changes nothing except your own understanding.
"""

import jax, jax.numpy as jnp
import numpy as np

VOCAB = 100000
EMB = 64
OUT = 64
BATCH = 16384
HIST = 50

def setup_inputs(seed: int = 0) -> dict:
    key = jax.random.key(seed)
    k1, k2, k3 = jax.random.split(key, 3)
    category = jax.random.randint(k1, (BATCH, HIST), 0, VOCAB, dtype=jnp.int64)
    table = jax.random.normal(k2, (VOCAB, EMB), dtype=jnp.float32) * 0.02
    W = jax.random.normal(k3, (OUT, EMB), dtype=jnp.float32) * 0.05
    b = jnp.zeros((OUT,), dtype=jnp.float32)
    return {"category": category, "table": table, "W": W, "b": b}

def reference(category, table, W, b):
    # nn.Embedding with padding_idx=0: row 0 acts as a zero vector
    t = table.at[0].set(0.0)
    emb = jnp.take(t, category, axis=0)           # [B, H, EMB] gather (SparseCore)
    out = jax.nn.relu(jnp.dot(emb, W.T) + b)       # Linear + ReLU
    return out

if __name__ == "__main__":
    import jax
    _d = setup_inputs()
    print(jax.jit(kernel)(*tuple(_d.values())))

</pallas_src>

<mosaic_0001>
#map = affine_map<(d0, d1) -> (0, 0)>
#map1 = affine_map<(d0, d1) -> (0)>
#map2 = affine_map<(d0, d1) -> (0, 0, 0, 0, 0)>
module attributes {stable_mosaic.version = 14 : i64} {
  func.func @tgather(%arg0: i32, %arg1: i32, %arg2: memref<100000x64xf32, #tpu.memory_space<hbm>>, %arg3: memref<819200xi32, #tpu.memory_space<hbm>>, %arg4: memref<50x8x128x8x128xf32, #tpu.memory_space<hbm>>, %arg5: memref<25600xi32, #tpu.memory_space<vmem>>, %arg6: memref<25600xi32, #tpu.memory_space<vmem>>, %arg7: memref<256x64xf32, #tpu.memory_space<vmem>>, %arg8: memref<256x64xf32, #tpu.memory_space<vmem>>, %arg9: memref<8x2x9x133xf32, #tpu.memory_space<vmem>>, %arg10: memref<8x2x9x133xf32, #tpu.memory_space<vmem>>, %arg11: memref<!tpu.dma_semaphore, #tpu.memory_space<semaphore_mem>>, %arg12: memref<!tpu.dma_semaphore, #tpu.memory_space<semaphore_mem>>, %arg13: memref<!tpu.dma_semaphore, #tpu.memory_space<semaphore_mem>>, %arg14: memref<!tpu.dma_semaphore, #tpu.memory_space<semaphore_mem>>) attributes {dimension_semantics = [#tpu.dimension_semantics<core_parallel>, #tpu.dimension_semantics<subcore_parallel>], iteration_bounds = array<i64: 2, 16>, scalar_prefetch = 0 : i64, scratch_operands = 10 : i64, tpu.core_type = #tpu.core_type<sc_vector_subcore>, window_params = [{transform_indices = #map}, {transform_indices = #map1}, {transform_indices = #map2}]} {
    %mul3A = arith.constant 2 : i32
    %mul3A_0 = arith.muli %arg1, %mul3A : i32
    %add3A = arith.addi %mul3A_0, %arg0 : i32
    %mul3A_1 = arith.constant 25600 : i32
    %mul3A_2 = arith.muli %add3A, %mul3A_1 : i32
    %iota3A = tpu.iota {dimensions = array<i32: 0>} : vector<16xi32>
    "tpu.region"() ({
      %run_scoped3A = tpu.sem_alloc : memref<!tpu.dma_semaphore, #tpu.memory_space<semaphore_mem>>
      %dma_start3A_533 = tpu.memref_slice %arg3[%mul3A_2] : memref<819200xi32, #tpu.memory_space<hbm>> -> memref<25600xi32, #tpu.memory_space<hbm>>
      %dma_start3A_534 = tpu.memref_slice %arg3[%mul3A_2] : memref<819200xi32, #tpu.memory_space<hbm>> -> memref<25600xi32, #tpu.memory_space<hbm>>
      tpu.enqueue_dma source(%dma_start3A_534 : memref<25600xi32, #tpu.memory_space<hbm>>) target(%arg5 : memref<25600xi32, #tpu.memory_space<vmem>>) target_semaphore(%run_scoped3A : memref<!tpu.dma_semaphore, #tpu.memory_space<semaphore_mem>>)
      %dma_wait3A_535 = tpu.memref_slice %arg3[%mul3A_2] : memref<819200xi32, #tpu.memory_space<hbm>> -> memref<25600xi32, #tpu.memory_space<hbm>>
      %dma_wait3A_536 = tpu.memref_slice %arg3[%mul3A_2] : memref<819200xi32, #tpu.memory_space<hbm>> -> memref<25600xi32, #tpu.memory_space<hbm>>
      tpu.wait_dma2 semaphore(%run_scoped3A : memref<!tpu.dma_semaphore, #tpu.memory_space<semaphore_mem>>) src(%dma_wait3A_536 : memref<25600xi32, #tpu.memory_space<hbm>>) dst(%arg5 : memref<25600xi32, #tpu.memory_space<vmem>>)
      tpu.yield
    }) : () -> ()
    %scan3A = arith.constant 0 : i32
    %scan3A_3 = arith.constant 0 : i32
    %scan3A_4 = arith.constant 32 : i32
    %scan3A_5 = arith.addi %scan3A_3, %scan3A_4 : i32
    %scan3A_6 = arith.constant 1 : i32
    scf.for %scan3A_533 = %scan3A_3 to %scan3A_5 step %scan3A_6  : i32 {
      %mul3A_534 = arith.constant 16 : i32
      %mul3A_535 = arith.muli %scan3A_533, %mul3A_534 : i32
      %mul3A_536 = arith.constant 50 : i32
      %mul3A_537 = arith.muli %mul3A_535, %mul3A_536 : i32
      %mul3A_538 = arith.constant 50 : i32
      %mul3A_539 = vector.broadcast %mul3A_538 : i32 to vector<16xi32>
      %mul3A_540 = arith.muli %iota3A, %mul3A_539 : vector<16xi32>
      %add3A_541 = vector.broadcast %mul3A_537 : i32 to vector<16xi32>
      %add3A_542 = arith.addi %add3A_541, %mul3A_540 : vector<16xi32>
      %scan3A_543 = arith.constant 0 : i32
      %scan3A_544 = arith.constant 50 : i32
      %scan3A_545 = arith.addi %scan3A_543, %scan3A_544 : i32
      %scan3A_546 = arith.constant 1 : i32
      %scan3A_547 = scf.for %scan3A_549 = %scan3A_543 to %scan3A_545 step %scan3A_546 iter_args(%scan3A_550 = %add3A_542) -> (vector<16xi32>)  : i32 {
        %gather3A = tpu.vector_load_idx %arg5[%scan3A_550] : memref<25600xi32, #tpu.memory_space<vmem>>[vector<16xi32>], vector<16xi32>,
        %mul3A_551 = arith.constant 512 : i32
        %mul3A_552 = arith.muli %scan3A_549, %mul3A_551 : i32
        %add3A_553 = arith.addi %mul3A_552, %mul3A_535 : i32
        %swap3A = arith.index_cast %add3A_553 : i32 to index
        %swap3A_554 = tpu.vector_load %arg6[%swap3A] {strides = array<i32>} : memref<25600xi32, #tpu.memory_space<vmem>>, vector<16xi32>,
        tpu.vector_store %arg6[%swap3A], %gather3A {strides = array<i32>} : memref<25600xi32, #tpu.memory_space<vmem>>, vector<16xi32>,
        %add3A_555 = arith.constant 1 : i32
        %add3A_556 = vector.broadcast %add3A_555 : i32 to vector<16xi32>
        %add3A_557 = arith.addi %scan3A_550, %add3A_556 : vector<16xi32>
        scf.yield %add3A_557 : vector<16xi32>
      }
      %scan3A_548 = arith.constant 50 : i32
    }
    %scan3A_7 = arith.constant 32 : i32
    %jit3A = arith.constant 8 : i32
    %div3A = vector.broadcast %jit3A : i32 to vector<16xi32>
    %div3A_8 = arith.divsi %iota3A, %div3A : vector<16xi32>
    %sign3A = arith.constant 0 : i32
    %sign3A_9 = vector.broadcast %sign3A : i32 to vector<16xi32>
    %sign3A_10 = arith.cmpi sgt, %iota3A, %sign3A_9 : vector<16xi32>
    %sign3A_11 = arith.extui %sign3A_10 : vector<16xi1> to vector<16xi32>
    %sign3A_12 = arith.constant 0 : i32
    %sign3A_13 = vector.broadcast %sign3A_12 : i32 to vector<16xi32>
    %sign3A_14 = arith.cmpi slt, %iota3A, %sign3A_13 : vector<16xi32>
    %sign3A_15 = arith.extui %sign3A_14 : vector<16xi1> to vector<16xi32>
    %sign3A_16 = arith.subi %sign3A_11, %sign3A_15 : vector<16xi32>
    %sign3A_17 = arith.constant 0 : i32
    %sign3A_18 = arith.cmpi sgt, %jit3A, %sign3A_17 : i32
    %sign3A_19 = arith.extui %sign3A_18 : i1 to i32
    %sign3A_20 = arith.constant 0 : i32
    %sign3A_21 = arith.cmpi slt, %jit3A, %sign3A_20 : i32
    %sign3A_22 = arith.extui %sign3A_21 : i1 to i32
    %sign3A_23 = arith.subi %sign3A_19, %sign3A_22 : i32
    %ne3A = vector.broadcast %sign3A_23 : i32 to vector<16xi32>
    %ne3A_24 = arith.cmpi ne, %sign3A_16, %ne3A : vector<16xi32>
    %rem3A = vector.broadcast %jit3A : i32 to vector<16xi32>
    %rem3A_25 = arith.remsi %iota3A, %rem3A : vector<16xi32>
    %ne3A_26 = arith.constant 0 : i32
    %ne3A_27 = vector.broadcast %ne3A_26 : i32 to vector<16xi32>
    %ne3A_28 = arith.cmpi ne, %rem3A_25, %ne3A_27 : vector<16xi32>
    %and3A = arith.andi %ne3A_24, %ne3A_28 : vector<16xi1>
    %sub3A = arith.constant 1 : i32
    %sub3A_29 = vector.broadcast %sub3A : i32 to vector<16xi32>
    %sub3A_30 = arith.subi %div3A_8, %sub3A_29 : vector<16xi32>
    %select_n3A = arith.select %and3A, %sub3A_30, %div3A_8 : vector<16xi1>, vector<16xi32>
    %add3A_31 = arith.constant 0 : i32
    %add3A_32 = vector.broadcast %add3A_31 : i32 to vector<16xi32>
    %add3A_33 = arith.addi %add3A_32, %select_n3A : vector<16xi32>
    %jit3A_34 = arith.constant 8 : i32
    %div3A_35 = vector.broadcast %jit3A_34 : i32 to vector<16xi32>
    %div3A_36 = arith.divsi %iota3A, %div3A_35 : vector<16xi32>
    %sign3A_37 = arith.constant 0 : i32
    %sign3A_38 = vector.broadcast %sign3A_37 : i32 to vector<16xi32>
    %sign3A_39 = arith.cmpi sgt, %iota3A, %sign3A_38 : vector<16xi32>
    %sign3A_40 = arith.extui %sign3A_39 : vector<16xi1> to vector<16xi32>
    %sign3A_41 = arith.constant 0 : i32
    %sign3A_42 = vector.broadcast %sign3A_41 : i32 to vector<16xi32>
    %sign3A_43 = arith.cmpi slt, %iota3A, %sign3A_42 : vector<16xi32>
    %sign3A_44 = arith.extui %sign3A_43 : vector<16xi1> to vector<16xi32>
    %sign3A_45 = arith.subi %sign3A_40, %sign3A_44 : vector<16xi32>
    %sign3A_46 = arith.constant 0 : i32
    %sign3A_47 = arith.cmpi sgt, %jit3A_34, %sign3A_46 : i32
    %sign3A_48 = arith.extui %sign3A_47 : i1 to i32
    %sign3A_49 = arith.constant 0 : i32
    %sign3A_50 = arith.cmpi slt, %jit3A_34, %sign3A_49 : i32
    %sign3A_51 = arith.extui %sign3A_50 : i1 to i32
    %sign3A_52 = arith.subi %sign3A_48, %sign3A_51 : i32
    %ne3A_53 = vector.broadcast %sign3A_52 : i32 to vector<16xi32>
    %ne3A_54 = arith.cmpi ne, %sign3A_45, %ne3A_53 : vector<16xi32>
    %rem3A_55 = vector.broadcast %jit3A_34 : i32 to vector<16xi32>
    %rem3A_56 = arith.remsi %iota3A, %rem3A_55 : vector<16xi32>
    %ne3A_57 = arith.constant 0 : i32
    %ne3A_58 = vector.broadcast %ne3A_57 : i32 to vector<16xi32>
    %ne3A_59 = arith.cmpi ne, %rem3A_56, %ne3A_58 : vector<16xi32>
    %and3A_60 = arith.andi %ne3A_54, %ne3A_59 : vector<16xi1>
    %sub3A_61 = arith.constant 1 : i32
    %sub3A_62 = vector.broadcast %sub3A_61 : i32 to vector<16xi32>
    %sub3A_63 = arith.subi %div3A_36, %sub3A_62 : vector<16xi32>
    %select_n3A_64 = arith.select %and3A_60, %sub3A_63, %div3A_36 : vector<16xi1>, vector<16xi32>
    %add3A_65 = arith.constant 2 : i32
    %add3A_66 = vector.broadcast %add3A_65 : i32 to vector<16xi32>
    %add3A_67 = arith.addi %add3A_66, %select_n3A_64 : vector<16xi32>
    %jit3A_68 = arith.constant 8 : i32
    %div3A_69 = vector.broadcast %jit3A_68 : i32 to vector<16xi32>
    %div3A_70 = arith.divsi %iota3A, %div3A_69 : vector<16xi32>
    %sign3A_71 = arith.constant 0 : i32
    %sign3A_72 = vector.broadcast %sign3A_71 : i32 to vector<16xi32>
    %sign3A_73 = arith.cmpi sgt, %iota3A, %sign3A_72 : vector<16xi32>
    %sign3A_74 = arith.extui %sign3A_73 : vector<16xi1> to vector<16xi32>
    %sign3A_75 = arith.constant 0 : i32
    %sign3A_76 = vector.broadcast %sign3A_75 : i32 to vector<16xi32>
    %sign3A_77 = arith.cmpi slt, %iota3A, %sign3A_76 : vector<16xi32>
    %sign3A_78 = arith.extui %sign3A_77 : vector<16xi1> to vector<16xi32>
    %sign3A_79 = arith.subi %sign3A_74, %sign3A_78 : vector<16xi32>
    %sign3A_80 = arith.constant 0 : i32
    %sign3A_81 = arith.cmpi sgt, %jit3A_68, %sign3A_80 : i32
    %sign3A_82 = arith.extui %sign3A_81 : i1 to i32
    %sign3A_83 = arith.constant 0 : i32
    %sign3A_84 = arith.cmpi slt, %jit3A_68, %sign3A_83 : i32
    %sign3A_85 = arith.extui %sign3A_84 : i1 to i32
    %sign3A_86 = arith.subi %sign3A_82, %sign3A_85 : i32
    %ne3A_87 = vector.broadcast %sign3A_86 : i32 to vector<16xi32>
    %ne3A_88 = arith.cmpi ne, %sign3A_79, %ne3A_87 : vector<16xi32>
    %rem3A_89 = vector.broadcast %jit3A_68 : i32 to vector<16xi32>
    %rem3A_90 = arith.remsi %iota3A, %rem3A_89 : vector<16xi32>
    %ne3A_91 = arith.constant 0 : i32
    %ne3A_92 = vector.broadcast %ne3A_91 : i32 to vector<16xi32>
    %ne3A_93 = arith.cmpi ne, %rem3A_90, %ne3A_92 : vector<16xi32>
    %and3A_94 = arith.andi %ne3A_88, %ne3A_93 : vector<16xi1>
    %sub3A_95 = arith.constant 1 : i32
    %sub3A_96 = vector.broadcast %sub3A_95 : i32 to vector<16xi32>
    %sub3A_97 = arith.subi %div3A_70, %sub3A_96 : vector<16xi32>
    %select_n3A_98 = arith.select %and3A_94, %sub3A_97, %div3A_70 : vector<16xi1>, vector<16xi32>
    %add3A_99 = arith.constant 4 : i32
    %add3A_100 = vector.broadcast %add3A_99 : i32 to vector<16xi32>
    %add3A_101 = arith.addi %add3A_100, %select_n3A_98 : vector<16xi32>
    %jit3A_102 = arith.constant 8 : i32
    %div3A_103 = vector.broadcast %jit3A_102 : i32 to vector<16xi32>
    %div3A_104 = arith.divsi %iota3A, %div3A_103 : vector<16xi32>
    %sign3A_105 = arith.constant 0 : i32
    %sign3A_106 = vector.broadcast %sign3A_105 : i32 to vector<16xi32>
    %sign3A_107 = arith.cmpi sgt, %iota3A, %sign3A_106 : vector<16xi32>
    %sign3A_108 = arith.extui %sign3A_107 : vector<16xi1> to vector<16xi32>
    %sign3A_109 = arith.constant 0 : i32
    %sign3A_110 = vector.broadcast %sign3A_109 : i32 to vector<16xi32>
    %sign3A_111 = arith.cmpi slt, %iota3A, %sign3A_110 : vector<16xi32>
    %sign3A_112 = arith.extui %sign3A_111 : vector<16xi1> to vector<16xi32>
    %sign3A_113 = arith.subi %sign3A_108, %sign3A_112 : vector<16xi32>
    %sign3A_114 = arith.constant 0 : i32
    %sign3A_115 = arith.cmpi sgt, %jit3A_102, %sign3A_114 : i32
    %sign3A_116 = arith.extui %sign3A_115 : i1 to i32
    %sign3A_117 = arith.constant 0 : i32
    %sign3A_118 = arith.cmpi slt, %jit3A_102, %sign3A_117 : i32
    %sign3A_119 = arith.extui %sign3A_118 : i1 to i32
    %sign3A_120 = arith.subi %sign3A_116, %sign3A_119 : i32
    %ne3A_121 = vector.broadcast %sign3A_120 : i32 to vector<16xi32>
    %ne3A_122 = arith.cmpi ne, %sign3A_113, %ne3A_121 : vector<16xi32>
    %rem3A_123 = vector.broadcast %jit3A_102 : i32 to vector<16xi32>
    %rem3A_124 = arith.remsi %iota3A, %rem3A_123 : vector<16xi32>
    %ne3A_125 = arith.constant 0 : i32
    %ne3A_126 = vector.broadcast %ne3A_125 : i32 to vector<16xi32>
    %ne3A_127 = arith.cmpi ne, %rem3A_124, %ne3A_126 : vector<16xi32>
    %and3A_128 = arith.andi %ne3A_122, %ne3A_127 : vector<16xi1>
    %sub3A_129 = arith.constant 1 : i32
    %sub3A_130 = vector.broadcast %sub3A_129 : i32 to vector<16xi32>
    %sub3A_131 = arith.subi %div3A_104, %sub3A_130 : vector<16xi32>
    %select_n3A_132 = arith.select %and3A_128, %sub3A_131, %div3A_104 : vector<16xi1>, vector<16xi32>
    %add3A_133 = arith.constant 6 : i32
    %add3A_134 = vector.broadcast %add3A_133 : i32 to vector<16xi32>
    %add3A_135 = arith.addi %add3A_134, %select_n3A_132 : vector<16xi32>
    %broadcast_in_dim3A = arith.constant 0 : i32
    %broadcast_in_dim3A_136 = vector.broadcast %broadcast_in_dim3A : i32 to vector<16xi32>
    %add3A_137 = arith.addi %broadcast_in_dim3A_136, %iota3A : vector<16xi32>
    %broadcast_in_dim3A_138 = arith.constant 16 : i32
    %broadcast_in_dim3A_139 = vector.broadcast %broadcast_in_dim3A_138 : i32 to vector<16xi32>
    %add3A_140 = arith.addi %broadcast_in_dim3A_139, %iota3A : vector<16xi32>
    %broadcast_in_dim3A_141 = arith.constant 32 : i32
    %broadcast_in_dim3A_142 = vector.broadcast %broadcast_in_dim3A_141 : i32 to vector<16xi32>
    %add3A_143 = arith.addi %broadcast_in_dim3A_142, %iota3A : vector<16xi32>
    %broadcast_in_dim3A_144 = arith.constant 48 : i32
    %broadcast_in_dim3A_145 = vector.broadcast %broadcast_in_dim3A_144 : i32 to vector<16xi32>
    %add3A_146 = arith.addi %broadcast_in_dim3A_145, %iota3A : vector<16xi32>
    %jit3A_147 = arith.constant 8 : i32
    %eq3A = arith.constant 0 : i32
    %eq3A_148 = arith.cmpi eq, %jit3A_147, %eq3A : i32
    %jit3A_149 = arith.constant 1 : i32
    %select_n3A_150 = arith.select %eq3A_148, %jit3A_149, %jit3A_147 : i32
    %rem3A_151 = vector.broadcast %select_n3A_150 : i32 to vector<16xi32>
    %rem3A_152 = arith.remsi %iota3A, %rem3A_151 : vector<16xi32>
    %ne3A_153 = arith.constant 0 : i32
    %ne3A_154 = vector.broadcast %ne3A_153 : i32 to vector<16xi32>
    %ne3A_155 = arith.cmpi ne, %rem3A_152, %ne3A_154 : vector<16xi32>
    %lt3A = arith.constant 0 : i32
    %lt3A_156 = vector.broadcast %lt3A : i32 to vector<16xi32>
    %lt3A_157 = arith.cmpi slt, %rem3A_152, %lt3A_156 : vector<16xi32>
    %lt3A_158 = arith.constant 0 : i32
    %lt3A_159 = arith.cmpi slt, %select_n3A_150, %lt3A_158 : i32
    %ne3A_160 = vector.broadcast %lt3A_159 : i1 to vector<16xi1>
    %ne3A_161 = vector.broadcast %ne3A_160 : vector<16xi1> to vector<16xi1>
    %ne3A_162 = arith.xori %lt3A_157, %ne3A_161 : vector<16xi1>
    %and3A_163 = arith.andi %ne3A_162, %ne3A_155 : vector<16xi1>
    %add3A_164 = vector.broadcast %select_n3A_150 : i32 to vector<16xi32>
    %add3A_165 = arith.addi %rem3A_152, %add3A_164 : vector<16xi32>
    %select_n3A_166 = arith.select %and3A_163, %add3A_165, %rem3A_152 : vector<16xi1>, vector<16xi32>
    %broadcast_in_dim3A_167 = arith.constant 0 : i32
    %broadcast_in_dim3A_168 = vector.broadcast %broadcast_in_dim3A_167 : i32 to vector<16xi32>
    %dma_start3A = arith.constant 0 : i32
    %dma_start3A_169 = arith.constant 0 : i32
    %dma_start3A_170 = tpu.memref_slice %arg7[%dma_start3A, %dma_start3A_169] : memref<256x64xf32, #tpu.memory_space<vmem>> -> memref<128x64xf32, #tpu.memory_space<vmem>>
    %dma_start3A_171 = arith.constant 0 : i32
    %dma_start3A_172 = tpu.memref_slice %arg6[%dma_start3A_171] : memref<25600xi32, #tpu.memory_space<vmem>> -> memref<128xi32, #tpu.memory_space<vmem>>
    %dma_start3A_173 = arith.constant 0 : i32
    %dma_start3A_174 = arith.constant 0 : i32
    %dma_start3A_175 = tpu.memref_slice %arg2[%dma_start3A_173, %dma_start3A_174] : memref<100000x64xf32, #tpu.memory_space<hbm>> -> memref<100000x64xf32, #tpu.memory_space<hbm>>
    tpu.enqueue_indirect_dma source(%dma_start3A_175 : memref<100000x64xf32, #tpu.memory_space<hbm>>) target(%dma_start3A_170 : memref<128x64xf32, #tpu.memory_space<vmem>>) offsets(%dma_start3A_172 : memref<128xi32, #tpu.memory_space<vmem>>) semaphore(%arg11 : memref<!tpu.dma_semaphore, #tpu.memory_space<semaphore_mem>>)
    %dma_start3A_176 = arith.constant 128 : i32
    %dma_start3A_177 = arith.constant 0 : i32
    %dma_start3A_178 = tpu.memref_slice %arg7[%dma_start3A_176, %dma_start3A_177] : memref<256x64xf32, #tpu.memory_space<vmem>> -> memref<128x64xf32, #tpu.memory_space<vmem>>
    %dma_start3A_179 = arith.constant 128 : i32
    %dma_start3A_180 = tpu.memref_slice %arg6[%dma_start3A_179] : memref<25600xi32, #tpu.memory_space<vmem>> -> memref<128xi32, #tpu.memory_space<vmem>>
    %dma_start3A_181 = arith.constant 0 : i32
    %dma_start3A_182 = arith.constant 0 : i32
    %dma_start3A_183 = tpu.memref_slice %arg2[%dma_start3A_181, %dma_start3A_182] : memref<100000x64xf32, #tpu.memory_space<hbm>> -> memref<100000x64xf32, #tpu.memory_space<hbm>>
    tpu.enqueue_indirect_dma source(%dma_start3A_183 : memref<100000x64xf32, #tpu.memory_space<hbm>>) target(%dma_start3A_178 : memref<128x64xf32, #tpu.memory_space<vmem>>) offsets(%dma_start3A_180 : memref<128xi32, #tpu.memory_space<vmem>>) semaphore(%arg11 : memref<!tpu.dma_semaphore, #tpu.memory_space<semaphore_mem>>)
    %scan3A_184 = arith.constant 0 : i32
    %scan3A_185 = arith.constant 0 : i32
    %scan3A_186 = arith.constant 50 : i32
    %scan3A_187 = arith.addi %scan3A_185, %scan3A_186 : i32
    %scan3A_188 = arith.constant 1 : i32
    scf.for %scan3A_533 = %scan3A_185 to %scan3A_187 step %scan3A_188  : i32 {
      %mul3A_534 = arith.constant 2 : i32
      %mul3A_535 = arith.muli %scan3A_533, %mul3A_534 : i32
      %add3A_536 = arith.constant 1 : i32
      %add3A_537 = arith.addi %mul3A_535, %add3A_536 : i32
      %mul3A_538 = arith.constant 256 : i32
      %mul3A_539 = arith.muli %add3A_537, %mul3A_538 : i32
      %add3A_540 = arith.constant 0 : i32
      %add3A_541 = arith.addi %mul3A_539, %add3A_540 : i32
      %dma_start3A_542 = arith.constant 0 : i32
      %dma_start3A_543 = arith.constant 0 : i32
      %dma_start3A_544 = tpu.memref_slice %arg8[%dma_start3A_542, %dma_start3A_543] : memref<256x64xf32, #tpu.memory_space<vmem>> -> memref<128x64xf32, #tpu.memory_space<vmem>>
      %dma_start3A_545 = tpu.memref_slice %arg6[%add3A_541] : memref<25600xi32, #tpu.memory_space<vmem>> -> memref<128xi32, #tpu.memory_space<vmem>>
      %dma_start3A_546 = arith.constant 0 : i32
      %dma_start3A_547 = arith.constant 0 : i32
      %dma_start3A_548 = tpu.memref_slice %arg2[%dma_start3A_546, %dma_start3A_547] : memref<100000x64xf32, #tpu.memory_space<hbm>> -> memref<100000x64xf32, #tpu.memory_space<hbm>>
      tpu.enqueue_indirect_dma source(%dma_start3A_548 : memref<100000x64xf32, #tpu.memory_space<hbm>>) target(%dma_start3A_544 : memref<128x64xf32, #tpu.memory_space<vmem>>) offsets(%dma_start3A_545 : memref<128xi32, #tpu.memory_space<vmem>>) semaphore(%arg12 : memref<!tpu.dma_semaphore, #tpu.memory_space<semaphore_mem>>)
      %add3A_549 = arith.constant 128 : i32
      %add3A_550 = arith.addi %mul3A_539, %add3A_549 : i32
      %dma_start3A_551 = arith.constant 128 : i32
      %dma_start3A_552 = arith.constant 0 : i32
      %dma_start3A_553 = tpu.memref_slice %arg8[%dma_start3A_551, %dma_start3A_552] : memref<256x64xf32, #tpu.memory_space<vmem>> -> memref<128x64xf32, #tpu.memory_space<vmem>>
      %dma_start3A_554 = tpu.memref_slice %arg6[%add3A_550] : memref<25600xi32, #tpu.memory_space<vmem>> -> memref<128xi32, #tpu.memory_space<vmem>>
      %dma_start3A_555 = arith.constant 0 : i32
      %dma_start3A_556 = arith.constant 0 : i32
      %dma_start3A_557 = tpu.memref_slice %arg2[%dma_start3A_555, %dma_start3A_556] : memref<100000x64xf32, #tpu.memory_space<hbm>> -> memref<100000x64xf32, #tpu.memory_space<hbm>>
      tpu.enqueue_indirect_dma source(%dma_start3A_557 : memref<100000x64xf32, #tpu.memory_space<hbm>>) target(%dma_start3A_553 : memref<128x64xf32, #tpu.memory_space<vmem>>) offsets(%dma_start3A_554 : memref<128xi32, #tpu.memory_space<vmem>>) semaphore(%arg12 : memref<!tpu.dma_semaphore, #tpu.memory_space<semaphore_mem>>)
      %dma_wait3A_558 = arith.constant 0 : i32
      %dma_wait3A_559 = arith.constant 0 : i32
      %dma_wait3A_560 = tpu.memref_slice %arg2[%dma_wait3A_558, %dma_wait3A_559] : memref<100000x64xf32, #tpu.memory_space<hbm>> -> memref<256x64xf32, #tpu.memory_space<hbm>>
      %dma_wait3A_561 = arith.constant 0 : i32
      %dma_wait3A_562 = arith.constant 0 : i32
      %dma_wait3A_563 = tpu.memref_slice %arg2[%dma_wait3A_561, %dma_wait3A_562] : memref<100000x64xf32, #tpu.memory_space<hbm>> -> memref<256x64xf32, #tpu.memory_space<hbm>>
      tpu.wait_dma2 semaphore(%arg11 : memref<!tpu.dma_semaphore, #tpu.memory_space<semaphore_mem>>) src(%dma_wait3A_563 : memref<256x64xf32, #tpu.memory_space<hbm>>) dst(%arg7 : memref<256x64xf32, #tpu.memory_space<vmem>>)
      %gt3A = arith.constant 0 : i32
      %gt3A_564 = arith.cmpi sgt, %scan3A_533, %gt3A : i32
      %convert_element_type3A = arith.extui %gt3A_564 : i1 to i32
      %cond3A = arith.constant 0 : i32
      %cond3A_565 = arith.cmpi ne, %convert_element_type3A, %cond3A : i32
      scf.if %cond3A_565 {
        %sub3A_1015 = arith.constant 2 : i32
        %sub3A_1016 = arith.subi %mul3A_535, %sub3A_1015 : i32
        %jit3A_1017 = arith.constant 2 : i32
        %div3A_1018 = arith.divsi %sub3A_1016, %jit3A_1017 : i32
        %sign3A_1019 = arith.constant 0 : i32
        %sign3A_1020 = arith.cmpi sgt, %sub3A_1016, %sign3A_1019 : i32
        %sign3A_1021 = arith.extui %sign3A_1020 : i1 to i32
        %sign3A_1022 = arith.constant 0 : i32
        %sign3A_1023 = arith.cmpi slt, %sub3A_1016, %sign3A_1022 : i32
        %sign3A_1024 = arith.extui %sign3A_1023 : i1 to i32
        %sign3A_1025 = arith.subi %sign3A_1021, %sign3A_1024 : i32
        %sign3A_1026 = arith.constant 0 : i32
        %sign3A_1027 = arith.cmpi sgt, %jit3A_1017, %sign3A_1026 : i32
        %sign3A_1028 = arith.extui %sign3A_1027 : i1 to i32
        %sign3A_1029 = arith.constant 0 : i32
        %sign3A_1030 = arith.cmpi slt, %jit3A_1017, %sign3A_1029 : i32
        %sign3A_1031 = arith.extui %sign3A_1030 : i1 to i32
        %sign3A_1032 = arith.subi %sign3A_1028, %sign3A_1031 : i32
        %ne3A_1033 = arith.cmpi ne, %sign3A_1025, %sign3A_1032 : i32
        %rem3A_1034 = arith.remsi %sub3A_1016, %jit3A_1017 : i32
        %ne3A_1035 = arith.constant 0 : i32
        %ne3A_1036 = arith.cmpi ne, %rem3A_1034, %ne3A_1035 : i32
        %and3A_1037 = arith.andi %ne3A_1033, %ne3A_1036 : i1
        %sub3A_1038 = arith.constant 1 : i32
        %sub3A_1039 = arith.subi %div3A_1018, %sub3A_1038 : i32
        %select_n3A_1040 = arith.select %and3A_1037, %sub3A_1039, %div3A_1018 : i32
        %jit3A_1041 = arith.constant 2 : i32
        %eq3A_1042 = arith.constant 0 : i32
        %eq3A_1043 = arith.cmpi eq, %jit3A_1041, %eq3A_1042 : i32
        %jit3A_1044 = arith.constant 1 : i32
        %select_n3A_1045 = arith.select %eq3A_1043, %jit3A_1044, %jit3A_1041 : i32
        %rem3A_1046 = arith.remsi %sub3A_1016, %select_n3A_1045 : i32
        %ne3A_1047 = arith.constant 0 : i32
        %ne3A_1048 = arith.cmpi ne, %rem3A_1046, %ne3A_1047 : i32
        %lt3A_1049 = arith.constant 0 : i32
        %lt3A_1050 = arith.cmpi slt, %rem3A_1046, %lt3A_1049 : i32
        %lt3A_1051 = arith.constant 0 : i32
        %lt3A_1052 = arith.cmpi slt, %select_n3A_1045, %lt3A_1051 : i32
        %ne3A_1053 = arith.xori %lt3A_1050, %lt3A_1052 : i1
        %and3A_1054 = arith.andi %ne3A_1053, %ne3A_1048 : i1
        %add3A_1055 = arith.addi %rem3A_1046, %select_n3A_1045 : i32
        %select_n3A_1056 = arith.select %and3A_1054, %add3A_1055, %rem3A_1046 : i32
        %mul3A_1057 = arith.constant 4 : i32
        %mul3A_1058 = arith.muli %add3A, %mul3A_1057 : i32
        %mul3A_1059 = arith.constant 2 : i32
        %mul3A_1060 = arith.muli %select_n3A_1056, %mul3A_1059 : i32
        %add3A_1061 = arith.addi %mul3A_1058, %mul3A_1060 : i32
        %dma_wait3A_1062 = arith.constant 0 : i32
        %dma_wait3A_1063 = arith.constant 0 : i32
        %dma_wait3A_1064 = arith.constant 0 : i32
        %dma_wait3A_1065 = arith.constant 0 : i32
        %dma_wait3A_1066 = arith.constant 0 : i32
        %dma_wait3A_1067 = tpu.memref_slice %arg9[%dma_wait3A_1062, %dma_wait3A_1064, %dma_wait3A_1065, %dma_wait3A_1066] : memref<8x2x9x133xf32, #tpu.memory_space<vmem>> -> memref<1x2x8x128xf32, #tpu.memory_space<vmem>>
        %dma_wait3A_1068 = tpu.memref_squeeze %dma_wait3A_1067 : memref<1x2x8x128xf32, #tpu.memory_space<vmem>> -> memref<2x8x128xf32, #tpu.memory_space<vmem>>
        %dma_wait3A_1069 = arith.constant 0 : i32
        %dma_wait3A_1070 = arith.constant 0 : i32
        %dma_wait3A_1071 = tpu.memref_slice %arg4[%select_n3A_1040, %dma_wait3A_1063, %add3A_1061, %dma_wait3A_1069, %dma_wait3A_1070] : memref<50x8x128x8x128xf32, #tpu.memory_space<hbm>> -> memref<1x1x2x8x128xf32, #tpu.memory_space<hbm>>
        %dma_wait3A_1072 = tpu.memref_squeeze %dma_wait3A_1071 : memref<1x1x2x8x128xf32, #tpu.memory_space<hbm>> -> memref<2x8x128xf32, #tpu.memory_space<hbm>>
        %dma_wait3A_1073 = arith.constant 0 : i32
        %dma_wait3A_1074 = arith.constant 0 : i32
        %dma_wait3A_1075 = tpu.memref_slice %arg4[%select_n3A_1040, %dma_wait3A_1063, %add3A_1061, %dma_wait3A_1073, %dma_wait3A_1074] : memref<50x8x128x8x128xf32, #tpu.memory_space<hbm>> -> memref<1x1x2x8x128xf32, #tpu.memory_space<hbm>>
        %dma_wait3A_1076 = tpu.memref_squeeze %dma_wait3A_1075 : memref<1x1x2x8x128xf32, #tpu.memory_space<hbm>> -> memref<2x8x128xf32, #tpu.memory_space<hbm>>
        %dma_wait3A_1077 = arith.constant 0 : i32
        %dma_wait3A_1078 = arith.constant 0 : i32
        %dma_wait3A_1079 = arith.constant 0 : i32
        %dma_wait3A_1080 = tpu.memref_slice %arg9[%dma_wait3A_1062, %dma_wait3A_1077, %dma_wait3A_1078, %dma_wait3A_1079] : memref<8x2x9x133xf32, #tpu.memory_space<vmem>> -> memref<1x2x8x128xf32, #tpu.memory_space<vmem>>
        %dma_wait3A_1081 = tpu.memref_squeeze %dma_wait3A_1080 : memref<1x2x8x128xf32, #tpu.memory_space<vmem>> -> memref<2x8x128xf32, #tpu.memory_space<vmem>>
        tpu.wait_dma2 semaphore(%arg13 : memref<!tpu.dma_semaphore, #tpu.memory_space<semaphore_mem>>) src(%dma_wait3A_1081 : memref<2x8x128xf32, #tpu.memory_space<vmem>>) dst(%dma_wait3A_1076 : memref<2x8x128xf32, #tpu.memory_space<hbm>>)
        %dma_wait3A_1082 = arith.constant 1 : i32
        %dma_wait3A_1083 = arith.constant 1 : i32
        %dma_wait3A_1084 = arith.constant 0 : i32
        %dma_wait3A_1085 = arith.constant 0 : i32
        %dma_wait3A_1086 = arith.constant 0 : i32
        %dma_wait3A_1087 = tpu.memref_slice %arg9[%dma_wait3A_1082, %dma_wait3A_1084, %dma_wait3A_1085, %dma_wait3A_1086] : memref<8x2x9x133xf32, #tpu.memory_space<vmem>> -> memref<1x2x8x128xf32, #tpu.memory_space<vmem>>
        %dma_wait3A_1088 = tpu.memref_squeeze %dma_wait3A_1087 : memref<1x2x8x128xf32, #tpu.memory_space<vmem>> -> memref<2x8x128xf32, #tpu.memory_space<vmem>>
        %dma_wait3A_1089 = arith.constant 0 : i32
        %dma_wait3A_1090 = arith.constant 0 : i32
        %dma_wait3A_1091 = tpu.memref_slice %arg4[%select_n3A_1040, %dma_wait3A_1083, %add3A_1061, %dma_wait3A_1089, %dma_wait3A_1090] : memref<50x8x128x8x128xf32, #tpu.memory_space<hbm>> -> memref<1x1x2x8x128xf32, #tpu.memory_space<hbm>>
        %dma_wait3A_1092 = tpu.memref_squeeze %dma_wait3A_1091 : memref<1x1x2x8x128xf32, #tpu.memory_space<hbm>> -> memref<2x8x128xf32, #tpu.memory_space<hbm>>
        %dma_wait3A_1093 = arith.constant 0 : i32
        %dma_wait3A_1094 = arith.constant 0 : i32
        %dma_wait3A_1095 = tpu.memref_slice %arg4[%select_n3A_1040, %dma_wait3A_1083, %add3A_1061, %dma_wait3A_1093, %dma_wait3A_1094] : memref<50x8x128x8x128xf32, #tpu.memory_space<hbm>> -> memref<1x1x2x8x128xf32, #tpu.memory_space<hbm>>
        %dma_wait3A_1096 = tpu.memref_squeeze %dma_wait3A_1095 : memref<1x1x2x8x128xf32, #tpu.memory_space<hbm>> -> memref<2x8x128xf32, #tpu.memory_space<hbm>>
        %dma_wait3A_1097 = arith.constant 0 : i32
        %dma_wait3A_1098 = arith.constant 0 : i32
        %dma_wait3A_1099 = arith.constant 0 : i32
        %dma_wait3A_1100 = tpu.memref_slice %arg9[%dma_wait3A_1082, %dma_wait3A_1097, %dma_wait3A_1098, %dma_wait3A_1099] : memref<8x2x9x133xf32, #tpu.memory_space<vmem>> -> memref<1x2x8x128xf32, #tpu.memory_space<vmem>>
        %dma_wait3A_1101 = tpu.memref_squeeze %dma_wait3A_1100 : memref<1x2x8x128xf32, #tpu.memory_space<vmem>> -> memref<2x8x128xf32, #tpu.memory_space<vmem>>
        tpu.wait_dma2 semaphore(%arg13 : memref<!tpu.dma_semaphore, #tpu.memory_space<semaphore_mem>>) src(%dma_wait3A_1101 : memref<2x8x128xf32, #tpu.memory_space<vmem>>) dst(%dma_wait3A_1096 : memref<2x8x128xf32, #tpu.memory_space<hbm>>)
        %dma_wait3A_1102 = arith.constant 2 : i32
        %dma_wait3A_1103 = arith.constant 2 : i32
        %dma_wait3A_1104 = arith.constant 0 : i32
        %dma_wait3A_1105 = arith.constant 0 : i32
        %dma_wait3A_1106 = arith.constant 0 : i32
        %dma_wait3A_1107 = tpu.memref_slice %arg9[%dma_wait3A_1102, %dma_wait3A_1104, %dma_wait3A_1105, %dma_wait3A_1106] : memref<8x2x9x133xf32, #tpu.memory_space<vmem>> -> memref<1x2x8x128xf32, #tpu.memory_space<vmem>>
        %dma_wait3A_1108 = tpu.memref_squeeze %dma_wait3A_1107 : memref<1x2x8x128xf32, #tpu.memory_space<vmem>> -> memref<2x8x128xf32, #tpu.memory_space<vmem>>
        %dma_wait3A_1109 = arith.constant 0 : i32
        %dma_wait3A_1110 = arith.constant 0 : i32
        %dma_wait3A_1111 = tpu.memref_slice %arg4[%select_n3A_1040, %dma_wait3A_1103, %add3A_1061, %dma_wait3A_1109, %dma_wait3A_1110] : memref<50x8x128x8x128xf32, #tpu.memory_space<hbm>> -> memref<1x1x2x8x128xf32, #tpu.memory_space<hbm>>
        %dma_wait3A_1112 = tpu.memref_squeeze %dma_wait3A_1111 : memref<1x1x2x8x128xf32, #tpu.memory_space<hbm>> -> memref<2x8x128xf32, #tpu.memory_space<hbm>>
        %dma_wait3A_1113 = arith.constant 0 : i32
        %dma_wait3A_1114 = arith.constant 0 : i32
        %dma_wait3A_1115 = tpu.memref_slice %arg4[%select_n3A_1040, %dma_wait3A_1103, %add3A_1061, %dma_wait3A_1113, %dma_wait3A_1114] : memref<50x8x128x8x128xf32, #tpu.memory_space<hbm>> -> memref<1x1x2x8x128xf32, #tpu.memory_space<hbm>>
        %dma_wait3A_1116 = tpu.memref_squeeze %dma_wait3A_1115 : memref<1x1x2x8x128xf32, #tpu.memory_space<hbm>> -> memref<2x8x128xf32, #tpu.memory_space<hbm>>
        %dma_wait3A_1117 = arith.constant 0 : i32
        %dma_wait3A_1118 = arith.constant 0 : i32
        %dma_wait3A_1119 = arith.constant 0 : i32
        %dma_wait3A_1120 = tpu.memref_slice %arg9[%dma_wait3A_1102, %dma_wait3A_1117, %dma_wait3A_1118, %dma_wait3A_1119] : memref<8x2x9x133xf32, #tpu.memory_space<vmem>> -> memref<1x2x8x128xf32, #tpu.memory_space<vmem>>
        %dma_wait3A_1121 = tpu.memref_squeeze %dma_wait3A_1120 : memref<1x2x8x128xf32, #tpu.memory_space<vmem>> -> memref<2x8x128xf32, #tpu.memory_space<vmem>>
        tpu.wait_dma2 semaphore(%arg13 : memref<!tpu.dma_semaphore, #tpu.memory_space<semaphore_mem>>) src(%dma_wait3A_1121 : memref<2x8x128xf32, #tpu.memory_space<vmem>>) dst(%dma_wait3A_1116 : memref<2x8x128xf32, #tpu.memory_space<hbm>>)
        %dma_wait3A_1122 = arith.constant 3 : i32
        %dma_wait3A_1123 = arith.constant 3 : i32
        %dma_wait3A_1124 = arith.constant 0 : i32
        %dma_wait3A_1125 = arith.constant 0 : i32
        %dma_wait3A_1126 = arith.constant 0 : i32
        %dma_wait3A_1127 = tpu.memref_slice %arg9[%dma_wait3A_1122, %dma_wait3A_1124, %dma_wait3A_1125, %dma_wait3A_1126] : memref<8x2x9x133xf32, #tpu.memory_space<vmem>> -> memref<1x2x8x128xf32, #tpu.memory_space<vmem>>
        %dma_wait3A_1128 = tpu.memref_squeeze %dma_wait3A_1127 : memref<1x2x8x128xf32, #tpu.memory_space<vmem>> -> memref<2x8x128xf32, #tpu.memory_space<vmem>>
        %dma_wait3A_1129 = arith.constant 0 : i32
        %dma_wait3A_1130 = arith.constant 0 : i32
        %dma_wait3A_1131 = tpu.memref_slice %arg4[%select_n3A_1040, %dma_wait3A_1123, %add3A_1061, %dma_wait3A_1129, %dma_wait3A_1130] : memref<50x8x128x8x128xf32, #tpu.memory_space<hbm>> -> memref<1x1x2x8x128xf32, #tpu.memory_space<hbm>>
        %dma_wait3A_1132 = tpu.memref_squeeze %dma_wait3A_1131 : memref<1x1x2x8x128xf32, #tpu.memory_space<hbm>> -> memref<2x8x128xf32, #tpu.memory_space<hbm>>
        %dma_wait3A_1133 = arith.constant 0 : i32
        %dma_wait3A_1134 = arith.constant 0 : i32
        %dma_wait3A_1135 = tpu.memref_slice %arg4[%select_n3A_1040, %dma_wait3A_1123, %add3A_1061, %dma_wait3A_1133, %dma_wait3A_1134] : memref<50x8x128x8x128xf32, #tpu.memory_space<hbm>> -> memref<1x1x2x8x128xf32, #tpu.memory_space<hbm>>
        %dma_wait3A_1136 = tpu.memref_squeeze %dma_wait3A_1135 : memref<1x1x2x8x128xf32, #tpu.memory_space<hbm>> -> memref<2x8x128xf32, #tpu.memory_space<hbm>>
        %dma_wait3A_1137 = arith.constant 0 : i32
        %dma_wait3A_1138 = arith.constant 0 : i32
        %dma_wait3A_1139 = arith.constant 0 : i32
        %dma_wait3A_1140 = tpu.memref_slice %arg9[%dma_wait3A_1122, %dma_wait3A_1137, %dma_wait3A_1138, %dma_wait3A_1139] : memref<8x2x9x133xf32, #tpu.memory_space<vmem>> -> memref<1x2x8x128xf32, #tpu.memory_space<vmem>>
        %dma_wait3A_1141 = tpu.memref_squeeze %dma_wait3A_1140 : memref<1x2x8x128xf32, #tpu.memory_space<vmem>> -> memref<2x8x128xf32, #tpu.memory_space<vmem>>
        tpu.wait_dma2 semaphore(%arg13 : memref<!tpu.dma_semaphore, #tpu.memory_space<semaphore_mem>>) src(%dma_wait3A_1141 : memref<2x8x128xf32, #tpu.memory_space<vmem>>) dst(%dma_wait3A_1136 : memref<2x8x128xf32, #tpu.memory_space<hbm>>)
        %dma_wait3A_1142 = arith.constant 4 : i32
        %dma_wait3A_1143 = arith.constant 4 : i32
        %dma_wait3A_1144 = arith.constant 0 : i32
        %dma_wait3A_1145 = arith.constant 0 : i32
        %dma_wait3A_1146 = arith.constant 0 : i32
        %dma_wait3A_1147 = tpu.memref_slice %arg9[%dma_wait3A_1142, %dma_wait3A_1144, %dma_wait3A_1145, %dma_wait3A_1146] : memref<8x2x9x133xf32, #tpu.memory_space<vmem>> -> memref<1x2x8x128xf32, #tpu.memory_space<vmem>>
        %dma_wait3A_1148 = tpu.memref_squeeze %dma_wait3A_1147 : memref<1x2x8x128xf32, #tpu.memory_space<vmem>> -> memref<2x8x128xf32, #tpu.memory_space<vmem>>
        %dma_wait3A_1149 = arith.constant 0 : i32
        %dma_wait3A_1150 = arith.constant 0 : i32
        %dma_wait3A_1151 = tpu.memref_slice %arg4[%select_n3A_1040, %dma_wait3A_1143, %add3A_1061, %dma_wait3A_1149, %dma_wait3A_1150] : memref<50x8x128x8x128xf32, #tpu.memory_space<hbm>> -> memref<1x1x2x8x128xf32, #tpu.memory_space<hbm>>
        %dma_wait3A_1152 = tpu.memref_squeeze %dma_wait3A_1151 : memref<1x1x2x8x128xf32, #tpu.memory_space<hbm>> -> memref<2x8x128xf32, #tpu.memory_space<hbm>>
        %dma_wait3A_1153 = arith.constant 0 : i32
        %dma_wait3A_1154 = arith.constant 0 : i32
        %dma_wait3A_1155 = tpu.memref_slice %arg4[%select_n3A_1040, %dma_wait3A_1143, %add3A_1061, %dma_wait3A_1153, %dma_wait3A_1154] : memref<50x8x128x8x128xf32, #tpu.memory_space<hbm>> -> memref<1x1x2x8x128xf32, #tpu.memory_space<hbm>>
        %dma_wait3A_1156 = tpu.memref_squeeze %dma_wait3A_1155 : memref<1x1x2x8x128xf32, #tpu.memory_space<hbm>> -> memref<2x8x128xf32, #tpu.memory_space<hbm>>
        %dma_wait3A_1157 = arith.constant 0 : i32
        %dma_wait3A_1158 = arith.constant 0 : i32
        %dma_wait3A_1159 = arith.constant 0 : i32
        %dma_wait3A_1160 = tpu.memref_slice %arg9[%dma_wait3A_1142, %dma_wait3A_1157, %dma_wait3A_1158, %dma_wait3A_1159] : memref<8x2x9x133xf32, #tpu.memory_space<vmem>> -> memref<1x2x8x128xf32, #tpu.memory_space<vmem>>
        %dma_wait3A_1161 = tpu.memref_squeeze %dma_wait3A_1160 : memref<1x2x8x128xf32, #tpu.memory_space<vmem>> -> memref<2x8x128xf32, #tpu.memory_space<vmem>>
        tpu.wait_dma2 semaphore(%arg13 : memref<!tpu.dma_semaphore, #tpu.memory_space<semaphore_mem>>) src(%dma_wait3A_1161 : memref<2x8x128xf32, #tpu.memory_space<vmem>>) dst(%dma_wait3A_1156 : memref<2x8x128xf32, #tpu.memory_space<hbm>>)
        %dma_wait3A_1162 = arith.constant 5 : i32
        %dma_wait3A_1163 = arith.constant 5 : i32
        %dma_wait3A_1164 = arith.constant 0 : i32
        %dma_wait3A_1165 = arith.constant 0 : i32
        %dma_wait3A_1166 = arith.constant 0 : i32
        %dma_wait3A_1167 = tpu.memref_slice %arg9[%dma_wait3A_1162, %dma_wait3A_1164, %dma_wait3A_1165, %dma_wait3A_1166] : memref<8x2x9x133xf32, #tpu.memory_space<vmem>> -> memref<1x2x8x128xf32, #tpu.memory_space<vmem>>
        %dma_wait3A_1168 = tpu.memref_squeeze %dma_wait3A_1167 : memref<1x2x8x128xf32, #tpu.memory_space<vmem>> -> memref<2x8x128xf32, #tpu.memory_space<vmem>>
        %dma_wait3A_1169 = arith.constant 0 : i32
        %dma_wait3A_1170 = arith.constant 0 : i32
        %dma_wait3A_1171 = tpu.memref_slice %arg4[%select_n3A_1040, %dma_wait3A_1163, %add3A_1061, %dma_wait3A_1169, %dma_wait3A_1170] : memref<50x8x128x8x128xf32, #tpu.memory_space<hbm>> -> memref<1x1x2x8x128xf32, #tpu.memory_space<hbm>>
        %dma_wait3A_1172 = tpu.memref_squeeze %dma_wait3A_1171 : memref<1x1x2x8x128xf32, #tpu.memory_space<hbm>> -> memref<2x8x128xf32, #tpu.memory_space<hbm>>
        %dma_wait3A_1173 = arith.constant 0 : i32
        %dma_wait3A_1174 = arith.constant 0 : i32
        %dma_wait3A_1175 = tpu.memref_slice %arg4[%select_n3A_1040, %dma_wait3A_1163, %add3A_1061, %dma_wait3A_1173, %dma_wait3A_1174] : memref<50x8x128x8x128xf32, #tpu.memory_space<hbm>> -> memref<1x1x2x8x128xf32, #tpu.memory_space<hbm>>
        %dma_wait3A_1176 = tpu.memref_squeeze %dma_wait3A_1175 : memref<1x1x2x8x128xf32, #tpu.memory_space<hbm>> -> memref<2x8x128xf32, #tpu.memory_space<hbm>>
        %dma_wait3A_1177 = arith.constant 0 : i32
        %dma_wait3A_1178 = arith.constant 0 : i32
        %dma_wait3A_1179 = arith.constant 0 : i32
        %dma_wait3A_1180 = tpu.memref_slice %arg9[%dma_wait3A_1162, %dma_wait3A_1177, %dma_wait3A_1178, %dma_wait3A_1179] : memref<8x2x9x133xf32, #tpu.memory_space<vmem>> -> memref<1x2x8x128xf32, #tpu.memory_space<vmem>>
        %dma_wait3A_1181 = tpu.memref_squeeze %dma_wait3A_1180 : memref<1x2x8x128xf32, #tpu.memory_space<vmem>> -> memref<2x8x128xf32, #tpu.memory_space<vmem>>
        tpu.wait_dma2 semaphore(%arg13 : memref<!tpu.dma_semaphore, #tpu.memory_space<semaphore_mem>>) src(%dma_wait3A_1181 : memref<2x8x128xf32, #tpu.memory_space<vmem>>) dst(%dma_wait3A_1176 : memref<2x8x128xf32, #tpu.memory_space<hbm>>)
        %dma_wait3A_1182 = arith.constant 6 : i32
        %dma_wait3A_1183 = arith.constant 6 : i32
        %dma_wait3A_1184 = arith.constant 0 : i32
        %dma_wait3A_1185 = arith.constant 0 : i32
        %dma_wait3A_1186 = arith.constant 0 : i32
        %dma_wait3A_1187 = tpu.memref_slice %arg9[%dma_wait3A_1182, %dma_wait3A_1184, %dma_wait3A_1185, %dma_wait3A_1186] : memref<8x2x9x133xf32, #tpu.memory_space<vmem>> -> memref<1x2x8x128xf32, #tpu.memory_space<vmem>>
        %dma_wait3A_1188 = tpu.memref_squeeze %dma_wait3A_1187 : memref<1x2x8x128xf32, #tpu.memory_space<vmem>> -> memref<2x8x128xf32, #tpu.memory_space<vmem>>
        %dma_wait3A_1189 = arith.constant 0 : i32
        %dma_wait3A_1190 = arith.constant 0 : i32
        %dma_wait3A_1191 = tpu.memref_slice %arg4[%select_n3A_1040, %dma_wait3A_1183, %add3A_1061, %dma_wait3A_1189, %dma_wait3A_1190] : memref<50x8x128x8x128xf32, #tpu.memory_space<hbm>> -> memref<1x1x2x8x128xf32, #tpu.memory_space<hbm>>
        %dma_wait3A_1192 = tpu.memref_squeeze %dma_wait3A_1191 : memref<1x1x2x8x128xf32, #tpu.memory_space<hbm>> -> memref<2x8x128xf32, #tpu.memory_space<hbm>>
        %dma_wait3A_1193 = arith.constant 0 : i32
        %dma_wait3A_1194 = arith.constant 0 : i32
        %dma_wait3A_1195 = tpu.memref_slice %arg4[%select_n3A_1040, %dma_wait3A_1183, %add3A_1061, %dma_wait3A_1193, %dma_wait3A_1194] : memref<50x8x128x8x128xf32, #tpu.memory_space<hbm>> -> memref<1x1x2x8x128xf32, #tpu.memory_space<hbm>>
        %dma_wait3A_1196 = tpu.memref_squeeze %dma_wait3A_1195 : memref<1x1x2x8x128xf32, #tpu.memory_space<hbm>> -> memref<2x8x128xf32, #tpu.memory_space<hbm>>
        %dma_wait3A_1197 = arith.constant 0 : i32
        %dma_wait3A_1198 = arith.constant 0 : i32
        %dma_wait3A_1199 = arith.constant 0 : i32
        %dma_wait3A_1200 = tpu.memref_slice %arg9[%dma_wait3A_1182, %dma_wait3A_1197, %dma_wait3A_1198, %dma_wait3A_1199] : memref<8x2x9x133xf32, #tpu.memory_space<vmem>> -> memref<1x2x8x128xf32, #tpu.memory_space<vmem>>
        %dma_wait3A_1201 = tpu.memref_squeeze %dma_wait3A_1200 : memref<1x2x8x128xf32, #tpu.memory_space<vmem>> -> memref<2x8x128xf32, #tpu.memory_space<vmem>>
        tpu.wait_dma2 semaphore(%arg13 : memref<!tpu.dma_semaphore, #tpu.memory_space<semaphore_mem>>) src(%dma_wait3A_1201 : memref<2x8x128xf32, #tpu.memory_space<vmem>>) dst(%dma_wait3A_1196 : memref<2x8x128xf32, #tpu.memory_space<hbm>>)
        %dma_wait3A_1202 = arith.constant 7 : i32
        %dma_wait3A_1203 = arith.constant 7 : i32
        %dma_wait3A_1204 = arith.constant 0 : i32
        %dma_wait3A_1205 = arith.constant 0 : i32
        %dma_wait3A_1206 = arith.constant 0 : i32
        %dma_wait3A_1207 = tpu.memref_slice %arg9[%dma_wait3A_1202, %dma_wait3A_1204, %dma_wait3A_1205, %dma_wait3A_1206] : memref<8x2x9x133xf32, #tpu.memory_space<vmem>> -> memref<1x2x8x128xf32, #tpu.memory_space<vmem>>
        %dma_wait3A_1208 = tpu.memref_squeeze %dma_wait3A_1207 : memref<1x2x8x128xf32, #tpu.memory_space<vmem>> -> memref<2x8x128xf32, #tpu.memory_space<vmem>>
        %dma_wait3A_1209 = arith.constant 0 : i32
        %dma_wait3A_1210 = arith.constant 0 : i32
        %dma_wait3A_1211 = tpu.memref_slice %arg4[%select_n3A_1040, %dma_wait3A_1203, %add3A_1061, %dma_wait3A_1209, %dma_wait3A_1210] : memref<50x8x128x8x128xf32, #tpu.memory_space<hbm>> -> memref<1x1x2x8x128xf32, #tpu.memory_space<hbm>>
        %dma_wait3A_1212 = tpu.memref_squeeze %dma_wait3A_1211 : memref<1x1x2x8x128xf32, #tpu.memory_space<hbm>> -> memref<2x8x128xf32, #tpu.memory_space<hbm>>
        %dma_wait3A_1213 = arith.constant 0 : i32
        %dma_wait3A_1214 = arith.constant 0 : i32
        %dma_wait3A_1215 = tpu.memref_slice %arg4[%select_n3A_1040, %dma_wait3A_1203, %add3A_1061, %dma_wait3A_1213, %dma_wait3A_1214] : memref<50x8x128x8x128xf32, #tpu.memory_space<hbm>> -> memref<1x1x2x8x128xf32, #tpu.memory_space<hbm>>
        %dma_wait3A_1216 = tpu.memref_squeeze %dma_wait3A_1215 : memref<1x1x2x8x128xf32, #tpu.memory_space<hbm>> -> memref<2x8x128xf32, #tpu.memory_space<hbm>>
        %dma_wait3A_1217 = arith.constant 0 : i32
        %dma_wait3A_1218 = arith.constant 0 : i32
        %dma_wait3A_1219 = arith.constant 0 : i32
        %dma_wait3A_1220 = tpu.memref_slice %arg9[%dma_wait3A_1202, %dma_wait3A_1217, %dma_wait3A_1218, %dma_wait3A_1219] : memref<8x2x9x133xf32, #tpu.memory_space<vmem>> -> memref<1x2x8x128xf32, #tpu.memory_space<vmem>>
        %dma_wait3A_1221 = tpu.memref_squeeze %dma_wait3A_1220 : memref<1x2x8x128xf32, #tpu.memory_space<vmem>> -> memref<2x8x128xf32, #tpu.memory_space<vmem>>
        tpu.wait_dma2 semaphore(%arg13 : memref<!tpu.dma_semaphore, #tpu.memory_space<semaphore_mem>>) src(%dma_wait3A_1221 : memref<2x8x128xf32, #tpu.memory_space<vmem>>) dst(%dma_wait3A_1216 : memref<2x8x128xf32, #tpu.memory_space<hbm>>)
      } else {
      }
      %broadcast_in_dim3A_566 = arith.constant 0 : i32
      %broadcast_in_dim3A_567 = vector.broadcast %broadcast_in_dim3A_566 : i32 to vector<16xi32>
      %parallel_loop3A = arith.constant 0 : i32
      %parallel_loop3A_568 = arith.constant 128 : i32
      %parallel_loop3A_569 = arith.constant 1 : i32
      scf.for %parallel_loop3A_1015 = %parallel_loop3A to %parallel_loop3A_568 step %parallel_loop3A_569  : i32 {
        %parallel_loop3A_1016 = vector.broadcast %parallel_loop3A_1015 : i32 to vector<16xi32>
        %parallel_loop3A_1017 = arith.addi %broadcast_in_dim3A_168, %parallel_loop3A_1016 : vector<16xi32>
        %parallel_loop3A_1018 = arith.constant 0 : i32
        %parallel_loop3A_1019 = vector.broadcast %parallel_loop3A_1018 : i32 to vector<16xi32>
        %parallel_loop3A_1020 = arith.addi %parallel_loop3A_1017, %parallel_loop3A_1019 : vector<16xi32>
        %parallel_loop3A_1021 = tpu.vector_load_idx %arg7[%parallel_loop3A_1020, %add3A_137] : memref<256x64xf32, #tpu.memory_space<vmem>>[vector<16xi32>, vector<16xi32>], vector<16xf32>,
        tpu.vector_store_idx %arg9[%add3A_33, %broadcast_in_dim3A_567, %select_n3A_166, %parallel_loop3A_1017], %parallel_loop3A_1021 : memref<8x2x9x133xf32, #tpu.memory_space<vmem>>[vector<16xi32>, vector<16xi32>, vector<16xi32>, vector<16xi32>], vector<16xf32>,
        %parallel_loop3A_1022 = tpu.vector_load_idx %arg7[%parallel_loop3A_1020, %add3A_140] : memref<256x64xf32, #tpu.memory_space<vmem>>[vector<16xi32>, vector<16xi32>], vector<16xf32>,
        tpu.vector_store_idx %arg9[%add3A_67, %broadcast_in_dim3A_567, %select_n3A_166, %parallel_loop3A_1017], %parallel_loop3A_1022 : memref<8x2x9x133xf32, #tpu.memory_space<vmem>>[vector<16xi32>, vector<16xi32>, vector<16xi32>, vector<16xi32>], vector<16xf32>,
        %parallel_loop3A_1023 = tpu.vector_load_idx %arg7[%parallel_loop3A_1020, %add3A_143] : memref<256x64xf32, #tpu.memory_space<vmem>>[vector<16xi32>, vector<16xi32>], vector<16xf32>,
        tpu.vector_store_idx %arg9[%add3A_101, %broadcast_in_dim3A_567, %select_n3A_166, %parallel_loop3A_1017], %parallel_loop3A_1023 : memref<8x2x9x133xf32, #tpu.memory_space<vmem>>[vector<16xi32>, vector<16xi32>, vector<16xi32>, vector<16xi32>], vector<16xf32>,
        %parallel_loop3A_1024 = tpu.vector_load_idx %arg7[%parallel_loop3A_1020, %add3A_146] : memref<256x64xf32, #tpu.memory_space<vmem>>[vector<16xi32>, vector<16xi32>], vector<16xf32>,
        tpu.vector_store_idx %arg9[%add3A_135, %broadcast_in_dim3A_567, %select_n3A_166, %parallel_loop3A_1017], %parallel_loop3A_1024 : memref<8x2x9x133xf32, #tpu.memory_space<vmem>>[vector<16xi32>, vector<16xi32>, vector<16xi32>, vector<16xi32>], vector<16xf32>,
      } {sc.loop_unroll_factor = 8 : i64, sc.parallel_access}
      %broadcast_in_dim3A_570 = arith.constant 1 : i32
      %broadcast_in_dim3A_571 = vector.broadcast %broadcast_in_dim3A_570 : i32 to vector<16xi32>
      %parallel_loop3A_572 = arith.constant 0 : i32
      %parallel_loop3A_573 = arith.constant 128 : i32
      %parallel_loop3A_574 = arith.constant 1 : i32
      scf.for %parallel_loop3A_1015 = %parallel_loop3A_572 to %parallel_loop3A_573 step %parallel_loop3A_574  : i32 {
        %parallel_loop3A_1016 = vector.broadcast %parallel_loop3A_1015 : i32 to vector<16xi32>
        %parallel_loop3A_1017 = arith.addi %broadcast_in_dim3A_168, %parallel_loop3A_1016 : vector<16xi32>
        %parallel_loop3A_1018 = arith.constant 128 : i32
        %parallel_loop3A_1019 = vector.broadcast %parallel_loop3A_1018 : i32 to vector<16xi32>
        %parallel_loop3A_1020 = arith.addi %parallel_loop3A_1017, %parallel_loop3A_1019 : vector<16xi32>
        %parallel_loop3A_1021 = tpu.vector_load_idx %arg7[%parallel_loop3A_1020, %add3A_137] : memref<256x64xf32, #tpu.memory_space<vmem>>[vector<16xi32>, vector<16xi32>], vector<16xf32>,
        tpu.vector_store_idx %arg9[%add3A_33, %broadcast_in_dim3A_571, %select_n3A_166, %parallel_loop3A_1017], %parallel_loop3A_1021 : memref<8x2x9x133xf32, #tpu.memory_space<vmem>>[vector<16xi32>, vector<16xi32>, vector<16xi32>, vector<16xi32>], vector<16xf32>,
        %parallel_loop3A_1022 = tpu.vector_load_idx %arg7[%parallel_loop3A_1020, %add3A_140] : memref<256x64xf32, #tpu.memory_space<vmem>>[vector<16xi32>, vector<16xi32>], vector<16xf32>,
        tpu.vector_store_idx %arg9[%add3A_67, %broadcast_in_dim3A_571, %select_n3A_166, %parallel_loop3A_1017], %parallel_loop3A_1022 : memref<8x2x9x133xf32, #tpu.memory_space<vmem>>[vector<16xi32>, vector<16xi32>, vector<16xi32>, vector<16xi32>], vector<16xf32>,
        %parallel_loop3A_1023 = tpu.vector_load_idx %arg7[%parallel_loop3A_1020, %add3A_143] : memref<256x64xf32, #tpu.memory_space<vmem>>[vector<16xi32>, vector<16xi32>], vector<16xf32>,
        tpu.vector_store_idx %arg9[%add3A_101, %broadcast_in_dim3A_571, %select_n3A_166, %parallel_loop3A_1017], %parallel_loop3A_1023 : memref<8x2x9x133xf32, #tpu.memory_space<vmem>>[vector<16xi32>, vector<16xi32>, vector<16xi32>, vector<16xi32>], vector<16xf32>,
        %parallel_loop3A_1024 = tpu.vector_load_idx %arg7[%parallel_loop3A_1020, %add3A_146] : memref<256x64xf32, #tpu.memory_space<vmem>>[vector<16xi32>, vector<16xi32>], vector<16xf32>,
        tpu.vector_store_idx %arg9[%add3A_135, %broadcast_in_dim3A_571, %select_n3A_166, %parallel_loop3A_1017], %parallel_loop3A_1024 : memref<8x2x9x133xf32, #tpu.memory_space<vmem>>[vector<16xi32>, vector<16xi32>, vector<16xi32>, vector<16xi32>], vector<16xf32>,
      } {sc.loop_unroll_factor = 8 : i64, sc.parallel_access}
      %jit3A_575 = arith.constant 2 : i32
      %div3A_576 = arith.divsi %mul3A_535, %jit3A_575 : i32
      %sign3A_577 = arith.constant 0 : i32
      %sign3A_578 = arith.cmpi sgt, %mul3A_535, %sign3A_577 : i32
      %sign3A_579 = arith.extui %sign3A_578 : i1 to i32
      %sign3A_580 = arith.constant 0 : i32
      %sign3A_581 = arith.cmpi slt, %mul3A_535, %sign3A_580 : i32
      %sign3A_582 = arith.extui %sign3A_581 : i1 to i32
      %sign3A_583 = arith.subi %sign3A_579, %sign3A_582 : i32
      %sign3A_584 = arith.constant 0 : i32
      %sign3A_585 = arith.cmpi sgt, %jit3A_575, %sign3A_584 : i32
      %sign3A_586 = arith.extui %sign3A_585 : i1 to i32
      %sign3A_587 = arith.constant 0 : i32
      %sign3A_588 = arith.cmpi slt, %jit3A_575, %sign3A_587 : i32
      %sign3A_589 = arith.extui %sign3A_588 : i1 to i32
      %sign3A_590 = arith.subi %sign3A_586, %sign3A_589 : i32
      %ne3A_591 = arith.cmpi ne, %sign3A_583, %sign3A_590 : i32
      %rem3A_592 = arith.remsi %mul3A_535, %jit3A_575 : i32
      %ne3A_593 = arith.constant 0 : i32
      %ne3A_594 = arith.cmpi ne, %rem3A_592, %ne3A_593 : i32
      %and3A_595 = arith.andi %ne3A_591, %ne3A_594 : i1
      %sub3A_596 = arith.constant 1 : i32
      %sub3A_597 = arith.subi %div3A_576, %sub3A_596 : i32
      %select_n3A_598 = arith.select %and3A_595, %sub3A_597, %div3A_576 : i32
      %jit3A_599 = arith.constant 2 : i32
      %eq3A_600 = arith.constant 0 : i32
      %eq3A_601 = arith.cmpi eq, %jit3A_599, %eq3A_600 : i32
      %jit3A_602 = arith.constant 1 : i32
      %select_n3A_603 = arith.select %eq3A_601, %jit3A_602, %jit3A_599 : i32
      %rem3A_604 = arith.remsi %mul3A_535, %select_n3A_603 : i32
      %ne3A_605 = arith.constant 0 : i32
      %ne3A_606 = arith.cmpi ne, %rem3A_604, %ne3A_605 : i32
      %lt3A_607 = arith.constant 0 : i32
      %lt3A_608 = arith.cmpi slt, %rem3A_604, %lt3A_607 : i32
      %lt3A_609 = arith.constant 0 : i32
      %lt3A_610 = arith.cmpi slt, %select_n3A_603, %lt3A_609 : i32
      %ne3A_611 = arith.xori %lt3A_608, %lt3A_610 : i1
      %and3A_612 = arith.andi %ne3A_611, %ne3A_606 : i1
      %add3A_613 = arith.addi %rem3A_604, %select_n3A_603 : i32
      %select_n3A_614 = arith.select %and3A_612, %add3A_613, %rem3A_604 : i32
      %mul3A_615 = arith.constant 4 : i32
      %mul3A_616 = arith.muli %add3A, %mul3A_615 : i32
      %mul3A_617 = arith.constant 2 : i32
      %mul3A_618 = arith.muli %select_n3A_614, %mul3A_617 : i32
      %add3A_619 = arith.addi %mul3A_616, %mul3A_618 : i32
      %dma_start3A_620 = arith.constant 0 : i32
      %dma_start3A_621 = arith.constant 0 : i32
      %dma_start3A_622 = arith.constant 0 : i32
      %dma_start3A_623 = arith.constant 0 : i32
      %dma_start3A_624 = arith.constant 0 : i32
      %dma_start3A_625 = tpu.memref_slice %arg9[%dma_start3A_620, %dma_start3A_622, %dma_start3A_623, %dma_start3A_624] : memref<8x2x9x133xf32, #tpu.memory_space<vmem>> -> memref<1x2x8x128xf32, #tpu.memory_space<vmem>>
      %dma_start3A_626 = tpu.memref_squeeze %dma_start3A_625 : memref<1x2x8x128xf32, #tpu.memory_space<vmem>> -> memref<2x8x128xf32, #tpu.memory_space<vmem>>
      %dma_start3A_627 = arith.constant 0 : i32
      %dma_start3A_628 = arith.constant 0 : i32
      %dma_start3A_629 = tpu.memref_slice %arg4[%select_n3A_598, %dma_start3A_621, %add3A_619, %dma_start3A_627, %dma_start3A_628] : memref<50x8x128x8x128xf32, #tpu.memory_space<hbm>> -> memref<1x1x2x8x128xf32, #tpu.memory_space<hbm>>
      %dma_start3A_630 = tpu.memref_squeeze %dma_start3A_629 : memref<1x1x2x8x128xf32, #tpu.memory_space<hbm>> -> memref<2x8x128xf32, #tpu.memory_space<hbm>>
      %dma_start3A_631 = arith.constant 0 : i32
      %dma_start3A_632 = arith.constant 0 : i32
      %dma_start3A_633 = tpu.memref_slice %arg4[%select_n3A_598, %dma_start3A_621, %add3A_619, %dma_start3A_631, %dma_start3A_632] : memref<50x8x128x8x128xf32, #tpu.memory_space<hbm>> -> memref<1x1x2x8x128xf32, #tpu.memory_space<hbm>>
      %dma_start3A_634 = tpu.memref_squeeze %dma_start3A_633 : memref<1x1x2x8x128xf32, #tpu.memory_space<hbm>> -> memref<2x8x128xf32, #tpu.memory_space<hbm>>
      %dma_start3A_635 = arith.constant 0 : i32
      %dma_start3A_636 = arith.constant 0 : i32
      %dma_start3A_637 = arith.constant 0 : i32
      %dma_start3A_638 = tpu.memref_slice %arg9[%dma_start3A_620, %dma_start3A_635, %dma_start3A_636, %dma_start3A_637] : memref<8x2x9x133xf32, #tpu.memory_space<vmem>> -> memref<1x2x8x128xf32, #tpu.memory_space<vmem>>
      %dma_start3A_639 = tpu.memref_squeeze %dma_start3A_638 : memref<1x2x8x128xf32, #tpu.memory_space<vmem>> -> memref<2x8x128xf32, #tpu.memory_space<vmem>>
      tpu.enqueue_dma source(%dma_start3A_639 : memref<2x8x128xf32, #tpu.memory_space<vmem>>) target(%dma_start3A_634 : memref<2x8x128xf32, #tpu.memory_space<hbm>>) target_semaphore(%arg13 : memref<!tpu.dma_semaphore, #tpu.memory_space<semaphore_mem>>)
      %dma_start3A_640 = arith.constant 1 : i32
      %dma_start3A_641 = arith.constant 1 : i32
      %dma_start3A_642 = arith.constant 0 : i32
      %dma_start3A_643 = arith.constant 0 : i32
      %dma_start3A_644 = arith.constant 0 : i32
      %dma_start3A_645 = tpu.memref_slice %arg9[%dma_start3A_640, %dma_start3A_642, %dma_start3A_643, %dma_start3A_644] : memref<8x2x9x133xf32, #tpu.memory_space<vmem>> -> memref<1x2x8x128xf32, #tpu.memory_space<vmem>>
      %dma_start3A_646 = tpu.memref_squeeze %dma_start3A_645 : memref<1x2x8x128xf32, #tpu.memory_space<vmem>> -> memref<2x8x128xf32, #tpu.memory_space<vmem>>
      %dma_start3A_647 = arith.constant 0 : i32
      %dma_start3A_648 = arith.constant 0 : i32
      %dma_start3A_649 = tpu.memref_slice %arg4[%select_n3A_598, %dma_start3A_641, %add3A_619, %dma_start3A_647, %dma_start3A_648] : memref<50x8x128x8x128xf32, #tpu.memory_space<hbm>> -> memref<1x1x2x8x128xf32, #tpu.memory_space<hbm>>
      %dma_start3A_650 = tpu.memref_squeeze %dma_start3A_649 : memref<1x1x2x8x128xf32, #tpu.memory_space<hbm>> -> memref<2x8x128xf32, #tpu.memory_space<hbm>>
      %dma_start3A_651 = arith.constant 0 : i32
      %dma_start3A_652 = arith.constant 0 : i32
      %dma_start3A_653 = tpu.memref_slice %arg4[%select_n3A_598, %dma_start3A_641, %add3A_619, %dma_start3A_651, %dma_start3A_652] : memref<50x8x128x8x128xf32, #tpu.memory_space<hbm>> -> memref<1x1x2x8x128xf32, #tpu.memory_space<hbm>>
      %dma_start3A_654 = tpu.memref_squeeze %dma_start3A_653 : memref<1x1x2x8x128xf32, #tpu.memory_space<hbm>> -> memref<2x8x128xf32, #tpu.memory_space<hbm>>
      %dma_start3A_655 = arith.constant 0 : i32
      %dma_start3A_656 = arith.constant 0 : i32
      %dma_start3A_657 = arith.constant 0 : i32
      %dma_start3A_658 = tpu.memref_slice %arg9[%dma_start3A_640, %dma_start3A_655, %dma_start3A_656, %dma_start3A_657] : memref<8x2x9x133xf32, #tpu.memory_space<vmem>> -> memref<1x2x8x128xf32, #tpu.memory_space<vmem>>
      %dma_start3A_659 = tpu.memref_squeeze %dma_start3A_658 : memref<1x2x8x128xf32, #tpu.memory_space<vmem>> -> memref<2x8x128xf32, #tpu.memory_space<vmem>>
      tpu.enqueue_dma source(%dma_start3A_659 : memref<2x8x128xf32, #tpu.memory_space<vmem>>) target(%dma_start3A_654 : memref<2x8x128xf32, #tpu.memory_space<hbm>>) target_semaphore(%arg13 : memref<!tpu.dma_semaphore, #tpu.memory_space<semaphore_mem>>)
      %dma_start3A_660 = arith.constant 2 : i32
      %dma_start3A_661 = arith.constant 2 : i32
      %dma_start3A_662 = arith.constant 0 : i32
      %dma_start3A_663 = arith.constant 0 : i32
      %dma_start3A_664 = arith.constant 0 : i32
      %dma_start3A_665 = tpu.memref_slice %arg9[%dma_start3A_660, %dma_start3A_662, %dma_start3A_663, %dma_start3A_664] : memref<8x2x9x133xf32, #tpu.memory_space<vmem>> -> memref<1x2x8x128xf32, #tpu.memory_space<vmem>>
      %dma_start3A_666 = tpu.memref_squeeze %dma_start3A_665 : memref<1x2x8x128xf32, #tpu.memory_space<vmem>> -> memref<2x8x128xf32, #tpu.memory_space<vmem>>
      %dma_start3A_667 = arith.constant 0 : i32
      %dma_start3A_668 = arith.constant 0 : i32
      %dma_start3A_669 = tpu.memref_slice %arg4[%select_n3A_598, %dma_start3A_661, %add3A_619, %dma_start3A_667, %dma_start3A_668] : memref<50x8x128x8x128xf32, #tpu.memory_space<hbm>> -> memref<1x1x2x8x128xf32, #tpu.memory_space<hbm>>
      %dma_start3A_670 = tpu.memref_squeeze %dma_start3A_669 : memref<1x1x2x8x128xf32, #tpu.memory_space<hbm>> -> memref<2x8x128xf32, #tpu.memory_space<hbm>>
      %dma_start3A_671 = arith.constant 0 : i32
      %dma_start3A_672 = arith.constant 0 : i32
      %dma_start3A_673 = tpu.memref_slice %arg4[%select_n3A_598, %dma_start3A_661, %add3A_619, %dma_start3A_671, %dma_start3A_672] : memref<50x8x128x8x128xf32, #tpu.memory_space<hbm>> -> memref<1x1x2x8x128xf32, #tpu.memory_space<hbm>>
      %dma_start3A_674 = tpu.memref_squeeze %dma_start3A_673 : memref<1x1x2x8x128xf32, #tpu.memory_space<hbm>> -> memref<2x8x128xf32, #tpu.memory_space<hbm>>
      %dma_start3A_675 = arith.constant 0 : i32
      %dma_start3A_676 = arith.constant 0 : i32
      %dma_start3A_677 = arith.constant 0 : i32
      %dma_start3A_678 = tpu.memref_slice %arg9[%dma_start3A_660, %dma_start3A_675, %dma_start3A_676, %dma_start3A_677] : memref<8x2x9x133xf32, #tpu.memory_space<vmem>> -> memref<1x2x8x128xf32, #tpu.memory_space<vmem>>
      %dma_start3A_679 = tpu.memref_squeeze %dma_start3A_678 : memref<1x2x8x128xf32, #tpu.memory_space<vmem>> -> memref<2x8x128xf32, #tpu.memory_space<vmem>>
      tpu.enqueue_dma source(%dma_start3A_679 : memref<2x8x128xf32, #tpu.memory_space<vmem>>) target(%dma_start3A_674 : memref<2x8x128xf32, #tpu.memory_space<hbm>>) target_semaphore(%arg13 : memref<!tpu.dma_semaphore, #tpu.memory_space<semaphore_mem>>)
      %dma_start3A_680 = arith.constant 3 : i32
      %dma_start3A_681 = arith.constant 3 : i32
      %dma_start3A_682 = arith.constant 0 : i32
      %dma_start3A_683 = arith.constant 0 : i32
      %dma_start3A_684 = arith.constant 0 : i32
      %dma_start3A_685 = tpu.memref_slice %arg9[%dma_start3A_680, %dma_start3A_682, %dma_start3A_683, %dma_start3A_684] : memref<8x2x9x133xf32, #tpu.memory_space<vmem>> -> memref<1x2x8x128xf32, #tpu.memory_space<vmem>>
      %dma_start3A_686 = tpu.memref_squeeze %dma_start3A_685 : memref<1x2x8x128xf32, #tpu.memory_space<vmem>> -> memref<2x8x128xf32, #tpu.memory_space<vmem>>
      %dma_start3A_687 = arith.constant 0 : i32
      %dma_start3A_688 = arith.constant 0 : i32
      %dma_start3A_689 = tpu.memref_slice %arg4[%select_n3A_598, %dma_start3A_681, %add3A_619, %dma_start3A_687, %dma_start3A_688] : memref<50x8x128x8x128xf32, #tpu.memory_space<hbm>> -> memref<1x1x2x8x128xf32, #tpu.memory_space<hbm>>
      %dma_start3A_690 = tpu.memref_squeeze %dma_start3A_689 : memref<1x1x2x8x128xf32, #tpu.memory_space<hbm>> -> memref<2x8x128xf32, #tpu.memory_space<hbm>>
      %dma_start3A_691 = arith.constant 0 : i32
      %dma_start3A_692 = arith.constant 0 : i32
      %dma_start3A_693 = tpu.memref_slice %arg4[%select_n3A_598, %dma_start3A_681, %add3A_619, %dma_start3A_691, %dma_start3A_692] : memref<50x8x128x8x128xf32, #tpu.memory_space<hbm>> -> memref<1x1x2x8x128xf32, #tpu.memory_space<hbm>>
      %dma_start3A_694 = tpu.memref_squeeze %dma_start3A_693 : memref<1x1x2x8x128xf32, #tpu.memory_space<hbm>> -> memref<2x8x128xf32, #tpu.memory_space<hbm>>
      %dma_start3A_695 = arith.constant 0 : i32
      %dma_start3A_696 = arith.constant 0 : i32
      %dma_start3A_697 = arith.constant 0 : i32
      %dma_start3A_698 = tpu.memref_slice %arg9[%dma_start3A_680, %dma_start3A_695, %dma_start3A_696, %dma_start3A_697] : memref<8x2x9x133xf32, #tpu.memory_space<vmem>> -> memref<1x2x8x128xf32, #tpu.memory_space<vmem>>
      %dma_start3A_699 = tpu.memref_squeeze %dma_start3A_698 : memref<1x2x8x128xf32, #tpu.memory_space<vmem>> -> memref<2x8x128xf32, #tpu.memory_space<vmem>>
      tpu.enqueue_dma source(%dma_start3A_699 : memref<2x8x128xf32, #tpu.memory_space<vmem>>) target(%dma_start3A_694 : memref<2x8x128xf32, #tpu.memory_space<hbm>>) target_semaphore(%arg13 : memref<!tpu.dma_semaphore, #tpu.memory_space<semaphore_mem>>)
      %dma_start3A_700 = arith.constant 4 : i32
      %dma_start3A_701 = arith.constant 4 : i32
      %dma_start3A_702 = arith.constant 0 : i32
      %dma_start3A_703 = arith.constant 0 : i32
      %dma_start3A_704 = arith.constant 0 : i32
      %dma_start3A_705 = tpu.memref_slice %arg9[%dma_start3A_700, %dma_start3A_702, %dma_start3A_703, %dma_start3A_704] : memref<8x2x9x133xf32, #tpu.memory_space<vmem>> -> memref<1x2x8x128xf32, #tpu.memory_space<vmem>>
      %dma_start3A_706 = tpu.memref_squeeze %dma_start3A_705 : memref<1x2x8x128xf32, #tpu.memory_space<vmem>> -> memref<2x8x128xf32, #tpu.memory_space<vmem>>
      %dma_start3A_707 = arith.constant 0 : i32
      %dma_start3A_708 = arith.constant 0 : i32
      %dma_start3A_709 = tpu.memref_slice %arg4[%select_n3A_598, %dma_start3A_701, %add3A_619, %dma_start3A_707, %dma_start3A_708] : memref<50x8x128x8x128xf32, #tpu.memory_space<hbm>> -> memref<1x1x2x8x128xf32, #tpu.memory_space<hbm>>
      %dma_start3A_710 = tpu.memref_squeeze %dma_start3A_709 : memref<1x1x2x8x128xf32, #tpu.memory_space<hbm>> -> memref<2x8x128xf32, #tpu.memory_space<hbm>>
      %dma_start3A_711 = arith.constant 0 : i32
      %dma_start3A_712 = arith.constant 0 : i32
      %dma_start3A_713 = tpu.memref_slice %arg4[%select_n3A_598, %dma_start3A_701, %add3A_619, %dma_start3A_711, %dma_start3A_712] : memref<50x8x128x8x128xf32, #tpu.memory_space<hbm>> -> memref<1x1x2x8x128xf32, #tpu.memory_space<hbm>>
      %dma_start3A_714 = tpu.memref_squeeze %dma_start3A_713 : memref<1x1x2x8x128xf32, #tpu.memory_space<hbm>> -> memref<2x8x128xf32, #tpu.memory_space<hbm>>
      %dma_start3A_715 = arith.constant 0 : i32
      %dma_start3A_716 = arith.constant 0 : i32
      %dma_start3A_717 = arith.constant 0 : i32
      %dma_start3A_718 = tpu.memref_slice %arg9[%dma_start3A_700, %dma_start3A_715, %dma_start3A_716, %dma_start3A_717] : memref<8x2x9x133xf32, #tpu.memory_space<vmem>> -> memref<1x2x8x128xf32, #tpu.memory_space<vmem>>
      %dma_start3A_719 = tpu.memref_squeeze %dma_start3A_718 : memref<1x2x8x128xf32, #tpu.memory_space<vmem>> -> memref<2x8x128xf32, #tpu.memory_space<vmem>>
      tpu.enqueue_dma source(%dma_start3A_719 : memref<2x8x128xf32, #tpu.memory_space<vmem>>) target(%dma_start3A_714 : memref<2x8x128xf32, #tpu.memory_space<hbm>>) target_semaphore(%arg13 : memref<!tpu.dma_semaphore, #tpu.memory_space<semaphore_mem>>)
      %dma_start3A_720 = arith.constant 5 : i32
      %dma_start3A_721 = arith.constant 5 : i32
      %dma_start3A_722 = arith.constant 0 : i32
      %dma_start3A_723 = arith.constant 0 : i32
      %dma_start3A_724 = arith.constant 0 : i32
      %dma_start3A_725 = tpu.memref_slice %arg9[%dma_start3A_720, %dma_start3A_722, %dma_start3A_723, %dma_start3A_724] : memref<8x2x9x133xf32, #tpu.memory_space<vmem>> -> memref<1x2x8x128xf32, #tpu.memory_space<vmem>>
      %dma_start3A_726 = tpu.memref_squeeze %dma_start3A_725 : memref<1x2x8x128xf32, #tpu.memory_space<vmem>> -> memref<2x8x128xf32, #tpu.memory_space<vmem>>
      %dma_start3A_727 = arith.constant 0 : i32
      %dma_start3A_728 = arith.constant 0 : i32
      %dma_start3A_729 = tpu.memref_slice %arg4[%select_n3A_598, %dma_start3A_721, %add3A_619, %dma_start3A_727, %dma_start3A_728] : memref<50x8x128x8x128xf32, #tpu.memory_space<hbm>> -> memref<1x1x2x8x128xf32, #tpu.memory_space<hbm>>
      %dma_start3A_730 = tpu.memref_squeeze %dma_start3A_729 : memref<1x1x2x8x128xf32, #tpu.memory_space<hbm>> -> memref<2x8x128xf32, #tpu.memory_space<hbm>>
      %dma_start3A_731 = arith.constant 0 : i32
      %dma_start3A_732 = arith.constant 0 : i32
      %dma_start3A_733 = tpu.memref_slice %arg4[%select_n3A_598, %dma_start3A_721, %add3A_619, %dma_start3A_731, %dma_start3A_732] : memref<50x8x128x8x128xf32, #tpu.memory_space<hbm>> -> memref<1x1x2x8x128xf32, #tpu.memory_space<hbm>>
      %dma_start3A_734 = tpu.memref_squeeze %dma_start3A_733 : memref<1x1x2x8x128xf32, #tpu.memory_space<hbm>> -> memref<2x8x128xf32, #tpu.memory_space<hbm>>
      %dma_start3A_735 = arith.constant 0 : i32
      %dma_start3A_736 = arith.constant 0 : i32
      %dma_start3A_737 = arith.constant 0 : i32
      %dma_start3A_738 = tpu.memref_slice %arg9[%dma_start3A_720, %dma_start3A_735, %dma_start3A_736, %dma_start3A_737] : memref<8x2x9x133xf32, #tpu.memory_space<vmem>> -> memref<1x2x8x128xf32, #tpu.memory_space<vmem>>
      %dma_start3A_739 = tpu.memref_squeeze %dma_start3A_738 : memref<1x2x8x128xf32, #tpu.memory_space<vmem>> -> memref<2x8x128xf32, #tpu.memory_space<vmem>>
      tpu.enqueue_dma source(%dma_start3A_739 : memref<2x8x128xf32, #tpu.memory_space<vmem>>) target(%dma_start3A_734 : memref<2x8x128xf32, #tpu.memory_space<hbm>>) target_semaphore(%arg13 : memref<!tpu.dma_semaphore, #tpu.memory_space<semaphore_mem>>)
      %dma_start3A_740 = arith.constant 6 : i32
      %dma_start3A_741 = arith.constant 6 : i32
      %dma_start3A_742 = arith.constant 0 : i32
      %dma_start3A_743 = arith.constant 0 : i32
      %dma_start3A_744 = arith.constant 0 : i32
      %dma_start3A_745 = tpu.memref_slice %arg9[%dma_start3A_740, %dma_start3A_742, %dma_start3A_743, %dma_start3A_744] : memref<8x2x9x133xf32, #tpu.memory_space<vmem>> -> memref<1x2x8x128xf32, #tpu.memory_space<vmem>>
      %dma_start3A_746 = tpu.memref_squeeze %dma_start3A_745 : memref<1x2x8x128xf32, #tpu.memory_space<vmem>> -> memref<2x8x128xf32, #tpu.memory_space<vmem>>
      %dma_start3A_747 = arith.constant 0 : i32
      %dma_start3A_748 = arith.constant 0 : i32
      %dma_start3A_749 = tpu.memref_slice %arg4[%select_n3A_598, %dma_start3A_741, %add3A_619, %dma_start3A_747, %dma_start3A_748] : memref<50x8x128x8x128xf32, #tpu.memory_space<hbm>> -> memref<1x1x2x8x128xf32, #tpu.memory_space<hbm>>
      %dma_start3A_750 = tpu.memref_squeeze %dma_start3A_749 : memref<1x1x2x8x128xf32, #tpu.memory_space<hbm>> -> memref<2x8x128xf32, #tpu.memory_space<hbm>>
      %dma_start3A_751 = arith.constant 0 : i32
      %dma_start3A_752 = arith.constant 0 : i32
      %dma_start3A_753 = tpu.memref_slice %arg4[%select_n3A_598, %dma_start3A_741, %add3A_619, %dma_start3A_751, %dma_start3A_752] : memref<50x8x128x8x128xf32, #tpu.memory_space<hbm>> -> memref<1x1x2x8x128xf32, #tpu.memory_space<hbm>>
      %dma_start3A_754 = tpu.memref_squeeze %dma_start3A_753 : memref<1x1x2x8x128xf32, #tpu.memory_space<hbm>> -> memref<2x8x128xf32, #tpu.memory_space<hbm>>
      %dma_start3A_755 = arith.constant 0 : i32
      %dma_start3A_756 = arith.constant 0 : i32
      %dma_start3A_757 = arith.constant 0 : i32
      %dma_start3A_758 = tpu.memref_slice %arg9[%dma_start3A_740, %dma_start3A_755, %dma_start3A_756, %dma_start3A_757] : memref<8x2x9x133xf32, #tpu.memory_space<vmem>> -> memref<1x2x8x128xf32, #tpu.memory_space<vmem>>
      %dma_start3A_759 = tpu.memref_squeeze %dma_start3A_758 : memref<1x2x8x128xf32, #tpu.memory_space<vmem>> -> memref<2x8x128xf32, #tpu.memory_space<vmem>>
      tpu.enqueue_dma source(%dma_start3A_759 : memref<2x8x128xf32, #tpu.memory_space<vmem>>) target(%dma_start3A_754 : memref<2x8x128xf32, #tpu.memory_space<hbm>>) target_semaphore(%arg13 : memref<!tpu.dma_semaphore, #tpu.memory_space<semaphore_mem>>)
      %dma_start3A_760 = arith.constant 7 : i32
      %dma_start3A_761 = arith.constant 7 : i32
      %dma_start3A_762 = arith.constant 0 : i32
      %dma_start3A_763 = arith.constant 0 : i32
      %dma_start3A_764 = arith.constant 0 : i32
      %dma_start3A_765 = tpu.memref_slice %arg9[%dma_start3A_760, %dma_start3A_762, %dma_start3A_763, %dma_start3A_764] : memref<8x2x9x133xf32, #tpu.memory_space<vmem>> -> memref<1x2x8x128xf32, #tpu.memory_space<vmem>>
      %dma_start3A_766 = tpu.memref_squeeze %dma_start3A_765 : memref<1x2x8x128xf32, #tpu.memory_space<vmem>> -> memref<2x8x128xf32, #tpu.memory_space<vmem>>
      %dma_start3A_767 = arith.constant 0 : i32
      %dma_start3A_768 = arith.constant 0 : i32
      %dma_start3A_769 = tpu.memref_slice %arg4[%select_n3A_598, %dma_start3A_761, %add3A_619, %dma_start3A_767, %dma_start3A_768] : memref<50x8x128x8x128xf32, #tpu.memory_space<hbm>> -> memref<1x1x2x8x128xf32, #tpu.memory_space<hbm>>
      %dma_start3A_770 = tpu.memref_squeeze %dma_start3A_769 : memref<1x1x2x8x128xf32, #tpu.memory_space<hbm>> -> memref<2x8x128xf32, #tpu.memory_space<hbm>>
      %dma_start3A_771 = arith.constant 0 : i32
      %dma_start3A_772 = arith.constant 0 : i32
      %dma_start3A_773 = tpu.memref_slice %arg4[%select_n3A_598, %dma_start3A_761, %add3A_619, %dma_start3A_771, %dma_start3A_772] : memref<50x8x128x8x128xf32, #tpu.memory_space<hbm>> -> memref<1x1x2x8x128xf32, #tpu.memory_space<hbm>>
      %dma_start3A_774 = tpu.memref_squeeze %dma_start3A_773 : memref<1x1x2x8x128xf32, #tpu.memory_space<hbm>> -> memref<2x8x128xf32, #tpu.memory_space<hbm>>
      %dma_start3A_775 = arith.constant 0 : i32
      %dma_start3A_776 = arith.constant 0 : i32
      %dma_start3A_777 = arith.constant 0 : i32
      %dma_start3A_778 = tpu.memref_slice %arg9[%dma_start3A_760, %dma_start3A_775, %dma_start3A_776, %dma_start3A_777] : memref<8x2x9x133xf32, #tpu.memory_space<vmem>> -> memref<1x2x8x128xf32, #tpu.memory_space<vmem>>
      %dma_start3A_779 = tpu.memref_squeeze %dma_start3A_778 : memref<1x2x8x128xf32, #tpu.memory_space<vmem>> -> memref<2x8x128xf32, #tpu.memory_space<vmem>>
      tpu.enqueue_dma source(%dma_start3A_779 : memref<2x8x128xf32, #tpu.memory_space<vmem>>) target(%dma_start3A_774 : memref<2x8x128xf32, #tpu.memory_space<hbm>>) target_semaphore(%arg13 : memref<!tpu.dma_semaphore, #tpu.memory_space<semaphore_mem>>)
      %add3A_780 = arith.constant 1 : i32
      %add3A_781 = arith.addi %scan3A_533, %add3A_780 : i32
      %lt3A_782 = arith.constant 50 : i32
      %lt3A_783 = arith.cmpi slt, %add3A_781, %lt3A_782 : i32
      %convert_element_type3A_784 = arith.extui %lt3A_783 : i1 to i32
      %cond3A_785 = arith.constant 0 : i32
      %cond3A_786 = arith.cmpi ne, %convert_element_type3A_784, %cond3A_785 : i32
      scf.if %cond3A_786 {
        %add3A_1015 = arith.constant 2 : i32
        %add3A_1016 = arith.addi %mul3A_535, %add3A_1015 : i32
        %mul3A_1017 = arith.constant 256 : i32
        %mul3A_1018 = arith.muli %add3A_1016, %mul3A_1017 : i32
        %add3A_1019 = arith.constant 0 : i32
        %add3A_1020 = arith.addi %mul3A_1018, %add3A_1019 : i32
        %dma_start3A_1021 = arith.constant 0 : i32
        %dma_start3A_1022 = arith.constant 0 : i32
        %dma_start3A_1023 = tpu.memref_slice %arg7[%dma_start3A_1021, %dma_start3A_1022] : memref<256x64xf32, #tpu.memory_space<vmem>> -> memref<128x64xf32, #tpu.memory_space<vmem>>
        %dma_start3A_1024 = tpu.memref_slice %arg6[%add3A_1020] : memref<25600xi32, #tpu.memory_space<vmem>> -> memref<128xi32, #tpu.memory_space<vmem>>
        %dma_start3A_1025 = arith.constant 0 : i32
        %dma_start3A_1026 = arith.constant 0 : i32
        %dma_start3A_1027 = tpu.memref_slice %arg2[%dma_start3A_1025, %dma_start3A_1026] : memref<100000x64xf32, #tpu.memory_space<hbm>> -> memref<100000x64xf32, #tpu.memory_space<hbm>>
        tpu.enqueue_indirect_dma source(%dma_start3A_1027 : memref<100000x64xf32, #tpu.memory_space<hbm>>) target(%dma_start3A_1023 : memref<128x64xf32, #tpu.memory_space<vmem>>) offsets(%dma_start3A_1024 : memref<128xi32, #tpu.memory_space<vmem>>) semaphore(%arg11 : memref<!tpu.dma_semaphore, #tpu.memory_space<semaphore_mem>>)
        %add3A_1028 = arith.constant 128 : i32
        %add3A_1029 = arith.addi %mul3A_1018, %add3A_1028 : i32
        %dma_start3A_1030 = arith.constant 128 : i32
        %dma_start3A_1031 = arith.constant 0 : i32
        %dma_start3A_1032 = tpu.memref_slice %arg7[%dma_start3A_1030, %dma_start3A_1031] : memref<256x64xf32, #tpu.memory_space<vmem>> -> memref<128x64xf32, #tpu.memory_space<vmem>>
        %dma_start3A_1033 = tpu.memref_slice %arg6[%add3A_1029] : memref<25600xi32, #tpu.memory_space<vmem>> -> memref<128xi32, #tpu.memory_space<vmem>>
        %dma_start3A_1034 = arith.constant 0 : i32
        %dma_start3A_1035 = arith.constant 0 : i32
        %dma_start3A_1036 = tpu.memref_slice %arg2[%dma_start3A_1034, %dma_start3A_1035] : memref<100000x64xf32, #tpu.memory_space<hbm>> -> memref<100000x64xf32, #tpu.memory_space<hbm>>
        tpu.enqueue_indirect_dma source(%dma_start3A_1036 : memref<100000x64xf32, #tpu.memory_space<hbm>>) target(%dma_start3A_1032 : memref<128x64xf32, #tpu.memory_space<vmem>>) offsets(%dma_start3A_1033 : memref<128xi32, #tpu.memory_space<vmem>>) semaphore(%arg11 : memref<!tpu.dma_semaphore, #tpu.memory_space<semaphore_mem>>)
      } else {
      }
      %dma_wait3A_787 = arith.constant 0 : i32
      %dma_wait3A_788 = arith.constant 0 : i32
      %dma_wait3A_789 = tpu.memref_slice %arg2[%dma_wait3A_787, %dma_wait3A_788] : memref<100000x64xf32, #tpu.memory_space<hbm>> -> memref<256x64xf32, #tpu.memory_space<hbm>>
      %dma_wait3A_790 = arith.constant 0 : i32
      %dma_wait3A_791 = arith.constant 0 : i32
      %dma_wait3A_792 = tpu.memref_slice %arg2[%dma_wait3A_790, %dma_wait3A_791] : memref<100000x64xf32, #tpu.memory_space<hbm>> -> memref<256x64xf32, #tpu.memory_space<hbm>>
      tpu.wait_dma2 semaphore(%arg12 : memref<!tpu.dma_semaphore, #tpu.memory_space<semaphore_mem>>) src(%dma_wait3A_792 : memref<256x64xf32, #tpu.memory_space<hbm>>) dst(%arg8 : memref<256x64xf32, #tpu.memory_space<vmem>>)
      %gt3A_793 = arith.constant 0 : i32
      %gt3A_794 = arith.cmpi sgt, %scan3A_533, %gt3A_793 : i32
      %convert_element_type3A_795 = arith.extui %gt3A_794 : i1 to i32
      %cond3A_796 = arith.constant 0 : i32
      %cond3A_797 = arith.cmpi ne, %convert_element_type3A_795, %cond3A_796 : i32
      scf.if %cond3A_797 {
        %sub3A_1015 = arith.constant 1 : i32
        %sub3A_1016 = arith.subi %mul3A_535, %sub3A_1015 : i32
        %jit3A_1017 = arith.constant 2 : i32
        %div3A_1018 = arith.divsi %sub3A_1016, %jit3A_1017 : i32
        %sign3A_1019 = arith.constant 0 : i32
        %sign3A_1020 = arith.cmpi sgt, %sub3A_1016, %sign3A_1019 : i32
        %sign3A_1021 = arith.extui %sign3A_1020 : i1 to i32
        %sign3A_1022 = arith.constant 0 : i32
        %sign3A_1023 = arith.cmpi slt, %sub3A_1016, %sign3A_1022 : i32
        %sign3A_1024 = arith.extui %sign3A_1023 : i1 to i32
        %sign3A_1025 = arith.subi %sign3A_1021, %sign3A_1024 : i32
        %sign3A_1026 = arith.constant 0 : i32
        %sign3A_1027 = arith.cmpi sgt, %jit3A_1017, %sign3A_1026 : i32
        %sign3A_1028 = arith.extui %sign3A_1027 : i1 to i32
        %sign3A_1029 = arith.constant 0 : i32
        %sign3A_1030 = arith.cmpi slt, %jit3A_1017, %sign3A_1029 : i32
        %sign3A_1031 = arith.extui %sign3A_1030 : i1 to i32
        %sign3A_1032 = arith.subi %sign3A_1028, %sign3A_1031 : i32
        %ne3A_1033 = arith.cmpi ne, %sign3A_1025, %sign3A_1032 : i32
        %rem3A_1034 = arith.remsi %sub3A_1016, %jit3A_1017 : i32
        %ne3A_1035 = arith.constant 0 : i32
        %ne3A_1036 = arith.cmpi ne, %rem3A_1034, %ne3A_1035 : i32
        %and3A_1037 = arith.andi %ne3A_1033, %ne3A_1036 : i1
        %sub3A_1038 = arith.constant 1 : i32
        %sub3A_1039 = arith.subi %div3A_1018, %sub3A_1038 : i32
        %select_n3A_1040 = arith.select %and3A_1037, %sub3A_1039, %div3A_1018 : i32
        %jit3A_1041 = arith.constant 2 : i32
        %eq3A_1042 = arith.constant 0 : i32
        %eq3A_1043 = arith.cmpi eq, %jit3A_1041, %eq3A_1042 : i32
        %jit3A_1044 = arith.constant 1 : i32
        %select_n3A_1045 = arith.select %eq3A_1043, %jit3A_1044, %jit3A_1041 : i32
        %rem3A_1046 = arith.remsi %sub3A_1016, %select_n3A_1045 : i32
        %ne3A_1047 = arith.constant 0 : i32
        %ne3A_1048 = arith.cmpi ne, %rem3A_1046, %ne3A_1047 : i32
        %lt3A_1049 = arith.constant 0 : i32
        %lt3A_1050 = arith.cmpi slt, %rem3A_1046, %lt3A_1049 : i32
        %lt3A_1051 = arith.constant 0 : i32
        %lt3A_1052 = arith.cmpi slt, %select_n3A_1045, %lt3A_1051 : i32
        %ne3A_1053 = arith.xori %lt3A_1050, %lt3A_1052 : i1
        %and3A_1054 = arith.andi %ne3A_1053, %ne3A_1048 : i1
        %add3A_1055 = arith.addi %rem3A_1046, %select_n3A_1045 : i32
        %select_n3A_1056 = arith.select %and3A_1054, %add3A_1055, %rem3A_1046 : i32
        %mul3A_1057 = arith.constant 4 : i32
        %mul3A_1058 = arith.muli %add3A, %mul3A_1057 : i32
        %mul3A_1059 = arith.constant 2 : i32
        %mul3A_1060 = arith.muli %select_n3A_1056, %mul3A_1059 : i32
        %add3A_1061 = arith.addi %mul3A_1058, %mul3A_1060 : i32
        %dma_wait3A_1062 = arith.constant 0 : i32
        %dma_wait3A_1063 = arith.constant 0 : i32
        %dma_wait3A_1064 = arith.constant 0 : i32
        %dma_wait3A_1065 = arith.constant 0 : i32
        %dma_wait3A_1066 = arith.constant 0 : i32
        %dma_wait3A_1067 = tpu.memref_slice %arg10[%dma_wait3A_1062, %dma_wait3A_1064, %dma_wait3A_1065, %dma_wait3A_1066] : memref<8x2x9x133xf32, #tpu.memory_space<vmem>> -> memref<1x2x8x128xf32, #tpu.memory_space<vmem>>
        %dma_wait3A_1068 = tpu.memref_squeeze %dma_wait3A_1067 : memref<1x2x8x128xf32, #tpu.memory_space<vmem>> -> memref<2x8x128xf32, #tpu.memory_space<vmem>>
        %dma_wait3A_1069 = arith.constant 0 : i32
        %dma_wait3A_1070 = arith.constant 0 : i32
        %dma_wait3A_1071 = tpu.memref_slice %arg4[%select_n3A_1040, %dma_wait3A_1063, %add3A_1061, %dma_wait3A_1069, %dma_wait3A_1070] : memref<50x8x128x8x128xf32, #tpu.memory_space<hbm>> -> memref<1x1x2x8x128xf32, #tpu.memory_space<hbm>>
        %dma_wait3A_1072 = tpu.memref_squeeze %dma_wait3A_1071 : memref<1x1x2x8x128xf32, #tpu.memory_space<hbm>> -> memref<2x8x128xf32, #tpu.memory_space<hbm>>
        %dma_wait3A_1073 = arith.constant 0 : i32
        %dma_wait3A_1074 = arith.constant 0 : i32
        %dma_wait3A_1075 = tpu.memref_slice %arg4[%select_n3A_1040, %dma_wait3A_1063, %add3A_1061, %dma_wait3A_1073, %dma_wait3A_1074] : memref<50x8x128x8x128xf32, #tpu.memory_space<hbm>> -> memref<1x1x2x8x128xf32, #tpu.memory_space<hbm>>
        %dma_wait3A_1076 = tpu.memref_squeeze %dma_wait3A_1075 : memref<1x1x2x8x128xf32, #tpu.memory_space<hbm>> -> memref<2x8x128xf32, #tpu.memory_space<hbm>>
        %dma_wait3A_1077 = arith.constant 0 : i32
        %dma_wait3A_1078 = arith.constant 0 : i32
        %dma_wait3A_1079 = arith.constant 0 : i32
        %dma_wait3A_1080 = tpu.memref_slice %arg10[%dma_wait3A_1062, %dma_wait3A_1077, %dma_wait3A_1078, %dma_wait3A_1079] : memref<8x2x9x133xf32, #tpu.memory_space<vmem>> -> memref<1x2x8x128xf32, #tpu.memory_space<vmem>>
        %dma_wait3A_1081 = tpu.memref_squeeze %dma_wait3A_1080 : memref<1x2x8x128xf32, #tpu.memory_space<vmem>> -> memref<2x8x128xf32, #tpu.memory_space<vmem>>
        tpu.wait_dma2 semaphore(%arg14 : memref<!tpu.dma_semaphore, #tpu.memory_space<semaphore_mem>>) src(%dma_wait3A_1081 : memref<2x8x128xf32, #tpu.memory_space<vmem>>) dst(%dma_wait3A_1076 : memref<2x8x128xf32, #tpu.memory_space<hbm>>)
        %dma_wait3A_1082 = arith.constant 1 : i32
        %dma_wait3A_1083 = arith.constant 1 : i32
        %dma_wait3A_1084 = arith.constant 0 : i32
        %dma_wait3A_1085 = arith.constant 0 : i32
        %dma_wait3A_1086 = arith.constant 0 : i32
        %dma_wait3A_1087 = tpu.memref_slice %arg10[%dma_wait3A_1082, %dma_wait3A_1084, %dma_wait3A_1085, %dma_wait3A_1086] : memref<8x2x9x133xf32, #tpu.memory_space<vmem>> -> memref<1x2x8x128xf32, #tpu.memory_space<vmem>>
        %dma_wait3A_1088 = tpu.memref_squeeze %dma_wait3A_1087 : memref<1x2x8x128xf32, #tpu.memory_space<vmem>> -> memref<2x8x128xf32, #tpu.memory_space<vmem>>
        %dma_wait3A_1089 = arith.constant 0 : i32
        %dma_wait3A_1090 = arith.constant 0 : i32
        %dma_wait3A_1091 = tpu.memref_slice %arg4[%select_n3A_1040, %dma_wait3A_1083, %add3A_1061, %dma_wait3A_1089, %dma_wait3A_1090] : memref<50x8x128x8x128xf32, #tpu.memory_space<hbm>> -> memref<1x1x2x8x128xf32, #tpu.memory_space<hbm>>
        %dma_wait3A_1092 = tpu.memref_squeeze %dma_wait3A_1091 : memref<1x1x2x8x128xf32, #tpu.memory_space<hbm>> -> memref<2x8x128xf32, #tpu.memory_space<hbm>>
        %dma_wait3A_1093 = arith.constant 0 : i32
        %dma_wait3A_1094 = arith.constant 0 : i32
        %dma_wait3A_1095 = tpu.memref_slice %arg4[%select_n3A_1040, %dma_wait3A_1083, %add3A_1061, %dma_wait3A_1093, %dma_wait3A_1094] : memref<50x8x128x8x128xf32, #tpu.memory_space<hbm>> -> memref<1x1x2x8x128xf32, #tpu.memory_space<hbm>>
        %dma_wait3A_1096 = tpu.memref_squeeze %dma_wait3A_1095 : memref<1x1x2x8x128xf32, #tpu.memory_space<hbm>> -> memref<2x8x128xf32, #tpu.memory_space<hbm>>
        %dma_wait3A_1097 = arith.constant 0 : i32
        %dma_wait3A_1098 = arith.constant 0 : i32
        %dma_wait3A_1099 = arith.constant 0 : i32
        %dma_wait3A_1100 = tpu.memref_slice %arg10[%dma_wait3A_1082, %dma_wait3A_1097, %dma_wait3A_1098, %dma_wait3A_1099] : memref<8x2x9x133xf32, #tpu.memory_space<vmem>> -> memref<1x2x8x128xf32, #tpu.memory_space<vmem>>
        %dma_wait3A_1101 = tpu.memref_squeeze %dma_wait3A_1100 : memref<1x2x8x128xf32, #tpu.memory_space<vmem>> -> memref<2x8x128xf32, #tpu.memory_space<vmem>>
        tpu.wait_dma2 semaphore(%arg14 : memref<!tpu.dma_semaphore, #tpu.memory_space<semaphore_mem>>) src(%dma_wait3A_1101 : memref<2x8x128xf32, #tpu.memory_space<vmem>>) dst(%dma_wait3A_1096 : memref<2x8x128xf32, #tpu.memory_space<hbm>>)
        %dma_wait3A_1102 = arith.constant 2 : i32
        %dma_wait3A_1103 = arith.constant 2 : i32
        %dma_wait3A_1104 = arith.constant 0 : i32
        %dma_wait3A_1105 = arith.constant 0 : i32
        %dma_wait3A_1106 = arith.constant 0 : i32
        %dma_wait3A_1107 = tpu.memref_slice %arg10[%dma_wait3A_1102, %dma_wait3A_1104, %dma_wait3A_1105, %dma_wait3A_1106] : memref<8x2x9x133xf32, #tpu.memory_space<vmem>> -> memref<1x2x8x128xf32, #tpu.memory_space<vmem>>
        %dma_wait3A_1108 = tpu.memref_squeeze %dma_wait3A_1107 : memref<1x2x8x128xf32, #tpu.memory_space<vmem>> -> memref<2x8x128xf32, #tpu.memory_space<vmem>>
        %dma_wait3A_1109 = arith.constant 0 : i32
        %dma_wait3A_1110 = arith.constant 0 : i32
        %dma_wait3A_1111 = tpu.memref_slice %arg4[%select_n3A_1040, %dma_wait3A_1103, %add3A_1061, %dma_wait3A_1109, %dma_wait3A_1110] : memref<50x8x128x8x128xf32, #tpu.memory_space<hbm>> -> memref<1x1x2x8x128xf32, #tpu.memory_space<hbm>>
        %dma_wait3A_1112 = tpu.memref_squeeze %dma_wait3A_1111 : memref<1x1x2x8x128xf32, #tpu.memory_space<hbm>> -> memref<2x8x128xf32, #tpu.memory_space<hbm>>
        %dma_wait3A_1113 = arith.constant 0 : i32
        %dma_wait3A_1114 = arith.constant 0 : i32
        %dma_wait3A_1115 = tpu.memref_slice %arg4[%select_n3A_1040, %dma_wait3A_1103, %add3A_1061, %dma_wait3A_1113, %dma_wait3A_1114] : memref<50x8x128x8x128xf32, #tpu.memory_space<hbm>> -> memref<1x1x2x8x128xf32, #tpu.memory_space<hbm>>
        %dma_wait3A_1116 = tpu.memref_squeeze %dma_wait3A_1115 : memref<1x1x2x8x128xf32, #tpu.memory_space<hbm>> -> memref<2x8x128xf32, #tpu.memory_space<hbm>>
        %dma_wait3A_1117 = arith.constant 0 : i32
        %dma_wait3A_1118 = arith.constant 0 : i32
        %dma_wait3A_1119 = arith.constant 0 : i32
        %dma_wait3A_1120 = tpu.memref_slice %arg10[%dma_wait3A_1102, %dma_wait3A_1117, %dma_wait3A_1118, %dma_wait3A_1119] : memref<8x2x9x133xf32, #tpu.memory_space<vmem>> -> memref<1x2x8x128xf32, #tpu.memory_space<vmem>>
        %dma_wait3A_1121 = tpu.memref_squeeze %dma_wait3A_1120 : memref<1x2x8x128xf32, #tpu.memory_space<vmem>> -> memref<2x8x128xf32, #tpu.memory_space<vmem>>
        tpu.wait_dma2 semaphore(%arg14 : memref<!tpu.dma_semaphore, #tpu.memory_space<semaphore_mem>>) src(%dma_wait3A_1121 : memref<2x8x128xf32, #tpu.memory_space<vmem>>) dst(%dma_wait3A_1116 : memref<2x8x128xf32, #tpu.memory_space<hbm>>)
        %dma_wait3A_1122 = arith.constant 3 : i32
        %dma_wait3A_1123 = arith.constant 3 : i32
        %dma_wait3A_1124 = arith.constant 0 : i32
        %dma_wait3A_1125 = arith.constant 0 : i32
        %dma_wait3A_1126 = arith.constant 0 : i32
        %dma_wait3A_1127 = tpu.memref_slice %arg10[%dma_wait3A_1122, %dma_wait3A_1124, %dma_wait3A_1125, %dma_wait3A_1126] : memref<8x2x9x133xf32, #tpu.memory_space<vmem>> -> memref<1x2x8x128xf32, #tpu.memory_space<vmem>>
        %dma_wait3A_1128 = tpu.memref_squeeze %dma_wait3A_1127 : memref<1x2x8x128xf32, #tpu.memory_space<vmem>> -> memref<2x8x128xf32, #tpu.memory_space<vmem>>
        %dma_wait3A_1129 = arith.constant 0 : i32
        %dma_wait3A_1130 = arith.constant 0 : i32
        %dma_wait3A_1131 = tpu.memref_slice %arg4[%select_n3A_1040, %dma_wait3A_1123, %add3A_1061, %dma_wait3A_1129, %dma_wait3A_1130] : memref<50x8x128x8x128xf32, #tpu.memory_space<hbm>> -> memref<1x1x2x8x128xf32, #tpu.memory_space<hbm>>
        %dma_wait3A_1132 = tpu.memref_squeeze %dma_wait3A_1131 : memref<1x1x2x8x128xf32, #tpu.memory_space<hbm>> -> memref<2x8x128xf32, #tpu.memory_space<hbm>>
        %dma_wait3A_1133 = arith.constant 0 : i32
        %dma_wait3A_1134 = arith.constant 0 : i32
        %dma_wait3A_1135 = tpu.memref_slice %arg4[%select_n3A_1040, %dma_wait3A_1123, %add3A_1061, %dma_wait3A_1133, %dma_wait3A_1134] : memref<50x8x128x8x128xf32, #tpu.memory_space<hbm>> -> memref<1x1x2x8x128xf32, #tpu.memory_space<hbm>>
        %dma_wait3A_1136 = tpu.memref_squeeze %dma_wait3A_1135 : memref<1x1x2x8x128xf32, #tpu.memory_space<hbm>> -> memref<2x8x128xf32, #tpu.memory_space<hbm>>
        %dma_wait3A_1137 = arith.constant 0 : i32
        %dma_wait3A_1138 = arith.constant 0 : i32
        %dma_wait3A_1139 = arith.constant 0 : i32
        %dma_wait3A_1140 = tpu.memref_slice %arg10[%dma_wait3A_1122, %dma_wait3A_1137, %dma_wait3A_1138, %dma_wait3A_1139] : memref<8x2x9x133xf32, #tpu.memory_space<vmem>> -> memref<1x2x8x128xf32, #tpu.memory_space<vmem>>
        %dma_wait3A_1141 = tpu.memref_squeeze %dma_wait3A_1140 : memref<1x2x8x128xf32, #tpu.memory_space<vmem>> -> memref<2x8x128xf32, #tpu.memory_space<vmem>>
        tpu.wait_dma2 semaphore(%arg14 : memref<!tpu.dma_semaphore, #tpu.memory_space<semaphore_mem>>) src(%dma_wait3A_1141 : memref<2x8x128xf32, #tpu.memory_space<vmem>>) dst(%dma_wait3A_1136 : memref<2x8x128xf32, #tpu.memory_space<hbm>>)
        %dma_wait3A_1142 = arith.constant 4 : i32
        %dma_wait3A_1143 = arith.constant 4 : i32
        %dma_wait3A_1144 = arith.constant 0 : i32
        %dma_wait3A_1145 = arith.constant 0 : i32
        %dma_wait3A_1146 = arith.constant 0 : i32
        %dma_wait3A_1147 = tpu.memref_slice %arg10[%dma_wait3A_1142, %dma_wait3A_1144, %dma_wait3A_1145, %dma_wait3A_1146] : memref<8x2x9x133xf32, #tpu.memory_space<vmem>> -> memref<1x2x8x128xf32, #tpu.memory_space<vmem>>
        %dma_wait3A_1148 = tpu.memref_squeeze %dma_wait3A_1147 : memref<1x2x8x128xf32, #tpu.memory_space<vmem>> -> memref<2x8x128xf32, #tpu.memory_space<vmem>>
        %dma_wait3A_1149 = arith.constant 0 : i32
        %dma_wait3A_1150 = arith.constant 0 : i32
        %dma_wait3A_1151 = tpu.memref_slice %arg4[%select_n3A_1040, %dma_wait3A_1143, %add3A_1061, %dma_wait3A_1149, %dma_wait3A_1150] : memref<50x8x128x8x128xf32, #tpu.memory_space<hbm>> -> memref<1x1x2x8x128xf32, #tpu.memory_space<hbm>>
        %dma_wait3A_1152 = tpu.memref_squeeze %dma_wait3A_1151 : memref<1x1x2x8x128xf32, #tpu.memory_space<hbm>> -> memref<2x8x128xf32, #tpu.memory_space<hbm>>
        %dma_wait3A_1153 = arith.constant 0 : i32
        %dma_wait3A_1154 = arith.constant 0 : i32
        %dma_wait3A_1155 = tpu.memref_slice %arg4[%select_n3A_1040, %dma_wait3A_1143, %add3A_1061, %dma_wait3A_1153, %dma_wait3A_1154] : memref<50x8x128x8x128xf32, #tpu.memory_space<hbm>> -> memref<1x1x2x8x128xf32, #tpu.memory_space<hbm>>
        %dma_wait3A_1156 = tpu.memref_squeeze %dma_wait3A_1155 : memref<1x1x2x8x128xf32, #tpu.memory_space<hbm>> -> memref<2x8x128xf32, #tpu.memory_space<hbm>>
        %dma_wait3A_1157 = arith.constant 0 : i32
        %dma_wait3A_1158 = arith.constant 0 : i32
        %dma_wait3A_1159 = arith.constant 0 : i32
        %dma_wait3A_1160 = tpu.memref_slice %arg10[%dma_wait3A_1142, %dma_wait3A_1157, %dma_wait3A_1158, %dma_wait3A_1159] : memref<8x2x9x133xf32, #tpu.memory_space<vmem>> -> memref<1x2x8x128xf32, #tpu.memory_space<vmem>>
        %dma_wait3A_1161 = tpu.memref_squeeze %dma_wait3A_1160 : memref<1x2x8x128xf32, #tpu.memory_space<vmem>> -> memref<2x8x128xf32, #tpu.memory_space<vmem>>
        tpu.wait_dma2 semaphore(%arg14 : memref<!tpu.dma_semaphore, #tpu.memory_space<semaphore_mem>>) src(%dma_wait3A_1161 : memref<2x8x128xf32, #tpu.memory_space<vmem>>) dst(%dma_wait3A_1156 : memref<2x8x128xf32, #tpu.memory_space<hbm>>)
        %dma_wait3A_1162 = arith.constant 5 : i32
        %dma_wait3A_1163 = arith.constant 5 : i32
        %dma_wait3A_1164 = arith.constant 0 : i32
        %dma_wait3A_1165 = arith.constant 0 : i32
        %dma_wait3A_1166 = arith.constant 0 : i32
        %dma_wait3A_1167 = tpu.memref_slice %arg10[%dma_wait3A_1162, %dma_wait3A_1164, %dma_wait3A_1165, %dma_wait3A_1166] : memref<8x2x9x133xf32, #tpu.memory_space<vmem>> -> memref<1x2x8x128xf32, #tpu.memory_space<vmem>>
        %dma_wait3A_1168 = tpu.memref_squeeze %dma_wait3A_1167 : memref<1x2x8x128xf32, #tpu.memory_space<vmem>> -> memref<2x8x128xf32, #tpu.memory_space<vmem>>
        %dma_wait3A_1169 = arith.constant 0 : i32
        %dma_wait3A_1170 = arith.constant 0 : i32
        %dma_wait3A_1171 = tpu.memref_slice %arg4[%select_n3A_1040, %dma_wait3A_1163, %add3A_1061, %dma_wait3A_1169, %dma_wait3A_1170] : memref<50x8x128x8x128xf32, #tpu.memory_space<hbm>> -> memref<1x1x2x8x128xf32, #tpu.memory_space<hbm>>
        %dma_wait3A_1172 = tpu.memref_squeeze %dma_wait3A_1171 : memref<1x1x2x8x128xf32, #tpu.memory_space<hbm>> -> memref<2x8x128xf32, #tpu.memory_space<hbm>>
        %dma_wait3A_1173 = arith.constant 0 : i32
        %dma_wait3A_1174 = arith.constant 0 : i32
        %dma_wait3A_1175 = tpu.memref_slice %arg4[%select_n3A_1040, %dma_wait3A_1163, %add3A_1061, %dma_wait3A_1173, %dma_wait3A_1174] : memref<50x8x128x8x128xf32, #tpu.memory_space<hbm>> -> memref<1x1x2x8x128xf32, #tpu.memory_space<hbm>>
        %dma_wait3A_1176 = tpu.memref_squeeze %dma_wait3A_1175 : memref<1x1x2x8x128xf32, #tpu.memory_space<hbm>> -> memref<2x8x128xf32, #tpu.memory_space<hbm>>
        %dma_wait3A_1177 = arith.constant 0 : i32
        %dma_wait3A_1178 = arith.constant 0 : i32
        %dma_wait3A_1179 = arith.constant 0 : i32
        %dma_wait3A_1180 = tpu.memref_slice %arg10[%dma_wait3A_1162, %dma_wait3A_1177, %dma_wait3A_1178, %dma_wait3A_1179] : memref<8x2x9x133xf32, #tpu.memory_space<vmem>> -> memref<1x2x8x128xf32, #tpu.memory_space<vmem>>
        %dma_wait3A_1181 = tpu.memref_squeeze %dma_wait3A_1180 : memref<1x2x8x128xf32, #tpu.memory_space<vmem>> -> memref<2x8x128xf32, #tpu.memory_space<vmem>>
        tpu.wait_dma2 semaphore(%arg14 : memref<!tpu.dma_semaphore, #tpu.memory_space<semaphore_mem>>) src(%dma_wait3A_1181 : memref<2x8x128xf32, #tpu.memory_space<vmem>>) dst(%dma_wait3A_1176 : memref<2x8x128xf32, #tpu.memory_space<hbm>>)
        %dma_wait3A_1182 = arith.constant 6 : i32
        %dma_wait3A_1183 = arith.constant 6 : i32
        %dma_wait3A_1184 = arith.constant 0 : i32
        %dma_wait3A_1185 = arith.constant 0 : i32
        %dma_wait3A_1186 = arith.constant 0 : i32
        %dma_wait3A_1187 = tpu.memref_slice %arg10[%dma_wait3A_1182, %dma_wait3A_1184, %dma_wait3A_1185, %dma_wait3A_1186] : memref<8x2x9x133xf32, #tpu.memory_space<vmem>> -> memref<1x2x8x128xf32, #tpu.memory_space<vmem>>
        %dma_wait3A_1188 = tpu.memref_squeeze %dma_wait3A_1187 : memref<1x2x8x128xf32, #tpu.memory_space<vmem>> -> memref<2x8x128xf32, #tpu.memory_space<vmem>>
        %dma_wait3A_1189 = arith.constant 0 : i32
        %dma_wait3A_1190 = arith.constant 0 : i32
        %dma_wait3A_1191 = tpu.memref_slice %arg4[%select_n3A_1040, %dma_wait3A_1183, %add3A_1061, %dma_wait3A_1189, %dma_wait3A_1190] : memref<50x8x128x8x128xf32, #tpu.memory_space<hbm>> -> memref<1x1x2x8x128xf32, #tpu.memory_space<hbm>>
        %dma_wait3A_1192 = tpu.memref_squeeze %dma_wait3A_1191 : memref<1x1x2x8x128xf32, #tpu.memory_space<hbm>> -> memref<2x8x128xf32, #tpu.memory_space<hbm>>
        %dma_wait3A_1193 = arith.constant 0 : i32
        %dma_wait3A_1194 = arith.constant 0 : i32
        %dma_wait3A_1195 = tpu.memref_slice %arg4[%select_n3A_1040, %dma_wait3A_1183, %add3A_1061, %dma_wait3A_1193, %dma_wait3A_1194] : memref<50x8x128x8x128xf32, #tpu.memory_space<hbm>> -> memref<1x1x2x8x128xf32, #tpu.memory_space<hbm>>
        %dma_wait3A_1196 = tpu.memref_squeeze %dma_wait3A_1195 : memref<1x1x2x8x128xf32, #tpu.memory_space<hbm>> -> memref<2x8x128xf32, #tpu.memory_space<hbm>>
        %dma_wait3A_1197 = arith.constant 0 : i32
        %dma_wait3A_1198 = arith.constant 0 : i32
        %dma_wait3A_1199 = arith.constant 0 : i32
        %dma_wait3A_1200 = tpu.memref_slice %arg10[%dma_wait3A_1182, %dma_wait3A_1197, %dma_wait3A_1198, %dma_wait3A_1199] : memref<8x2x9x133xf32, #tpu.memory_space<vmem>> -> memref<1x2x8x128xf32, #tpu.memory_space<vmem>>
        %dma_wait3A_1201 = tpu.memref_squeeze %dma_wait3A_1200 : memref<1x2x8x128xf32, #tpu.memory_space<vmem>> -> memref<2x8x128xf32, #tpu.memory_space<vmem>>
        tpu.wait_dma2 semaphore(%arg14 : memref<!tpu.dma_semaphore, #tpu.memory_space<semaphore_mem>>) src(%dma_wait3A_1201 : memref<2x8x128xf32, #tpu.memory_space<vmem>>) dst(%dma_wait3A_1196 : memref<2x8x128xf32, #tpu.memory_space<hbm>>)
        %dma_wait3A_1202 = arith.constant 7 : i32
        %dma_wait3A_1203 = arith.constant 7 : i32
        %dma_wait3A_1204 = arith.constant 0 : i32
        %dma_wait3A_1205 = arith.constant 0 : i32
        %dma_wait3A_1206 = arith.constant 0 : i32
        %dma_wait3A_1207 = tpu.memref_slice %arg10[%dma_wait3A_1202, %dma_wait3A_1204, %dma_wait3A_1205, %dma_wait3A_1206] : memref<8x2x9x133xf32, #tpu.memory_space<vmem>> -> memref<1x2x8x128xf32, #tpu.memory_space<vmem>>
        %dma_wait3A_1208 = tpu.memref_squeeze %dma_wait3A_1207 : memref<1x2x8x128xf32, #tpu.memory_space<vmem>> -> memref<2x8x128xf32, #tpu.memory_space<vmem>>
        %dma_wait3A_1209 = arith.constant 0 : i32
        %dma_wait3A_1210 = arith.constant 0 : i32
        %dma_wait3A_1211 = tpu.memref_slice %arg4[%select_n3A_1040, %dma_wait3A_1203, %add3A_1061, %dma_wait3A_1209, %dma_wait3A_1210] : memref<50x8x128x8x128xf32, #tpu.memory_space<hbm>> -> memref<1x1x2x8x128xf32, #tpu.memory_space<hbm>>
        %dma_wait3A_1212 = tpu.memref_squeeze %dma_wait3A_1211 : memref<1x1x2x8x128xf32, #tpu.memory_space<hbm>> -> memref<2x8x128xf32, #tpu.memory_space<hbm>>
        %dma_wait3A_1213 = arith.constant 0 : i32
        %dma_wait3A_1214 = arith.constant 0 : i32
        %dma_wait3A_1215 = tpu.memref_slice %arg4[%select_n3A_1040, %dma_wait3A_1203, %add3A_1061, %dma_wait3A_1213, %dma_wait3A_1214] : memref<50x8x128x8x128xf32, #tpu.memory_space<hbm>> -> memref<1x1x2x8x128xf32, #tpu.memory_space<hbm>>
        %dma_wait3A_1216 = tpu.memref_squeeze %dma_wait3A_1215 : memref<1x1x2x8x128xf32, #tpu.memory_space<hbm>> -> memref<2x8x128xf32, #tpu.memory_space<hbm>>
        %dma_wait3A_1217 = arith.constant 0 : i32
        %dma_wait3A_1218 = arith.constant 0 : i32
        %dma_wait3A_1219 = arith.constant 0 : i32
        %dma_wait3A_1220 = tpu.memref_slice %arg10[%dma_wait3A_1202, %dma_wait3A_1217, %dma_wait3A_1218, %dma_wait3A_1219] : memref<8x2x9x133xf32, #tpu.memory_space<vmem>> -> memref<1x2x8x128xf32, #tpu.memory_space<vmem>>
        %dma_wait3A_1221 = tpu.memref_squeeze %dma_wait3A_1220 : memref<1x2x8x128xf32, #tpu.memory_space<vmem>> -> memref<2x8x128xf32, #tpu.memory_space<vmem>>
        tpu.wait_dma2 semaphore(%arg14 : memref<!tpu.dma_semaphore, #tpu.memory_space<semaphore_mem>>) src(%dma_wait3A_1221 : memref<2x8x128xf32, #tpu.memory_space<vmem>>) dst(%dma_wait3A_1216 : memref<2x8x128xf32, #tpu.memory_space<hbm>>)
      } else {
      }
      %broadcast_in_dim3A_798 = arith.constant 0 : i32
      %broadcast_in_dim3A_799 = vector.broadcast %broadcast_in_dim3A_798 : i32 to vector<16xi32>
      %parallel_loop3A_800 = arith.constant 0 : i32
      %parallel_loop3A_801 = arith.constant 128 : i32
      %parallel_loop3A_802 = arith.constant 1 : i32
      scf.for %parallel_loop3A_1015 = %parallel_loop3A_800 to %parallel_loop3A_801 step %parallel_loop3A_802  : i32 {
        %parallel_loop3A_1016 = vector.broadcast %parallel_loop3A_1015 : i32 to vector<16xi32>
        %parallel_loop3A_1017 = arith.addi %broadcast_in_dim3A_168, %parallel_loop3A_1016 : vector<16xi32>
        %parallel_loop3A_1018 = arith.constant 0 : i32
        %parallel_loop3A_1019 = vector.broadcast %parallel_loop3A_1018 : i32 to vector<16xi32>
        %parallel_loop3A_1020 = arith.addi %parallel_loop3A_1017, %parallel_loop3A_1019 : vector<16xi32>
        %parallel_loop3A_1021 = tpu.vector_load_idx %arg8[%parallel_loop3A_1020, %add3A_137] : memref<256x64xf32, #tpu.memory_space<vmem>>[vector<16xi32>, vector<16xi32>], vector<16xf32>,
        tpu.vector_store_idx %arg10[%add3A_33, %broadcast_in_dim3A_799, %select_n3A_166, %parallel_loop3A_1017], %parallel_loop3A_1021 : memref<8x2x9x133xf32, #tpu.memory_space<vmem>>[vector<16xi32>, vector<16xi32>, vector<16xi32>, vector<16xi32>], vector<16xf32>,
        %parallel_loop3A_1022 = tpu.vector_load_idx %arg8[%parallel_loop3A_1020, %add3A_140] : memref<256x64xf32, #tpu.memory_space<vmem>>[vector<16xi32>, vector<16xi32>], vector<16xf32>,
        tpu.vector_store_idx %arg10[%add3A_67, %broadcast_in_dim3A_799, %select_n3A_166, %parallel_loop3A_1017], %parallel_loop3A_1022 : memref<8x2x9x133xf32, #tpu.memory_space<vmem>>[vector<16xi32>, vector<16xi32>, vector<16xi32>, vector<16xi32>], vector<16xf32>,
        %parallel_loop3A_1023 = tpu.vector_load_idx %arg8[%parallel_loop3A_1020, %add3A_143] : memref<256x64xf32, #tpu.memory_space<vmem>>[vector<16xi32>, vector<16xi32>], vector<16xf32>,
        tpu.vector_store_idx %arg10[%add3A_101, %broadcast_in_dim3A_799, %select_n3A_166, %parallel_loop3A_1017], %parallel_loop3A_1023 : memref<8x2x9x133xf32, #tpu.memory_space<vmem>>[vector<16xi32>, vector<16xi32>, vector<16xi32>, vector<16xi32>], vector<16xf32>,
        %parallel_loop3A_1024 = tpu.vector_load_idx %arg8[%parallel_loop3A_1020, %add3A_146] : memref<256x64xf32, #tpu.memory_space<vmem>>[vector<16xi32>, vector<16xi32>], vector<16xf32>,
        tpu.vector_store_idx %arg10[%add3A_135, %broadcast_in_dim3A_799, %select_n3A_166, %parallel_loop3A_1017], %parallel_loop3A_1024 : memref<8x2x9x133xf32, #tpu.memory_space<vmem>>[vector<16xi32>, vector<16xi32>, vector<16xi32>, vector<16xi32>], vector<16xf32>,
      } {sc.loop_unroll_factor = 8 : i64, sc.parallel_access}
      %broadcast_in_dim3A_803 = arith.constant 1 : i32
      %broadcast_in_dim3A_804 = vector.broadcast %broadcast_in_dim3A_803 : i32 to vector<16xi32>
      %parallel_loop3A_805 = arith.constant 0 : i32
      %parallel_loop3A_806 = arith.constant 128 : i32
      %parallel_loop3A_807 = arith.constant 1 : i32
      scf.for %parallel_loop3A_1015 = %parallel_loop3A_805 to %parallel_loop3A_806 step %parallel_loop3A_807  : i32 {
        %parallel_loop3A_1016 = vector.broadcast %parallel_loop3A_1015 : i32 to vector<16xi32>
        %parallel_loop3A_1017 = arith.addi %broadcast_in_dim3A_168, %parallel_loop3A_1016 : vector<16xi32>
        %parallel_loop3A_1018 = arith.constant 128 : i32
        %parallel_loop3A_1019 = vector.broadcast %parallel_loop3A_1018 : i32 to vector<16xi32>
        %parallel_loop3A_1020 = arith.addi %parallel_loop3A_1017, %parallel_loop3A_1019 : vector<16xi32>
        %parallel_loop3A_1021 = tpu.vector_load_idx %arg8[%parallel_loop3A_1020, %add3A_137] : memref<256x64xf32, #tpu.memory_space<vmem>>[vector<16xi32>, vector<16xi32>], vector<16xf32>,
        tpu.vector_store_idx %arg10[%add3A_33, %broadcast_in_dim3A_804, %select_n3A_166, %parallel_loop3A_1017], %parallel_loop3A_1021 : memref<8x2x9x133xf32, #tpu.memory_space<vmem>>[vector<16xi32>, vector<16xi32>, vector<16xi32>, vector<16xi32>], vector<16xf32>,
        %parallel_loop3A_1022 = tpu.vector_load_idx %arg8[%parallel_loop3A_1020, %add3A_140] : memref<256x64xf32, #tpu.memory_space<vmem>>[vector<16xi32>, vector<16xi32>], vector<16xf32>,
        tpu.vector_store_idx %arg10[%add3A_67, %broadcast_in_dim3A_804, %select_n3A_166, %parallel_loop3A_1017], %parallel_loop3A_1022 : memref<8x2x9x133xf32, #tpu.memory_space<vmem>>[vector<16xi32>, vector<16xi32>, vector<16xi32>, vector<16xi32>], vector<16xf32>,
        %parallel_loop3A_1023 = tpu.vector_load_idx %arg8[%parallel_loop3A_1020, %add3A_143] : memref<256x64xf32, #tpu.memory_space<vmem>>[vector<16xi32>, vector<16xi32>], vector<16xf32>,
        tpu.vector_store_idx %arg10[%add3A_101, %broadcast_in_dim3A_804, %select_n3A_166, %parallel_loop3A_1017], %parallel_loop3A_1023 : memref<8x2x9x133xf32, #tpu.memory_space<vmem>>[vector<16xi32>, vector<16xi32>, vector<16xi32>, vector<16xi32>], vector<16xf32>,
        %parallel_loop3A_1024 = tpu.vector_load_idx %arg8[%parallel_loop3A_1020, %add3A_146] : memref<256x64xf32, #tpu.memory_space<vmem>>[vector<16xi32>, vector<16xi32>], vector<16xf32>,
        tpu.vector_store_idx %arg10[%add3A_135, %broadcast_in_dim3A_804, %select_n3A_166, %parallel_loop3A_1017], %parallel_loop3A_1024 : memref<8x2x9x133xf32, #tpu.memory_space<vmem>>[vector<16xi32>, vector<16xi32>, vector<16xi32>, vector<16xi32>], vector<16xf32>,
      } {sc.loop_unroll_factor = 8 : i64, sc.parallel_access}
      %add3A_808 = arith.constant 1 : i32
      %add3A_809 = arith.addi %mul3A_535, %add3A_808 : i32
      %jit3A_810 = arith.constant 2 : i32
      %div3A_811 = arith.divsi %add3A_809, %jit3A_810 : i32
      %sign3A_812 = arith.constant 0 : i32
      %sign3A_813 = arith.cmpi sgt, %add3A_809, %sign3A_812 : i32
      %sign3A_814 = arith.extui %sign3A_813 : i1 to i32
      %sign3A_815 = arith.constant 0 : i32
      %sign3A_816 = arith.cmpi slt, %add3A_809, %sign3A_815 : i32
      %sign3A_817 = arith.extui %sign3A_816 : i1 to i32
      %sign3A_818 = arith.subi %sign3A_814, %sign3A_817 : i32
      %sign3A_819 = arith.constant 0 : i32
      %sign3A_820 = arith.cmpi sgt, %jit3A_810, %sign3A_819 : i32
      %sign3A_821 = arith.extui %sign3A_820 : i1 to i32
      %sign3A_822 = arith.constant 0 : i32
      %sign3A_823 = arith.cmpi slt, %jit3A_810, %sign3A_822 : i32
      %sign3A_824 = arith.extui %sign3A_823 : i1 to i32
      %sign3A_825 = arith.subi %sign3A_821, %sign3A_824 : i32
      %ne3A_826 = arith.cmpi ne, %sign3A_818, %sign3A_825 : i32
      %rem3A_827 = arith.remsi %add3A_809, %jit3A_810 : i32
      %ne3A_828 = arith.constant 0 : i32
      %ne3A_829 = arith.cmpi ne, %rem3A_827, %ne3A_828 : i32
      %and3A_830 = arith.andi %ne3A_826, %ne3A_829 : i1
      %sub3A_831 = arith.constant 1 : i32
      %sub3A_832 = arith.subi %div3A_811, %sub3A_831 : i32
      %select_n3A_833 = arith.select %and3A_830, %sub3A_832, %div3A_811 : i32
      %jit3A_834 = arith.constant 2 : i32
      %eq3A_835 = arith.constant 0 : i32
      %eq3A_836 = arith.cmpi eq, %jit3A_834, %eq3A_835 : i32
      %jit3A_837 = arith.constant 1 : i32
      %select_n3A_838 = arith.select %eq3A_836, %jit3A_837, %jit3A_834 : i32
      %rem3A_839 = arith.remsi %add3A_809, %select_n3A_838 : i32
      %ne3A_840 = arith.constant 0 : i32
      %ne3A_841 = arith.cmpi ne, %rem3A_839, %ne3A_840 : i32
      %lt3A_842 = arith.constant 0 : i32
      %lt3A_843 = arith.cmpi slt, %rem3A_839, %lt3A_842 : i32
      %lt3A_844 = arith.constant 0 : i32
      %lt3A_845 = arith.cmpi slt, %select_n3A_838, %lt3A_844 : i32
      %ne3A_846 = arith.xori %lt3A_843, %lt3A_845 : i1
      %and3A_847 = arith.andi %ne3A_846, %ne3A_841 : i1
      %add3A_848 = arith.addi %rem3A_839, %select_n3A_838 : i32
      %select_n3A_849 = arith.select %and3A_847, %add3A_848, %rem3A_839 : i32
      %mul3A_850 = arith.constant 4 : i32
      %mul3A_851 = arith.muli %add3A, %mul3A_850 : i32
      %mul3A_852 = arith.constant 2 : i32
      %mul3A_853 = arith.muli %select_n3A_849, %mul3A_852 : i32
      %add3A_854 = arith.addi %mul3A_851, %mul3A_853 : i32
      %dma_start3A_855 = arith.constant 0 : i32
      %dma_start3A_856 = arith.constant 0 : i32
      %dma_start3A_857 = arith.constant 0 : i32
      %dma_start3A_858 = arith.constant 0 : i32
      %dma_start3A_859 = arith.constant 0 : i32
      %dma_start3A_860 = tpu.memref_slice %arg10[%dma_start3A_855, %dma_start3A_857, %dma_start3A_858, %dma_start3A_859] : memref<8x2x9x133xf32, #tpu.memory_space<vmem>> -> memref<1x2x8x128xf32, #tpu.memory_space<vmem>>
      %dma_start3A_861 = tpu.memref_squeeze %dma_start3A_860 : memref<1x2x8x128xf32, #tpu.memory_space<vmem>> -> memref<2x8x128xf32, #tpu.memory_space<vmem>>
      %dma_start3A_862 = arith.constant 0 : i32
      %dma_start3A_863 = arith.constant 0 : i32
      %dma_start3A_864 = tpu.memref_slice %arg4[%select_n3A_833, %dma_start3A_856, %add3A_854, %dma_start3A_862, %dma_start3A_863] : memref<50x8x128x8x128xf32, #tpu.memory_space<hbm>> -> memref<1x1x2x8x128xf32, #tpu.memory_space<hbm>>
      %dma_start3A_865 = tpu.memref_squeeze %dma_start3A_864 : memref<1x1x2x8x128xf32, #tpu.memory_space<hbm>> -> memref<2x8x128xf32, #tpu.memory_space<hbm>>
      %dma_start3A_866 = arith.constant 0 : i32
      %dma_start3A_867 = arith.constant 0 : i32
      %dma_start3A_868 = tpu.memref_slice %arg4[%select_n3A_833, %dma_start3A_856, %add3A_854, %dma_start3A_866, %dma_start3A_867] : memref<50x8x128x8x128xf32, #tpu.memory_space<hbm>> -> memref<1x1x2x8x128xf32, #tpu.memory_space<hbm>>
      %dma_start3A_869 = tpu.memref_squeeze %dma_start3A_868 : memref<1x1x2x8x128xf32, #tpu.memory_space<hbm>> -> memref<2x8x128xf32, #tpu.memory_space<hbm>>
      %dma_start3A_870 = arith.constant 0 : i32
      %dma_start3A_871 = arith.constant 0 : i32
      %dma_start3A_872 = arith.constant 0 : i32
      %dma_start3A_873 = tpu.memref_slice %arg10[%dma_start3A_855, %dma_start3A_870, %dma_start3A_871, %dma_start3A_872] : memref<8x2x9x133xf32, #tpu.memory_space<vmem>> -> memref<1x2x8x128xf32, #tpu.memory_space<vmem>>
      %dma_start3A_874 = tpu.memref_squeeze %dma_start3A_873 : memref<1x2x8x128xf32, #tpu.memory_space<vmem>> -> memref<2x8x128xf32, #tpu.memory_space<vmem>>
      tpu.enqueue_dma source(%dma_start3A_874 : memref<2x8x128xf32, #tpu.memory_space<vmem>>) target(%dma_start3A_869 : memref<2x8x128xf32, #tpu.memory_space<hbm>>) target_semaphore(%arg14 : memref<!tpu.dma_semaphore, #tpu.memory_space<semaphore_mem>>)
      %dma_start3A_875 = arith.constant 1 : i32
      %dma_start3A_876 = arith.constant 1 : i32
      %dma_start3A_877 = arith.constant 0 : i32
      %dma_start3A_878 = arith.constant 0 : i32
      %dma_start3A_879 = arith.constant 0 : i32
      %dma_start3A_880 = tpu.memref_slice %arg10[%dma_start3A_875, %dma_start3A_877, %dma_start3A_878, %dma_start3A_879] : memref<8x2x9x133xf32, #tpu.memory_space<vmem>> -> memref<1x2x8x128xf32, #tpu.memory_space<vmem>>
      %dma_start3A_881 = tpu.memref_squeeze %dma_start3A_880 : memref<1x2x8x128xf32, #tpu.memory_space<vmem>> -> memref<2x8x128xf32, #tpu.memory_space<vmem>>
      %dma_start3A_882 = arith.constant 0 : i32
      %dma_start3A_883 = arith.constant 0 : i32
      %dma_start3A_884 = tpu.memref_slice %arg4[%select_n3A_833, %dma_start3A_876, %add3A_854, %dma_start3A_882, %dma_start3A_883] : memref<50x8x128x8x128xf32, #tpu.memory_space<hbm>> -> memref<1x1x2x8x128xf32, #tpu.memory_space<hbm>>
      %dma_start3A_885 = tpu.memref_squeeze %dma_start3A_884 : memref<1x1x2x8x128xf32, #tpu.memory_space<hbm>> -> memref<2x8x128xf32, #tpu.memory_space<hbm>>
      %dma_start3A_886 = arith.constant 0 : i32
      %dma_start3A_887 = arith.constant 0 : i32
      %dma_start3A_888 = tpu.memref_slice %arg4[%select_n3A_833, %dma_start3A_876, %add3A_854, %dma_start3A_886, %dma_start3A_887] : memref<50x8x128x8x128xf32, #tpu.memory_space<hbm>> -> memref<1x1x2x8x128xf32, #tpu.memory_space<hbm>>
      %dma_start3A_889 = tpu.memref_squeeze %dma_start3A_888 : memref<1x1x2x8x128xf32, #tpu.memory_space<hbm>> -> memref<2x8x128xf32, #tpu.memory_space<hbm>>
      %dma_start3A_890 = arith.constant 0 : i32
      %dma_start3A_891 = arith.constant 0 : i32
      %dma_start3A_892 = arith.constant 0 : i32
      %dma_start3A_893 = tpu.memref_slice %arg10[%dma_start3A_875, %dma_start3A_890, %dma_start3A_891, %dma_start3A_892] : memref<8x2x9x133xf32, #tpu.memory_space<vmem>> -> memref<1x2x8x128xf32, #tpu.memory_space<vmem>>
      %dma_start3A_894 = tpu.memref_squeeze %dma_start3A_893 : memref<1x2x8x128xf32, #tpu.memory_space<vmem>> -> memref<2x8x128xf32, #tpu.memory_space<vmem>>
      tpu.enqueue_dma source(%dma_start3A_894 : memref<2x8x128xf32, #tpu.memory_space<vmem>>) target(%dma_start3A_889 : memref<2x8x128xf32, #tpu.memory_space<hbm>>) target_semaphore(%arg14 : memref<!tpu.dma_semaphore, #tpu.memory_space<semaphore_mem>>)
      %dma_start3A_895 = arith.constant 2 : i32
      %dma_start3A_896 = arith.constant 2 : i32
      %dma_start3A_897 = arith.constant 0 : i32
      %dma_start3A_898 = arith.constant 0 : i32
      %dma_start3A_899 = arith.constant 0 : i32
      %dma_start3A_900 = tpu.memref_slice %arg10[%dma_start3A_895, %dma_start3A_897, %dma_start3A_898, %dma_start3A_899] : memref<8x2x9x133xf32, #tpu.memory_space<vmem>> -> memref<1x2x8x128xf32, #tpu.memory_space<vmem>>
      %dma_start3A_901 = tpu.memref_squeeze %dma_start3A_900 : memref<1x2x8x128xf32, #tpu.memory_space<vmem>> -> memref<2x8x128xf32, #tpu.memory_space<vmem>>
      %dma_start3A_902 = arith.constant 0 : i32
      %dma_start3A_903 = arith.constant 0 : i32
      %dma_start3A_904 = tpu.memref_slice %arg4[%select_n3A_833, %dma_start3A_896, %add3A_854, %dma_start3A_902, %dma_start3A_903] : memref<50x8x128x8x128xf32, #tpu.memory_space<hbm>> -> memref<1x1x2x8x128xf32, #tpu.memory_space<hbm>>
      %dma_start3A_905 = tpu.memref_squeeze %dma_start3A_904 : memref<1x1x2x8x128xf32, #tpu.memory_space<hbm>> -> memref<2x8x128xf32, #tpu.memory_space<hbm>>
      %dma_start3A_906 = arith.constant 0 : i32
      %dma_start3A_907 = arith.constant 0 : i32
      %dma_start3A_908 = tpu.memref_slice %arg4[%select_n3A_833, %dma_start3A_896, %add3A_854, %dma_start3A_906, %dma_start3A_907] : memref<50x8x128x8x128xf32, #tpu.memory_space<hbm>> -> memref<1x1x2x8x128xf32, #tpu.memory_space<hbm>>
      %dma_start3A_909 = tpu.memref_squeeze %dma_start3A_908 : memref<1x1x2x8x128xf32, #tpu.memory_space<hbm>> -> memref<2x8x128xf32, #tpu.memory_space<hbm>>
      %dma_start3A_910 = arith.constant 0 : i32
      %dma_start3A_911 = arith.constant 0 : i32
      %dma_start3A_912 = arith.constant 0 : i32
      %dma_start3A_913 = tpu.memref_slice %arg10[%dma_start3A_895, %dma_start3A_910, %dma_start3A_911, %dma_start3A_912] : memref<8x2x9x133xf32, #tpu.memory_space<vmem>> -> memref<1x2x8x128xf32, #tpu.memory_space<vmem>>
      %dma_start3A_914 = tpu.memref_squeeze %dma_start3A_913 : memref<1x2x8x128xf32, #tpu.memory_space<vmem>> -> memref<2x8x128xf32, #tpu.memory_space<vmem>>
      tpu.enqueue_dma source(%dma_start3A_914 : memref<2x8x128xf32, #tpu.memory_space<vmem>>) target(%dma_start3A_909 : memref<2x8x128xf32, #tpu.memory_space<hbm>>) target_semaphore(%arg14 : memref<!tpu.dma_semaphore, #tpu.memory_space<semaphore_mem>>)
      %dma_start3A_915 = arith.constant 3 : i32
      %dma_start3A_916 = arith.constant 3 : i32
      %dma_start3A_917 = arith.constant 0 : i32
      %dma_start3A_918 = arith.constant 0 : i32
      %dma_start3A_919 = arith.constant 0 : i32
      %dma_start3A_920 = tpu.memref_slice %arg10[%dma_start3A_915, %dma_start3A_917, %dma_start3A_918, %dma_start3A_919] : memref<8x2x9x133xf32, #tpu.memory_space<vmem>> -> memref<1x2x8x128xf32, #tpu.memory_space<vmem>>
      %dma_start3A_921 = tpu.memref_squeeze %dma_start3A_920 : memref<1x2x8x128xf32, #tpu.memory_space<vmem>> -> memref<2x8x128xf32, #tpu.memory_space<vmem>>
      %dma_start3A_922 = arith.constant 0 : i32
      %dma_start3A_923 = arith.constant 0 : i32
      %dma_start3A_924 = tpu.memref_slice %arg4[%select_n3A_833, %dma_start3A_916, %add3A_854, %dma_start3A_922, %dma_start3A_923] : memref<50x8x128x8x128xf32, #tpu.memory_space<hbm>> -> memref<1x1x2x8x128xf32, #tpu.memory_space<hbm>>
      %dma_start3A_925 = tpu.memref_squeeze %dma_start3A_924 : memref<1x1x2x8x128xf32, #tpu.memory_space<hbm>> -> memref<2x8x128xf32, #tpu.memory_space<hbm>>
      %dma_start3A_926 = arith.constant 0 : i32
      %dma_start3A_927 = arith.constant 0 : i32
      %dma_start3A_928 = tpu.memref_slice %arg4[%select_n3A_833, %dma_start3A_916, %add3A_854, %dma_start3A_926, %dma_start3A_927] : memref<50x8x128x8x128xf32, #tpu.memory_space<hbm>> -> memref<1x1x2x8x128xf32, #tpu.memory_space<hbm>>
      %dma_start3A_929 = tpu.memref_squeeze %dma_start3A_928 : memref<1x1x2x8x128xf32, #tpu.memory_space<hbm>> -> memref<2x8x128xf32, #tpu.memory_space<hbm>>
      %dma_start3A_930 = arith.constant 0 : i32
      %dma_start3A_931 = arith.constant 0 : i32
      %dma_start3A_932 = arith.constant 0 : i32
      %dma_start3A_933 = tpu.memref_slice %arg10[%dma_start3A_915, %dma_start3A_930, %dma_start3A_931, %dma_start3A_932] : memref<8x2x9x133xf32, #tpu.memory_space<vmem>> -> memref<1x2x8x128xf32, #tpu.memory_space<vmem>>
      %dma_start3A_934 = tpu.memref_squeeze %dma_start3A_933 : memref<1x2x8x128xf32, #tpu.memory_space<vmem>> -> memref<2x8x128xf32, #tpu.memory_space<vmem>>
      tpu.enqueue_dma source(%dma_start3A_934 : memref<2x8x128xf32, #tpu.memory_space<vmem>>) target(%dma_start3A_929 : memref<2x8x128xf32, #tpu.memory_space<hbm>>) target_semaphore(%arg14 : memref<!tpu.dma_semaphore, #tpu.memory_space<semaphore_mem>>)
      %dma_start3A_935 = arith.constant 4 : i32
      %dma_start3A_936 = arith.constant 4 : i32
      %dma_start3A_937 = arith.constant 0 : i32
      %dma_start3A_938 = arith.constant 0 : i32
      %dma_start3A_939 = arith.constant 0 : i32
      %dma_start3A_940 = tpu.memref_slice %arg10[%dma_start3A_935, %dma_start3A_937, %dma_start3A_938, %dma_start3A_939] : memref<8x2x9x133xf32, #tpu.memory_space<vmem>> -> memref<1x2x8x128xf32, #tpu.memory_space<vmem>>
      %dma_start3A_941 = tpu.memref_squeeze %dma_start3A_940 : memref<1x2x8x128xf32, #tpu.memory_space<vmem>> -> memref<2x8x128xf32, #tpu.memory_space<vmem>>
      %dma_start3A_942 = arith.constant 0 : i32
      %dma_start3A_943 = arith.constant 0 : i32
      %dma_start3A_944 = tpu.memref_slice %arg4[%select_n3A_833, %dma_start3A_936, %add3A_854, %dma_start3A_942, %dma_start3A_943] : memref<50x8x128x8x128xf32, #tpu.memory_space<hbm>> -> memref<1x1x2x8x128xf32, #tpu.memory_space<hbm>>
      %dma_start3A_945 = tpu.memref_squeeze %dma_start3A_944 : memref<1x1x2x8x128xf32, #tpu.memory_space<hbm>> -> memref<2x8x128xf32, #tpu.memory_space<hbm>>
      %dma_start3A_946 = arith.constant 0 : i32
      %dma_start3A_947 = arith.constant 0 : i32
      %dma_start3A_948 = tpu.memref_slice %arg4[%select_n3A_833, %dma_start3A_936, %add3A_854, %dma_start3A_946, %dma_start3A_947] : memref<50x8x128x8x128xf32, #tpu.memory_space<hbm>> -> memref<1x1x2x8x128xf32, #tpu.memory_space<hbm>>
      %dma_start3A_949 = tpu.memref_squeeze %dma_start3A_948 : memref<1x1x2x8x128xf32, #tpu.memory_space<hbm>> -> memref<2x8x128xf32, #tpu.memory_space<hbm>>
      %dma_start3A_950 = arith.constant 0 : i32
      %dma_start3A_951 = arith.constant 0 : i32
      %dma_start3A_952 = arith.constant 0 : i32
      %dma_start3A_953 = tpu.memref_slice %arg10[%dma_start3A_935, %dma_start3A_950, %dma_start3A_951, %dma_start3A_952] : memref<8x2x9x133xf32, #tpu.memory_space<vmem>> -> memref<1x2x8x128xf32, #tpu.memory_space<vmem>>
      %dma_start3A_954 = tpu.memref_squeeze %dma_start3A_953 : memref<1x2x8x128xf32, #tpu.memory_space<vmem>> -> memref<2x8x128xf32, #tpu.memory_space<vmem>>
      tpu.enqueue_dma source(%dma_start3A_954 : memref<2x8x128xf32, #tpu.memory_space<vmem>>) target(%dma_start3A_949 : memref<2x8x128xf32, #tpu.memory_space<hbm>>) target_semaphore(%arg14 : memref<!tpu.dma_semaphore, #tpu.memory_space<semaphore_mem>>)
      %dma_start3A_955 = arith.constant 5 : i32
      %dma_start3A_956 = arith.constant 5 : i32
      %dma_start3A_957 = arith.constant 0 : i32
      %dma_start3A_958 = arith.constant 0 : i32
      %dma_start3A_959 = arith.constant 0 : i32
      %dma_start3A_960 = tpu.memref_slice %arg10[%dma_start3A_955, %dma_start3A_957, %dma_start3A_958, %dma_start3A_959] : memref<8x2x9x133xf32, #tpu.memory_space<vmem>> -> memref<1x2x8x128xf32, #tpu.memory_space<vmem>>
      %dma_start3A_961 = tpu.memref_squeeze %dma_start3A_960 : memref<1x2x8x128xf32, #tpu.memory_space<vmem>> -> memref<2x8x128xf32, #tpu.memory_space<vmem>>
      %dma_start3A_962 = arith.constant 0 : i32
      %dma_start3A_963 = arith.constant 0 : i32
      %dma_start3A_964 = tpu.memref_slice %arg4[%select_n3A_833, %dma_start3A_956, %add3A_854, %dma_start3A_962, %dma_start3A_963] : memref<50x8x128x8x128xf32, #tpu.memory_space<hbm>> -> memref<1x1x2x8x128xf32, #tpu.memory_space<hbm>>
      %dma_start3A_965 = tpu.memref_squeeze %dma_start3A_964 : memref<1x1x2x8x128xf32, #tpu.memory_space<hbm>> -> memref<2x8x128xf32, #tpu.memory_space<hbm>>
      %dma_start3A_966 = arith.constant 0 : i32
      %dma_start3A_967 = arith.constant 0 : i32
      %dma_start3A_968 = tpu.memref_slice %arg4[%select_n3A_833, %dma_start3A_956, %add3A_854, %dma_start3A_966, %dma_start3A_967] : memref<50x8x128x8x128xf32, #tpu.memory_space<hbm>> -> memref<1x1x2x8x128xf32, #tpu.memory_space<hbm>>
      %dma_start3A_969 = tpu.memref_squeeze %dma_start3A_968 : memref<1x1x2x8x128xf32, #tpu.memory_space<hbm>> -> memref<2x8x128xf32, #tpu.memory_space<hbm>>
      %dma_start3A_970 = arith.constant 0 : i32
      %dma_start3A_971 = arith.constant 0 : i32
      %dma_start3A_972 = arith.constant 0 : i32
      %dma_start3A_973 = tpu.memref_slice %arg10[%dma_start3A_955, %dma_start3A_970, %dma_start3A_971, %dma_start3A_972] : memref<8x2x9x133xf32, #tpu.memory_space<vmem>> -> memref<1x2x8x128xf32, #tpu.memory_space<vmem>>
      %dma_start3A_974 = tpu.memref_squeeze %dma_start3A_973 : memref<1x2x8x128xf32, #tpu.memory_space<vmem>> -> memref<2x8x128xf32, #tpu.memory_space<vmem>>
      tpu.enqueue_dma source(%dma_start3A_974 : memref<2x8x128xf32, #tpu.memory_space<vmem>>) target(%dma_start3A_969 : memref<2x8x128xf32, #tpu.memory_space<hbm>>) target_semaphore(%arg14 : memref<!tpu.dma_semaphore, #tpu.memory_space<semaphore_mem>>)
      %dma_start3A_975 = arith.constant 6 : i32
      %dma_start3A_976 = arith.constant 6 : i32
      %dma_start3A_977 = arith.constant 0 : i32
      %dma_start3A_978 = arith.constant 0 : i32
      %dma_start3A_979 = arith.constant 0 : i32
      %dma_start3A_980 = tpu.memref_slice %arg10[%dma_start3A_975, %dma_start3A_977, %dma_start3A_978, %dma_start3A_979] : memref<8x2x9x133xf32, #tpu.memory_space<vmem>> -> memref<1x2x8x128xf32, #tpu.memory_space<vmem>>
      %dma_start3A_981 = tpu.memref_squeeze %dma_start3A_980 : memref<1x2x8x128xf32, #tpu.memory_space<vmem>> -> memref<2x8x128xf32, #tpu.memory_space<vmem>>
      %dma_start3A_982 = arith.constant 0 : i32
      %dma_start3A_983 = arith.constant 0 : i32
      %dma_start3A_984 = tpu.memref_slice %arg4[%select_n3A_833, %dma_start3A_976, %add3A_854, %dma_start3A_982, %dma_start3A_983] : memref<50x8x128x8x128xf32, #tpu.memory_space<hbm>> -> memref<1x1x2x8x128xf32, #tpu.memory_space<hbm>>
      %dma_start3A_985 = tpu.memref_squeeze %dma_start3A_984 : memref<1x1x2x8x128xf32, #tpu.memory_space<hbm>> -> memref<2x8x128xf32, #tpu.memory_space<hbm>>
      %dma_start3A_986 = arith.constant 0 : i32
      %dma_start3A_987 = arith.constant 0 : i32
      %dma_start3A_988 = tpu.memref_slice %arg4[%select_n3A_833, %dma_start3A_976, %add3A_854, %dma_start3A_986, %dma_start3A_987] : memref<50x8x128x8x128xf32, #tpu.memory_space<hbm>> -> memref<1x1x2x8x128xf32, #tpu.memory_space<hbm>>
      %dma_start3A_989 = tpu.memref_squeeze %dma_start3A_988 : memref<1x1x2x8x128xf32, #tpu.memory_space<hbm>> -> memref<2x8x128xf32, #tpu.memory_space<hbm>>
      %dma_start3A_990 = arith.constant 0 : i32
      %dma_start3A_991 = arith.constant 0 : i32
      %dma_start3A_992 = arith.constant 0 : i32
      %dma_start3A_993 = tpu.memref_slice %arg10[%dma_start3A_975, %dma_start3A_990, %dma_start3A_991, %dma_start3A_992] : memref<8x2x9x133xf32, #tpu.memory_space<vmem>> -> memref<1x2x8x128xf32, #tpu.memory_space<vmem>>
      %dma_start3A_994 = tpu.memref_squeeze %dma_start3A_993 : memref<1x2x8x128xf32, #tpu.memory_space<vmem>> -> memref<2x8x128xf32, #tpu.memory_space<vmem>>
      tpu.enqueue_dma source(%dma_start3A_994 : memref<2x8x128xf32, #tpu.memory_space<vmem>>) target(%dma_start3A_989 : memref<2x8x128xf32, #tpu.memory_space<hbm>>) target_semaphore(%arg14 : memref<!tpu.dma_semaphore, #tpu.memory_space<semaphore_mem>>)
      %dma_start3A_995 = arith.constant 7 : i32
      %dma_start3A_996 = arith.constant 7 : i32
      %dma_start3A_997 = arith.constant 0 : i32
      %dma_start3A_998 = arith.constant 0 : i32
      %dma_start3A_999 = arith.constant 0 : i32
      %dma_start3A_1000 = tpu.memref_slice %arg10[%dma_start3A_995, %dma_start3A_997, %dma_start3A_998, %dma_start3A_999] : memref<8x2x9x133xf32, #tpu.memory_space<vmem>> -> memref<1x2x8x128xf32, #tpu.memory_space<vmem>>
      %dma_start3A_1001 = tpu.memref_squeeze %dma_start3A_1000 : memref<1x2x8x128xf32, #tpu.memory_space<vmem>> -> memref<2x8x128xf32, #tpu.memory_space<vmem>>
      %dma_start3A_1002 = arith.constant 0 : i32
      %dma_start3A_1003 = arith.constant 0 : i32
      %dma_start3A_1004 = tpu.memref_slice %arg4[%select_n3A_833, %dma_start3A_996, %add3A_854, %dma_start3A_1002, %dma_start3A_1003] : memref<50x8x128x8x128xf32, #tpu.memory_space<hbm>> -> memref<1x1x2x8x128xf32, #tpu.memory_space<hbm>>
      %dma_start3A_1005 = tpu.memref_squeeze %dma_start3A_1004 : memref<1x1x2x8x128xf32, #tpu.memory_space<hbm>> -> memref<2x8x128xf32, #tpu.memory_space<hbm>>
      %dma_start3A_1006 = arith.constant 0 : i32
      %dma_start3A_1007 = arith.constant 0 : i32
      %dma_start3A_1008 = tpu.memref_slice %arg4[%select_n3A_833, %dma_start3A_996, %add3A_854, %dma_start3A_1006, %dma_start3A_1007] : memref<50x8x128x8x128xf32, #tpu.memory_space<hbm>> -> memref<1x1x2x8x128xf32, #tpu.memory_space<hbm>>
      %dma_start3A_1009 = tpu.memref_squeeze %dma_start3A_1008 : memref<1x1x2x8x128xf32, #tpu.memory_space<hbm>> -> memref<2x8x128xf32, #tpu.memory_space<hbm>>
      %dma_start3A_1010 = arith.constant 0 : i32
      %dma_start3A_1011 = arith.constant 0 : i32
      %dma_start3A_1012 = arith.constant 0 : i32
      %dma_start3A_1013 = tpu.memref_slice %arg10[%dma_start3A_995, %dma_start3A_1010, %dma_start3A_1011, %dma_start3A_1012] : memref<8x2x9x133xf32, #tpu.memory_space<vmem>> -> memref<1x2x8x128xf32, #tpu.memory_space<vmem>>
      %dma_start3A_1014 = tpu.memref_squeeze %dma_start3A_1013 : memref<1x2x8x128xf32, #tpu.memory_space<vmem>> -> memref<2x8x128xf32, #tpu.memory_space<vmem>>
      tpu.enqueue_dma source(%dma_start3A_1014 : memref<2x8x128xf32, #tpu.memory_space<vmem>>) target(%dma_start3A_1009 : memref<2x8x128xf32, #tpu.memory_space<hbm>>) target_semaphore(%arg14 : memref<!tpu.dma_semaphore, #tpu.memory_space<semaphore_mem>>)
    }
    %scan3A_189 = arith.constant 50 : i32
    %mul3A_190 = arith.constant 4 : i32
    %mul3A_191 = arith.muli %add3A, %mul3A_190 : i32
    %add3A_192 = arith.constant 0 : i32
    %add3A_193 = arith.addi %mul3A_191, %add3A_192 : i32
    %dma_wait3A = arith.constant 0 : i32
    %dma_wait3A_194 = arith.constant 49 : i32
    %dma_wait3A_195 = arith.constant 0 : i32
    %dma_wait3A_196 = arith.constant 0 : i32
    %dma_wait3A_197 = arith.constant 0 : i32
    %dma_wait3A_198 = arith.constant 0 : i32
    %dma_wait3A_199 = tpu.memref_slice %arg9[%dma_wait3A, %dma_wait3A_196, %dma_wait3A_197, %dma_wait3A_198] : memref<8x2x9x133xf32, #tpu.memory_space<vmem>> -> memref<1x2x8x128xf32, #tpu.memory_space<vmem>>
    %dma_wait3A_200 = tpu.memref_squeeze %dma_wait3A_199 : memref<1x2x8x128xf32, #tpu.memory_space<vmem>> -> memref<2x8x128xf32, #tpu.memory_space<vmem>>
    %dma_wait3A_201 = arith.constant 0 : i32
    %dma_wait3A_202 = arith.constant 0 : i32
    %dma_wait3A_203 = tpu.memref_slice %arg4[%dma_wait3A_194, %dma_wait3A_195, %add3A_193, %dma_wait3A_201, %dma_wait3A_202] : memref<50x8x128x8x128xf32, #tpu.memory_space<hbm>> -> memref<1x1x2x8x128xf32, #tpu.memory_space<hbm>>
    %dma_wait3A_204 = tpu.memref_squeeze %dma_wait3A_203 : memref<1x1x2x8x128xf32, #tpu.memory_space<hbm>> -> memref<2x8x128xf32, #tpu.memory_space<hbm>>
    %dma_wait3A_205 = arith.constant 0 : i32
    %dma_wait3A_206 = arith.constant 0 : i32
    %dma_wait3A_207 = tpu.memref_slice %arg4[%dma_wait3A_194, %dma_wait3A_195, %add3A_193, %dma_wait3A_205, %dma_wait3A_206] : memref<50x8x128x8x128xf32, #tpu.memory_space<hbm>> -> memref<1x1x2x8x128xf32, #tpu.memory_space<hbm>>
    %dma_wait3A_208 = tpu.memref_squeeze %dma_wait3A_207 : memref<1x1x2x8x128xf32, #tpu.memory_space<hbm>> -> memref<2x8x128xf32, #tpu.memory_space<hbm>>
    %dma_wait3A_209 = arith.constant 0 : i32
    %dma_wait3A_210 = arith.constant 0 : i32
    %dma_wait3A_211 = arith.constant 0 : i32
    %dma_wait3A_212 = tpu.memref_slice %arg9[%dma_wait3A, %dma_wait3A_209, %dma_wait3A_210, %dma_wait3A_211] : memref<8x2x9x133xf32, #tpu.memory_space<vmem>> -> memref<1x2x8x128xf32, #tpu.memory_space<vmem>>
    %dma_wait3A_213 = tpu.memref_squeeze %dma_wait3A_212 : memref<1x2x8x128xf32, #tpu.memory_space<vmem>> -> memref<2x8x128xf32, #tpu.memory_space<vmem>>
    tpu.wait_dma2 semaphore(%arg13 : memref<!tpu.dma_semaphore, #tpu.memory_space<semaphore_mem>>) src(%dma_wait3A_213 : memref<2x8x128xf32, #tpu.memory_space<vmem>>) dst(%dma_wait3A_208 : memref<2x8x128xf32, #tpu.memory_space<hbm>>)
    %dma_wait3A_214 = arith.constant 1 : i32
    %dma_wait3A_215 = arith.constant 49 : i32
    %dma_wait3A_216 = arith.constant 1 : i32
    %dma_wait3A_217 = arith.constant 0 : i32
    %dma_wait3A_218 = arith.constant 0 : i32
    %dma_wait3A_219 = arith.constant 0 : i32
    %dma_wait3A_220 = tpu.memref_slice %arg9[%dma_wait3A_214, %dma_wait3A_217, %dma_wait3A_218, %dma_wait3A_219] : memref<8x2x9x133xf32, #tpu.memory_space<vmem>> -> memref<1x2x8x128xf32, #tpu.memory_space<vmem>>
    %dma_wait3A_221 = tpu.memref_squeeze %dma_wait3A_220 : memref<1x2x8x128xf32, #tpu.memory_space<vmem>> -> memref<2x8x128xf32, #tpu.memory_space<vmem>>
    %dma_wait3A_222 = arith.constant 0 : i32
    %dma_wait3A_223 = arith.constant 0 : i32
    %dma_wait3A_224 = tpu.memref_slice %arg4[%dma_wait3A_215, %dma_wait3A_216, %add3A_193, %dma_wait3A_222, %dma_wait3A_223] : memref<50x8x128x8x128xf32, #tpu.memory_space<hbm>> -> memref<1x1x2x8x128xf32, #tpu.memory_space<hbm>>
    %dma_wait3A_225 = tpu.memref_squeeze %dma_wait3A_224 : memref<1x1x2x8x128xf32, #tpu.memory_space<hbm>> -> memref<2x8x128xf32, #tpu.memory_space<hbm>>
    %dma_wait3A_226 = arith.constant 0 : i32
    %dma_wait3A_227 = arith.constant 0 : i32
    %dma_wait3A_228 = tpu.memref_slice %arg4[%dma_wait3A_215, %dma_wait3A_216, %add3A_193, %dma_wait3A_226, %dma_wait3A_227] : memref<50x8x128x8x128xf32, #tpu.memory_space<hbm>> -> memref<1x1x2x8x128xf32, #tpu.memory_space<hbm>>
    %dma_wait3A_229 = tpu.memref_squeeze %dma_wait3A_228 : memref<1x1x2x8x128xf32, #tpu.memory_space<hbm>> -> memref<2x8x128xf32, #tpu.memory_space<hbm>>
    %dma_wait3A_230 = arith.constant 0 : i32
    %dma_wait3A_231 = arith.constant 0 : i32
    %dma_wait3A_232 = arith.constant 0 : i32
    %dma_wait3A_233 = tpu.memref_slice %arg9[%dma_wait3A_214, %dma_wait3A_230, %dma_wait3A_231, %dma_wait3A_232] : memref<8x2x9x133xf32, #tpu.memory_space<vmem>> -> memref<1x2x8x128xf32, #tpu.memory_space<vmem>>
    %dma_wait3A_234 = tpu.memref_squeeze %dma_wait3A_233 : memref<1x2x8x128xf32, #tpu.memory_space<vmem>> -> memref<2x8x128xf32, #tpu.memory_space<vmem>>
    tpu.wait_dma2 semaphore(%arg13 : memref<!tpu.dma_semaphore, #tpu.memory_space<semaphore_mem>>) src(%dma_wait3A_234 : memref<2x8x128xf32, #tpu.memory_space<vmem>>) dst(%dma_wait3A_229 : memref<2x8x128xf32, #tpu.memory_space<hbm>>)
    %dma_wait3A_235 = arith.constant 2 : i32
    %dma_wait3A_236 = arith.constant 49 : i32
    %dma_wait3A_237 = arith.constant 2 : i32
    %dma_wait3A_238 = arith.constant 0 : i32
    %dma_wait3A_239 = arith.constant 0 : i32
    %dma_wait3A_240 = arith.constant 0 : i32
    %dma_wait3A_241 = tpu.memref_slice %arg9[%dma_wait3A_235, %dma_wait3A_238, %dma_wait3A_239, %dma_wait3A_240] : memref<8x2x9x133xf32, #tpu.memory_space<vmem>> -> memref<1x2x8x128xf32, #tpu.memory_space<vmem>>
    %dma_wait3A_242 = tpu.memref_squeeze %dma_wait3A_241 : memref<1x2x8x128xf32, #tpu.memory_space<vmem>> -> memref<2x8x128xf32, #tpu.memory_space<vmem>>
    %dma_wait3A_243 = arith.constant 0 : i32
    %dma_wait3A_244 = arith.constant 0 : i32
    %dma_wait3A_245 = tpu.memref_slice %arg4[%dma_wait3A_236, %dma_wait3A_237, %add3A_193, %dma_wait3A_243, %dma_wait3A_244] : memref<50x8x128x8x128xf32, #tpu.memory_space<hbm>> -> memref<1x1x2x8x128xf32, #tpu.memory_space<hbm>>
    %dma_wait3A_246 = tpu.memref_squeeze %dma_wait3A_245 : memref<1x1x2x8x128xf32, #tpu.memory_space<hbm>> -> memref<2x8x128xf32, #tpu.memory_space<hbm>>
    %dma_wait3A_247 = arith.constant 0 : i32
    %dma_wait3A_248 = arith.constant 0 : i32
    %dma_wait3A_249 = tpu.memref_slice %arg4[%dma_wait3A_236, %dma_wait3A_237, %add3A_193, %dma_wait3A_247, %dma_wait3A_248] : memref<50x8x128x8x128xf32, #tpu.memory_space<hbm>> -> memref<1x1x2x8x128xf32, #tpu.memory_space<hbm>>
    %dma_wait3A_250 = tpu.memref_squeeze %dma_wait3A_249 : memref<1x1x2x8x128xf32, #tpu.memory_space<hbm>> -> memref<2x8x128xf32, #tpu.memory_space<hbm>>
    %dma_wait3A_251 = arith.constant 0 : i32
    %dma_wait3A_252 = arith.constant 0 : i32
    %dma_wait3A_253 = arith.constant 0 : i32
    %dma_wait3A_254 = tpu.memref_slice %arg9[%dma_wait3A_235, %dma_wait3A_251, %dma_wait3A_252, %dma_wait3A_253] : memref<8x2x9x133xf32, #tpu.memory_space<vmem>> -> memref<1x2x8x128xf32, #tpu.memory_space<vmem>>
    %dma_wait3A_255 = tpu.memref_squeeze %dma_wait3A_254 : memref<1x2x8x128xf32, #tpu.memory_space<vmem>> -> memref<2x8x128xf32, #tpu.memory_space<vmem>>
    tpu.wait_dma2 semaphore(%arg13 : memref<!tpu.dma_semaphore, #tpu.memory_space<semaphore_mem>>) src(%dma_wait3A_255 : memref<2x8x128xf32, #tpu.memory_space<vmem>>) dst(%dma_wait3A_250 : memref<2x8x128xf32, #tpu.memory_space<hbm>>)
    %dma_wait3A_256 = arith.constant 3 : i32
    %dma_wait3A_257 = arith.constant 49 : i32
    %dma_wait3A_258 = arith.constant 3 : i32
    %dma_wait3A_259 = arith.constant 0 : i32
    %dma_wait3A_260 = arith.constant 0 : i32
    %dma_wait3A_261 = arith.constant 0 : i32
    %dma_wait3A_262 = tpu.memref_slice %arg9[%dma_wait3A_256, %dma_wait3A_259, %dma_wait3A_260, %dma_wait3A_261] : memref<8x2x9x133xf32, #tpu.memory_space<vmem>> -> memref<1x2x8x128xf32, #tpu.memory_space<vmem>>
    %dma_wait3A_263 = tpu.memref_squeeze %dma_wait3A_262 : memref<1x2x8x128xf32, #tpu.memory_space<vmem>> -> memref<2x8x128xf32, #tpu.memory_space<vmem>>
    %dma_wait3A_264 = arith.constant 0 : i32
    %dma_wait3A_265 = arith.constant 0 : i32
    %dma_wait3A_266 = tpu.memref_slice %arg4[%dma_wait3A_257, %dma_wait3A_258, %add3A_193, %dma_wait3A_264, %dma_wait3A_265] : memref<50x8x128x8x128xf32, #tpu.memory_space<hbm>> -> memref<1x1x2x8x128xf32, #tpu.memory_space<hbm>>
    %dma_wait3A_267 = tpu.memref_squeeze %dma_wait3A_266 : memref<1x1x2x8x128xf32, #tpu.memory_space<hbm>> -> memref<2x8x128xf32, #tpu.memory_space<hbm>>
    %dma_wait3A_268 = arith.constant 0 : i32
    %dma_wait3A_269 = arith.constant 0 : i32
    %dma_wait3A_270 = tpu.memref_slice %arg4[%dma_wait3A_257, %dma_wait3A_258, %add3A_193, %dma_wait3A_268, %dma_wait3A_269] : memref<50x8x128x8x128xf32, #tpu.memory_space<hbm>> -> memref<1x1x2x8x128xf32, #tpu.memory_space<hbm>>
    %dma_wait3A_271 = tpu.memref_squeeze %dma_wait3A_270 : memref<1x1x2x8x128xf32, #tpu.memory_space<hbm>> -> memref<2x8x128xf32, #tpu.memory_space<hbm>>
    %dma_wait3A_272 = arith.constant 0 : i32
    %dma_wait3A_273 = arith.constant 0 : i32
    %dma_wait3A_274 = arith.constant 0 : i32
    %dma_wait3A_275 = tpu.memref_slice %arg9[%dma_wait3A_256, %dma_wait3A_272, %dma_wait3A_273, %dma_wait3A_274] : memref<8x2x9x133xf32, #tpu.memory_space<vmem>> -> memref<1x2x8x128xf32, #tpu.memory_space<vmem>>
    %dma_wait3A_276 = tpu.memref_squeeze %dma_wait3A_275 : memref<1x2x8x128xf32, #tpu.memory_space<vmem>> -> memref<2x8x128xf32, #tpu.memory_space<vmem>>
    tpu.wait_dma2 semaphore(%arg13 : memref<!tpu.dma_semaphore, #tpu.memory_space<semaphore_mem>>) src(%dma_wait3A_276 : memref<2x8x128xf32, #tpu.memory_space<vmem>>) dst(%dma_wait3A_271 : memref<2x8x128xf32, #tpu.memory_space<hbm>>)
    %dma_wait3A_277 = arith.constant 4 : i32
    %dma_wait3A_278 = arith.constant 49 : i32
    %dma_wait3A_279 = arith.constant 4 : i32
    %dma_wait3A_280 = arith.constant 0 : i32
    %dma_wait3A_281 = arith.constant 0 : i32
    %dma_wait3A_282 = arith.constant 0 : i32
    %dma_wait3A_283 = tpu.memref_slice %arg9[%dma_wait3A_277, %dma_wait3A_280, %dma_wait3A_281, %dma_wait3A_282] : memref<8x2x9x133xf32, #tpu.memory_space<vmem>> -> memref<1x2x8x128xf32, #tpu.memory_space<vmem>>
    %dma_wait3A_284 = tpu.memref_squeeze %dma_wait3A_283 : memref<1x2x8x128xf32, #tpu.memory_space<vmem>> -> memref<2x8x128xf32, #tpu.memory_space<vmem>>
    %dma_wait3A_285 = arith.constant 0 : i32
    %dma_wait3A_286 = arith.constant 0 : i32
    %dma_wait3A_287 = tpu.memref_slice %arg4[%dma_wait3A_278, %dma_wait3A_279, %add3A_193, %dma_wait3A_285, %dma_wait3A_286] : memref<50x8x128x8x128xf32, #tpu.memory_space<hbm>> -> memref<1x1x2x8x128xf32, #tpu.memory_space<hbm>>
    %dma_wait3A_288 = tpu.memref_squeeze %dma_wait3A_287 : memref<1x1x2x8x128xf32, #tpu.memory_space<hbm>> -> memref<2x8x128xf32, #tpu.memory_space<hbm>>
    %dma_wait3A_289 = arith.constant 0 : i32
    %dma_wait3A_290 = arith.constant 0 : i32
    %dma_wait3A_291 = tpu.memref_slice %arg4[%dma_wait3A_278, %dma_wait3A_279, %add3A_193, %dma_wait3A_289, %dma_wait3A_290] : memref<50x8x128x8x128xf32, #tpu.memory_space<hbm>> -> memref<1x1x2x8x128xf32, #tpu.memory_space<hbm>>
    %dma_wait3A_292 = tpu.memref_squeeze %dma_wait3A_291 : memref<1x1x2x8x128xf32, #tpu.memory_space<hbm>> -> memref<2x8x128xf32, #tpu.memory_space<hbm>>
    %dma_wait3A_293 = arith.constant 0 : i32
    %dma_wait3A_294 = arith.constant 0 : i32
    %dma_wait3A_295 = arith.constant 0 : i32
    %dma_wait3A_296 = tpu.memref_slice %arg9[%dma_wait3A_277, %dma_wait3A_293, %dma_wait3A_294, %dma_wait3A_295] : memref<8x2x9x133xf32, #tpu.memory_space<vmem>> -> memref<1x2x8x128xf32, #tpu.memory_space<vmem>>
    %dma_wait3A_297 = tpu.memref_squeeze %dma_wait3A_296 : memref<1x2x8x128xf32, #tpu.memory_space<vmem>> -> memref<2x8x128xf32, #tpu.memory_space<vmem>>
    tpu.wait_dma2 semaphore(%arg13 : memref<!tpu.dma_semaphore, #tpu.memory_space<semaphore_mem>>) src(%dma_wait3A_297 : memref<2x8x128xf32, #tpu.memory_space<vmem>>) dst(%dma_wait3A_292 : memref<2x8x128xf32, #tpu.memory_space<hbm>>)
    %dma_wait3A_298 = arith.constant 5 : i32
    %dma_wait3A_299 = arith.constant 49 : i32
    %dma_wait3A_300 = arith.constant 5 : i32
    %dma_wait3A_301 = arith.constant 0 : i32
    %dma_wait3A_302 = arith.constant 0 : i32
    %dma_wait3A_303 = arith.constant 0 : i32
    %dma_wait3A_304 = tpu.memref_slice %arg9[%dma_wait3A_298, %dma_wait3A_301, %dma_wait3A_302, %dma_wait3A_303] : memref<8x2x9x133xf32, #tpu.memory_space<vmem>> -> memref<1x2x8x128xf32, #tpu.memory_space<vmem>>
    %dma_wait3A_305 = tpu.memref_squeeze %dma_wait3A_304 : memref<1x2x8x128xf32, #tpu.memory_space<vmem>> -> memref<2x8x128xf32, #tpu.memory_space<vmem>>
    %dma_wait3A_306 = arith.constant 0 : i32
    %dma_wait3A_307 = arith.constant 0 : i32
    %dma_wait3A_308 = tpu.memref_slice %arg4[%dma_wait3A_299, %dma_wait3A_300, %add3A_193, %dma_wait3A_306, %dma_wait3A_307] : memref<50x8x128x8x128xf32, #tpu.memory_space<hbm>> -> memref<1x1x2x8x128xf32, #tpu.memory_space<hbm>>
    %dma_wait3A_309 = tpu.memref_squeeze %dma_wait3A_308 : memref<1x1x2x8x128xf32, #tpu.memory_space<hbm>> -> memref<2x8x128xf32, #tpu.memory_space<hbm>>
    %dma_wait3A_310 = arith.constant 0 : i32
    %dma_wait3A_311 = arith.constant 0 : i32
    %dma_wait3A_312 = tpu.memref_slice %arg4[%dma_wait3A_299, %dma_wait3A_300, %add3A_193, %dma_wait3A_310, %dma_wait3A_311] : memref<50x8x128x8x128xf32, #tpu.memory_space<hbm>> -> memref<1x1x2x8x128xf32, #tpu.memory_space<hbm>>
    %dma_wait3A_313 = tpu.memref_squeeze %dma_wait3A_312 : memref<1x1x2x8x128xf32, #tpu.memory_space<hbm>> -> memref<2x8x128xf32, #tpu.memory_space<hbm>>
    %dma_wait3A_314 = arith.constant 0 : i32
    %dma_wait3A_315 = arith.constant 0 : i32
    %dma_wait3A_316 = arith.constant 0 : i32
    %dma_wait3A_317 = tpu.memref_slice %arg9[%dma_wait3A_298, %dma_wait3A_314, %dma_wait3A_315, %dma_wait3A_316] : memref<8x2x9x133xf32, #tpu.memory_space<vmem>> -> memref<1x2x8x128xf32, #tpu.memory_space<vmem>>
    %dma_wait3A_318 = tpu.memref_squeeze %dma_wait3A_317 : memref<1x2x8x128xf32, #tpu.memory_space<vmem>> -> memref<2x8x128xf32, #tpu.memory_space<vmem>>
    tpu.wait_dma2 semaphore(%arg13 : memref<!tpu.dma_semaphore, #tpu.memory_space<semaphore_mem>>) src(%dma_wait3A_318 : memref<2x8x128xf32, #tpu.memory_space<vmem>>) dst(%dma_wait3A_313 : memref<2x8x128xf32, #tpu.memory_space<hbm>>)
    %dma_wait3A_319 = arith.constant 6 : i32
    %dma_wait3A_320 = arith.constant 49 : i32
    %dma_wait3A_321 = arith.constant 6 : i32
    %dma_wait3A_322 = arith.constant 0 : i32
    %dma_wait3A_323 = arith.constant 0 : i32
    %dma_wait3A_324 = arith.constant 0 : i32
    %dma_wait3A_325 = tpu.memref_slice %arg9[%dma_wait3A_319, %dma_wait3A_322, %dma_wait3A_323, %dma_wait3A_324] : memref<8x2x9x133xf32, #tpu.memory_space<vmem>> -> memref<1x2x8x128xf32, #tpu.memory_space<vmem>>
    %dma_wait3A_326 = tpu.memref_squeeze %dma_wait3A_325 : memref<1x2x8x128xf32, #tpu.memory_space<vmem>> -> memref<2x8x128xf32, #tpu.memory_space<vmem>>
    %dma_wait3A_327 = arith.constant 0 : i32
    %dma_wait3A_328 = arith.constant 0 : i32
    %dma_wait3A_329 = tpu.memref_slice %arg4[%dma_wait3A_320, %dma_wait3A_321, %add3A_193, %dma_wait3A_327, %dma_wait3A_328] : memref<50x8x128x8x128xf32, #tpu.memory_space<hbm>> -> memref<1x1x2x8x128xf32, #tpu.memory_space<hbm>>
    %dma_wait3A_330 = tpu.memref_squeeze %dma_wait3A_329 : memref<1x1x2x8x128xf32, #tpu.memory_space<hbm>> -> memref<2x8x128xf32, #tpu.memory_space<hbm>>
    %dma_wait3A_331 = arith.constant 0 : i32
    %dma_wait3A_332 = arith.constant 0 : i32
    %dma_wait3A_333 = tpu.memref_slice %arg4[%dma_wait3A_320, %dma_wait3A_321, %add3A_193, %dma_wait3A_331, %dma_wait3A_332] : memref<50x8x128x8x128xf32, #tpu.memory_space<hbm>> -> memref<1x1x2x8x128xf32, #tpu.memory_space<hbm>>
    %dma_wait3A_334 = tpu.memref_squeeze %dma_wait3A_333 : memref<1x1x2x8x128xf32, #tpu.memory_space<hbm>> -> memref<2x8x128xf32, #tpu.memory_space<hbm>>
    %dma_wait3A_335 = arith.constant 0 : i32
    %dma_wait3A_336 = arith.constant 0 : i32
    %dma_wait3A_337 = arith.constant 0 : i32
    %dma_wait3A_338 = tpu.memref_slice %arg9[%dma_wait3A_319, %dma_wait3A_335, %dma_wait3A_336, %dma_wait3A_337] : memref<8x2x9x133xf32, #tpu.memory_space<vmem>> -> memref<1x2x8x128xf32, #tpu.memory_space<vmem>>
    %dma_wait3A_339 = tpu.memref_squeeze %dma_wait3A_338 : memref<1x2x8x128xf32, #tpu.memory_space<vmem>> -> memref<2x8x128xf32, #tpu.memory_space<vmem>>
    tpu.wait_dma2 semaphore(%arg13 : memref<!tpu.dma_semaphore, #tpu.memory_space<semaphore_mem>>) src(%dma_wait3A_339 : memref<2x8x128xf32, #tpu.memory_space<vmem>>) dst(%dma_wait3A_334 : memref<2x8x128xf32, #tpu.memory_space<hbm>>)
    %dma_wait3A_340 = arith.constant 7 : i32
    %dma_wait3A_341 = arith.constant 49 : i32
    %dma_wait3A_342 = arith.constant 7 : i32
    %dma_wait3A_343 = arith.constant 0 : i32
    %dma_wait3A_344 = arith.constant 0 : i32
    %dma_wait3A_345 = arith.constant 0 : i32
    %dma_wait3A_346 = tpu.memref_slice %arg9[%dma_wait3A_340, %dma_wait3A_343, %dma_wait3A_344, %dma_wait3A_345] : memref<8x2x9x133xf32, #tpu.memory_space<vmem>> -> memref<1x2x8x128xf32, #tpu.memory_space<vmem>>
    %dma_wait3A_347 = tpu.memref_squeeze %dma_wait3A_346 : memref<1x2x8x128xf32, #tpu.memory_space<vmem>> -> memref<2x8x128xf32, #tpu.memory_space<vmem>>
    %dma_wait3A_348 = arith.constant 0 : i32
    %dma_wait3A_349 = arith.constant 0 : i32
    %dma_wait3A_350 = tpu.memref_slice %arg4[%dma_wait3A_341, %dma_wait3A_342, %add3A_193, %dma_wait3A_348, %dma_wait3A_349] : memref<50x8x128x8x128xf32, #tpu.memory_space<hbm>> -> memref<1x1x2x8x128xf32, #tpu.memory_space<hbm>>
    %dma_wait3A_351 = tpu.memref_squeeze %dma_wait3A_350 : memref<1x1x2x8x128xf32, #tpu.memory_space<hbm>> -> memref<2x8x128xf32, #tpu.memory_space<hbm>>
    %dma_wait3A_352 = arith.constant 0 : i32
    %dma_wait3A_353 = arith.constant 0 : i32
    %dma_wait3A_354 = tpu.memref_slice %arg4[%dma_wait3A_341, %dma_wait3A_342, %add3A_193, %dma_wait3A_352, %dma_wait3A_353] : memref<50x8x128x8x128xf32, #tpu.memory_space<hbm>> -> memref<1x1x2x8x128xf32, #tpu.memory_space<hbm>>
    %dma_wait3A_355 = tpu.memref_squeeze %dma_wait3A_354 : memref<1x1x2x8x128xf32, #tpu.memory_space<hbm>> -> memref<2x8x128xf32, #tpu.memory_space<hbm>>
    %dma_wait3A_356 = arith.constant 0 : i32
    %dma_wait3A_357 = arith.constant 0 : i32
    %dma_wait3A_358 = arith.constant 0 : i32
    %dma_wait3A_359 = tpu.memref_slice %arg9[%dma_wait3A_340, %dma_wait3A_356, %dma_wait3A_357, %dma_wait3A_358] : memref<8x2x9x133xf32, #tpu.memory_space<vmem>> -> memref<1x2x8x128xf32, #tpu.memory_space<vmem>>
    %dma_wait3A_360 = tpu.memref_squeeze %dma_wait3A_359 : memref<1x2x8x128xf32, #tpu.memory_space<vmem>> -> memref<2x8x128xf32, #tpu.memory_space<vmem>>
    tpu.wait_dma2 semaphore(%arg13 : memref<!tpu.dma_semaphore, #tpu.memory_space<semaphore_mem>>) src(%dma_wait3A_360 : memref<2x8x128xf32, #tpu.memory_space<vmem>>) dst(%dma_wait3A_355 : memref<2x8x128xf32, #tpu.memory_space<hbm>>)
    %mul3A_361 = arith.constant 4 : i32
    %mul3A_362 = arith.muli %add3A, %mul3A_361 : i32
    %add3A_363 = arith.constant 2 : i32
    %add3A_364 = arith.addi %mul3A_362, %add3A_363 : i32
    %dma_wait3A_365 = arith.constant 0 : i32
    %dma_wait3A_366 = arith.constant 49 : i32
    %dma_wait3A_367 = arith.constant 0 : i32
    %dma_wait3A_368 = arith.constant 0 : i32
    %dma_wait3A_369 = arith.constant 0 : i32
    %dma_wait3A_370 = arith.constant 0 : i32
    %dma_wait3A_371 = tpu.memref_slice %arg10[%dma_wait3A_365, %dma_wait3A_368, %dma_wait3A_369, %dma_wait3A_370] : memref<8x2x9x133xf32, #tpu.memory_space<vmem>> -> memref<1x2x8x128xf32, #tpu.memory_space<vmem>>
    %dma_wait3A_372 = tpu.memref_squeeze %dma_wait3A_371 : memref<1x2x8x128xf32, #tpu.memory_space<vmem>> -> memref<2x8x128xf32, #tpu.memory_space<vmem>>
    %dma_wait3A_373 = arith.constant 0 : i32
    %dma_wait3A_374 = arith.constant 0 : i32
    %dma_wait3A_375 = tpu.memref_slice %arg4[%dma_wait3A_366, %dma_wait3A_367, %add3A_364, %dma_wait3A_373, %dma_wait3A_374] : memref<50x8x128x8x128xf32, #tpu.memory_space<hbm>> -> memref<1x1x2x8x128xf32, #tpu.memory_space<hbm>>
    %dma_wait3A_376 = tpu.memref_squeeze %dma_wait3A_375 : memref<1x1x2x8x128xf32, #tpu.memory_space<hbm>> -> memref<2x8x128xf32, #tpu.memory_space<hbm>>
    %dma_wait3A_377 = arith.constant 0 : i32
    %dma_wait3A_378 = arith.constant 0 : i32
    %dma_wait3A_379 = tpu.memref_slice %arg4[%dma_wait3A_366, %dma_wait3A_367, %add3A_364, %dma_wait3A_377, %dma_wait3A_378] : memref<50x8x128x8x128xf32, #tpu.memory_space<hbm>> -> memref<1x1x2x8x128xf32, #tpu.memory_space<hbm>>
    %dma_wait3A_380 = tpu.memref_squeeze %dma_wait3A_379 : memref<1x1x2x8x128xf32, #tpu.memory_space<hbm>> -> memref<2x8x128xf32, #tpu.memory_space<hbm>>
    %dma_wait3A_381 = arith.constant 0 : i32
    %dma_wait3A_382 = arith.constant 0 : i32
    %dma_wait3A_383 = arith.constant 0 : i32
    %dma_wait3A_384 = tpu.memref_slice %arg10[%dma_wait3A_365, %dma_wait3A_381, %dma_wait3A_382, %dma_wait3A_383] : memref<8x2x9x133xf32, #tpu.memory_space<vmem>> -> memref<1x2x8x128xf32, #tpu.memory_space<vmem>>
    %dma_wait3A_385 = tpu.memref_squeeze %dma_wait3A_384 : memref<1x2x8x128xf32, #tpu.memory_space<vmem>> -> memref<2x8x128xf32, #tpu.memory_space<vmem>>
    tpu.wait_dma2 semaphore(%arg14 : memref<!tpu.dma_semaphore, #tpu.memory_space<semaphore_mem>>) src(%dma_wait3A_385 : memref<2x8x128xf32, #tpu.memory_space<vmem>>) dst(%dma_wait3A_380 : memref<2x8x128xf32, #tpu.memory_space<hbm>>)
    %dma_wait3A_386 = arith.constant 1 : i32
    %dma_wait3A_387 = arith.constant 49 : i32
    %dma_wait3A_388 = arith.constant 1 : i32
    %dma_wait3A_389 = arith.constant 0 : i32
    %dma_wait3A_390 = arith.constant 0 : i32
    %dma_wait3A_391 = arith.constant 0 : i32
    %dma_wait3A_392 = tpu.memref_slice %arg10[%dma_wait3A_386, %dma_wait3A_389, %dma_wait3A_390, %dma_wait3A_391] : memref<8x2x9x133xf32, #tpu.memory_space<vmem>> -> memref<1x2x8x128xf32, #tpu.memory_space<vmem>>
    %dma_wait3A_393 = tpu.memref_squeeze %dma_wait3A_392 : memref<1x2x8x128xf32, #tpu.memory_space<vmem>> -> memref<2x8x128xf32, #tpu.memory_space<vmem>>
    %dma_wait3A_394 = arith.constant 0 : i32
    %dma_wait3A_395 = arith.constant 0 : i32
    %dma_wait3A_396 = tpu.memref_slice %arg4[%dma_wait3A_387, %dma_wait3A_388, %add3A_364, %dma_wait3A_394, %dma_wait3A_395] : memref<50x8x128x8x128xf32, #tpu.memory_space<hbm>> -> memref<1x1x2x8x128xf32, #tpu.memory_space<hbm>>
    %dma_wait3A_397 = tpu.memref_squeeze %dma_wait3A_396 : memref<1x1x2x8x128xf32, #tpu.memory_space<hbm>> -> memref<2x8x128xf32, #tpu.memory_space<hbm>>
    %dma_wait3A_398 = arith.constant 0 : i32
    %dma_wait3A_399 = arith.constant 0 : i32
    %dma_wait3A_400 = tpu.memref_slice %arg4[%dma_wait3A_387, %dma_wait3A_388, %add3A_364, %dma_wait3A_398, %dma_wait3A_399] : memref<50x8x128x8x128xf32, #tpu.memory_space<hbm>> -> memref<1x1x2x8x128xf32, #tpu.memory_space<hbm>>
    %dma_wait3A_401 = tpu.memref_squeeze %dma_wait3A_400 : memref<1x1x2x8x128xf32, #tpu.memory_space<hbm>> -> memref<2x8x128xf32, #tpu.memory_space<hbm>>
    %dma_wait3A_402 = arith.constant 0 : i32
    %dma_wait3A_403 = arith.constant 0 : i32
    %dma_wait3A_404 = arith.constant 0 : i32
    %dma_wait3A_405 = tpu.memref_slice %arg10[%dma_wait3A_386, %dma_wait3A_402, %dma_wait3A_403, %dma_wait3A_404] : memref<8x2x9x133xf32, #tpu.memory_space<vmem>> -> memref<1x2x8x128xf32, #tpu.memory_space<vmem>>
    %dma_wait3A_406 = tpu.memref_squeeze %dma_wait3A_405 : memref<1x2x8x128xf32, #tpu.memory_space<vmem>> -> memref<2x8x128xf32, #tpu.memory_space<vmem>>
    tpu.wait_dma2 semaphore(%arg14 : memref<!tpu.dma_semaphore, #tpu.memory_space<semaphore_mem>>) src(%dma_wait3A_406 : memref<2x8x128xf32, #tpu.memory_space<vmem>>) dst(%dma_wait3A_401 : memref<2x8x128xf32, #tpu.memory_space<hbm>>)
    %dma_wait3A_407 = arith.constant 2 : i32
    %dma_wait3A_408 = arith.constant 49 : i32
    %dma_wait3A_409 = arith.constant 2 : i32
    %dma_wait3A_410 = arith.constant 0 : i32
    %dma_wait3A_411 = arith.constant 0 : i32
    %dma_wait3A_412 = arith.constant 0 : i32
    %dma_wait3A_413 = tpu.memref_slice %arg10[%dma_wait3A_407, %dma_wait3A_410, %dma_wait3A_411, %dma_wait3A_412] : memref<8x2x9x133xf32, #tpu.memory_space<vmem>> -> memref<1x2x8x128xf32, #tpu.memory_space<vmem>>
    %dma_wait3A_414 = tpu.memref_squeeze %dma_wait3A_413 : memref<1x2x8x128xf32, #tpu.memory_space<vmem>> -> memref<2x8x128xf32, #tpu.memory_space<vmem>>
    %dma_wait3A_415 = arith.constant 0 : i32
    %dma_wait3A_416 = arith.constant 0 : i32
    %dma_wait3A_417 = tpu.memref_slice %arg4[%dma_wait3A_408, %dma_wait3A_409, %add3A_364, %dma_wait3A_415, %dma_wait3A_416] : memref<50x8x128x8x128xf32, #tpu.memory_space<hbm>> -> memref<1x1x2x8x128xf32, #tpu.memory_space<hbm>>
    %dma_wait3A_418 = tpu.memref_squeeze %dma_wait3A_417 : memref<1x1x2x8x128xf32, #tpu.memory_space<hbm>> -> memref<2x8x128xf32, #tpu.memory_space<hbm>>
    %dma_wait3A_419 = arith.constant 0 : i32
    %dma_wait3A_420 = arith.constant 0 : i32
    %dma_wait3A_421 = tpu.memref_slice %arg4[%dma_wait3A_408, %dma_wait3A_409, %add3A_364, %dma_wait3A_419, %dma_wait3A_420] : memref<50x8x128x8x128xf32, #tpu.memory_space<hbm>> -> memref<1x1x2x8x128xf32, #tpu.memory_space<hbm>>
    %dma_wait3A_422 = tpu.memref_squeeze %dma_wait3A_421 : memref<1x1x2x8x128xf32, #tpu.memory_space<hbm>> -> memref<2x8x128xf32, #tpu.memory_space<hbm>>
    %dma_wait3A_423 = arith.constant 0 : i32
    %dma_wait3A_424 = arith.constant 0 : i32
    %dma_wait3A_425 = arith.constant 0 : i32
    %dma_wait3A_426 = tpu.memref_slice %arg10[%dma_wait3A_407, %dma_wait3A_423, %dma_wait3A_424, %dma_wait3A_425] : memref<8x2x9x133xf32, #tpu.memory_space<vmem>> -> memref<1x2x8x128xf32, #tpu.memory_space<vmem>>
    %dma_wait3A_427 = tpu.memref_squeeze %dma_wait3A_426 : memref<1x2x8x128xf32, #tpu.memory_space<vmem>> -> memref<2x8x128xf32, #tpu.memory_space<vmem>>
    tpu.wait_dma2 semaphore(%arg14 : memref<!tpu.dma_semaphore, #tpu.memory_space<semaphore_mem>>) src(%dma_wait3A_427 : memref<2x8x128xf32, #tpu.memory_space<vmem>>) dst(%dma_wait3A_422 : memref<2x8x128xf32, #tpu.memory_space<hbm>>)
    %dma_wait3A_428 = arith.constant 3 : i32
    %dma_wait3A_429 = arith.constant 49 : i32
    %dma_wait3A_430 = arith.constant 3 : i32
    %dma_wait3A_431 = arith.constant 0 : i32
    %dma_wait3A_432 = arith.constant 0 : i32
    %dma_wait3A_433 = arith.constant 0 : i32
    %dma_wait3A_434 = tpu.memref_slice %arg10[%dma_wait3A_428, %dma_wait3A_431, %dma_wait3A_432, %dma_wait3A_433] : memref<8x2x9x133xf32, #tpu.memory_space<vmem>> -> memref<1x2x8x128xf32, #tpu.memory_space<vmem>>
    %dma_wait3A_435 = tpu.memref_squeeze %dma_wait3A_434 : memref<1x2x8x128xf32, #tpu.memory_space<vmem>> -> memref<2x8x128xf32, #tpu.memory_space<vmem>>
    %dma_wait3A_436 = arith.constant 0 : i32
    %dma_wait3A_437 = arith.constant 0 : i32
    %dma_wait3A_438 = tpu.memref_slice %arg4[%dma_wait3A_429, %dma_wait3A_430, %add3A_364, %dma_wait3A_436, %dma_wait3A_437] : memref<50x8x128x8x128xf32, #tpu.memory_space<hbm>> -> memref<1x1x2x8x128xf32, #tpu.memory_space<hbm>>
    %dma_wait3A_439 = tpu.memref_squeeze %dma_wait3A_438 : memref<1x1x2x8x128xf32, #tpu.memory_space<hbm>> -> memref<2x8x128xf32, #tpu.memory_space<hbm>>
    %dma_wait3A_440 = arith.constant 0 : i32
    %dma_wait3A_441 = arith.constant 0 : i32
    %dma_wait3A_442 = tpu.memref_slice %arg4[%dma_wait3A_429, %dma_wait3A_430, %add3A_364, %dma_wait3A_440, %dma_wait3A_441] : memref<50x8x128x8x128xf32, #tpu.memory_space<hbm>> -> memref<1x1x2x8x128xf32, #tpu.memory_space<hbm>>
    %dma_wait3A_443 = tpu.memref_squeeze %dma_wait3A_442 : memref<1x1x2x8x128xf32, #tpu.memory_space<hbm>> -> memref<2x8x128xf32, #tpu.memory_space<hbm>>
    %dma_wait3A_444 = arith.constant 0 : i32
    %dma_wait3A_445 = arith.constant 0 : i32
    %dma_wait3A_446 = arith.constant 0 : i32
    %dma_wait3A_447 = tpu.memref_slice %arg10[%dma_wait3A_428, %dma_wait3A_444, %dma_wait3A_445, %dma_wait3A_446] : memref<8x2x9x133xf32, #tpu.memory_space<vmem>> -> memref<1x2x8x128xf32, #tpu.memory_space<vmem>>
    %dma_wait3A_448 = tpu.memref_squeeze %dma_wait3A_447 : memref<1x2x8x128xf32, #tpu.memory_space<vmem>> -> memref<2x8x128xf32, #tpu.memory_space<vmem>>
    tpu.wait_dma2 semaphore(%arg14 : memref<!tpu.dma_semaphore, #tpu.memory_space<semaphore_mem>>) src(%dma_wait3A_448 : memref<2x8x128xf32, #tpu.memory_space<vmem>>) dst(%dma_wait3A_443 : memref<2x8x128xf32, #tpu.memory_space<hbm>>)
    %dma_wait3A_449 = arith.constant 4 : i32
    %dma_wait3A_450 = arith.constant 49 : i32
    %dma_wait3A_451 = arith.constant 4 : i32
    %dma_wait3A_452 = arith.constant 0 : i32
    %dma_wait3A_453 = arith.constant 0 : i32
    %dma_wait3A_454 = arith.constant 0 : i32
    %dma_wait3A_455 = tpu.memref_slice %arg10[%dma_wait3A_449, %dma_wait3A_452, %dma_wait3A_453, %dma_wait3A_454] : memref<8x2x9x133xf32, #tpu.memory_space<vmem>> -> memref<1x2x8x128xf32, #tpu.memory_space<vmem>>
    %dma_wait3A_456 = tpu.memref_squeeze %dma_wait3A_455 : memref<1x2x8x128xf32, #tpu.memory_space<vmem>> -> memref<2x8x128xf32, #tpu.memory_space<vmem>>
    %dma_wait3A_457 = arith.constant 0 : i32
    %dma_wait3A_458 = arith.constant 0 : i32
    %dma_wait3A_459 = tpu.memref_slice %arg4[%dma_wait3A_450, %dma_wait3A_451, %add3A_364, %dma_wait3A_457, %dma_wait3A_458] : memref<50x8x128x8x128xf32, #tpu.memory_space<hbm>> -> memref<1x1x2x8x128xf32, #tpu.memory_space<hbm>>
    %dma_wait3A_460 = tpu.memref_squeeze %dma_wait3A_459 : memref<1x1x2x8x128xf32, #tpu.memory_space<hbm>> -> memref<2x8x128xf32, #tpu.memory_space<hbm>>
    %dma_wait3A_461 = arith.constant 0 : i32
    %dma_wait3A_462 = arith.constant 0 : i32
    %dma_wait3A_463 = tpu.memref_slice %arg4[%dma_wait3A_450, %dma_wait3A_451, %add3A_364, %dma_wait3A_461, %dma_wait3A_462] : memref<50x8x128x8x128xf32, #tpu.memory_space<hbm>> -> memref<1x1x2x8x128xf32, #tpu.memory_space<hbm>>
    %dma_wait3A_464 = tpu.memref_squeeze %dma_wait3A_463 : memref<1x1x2x8x128xf32, #tpu.memory_space<hbm>> -> memref<2x8x128xf32, #tpu.memory_space<hbm>>
    %dma_wait3A_465 = arith.constant 0 : i32
    %dma_wait3A_466 = arith.constant 0 : i32
    %dma_wait3A_467 = arith.constant 0 : i32
    %dma_wait3A_468 = tpu.memref_slice %arg10[%dma_wait3A_449, %dma_wait3A_465, %dma_wait3A_466, %dma_wait3A_467] : memref<8x2x9x133xf32, #tpu.memory_space<vmem>> -> memref<1x2x8x128xf32, #tpu.memory_space<vmem>>
    %dma_wait3A_469 = tpu.memref_squeeze %dma_wait3A_468 : memref<1x2x8x128xf32, #tpu.memory_space<vmem>> -> memref<2x8x128xf32, #tpu.memory_space<vmem>>
    tpu.wait_dma2 semaphore(%arg14 : memref<!tpu.dma_semaphore, #tpu.memory_space<semaphore_mem>>) src(%dma_wait3A_469 : memref<2x8x128xf32, #tpu.memory_space<vmem>>) dst(%dma_wait3A_464 : memref<2x8x128xf32, #tpu.memory_space<hbm>>)
    %dma_wait3A_470 = arith.constant 5 : i32
    %dma_wait3A_471 = arith.constant 49 : i32
    %dma_wait3A_472 = arith.constant 5 : i32
    %dma_wait3A_473 = arith.constant 0 : i32
    %dma_wait3A_474 = arith.constant 0 : i32
    %dma_wait3A_475 = arith.constant 0 : i32
    %dma_wait3A_476 = tpu.memref_slice %arg10[%dma_wait3A_470, %dma_wait3A_473, %dma_wait3A_474, %dma_wait3A_475] : memref<8x2x9x133xf32, #tpu.memory_space<vmem>> -> memref<1x2x8x128xf32, #tpu.memory_space<vmem>>
    %dma_wait3A_477 = tpu.memref_squeeze %dma_wait3A_476 : memref<1x2x8x128xf32, #tpu.memory_space<vmem>> -> memref<2x8x128xf32, #tpu.memory_space<vmem>>
    %dma_wait3A_478 = arith.constant 0 : i32
    %dma_wait3A_479 = arith.constant 0 : i32
    %dma_wait3A_480 = tpu.memref_slice %arg4[%dma_wait3A_471, %dma_wait3A_472, %add3A_364, %dma_wait3A_478, %dma_wait3A_479] : memref<50x8x128x8x128xf32, #tpu.memory_space<hbm>> -> memref<1x1x2x8x128xf32, #tpu.memory_space<hbm>>
    %dma_wait3A_481 = tpu.memref_squeeze %dma_wait3A_480 : memref<1x1x2x8x128xf32, #tpu.memory_space<hbm>> -> memref<2x8x128xf32, #tpu.memory_space<hbm>>
    %dma_wait3A_482 = arith.constant 0 : i32
    %dma_wait3A_483 = arith.constant 0 : i32
    %dma_wait3A_484 = tpu.memref_slice %arg4[%dma_wait3A_471, %dma_wait3A_472, %add3A_364, %dma_wait3A_482, %dma_wait3A_483] : memref<50x8x128x8x128xf32, #tpu.memory_space<hbm>> -> memref<1x1x2x8x128xf32, #tpu.memory_space<hbm>>
    %dma_wait3A_485 = tpu.memref_squeeze %dma_wait3A_484 : memref<1x1x2x8x128xf32, #tpu.memory_space<hbm>> -> memref<2x8x128xf32, #tpu.memory_space<hbm>>
    %dma_wait3A_486 = arith.constant 0 : i32
    %dma_wait3A_487 = arith.constant 0 : i32
    %dma_wait3A_488 = arith.constant 0 : i32
    %dma_wait3A_489 = tpu.memref_slice %arg10[%dma_wait3A_470, %dma_wait3A_486, %dma_wait3A_487, %dma_wait3A_488] : memref<8x2x9x133xf32, #tpu.memory_space<vmem>> -> memref<1x2x8x128xf32, #tpu.memory_space<vmem>>
    %dma_wait3A_490 = tpu.memref_squeeze %dma_wait3A_489 : memref<1x2x8x128xf32, #tpu.memory_space<vmem>> -> memref<2x8x128xf32, #tpu.memory_space<vmem>>
    tpu.wait_dma2 semaphore(%arg14 : memref<!tpu.dma_semaphore, #tpu.memory_space<semaphore_mem>>) src(%dma_wait3A_490 : memref<2x8x128xf32, #tpu.memory_space<vmem>>) dst(%dma_wait3A_485 : memref<2x8x128xf32, #tpu.memory_space<hbm>>)
    %dma_wait3A_491 = arith.constant 6 : i32
    %dma_wait3A_492 = arith.constant 49 : i32
    %dma_wait3A_493 = arith.constant 6 : i32
    %dma_wait3A_494 = arith.constant 0 : i32
    %dma_wait3A_495 = arith.constant 0 : i32
    %dma_wait3A_496 = arith.constant 0 : i32
    %dma_wait3A_497 = tpu.memref_slice %arg10[%dma_wait3A_491, %dma_wait3A_494, %dma_wait3A_495, %dma_wait3A_496] : memref<8x2x9x133xf32, #tpu.memory_space<vmem>> -> memref<1x2x8x128xf32, #tpu.memory_space<vmem>>
    %dma_wait3A_498 = tpu.memref_squeeze %dma_wait3A_497 : memref<1x2x8x128xf32, #tpu.memory_space<vmem>> -> memref<2x8x128xf32, #tpu.memory_space<vmem>>
    %dma_wait3A_499 = arith.constant 0 : i32
    %dma_wait3A_500 = arith.constant 0 : i32
    %dma_wait3A_501 = tpu.memref_slice %arg4[%dma_wait3A_492, %dma_wait3A_493, %add3A_364, %dma_wait3A_499, %dma_wait3A_500] : memref<50x8x128x8x128xf32, #tpu.memory_space<hbm>> -> memref<1x1x2x8x128xf32, #tpu.memory_space<hbm>>
    %dma_wait3A_502 = tpu.memref_squeeze %dma_wait3A_501 : memref<1x1x2x8x128xf32, #tpu.memory_space<hbm>> -> memref<2x8x128xf32, #tpu.memory_space<hbm>>
    %dma_wait3A_503 = arith.constant 0 : i32
    %dma_wait3A_504 = arith.constant 0 : i32
    %dma_wait3A_505 = tpu.memref_slice %arg4[%dma_wait3A_492, %dma_wait3A_493, %add3A_364, %dma_wait3A_503, %dma_wait3A_504] : memref<50x8x128x8x128xf32, #tpu.memory_space<hbm>> -> memref<1x1x2x8x128xf32, #tpu.memory_space<hbm>>
    %dma_wait3A_506 = tpu.memref_squeeze %dma_wait3A_505 : memref<1x1x2x8x128xf32, #tpu.memory_space<hbm>> -> memref<2x8x128xf32, #tpu.memory_space<hbm>>
    %dma_wait3A_507 = arith.constant 0 : i32
    %dma_wait3A_508 = arith.constant 0 : i32
    %dma_wait3A_509 = arith.constant 0 : i32
    %dma_wait3A_510 = tpu.memref_slice %arg10[%dma_wait3A_491, %dma_wait3A_507, %dma_wait3A_508, %dma_wait3A_509] : memref<8x2x9x133xf32, #tpu.memory_space<vmem>> -> memref<1x2x8x128xf32, #tpu.memory_space<vmem>>
    %dma_wait3A_511 = tpu.memref_squeeze %dma_wait3A_510 : memref<1x2x8x128xf32, #tpu.memory_space<vmem>> -> memref<2x8x128xf32, #tpu.memory_space<vmem>>
    tpu.wait_dma2 semaphore(%arg14 : memref<!tpu.dma_semaphore, #tpu.memory_space<semaphore_mem>>) src(%dma_wait3A_511 : memref<2x8x128xf32, #tpu.memory_space<vmem>>) dst(%dma_wait3A_506 : memref<2x8x128xf32, #tpu.memory_space<hbm>>)
    %dma_wait3A_512 = arith.constant 7 : i32
    %dma_wait3A_513 = arith.constant 49 : i32
    %dma_wait3A_514 = arith.constant 7 : i32
    %dma_wait3A_515 = arith.constant 0 : i32
    %dma_wait3A_516 = arith.constant 0 : i32
    %dma_wait3A_517 = arith.constant 0 : i32
    %dma_wait3A_518 = tpu.memref_slice %arg10[%dma_wait3A_512, %dma_wait3A_515, %dma_wait3A_516, %dma_wait3A_517] : memref<8x2x9x133xf32, #tpu.memory_space<vmem>> -> memref<1x2x8x128xf32, #tpu.memory_space<vmem>>
    %dma_wait3A_519 = tpu.memref_squeeze %dma_wait3A_518 : memref<1x2x8x128xf32, #tpu.memory_space<vmem>> -> memref<2x8x128xf32, #tpu.memory_space<vmem>>
    %dma_wait3A_520 = arith.constant 0 : i32
    %dma_wait3A_521 = arith.constant 0 : i32
    %dma_wait3A_522 = tpu.memref_slice %arg4[%dma_wait3A_513, %dma_wait3A_514, %add3A_364, %dma_wait3A_520, %dma_wait3A_521] : memref<50x8x128x8x128xf32, #tpu.memory_space<hbm>> -> memref<1x1x2x8x128xf32, #tpu.memory_space<hbm>>
    %dma_wait3A_523 = tpu.memref_squeeze %dma_wait3A_522 : memref<1x1x2x8x128xf32, #tpu.memory_space<hbm>> -> memref<2x8x128xf32, #tpu.memory_space<hbm>>
    %dma_wait3A_524 = arith.constant 0 : i32
    %dma_wait3A_525 = arith.constant 0 : i32
    %dma_wait3A_526 = tpu.memref_slice %arg4[%dma_wait3A_513, %dma_wait3A_514, %add3A_364, %dma_wait3A_524, %dma_wait3A_525] : memref<50x8x128x8x128xf32, #tpu.memory_space<hbm>> -> memref<1x1x2x8x128xf32, #tpu.memory_space<hbm>>
    %dma_wait3A_527 = tpu.memref_squeeze %dma_wait3A_526 : memref<1x1x2x8x128xf32, #tpu.memory_space<hbm>> -> memref<2x8x128xf32, #tpu.memory_space<hbm>>
    %dma_wait3A_528 = arith.constant 0 : i32
    %dma_wait3A_529 = arith.constant 0 : i32
    %dma_wait3A_530 = arith.constant 0 : i32
    %dma_wait3A_531 = tpu.memref_slice %arg10[%dma_wait3A_512, %dma_wait3A_528, %dma_wait3A_529, %dma_wait3A_530] : memref<8x2x9x133xf32, #tpu.memory_space<vmem>> -> memref<1x2x8x128xf32, #tpu.memory_space<vmem>>
    %dma_wait3A_532 = tpu.memref_squeeze %dma_wait3A_531 : memref<1x2x8x128xf32, #tpu.memory_space<vmem>> -> memref<2x8x128xf32, #tpu.memory_space<vmem>>
    tpu.wait_dma2 semaphore(%arg14 : memref<!tpu.dma_semaphore, #tpu.memory_space<semaphore_mem>>) src(%dma_wait3A_532 : memref<2x8x128xf32, #tpu.memory_space<vmem>>) dst(%dma_wait3A_527 : memref<2x8x128xf32, #tpu.memory_space<hbm>>)
    return
  }
}

module attributes {stable_mosaic.version = 14 : i64} {
  func.func @body(%arg0: i32, %arg1: memref<4000x64xf32, #tpu.memory_space<vmem>>, %arg2: memref<64x64xf32, #tpu.memory_space<vmem>>, %arg3: memref<1x64xf32, #tpu.memory_space<vmem>>, %arg4: memref<4000x64xf32, #tpu.memory_space<vmem>>) attributes {dimension_semantics = [#tpu.dimension_semantics<arbitrary>], iteration_bounds = array<i64: 25>, scalar_prefetch = 0 : i64, scratch_operands = 0 : i64, tpu.core_type = #tpu.core_type<tc>, window_params = [{transform_indices = @transform_0, window_bounds = array<i64: 4000, 64>}, {pipeline_mode = #tpu.pipeline_mode<synchronous>, transform_indices = @transform_1, window_bounds = array<i64: 64, 64>}, {pipeline_mode = #tpu.pipeline_mode<synchronous>, transform_indices = @transform_2, window_bounds = array<i64: 1, 64>}, {transform_indices = @transform_3, window_bounds = array<i64: 4000, 64>}]} {
    %get3A = arith.constant 0 : index
    %get3A_0 = arith.constant 0 : index
    %get3A_1 = vector.load %arg1[%get3A, %get3A_0] : memref<4000x64xf32, #tpu.memory_space<vmem>>, vector<4000x64xf32>
    %iota3A = tpu.iota {dimensions = array<i32: 0>} : vector<4000x64xi32>
    %eq3A = arith.constant 0 : i32
    %eq3A_2 = vector.broadcast %eq3A : i32 to vector<4000x64xi32>
    %eq3A_3 = arith.cmpi eq, %iota3A, %eq3A_2 : vector<4000x64xi32>
    %eq3A_4 = arith.constant 0 : i32
    %eq3A_5 = arith.cmpi eq, %arg0, %eq3A_4 : i32
    %and3A = vector.broadcast %eq3A_5 : i1 to vector<4000x64xi1>
    %and3A_6 = arith.andi %eq3A_3, %and3A : vector<4000x64xi1>
    %jit3A = arith.constant 0.000000e+00 : f32
    %broadcast_in_dim3A = vector.broadcast %jit3A : f32 to vector<4000x64xf32>
    %select_n3A = arith.select %and3A_6, %broadcast_in_dim3A, %get3A_1 : vector<4000x64xi1>, vector<4000x64xf32>
    %get3A_7 = arith.constant 0 : index
    %get3A_8 = arith.constant 0 : index
    %get3A_9 = vector.load %arg2[%get3A_7, %get3A_8] : memref<64x64xf32, #tpu.memory_space<vmem>>, vector<64x64xf32>
    %dot_general3A = arith.constant dense<0.000000e+00> : vector<4000x64xf32>
    %dot_general3A_10 = tpu.matmul %select_n3A, %get3A_9, %dot_general3A {dimension_numbers = #tpu.dot_dimension_numbers<[1], [1], [0], [0], [0, 0, 1, 0], [], []>, transpose_lhs_hint = false} : vector<4000x64xf32>, vector<64x64xf32>, vector<4000x64xf32> -> vector<4000x64xf32>
    %get3A_11 = arith.constant 0 : index
    %get3A_12 = arith.constant 0 : index
    %get3A_13 = vector.load %arg3[%get3A_11, %get3A_12] : memref<1x64xf32, #tpu.memory_space<vmem>>, vector<1x64xf32>
    %add3A = vector.broadcast %get3A_13 : vector<1x64xf32> to vector<4000x64xf32>
    %add3A_14 = arith.addf %dot_general3A_10, %add3A : vector<4000x64xf32>
    %max3A = arith.constant 0.000000e+00 : f32
    %max3A_15 = vector.broadcast %max3A : f32 to vector<4000x64xf32>
    %max3A_16 = arith.maximumf %add3A_14, %max3A_15 : vector<4000x64xf32>
    %swap3A = arith.constant 0 : index
    %swap3A_17 = arith.constant 0 : index
    %swap3A_18 = vector.load %arg4[%swap3A, %swap3A_17] : memref<4000x64xf32, #tpu.memory_space<vmem>>, vector<4000x64xf32>
    tpu.vector_store %arg4[%swap3A, %swap3A_17], %max3A_16 {strides = array<i32>} : memref<4000x64xf32, #tpu.memory_space<vmem>>, vector<4000x64xf32>,
    return
  }
  func.func @transform_0(%arg0: i32) -> (i32, i32) {
    %c0_i32 = arith.constant 0 : i32
    %c0_i32_0 = arith.constant 0 : i32
    return %arg0, %c0_i32 : i32, i32
  }
  func.func @transform_1(%arg0: i32) -> (i32, i32) {
    %c0_i32 = arith.constant 0 : i32
    %c0_i32_0 = arith.constant 0 : i32
    %c0_i32_1 = arith.constant 0 : i32
    return %c0_i32, %c0_i32_0 : i32, i32
  }
  func.func @transform_2(%arg0: i32) -> (i32, i32) {
    %c0_i32 = arith.constant 0 : i32
    %c0_i32_0 = arith.constant 0 : i32
    %c0_i32_1 = arith.constant 0 : i32
    return %c0_i32, %c0_i32_0 : i32, i32
  }
  func.func @transform_3(%arg0: i32) -> (i32, i32) {
    %c0_i32 = arith.constant 0 : i32
    %c0_i32_0 = arith.constant 0 : i32
    return %arg0, %c0_i32 : i32, i32
  }
}

</mosaic_0001>

<sc_bundles>
// kernel: kernel.4.cloned.1.call-start
scs
__scs_entry_jumppad:
0x0: {  	(pc) =	sbr.rel $0x88, $3  }
0x1: {  	(tag) =	ssettag $0x0;
	lr =	simm.s32 $0x1  }
0x2: {  	[smem:$0x3F9D] =	sst lr;
	_ =	strace $0xD0000000  }
0x3: {  	_ = 	snop  }
0x4: {  	_ = 	snop  }
0x5: {  	_ = 	snop  }
0x6: {  	_ = 	snop  }
0x7: {  	_ = 	snop  }
__scs_overlays_trampoline_lowered:
0x8: {  	[smem:$0x3FAC] =	sst s0  }
0x9: {  	[smem:$0x3FAD] =	sst s1  }
0xa: {  	[smem:$0x3FAE] =	sst s2  }
0xb: {  	[smem:$0x3FAF] =	sst s3  }
0xc: {  	[smem:$0x3FB0] =	sst s4  }
0xd: {  	[smem:$0x3FB1] =	sst s5  }
0xe: {  	[smem:$0x3FB2] =	sst s6  }
0xf: {  	[smem:$0x3FB3] =	sst s7  }
0x10: {  	[smem:$0x3FB4] =	sst s8  }
0x11: {  	[smem:$0x3FB5] =	sst s9;
	s0 =	simm.s32 @!p0 $0x0  }
0x12: {  	s1 =	sld [smem:$0x3F9B];
	s0 =	simm.s32 @p0 $0x1  }
0x13: {  	[smem:$0x3FB6] =	sst s0;
	s0 =	simm.s32 @!p1 $0x0  }
0x14: {  	s2 =	sld [smem:$0x3F9A];
	s0 =	simm.s32 @p1 $0x1  }
0x15: {  	[smem:$0x3FB7] =	sst s0;
	s0 =	simm.s32 @!p2 $0x0  }
0x16: {  	s3 =	sld [smem:$0x3FDB];
	s0 =	simm.s32 @p2 $0x1  }
0x17: {  	s4 =	simm.s32 $0x1BF5;
	[smem:$0x3FB9] =	sst s0  }
0x18: {  	s0 =	sld [smem:$0x3F9C];
	_ =	swait.ge [sflag:s4], $0x0  }
0x19: {  	s7 =	sld [smem:$0x3F9D]  }
0x1a: {  	s8 =	sadd.s32 $0xFFFFE003, lr  }
0x1b: {  	s9 =	sadd.s32 $0xFFFFFEF7, lr;
	s5 =	simm.s32 $0xFFFFFFFF;
	p2 =	slt.u32 s8, $0xFFFFF086  }
0x1c: {  	p1 =	slt.u32 s9, $0xF7A;
	s5 =	simm.s32 @!p2 $0x0  }
0x1d: {  	s5 =	simm.s32 @p1 $0x1;
	p0 =	seq.s32 s7, s2  }
0x1e: {  	s7 =	smul.u32 @!p0 $0xF7A, s2;
	p2 =	seq.s32 @!p0 s5, $0x0  }
0x1f: {  	s9 =	smul.u32 $0xF7A, s1;
	s8 =	simm.s32 @!p0 $0x1BF5;
	p2 =	por !p2, p0  }
0x20: {  	[sflag:s8] =	ssyncset.s32 @!p0 $0xFFFFF086;
	s6 =	sadd.s32 @!p0 s3, s7;
	s7 =	simm.s32 @!p0 $0x108  }
0x21: {  	s3 =	sadd.s32 s3, s9;
	s6 =	sadd.s32 @!p0 $0x88, s6;
	s7 =	simm.s32 @p2 $0x1082  }
0x22: {  	[simem:s7], [sflag:s8] =	dma.local @!p0 [hbm:s6], $0xF7A  }
0x23: {  	s9 =	sor.u32 $0xD0000000, s2;
	s6 =	simm.s32 $0x108;
	_ =	swait.ge @!p0 [sflag:s8], $0x0  }
0x24: {  	s3 =	sadd.s32 $0x88, s3;
	s6 =	simm.s32 @!p1 $0x1082;
	[sflag:s4] =	ssyncset.s32 $0xFFFFF086  }
0x25: {  	[simem:s6], [sflag:s4] =	dma.local [hbm:s3], $0xF7A  }
0x26: {  	[smem:$0x3F9D] =	sst s1;
	(tag) =	ssettag s2;
	_ =	strace s9  }
0x27: {  	s1 =	sld [smem:$0x3FAD]  }
0x28: {  	s2 =	sld [smem:$0x3FAE]  }
0x29: {  	s4 =	sld [smem:$0x3FB0]  }
0x2a: {  	p0 =	seq.s32 s5, $0x0;
	s5 =	sld [smem:$0x3FB1]  }
0x2b: {  	s6 =	sld [smem:$0x3FB2]  }
0x2c: {  	s7 =	sld [smem:$0x3FB3]  }
0x2d: {  	s3 =	simm.s32 $0x108;
	s8 =	sld [smem:$0x3FB4]  }
0x2e: {  	s3 =	simm.s32 @!p0 $0x1082;
	s9 =	sld [smem:$0x3FB5]  }
0x2f: {  	lr =	sadd.s32 s0, s3;
	s0 =	sld [smem:$0x3FAC]  }
0x30: {  	s3 =	sld [smem:$0x3FAF]  }
0x31: {  	[smem:$0x3FB8] =	sst s10  }
0x32: {  	s10 =	sld [smem:$0x3FB6];
	_ =	sdelay $0x3  }
0x33: {  	p0 =	seq.s32 s10, $0x1;
	s10 =	sld [smem:$0x3FB8];
	_ =	sdelay $0x3  }
0x34: {  	[smem:$0x3FB8] =	sst s10  }
0x35: {  	s10 =	sld [smem:$0x3FB7];
	_ =	sdelay $0x3  }
0x36: {  	p1 =	seq.s32 s10, $0x1;
	s10 =	sld [smem:$0x3FB8];
	_ =	sdelay $0x3  }
0x37: {  	[smem:$0x3FB8] =	sst s10  }
0x38: {  	s10 =	sld [smem:$0x3FB9]  }
0x39: {  	_ = 	snop;
	(pc) =	sbr.ind lr, $3  }
0x3a: {  	_ = 	snop  }
0x3b: {  	_ = 	snop  }
0x3c: {  	p2 =	seq.s32 s10, $0x1;
	s10 =	sld [smem:$0x3FB8]  }
0x3d: {  	_ =	shalt  }
0x3e: {  	_ =	shalt  }
0x3f: {  	_ =	shalt  }
0x40: {  	_ =	shalt  }
0x41: {  	_ =	shalt  }
0x42: {  	_ =	shalt  }
0x43: {  	_ =	shalt  }
0x44: {  	_ =	shalt  }
0x45: {  	_ =	shalt  }
0x46: {  	_ =	shalt  }
0x47: {  	_ =	shalt  }
0x48: {  	_ =	shalt  }
0x49: {  	_ =	shalt  }
0x4a: {  	_ =	shalt  }
0x4b: {  	_ =	shalt  }
0x4c: {  	_ =	shalt  }
0x4d: {  	_ =	shalt  }
0x4e: {  	_ =	shalt  }
0x4f: {  	_ =	shalt  }
0x50: {  	_ =	shalt  }
0x51: {  	_ =	shalt  }
0x52: {  	_ =	shalt  }
0x53: {  	_ =	shalt  }
0x54: {  	_ =	shalt  }
0x55: {  	_ =	shalt  }
0x56: {  	_ =	shalt  }
0x57: {  	_ =	shalt  }
0x58: {  	_ =	shalt  }
0x59: {  	_ =	shalt  }
0x5a: {  	_ =	shalt  }
0x5b: {  	_ =	shalt  }
0x5c: {  	_ =	shalt  }
0x5d: {  	_ =	shalt  }
0x5e: {  	_ =	shalt  }
0x5f: {  	_ =	shalt  }
0x60: {  	_ =	shalt  }
0x61: {  	_ =	shalt  }
0x62: {  	_ =	shalt  }
0x63: {  	_ =	shalt  }
0x64: {  	_ =	shalt  }
0x65: {  	_ =	shalt  }
0x66: {  	_ =	shalt  }
0x67: {  	_ =	shalt  }
0x68: {  	_ =	shalt  }
0x69: {  	_ =	shalt  }
0x6a: {  	_ =	shalt  }
0x6b: {  	_ =	shalt  }
0x6c: {  	_ =	shalt  }
0x6d: {  	_ =	shalt  }
0x6e: {  	_ =	shalt  }
0x6f: {  	_ =	shalt  }
0x70: {  	_ =	shalt  }
0x71: {  	_ =	shalt  }
0x72: {  	_ =	shalt  }
0x73: {  	_ =	shalt  }
0x74: {  	_ =	shalt  }
0x75: {  	_ =	shalt  }
0x76: {  	_ =	shalt  }
0x77: {  	_ =	shalt  }
0x78: {  	_ =	shalt  }
0x79: {  	_ =	shalt  }
0x7a: {  	_ =	shalt  }
0x7b: {  	_ =	shalt  }
0x7c: {  	_ =	shalt  }
0x7d: {  	_ =	shalt  }
0x7e: {  	_ =	shalt  }
0x7f: {  	_ =	shalt  }
0x80: {  	_ =	shalt  }
0x81: {  	_ =	shalt  }
0x82: {  	_ =	shalt  }
0x83: {  	_ =	shalt  }
0x84: {  	_ =	shalt  }
0x85: {  	_ =	shalt  }
0x86: {  	_ =	shalt  }
0x87: {  	_ =	shalt  }
.Lfunc_end0:
.L_simem_size_0:
called_computation_lowered:
.L_overlay_start_0:
0x88: {  	s2 =	sld [smem:$0x3FD9]  }
0x89: {  	s3 =	sld [smem:$0x3FFE];
	_ =	sdelay $0x1  }
0x8a: {  	s1 =	srdreg.scid  }
0x8b: {  	s0 =	sand.u32 $0x1, s1  }
0x8c: {  	s17 =	sshll.u32 s0, $0xA;
	s2 =	sadd.s32 s3, s2  }
0x8d: {  	s2 =	sadd.s32 s2, s17  }
0x8e: {  	[smem:$0x3FC4] =	sst s2  }
0x8f: {  	_ = 	snop  }
0x90: {  	s2 =	sld [smem:$0x3FD0];
	(tm) =	ssettm $0x1  }
0x91: {  	s18 =	sld [smem:$0x3FFB];
	_ =	sdelay $0x3  }
0x92: {  	_ =	strace s18  }
0x93: {  	s3 =	sld [smem:$0x3FFC];
	_ =	sdelay $0x3  }
0x94: {  	_ =	strace s3  }
0x95: {  	s3 =	sld [smem:$0x3FFD];
	_ =	sdelay $0x3  }
0x96: {  	_ =	strace s3  }
0x97: {  	_ =	strace $0x8FFFFFFF  }
0x98: {  	s19 =	sld [smem:$0x3FDB];
	_ =	sdelay $0x1  }
0x99: {  	s4 =	simm.s32 $_scs_section_size  }
0x9a: {  	s5 =	simm.s32 $_size__tile_overlayer_lowered;
	s6 =	simm.s32 $_tile_overlayer_lowered  }
0x9b: {  	s22 =	simm.s32 $0x1BFF;
	s21 =	sshll.u32 s6, $0x1;
	s3 =	sadd.s32 s4, s19  }
0x9c: {  	s7 =	simm.s32 $0x0;
	s20 =	sshll.u32 s5, $0x1;
	s5 =	sadd.s32 s21, s3  }
0x9d: {  	[timem:s7], [sflag:s22] =	dma.local [hbm:s5], s20  }
0x9e: {  	_ =	swait.ge [sflag:s22], s20  }
0x9f: {  	s4 =	ssub.s32 $0x0, s20;
	[sflag:s22] =	ssyncset.done $0x0  }
0xa0: {  	[sflag:s22] =	ssyncadd.s32 s4;
	_ =	sdelay $0x1  }
0xa1: {  	s23 =	simm.s32 $0x1B8B  }
0xa2: {  	_ =	swait.ge [sflag:s23], $0x1  }
0xa3: {  	[sflag:s23] =	ssyncset.done $0x0  }
0xa4: {  	s25 =	simm.s32 $0x1B8E;
	s24 =	sld [smem:$0x3FFE];
	[sflag:s23] =	ssyncadd.s32 $0xFFFFFFFF  }
0xa5: {  	s26 =	simm.s32 $execute0_lowered;
	[smem:$0x3FD2] =	sst s25  }
0xa6: {  	s5 =	sshll.u32 s26, $0x1;
	_ =	strace $0x80000046;
	[dreg:$0x1] =	wrdreg $0xFFFFFFFF  }
0xa7: {  	s28 =	simm.s32 $_size_execute0_lowered;
	s3 =	sadd.s32 s3, s5;
	[dreg:$0x0] =	wrdreg $0x0  }
0xa8: {  	s5 =	sshll.u32 s28, $0x1;
	[dreg:$0x2] =	wrdreg s3  }
0xa9: {  	[dreg:$0x3] =	wrdreg s5  }
0xaa: {  	[dreg:$0x4] =	wrdreg $0xC0  }
0xab: {  	_ =	task [dreg:s7], $0x5FFFF  }
0xac: {  	[dreg:$0x1] =	wrdreg $0xFFFFFFFF  }
0xad: {  	[dreg:$0x0] =	wrdreg $0x60  }
0xae: {  	[dreg:$0x2] =	wrdreg s24  }
0xaf: {  	[dreg:$0x3] =	wrdreg s2  }
0xb0: {  	[dreg:$0x4] =	wrdreg $0x9  }
0xb1: {  	_ =	task.clear_ibuf [dreg:s7], $0x5FFFF;
	_ =	strace $0x90000046  }
0xb2: {  	s29 =	simm.s32 $0x9;
	_ =	strace $0x80000048  }
0xb3: {  	_ =	swait.ge [sflag:s29], $0x1  }
0xb4: {  	[sflag:s29] =	ssyncadd.s32 $0xFFFFFFFF  }
0xb5: {  	_ =	strace $0x90000048  }
0xb6: {  	_ =	sfence  }
0xb7: {  	s30 =	sld [smem:$0x0];
	_ =	sdelay $0x2  }
0xb8: {  	s31 =	sshll.u32 s1, $0xD;
	s1 =	sshrl.u32 s1, $0x2  }
0xb9: {  	s3 =	sand.u32 $0x4000, s31;
	s1 =	sadd.s32 s1, s30  }
0xba: {  	s0 =	sor.u32 s3, s0;
	s1 =	sshll.u32 s1, $0x11  }
0xbb: {  	s0 =	sor.u32 s1, s0  }
0xbc: {  	s0 =	sadd.s32 $0x8F2B, s0  }
0xbd: {  	[sflag:s0] =	ssyncadd.remote.s32 $0x1  }
0xbe: {  	_ =	sfence.sel $0xFFFF  }
0xbf: {  	[dreg:$0x0] =	wrdreg $0xFFFFFFFF;
	(pc) =	sbr.abs _section_cstart, $3  }
0xc0: {  	[dreg:$0x1] =	wrdreg $0xFFFFFFFF  }
0xc1: {  	_ =	task.clear_ibuf [dreg:s7], $0x2FFFF;
	_ =	strace $0x9FFFFFFF  }
0xc2: {  	(tm) =	ssettm $0x7FFFFFFF  }
0xc3: {  	_ =	shalt  }
tec
execute0_lowered:
.L_overlay_start_1:
0x0: {  	(tag) =	ssettag $0x1  }
0x1: {  	v0 =	vimm.s32 $0xD48;
	vm14 =	vcmask $0x300  }
0x2: {  	vm13 =	vcmask $0x704;
	v0 =	vsel vm14, $0x0, v0  }
0x3: {  	vm12 =	vcmask $0xB08;
	v0 =	vsel vm13, $0x88, v0  }
0x4: {  	vm11 =	vcmask $0xF0C;
	v0 =	vsel vm12, $0x110, v0  }
0x5: {  	vm10 =	vcmask $0x1310;
	v0 =	vsel vm11, $0x198, v0  }
0x6: {  	vm9 =	vcmask $0x1714;
	v0 =	vsel vm10, $0x220, v0  }
0x7: {  	vm8 =	vcmask $0x1B18;
	v0 =	vsel vm9, $0x2A8, v0  }
0x8: {  	vm7 =	vcmask $0x1F1C;
	v0 =	vsel vm8, $0x330, v0  }
0x9: {  	vm6 =	vcmask $0x2320;
	v0 =	vsel vm7, $0x3B8, v0  }
0xa: {  	vm5 =	vcmask $0x2724;
	v0 =	vsel vm6, $0x990, v0  }
0xb: {  	vm4 =	vcmask $0x2B28;
	v0 =	vsel vm5, $0xA18, v0  }
0xc: {  	vm3 =	vcmask $0x2F2C;
	v0 =	vsel vm4, $0xAA0, v0  }
0xd: {  	vm2 =	vcmask $0x3330;
	v0 =	vsel vm3, $0xB28, v0  }
0xe: {  	vm1 =	vcmask $0x3734;
	v0 =	vsel vm2, $0xBB0, v0  }
0xf: {  	vm0 =	vcmask $0x3B38;
	v1 =	vimm.s32 $0x2068;
	v0 =	vsel vm1, $0xC38, v0  }
0x10: {  	v32 =	vsel vm0, $0xCC0, v0;
	v0 =	vsel vm14, $0x1320, v1;
	v1 =	vimm.s32 $0x3388  }
0x11: {  	v2 =	vimm.s32 $0x46A8;
	v0 =	vsel vm13, $0x13A8, v0;
	v1 =	vsel vm14, $0x2640, v1  }
0x12: {  	v2 =	vsel vm14, $0x3960, v2;
	v0 =	vsel vm12, $0x1430, v0;
	v1 =	vsel vm13, $0x26C8, v1  }
0x13: {  	v2 =	vsel vm13, $0x39E8, v2;
	v0 =	vsel vm11, $0x14B8, v0;
	v1 =	vsel vm12, $0x2750, v1  }
0x14: {  	v2 =	vsel vm12, $0x3A70, v2;
	v0 =	vsel vm10, $0x1540, v0;
	v1 =	vsel vm11, $0x27D8, v1  }
0x15: {  	v2 =	vsel vm11, $0x3AF8, v2;
	v0 =	vsel vm9, $0x15C8, v0;
	v1 =	vsel vm10, $0x2860, v1  }
0x16: {  	v2 =	vsel vm10, $0x3B80, v2;
	v0 =	vsel vm8, $0x1650, v0;
	v1 =	vsel vm9, $0x28E8, v1  }
0x17: {  	v2 =	vsel vm9, $0x3C08, v2;
	v0 =	vsel vm7, $0x16D8, v0;
	v1 =	vsel vm8, $0x2970, v1  }
0x18: {  	v2 =	vsel vm8, $0x3C90, v2;
	v0 =	vsel vm6, $0x1CB0, v0;
	v1 =	vsel vm7, $0x29F8, v1  }
0x19: {  	v2 =	vsel vm7, $0x3D18, v2;
	v0 =	vsel vm5, $0x1D38, v0;
	v1 =	vsel vm6, $0x2FD0, v1  }
0x1a: {  	v2 =	vsel vm6, $0x42F0, v2;
	v0 =	vsel vm4, $0x1DC0, v0;
	v1 =	vsel vm5, $0x3058, v1  }
0x1b: {  	v2 =	vsel vm5, $0x4378, v2;
	v0 =	vsel vm3, $0x1E48, v0;
	v1 =	vsel vm4, $0x30E0, v1  }
0x1c: {  	v2 =	vsel vm4, $0x4400, v2;
	v0 =	vsel vm2, $0x1ED0, v0;
	v1 =	vsel vm3, $0x3168, v1  }
0x1d: {  	v2 =	vsel vm3, $0x4488, v2;
	v0 =	vsel vm1, $0x1F58, v0;
	v1 =	vsel vm2, $0x31F0, v1  }
0x1e: {  	v60 =	vsel vm0, $0x1FE0, v0;
	v0 =	vsel vm1, $0x3278, v1;
	v1 =	vsel vm2, $0x4510, v2  }
0x1f: {  	v61 =	vsel vm0, $0x3300, v0;
	v0 =	vsel vm1, $0x4598, v1;
	v1 =	vimm.s32 $0xD49  }
0x20: {  	v62 =	vsel vm0, $0x4620, v0;
	v0 =	vsel vm14, $0x1, v1;
	v1 =	vimm.s32 $0x2069  }
0x21: {  	v2 =	vimm.s32 $0x3389;
	v0 =	vsel vm13, $0x89, v0;
	v1 =	vsel vm14, $0x1321, v1  }
0x22: {  	v2 =	vsel vm14, $0x2641, v2;
	v0 =	vsel vm12, $0x111, v0;
	v1 =	vsel vm13, $0x13A9, v1  }
0x23: {  	v2 =	vsel vm13, $0x26C9, v2;
	v0 =	vsel vm11, $0x199, v0;
	v1 =	vsel vm12, $0x1431, v1  }
0x24: {  	v2 =	vsel vm12, $0x2751, v2;
	v0 =	vsel vm10, $0x221, v0;
	v1 =	vsel vm11, $0x14B9, v1  }
0x25: {  	v2 =	vsel vm11, $0x27D9, v2;
	v0 =	vsel vm9, $0x2A9, v0;
	v1 =	vsel vm10, $0x1541, v1  }
0x26: {  	v2 =	vsel vm10, $0x2861, v2;
	v0 =	vsel vm8, $0x331, v0;
	v1 =	vsel vm9, $0x15C9, v1  }
0x27: {  	v2 =	vsel vm9, $0x28E9, v2;
	v0 =	vsel vm7, $0x3B9, v0;
	v1 =	vsel vm8, $0x1651, v1  }
0x28: {  	v2 =	vsel vm8, $0x2971, v2;
	v0 =	vsel vm6, $0x991, v0;
	v1 =	vsel vm7, $0x16D9, v1  }
0x29: {  	v2 =	vsel vm7, $0x29F9, v2;
	v0 =	vsel vm5, $0xA19, v0;
	v1 =	vsel vm6, $0x1CB1, v1  }
0x2a: {  	v2 =	vsel vm6, $0x2FD1, v2;
	v0 =	vsel vm4, $0xAA1, v0;
	v1 =	vsel vm5, $0x1D39, v1  }
0x2b: {  	v2 =	vsel vm5, $0x3059, v2;
	v0 =	vsel vm3, $0xB29, v0;
	v1 =	vsel vm4, $0x1DC1, v1  }
0x2c: {  	v2 =	vsel vm4, $0x30E1, v2;
	v0 =	vsel vm2, $0xBB1, v0;
	v1 =	vsel vm3, $0x1E49, v1  }
0x2d: {  	v2 =	vsel vm3, $0x3169, v2;
	v0 =	vsel vm1, $0xC39, v0;
	v1 =	vsel vm2, $0x1ED1, v1  }
0x2e: {  	v35 =	vsel vm0, $0xCC1, v0;
	v0 =	vsel vm1, $0x1F59, v1;
	v1 =	vsel vm2, $0x31F1, v2  }
0x2f: {  	v63 =	vsel vm0, $0x1FE1, v0;
	v0 =	vsel vm1, $0x3279, v1;
	v1 =	vimm.s32 $0x46A9  }
0x30: {  	v24 =	vsel vm0, $0x3301, v0;
	v0 =	vsel vm14, $0x3961, v1;
	v1 =	vimm.s32 $0xD4A  }
0x31: {  	v2 =	vimm.s32 $0x206A;
	v0 =	vsel vm13, $0x39E9, v0;
	v1 =	vsel vm14, $0x2, v1  }
0x32: {  	v2 =	vsel vm14, $0x1322, v2;
	v0 =	vsel vm12, $0x3A71, v0;
	v1 =	vsel vm13, $0x8A, v1  }
0x33: {  	v2 =	vsel vm13, $0x13AA, v2;
	v0 =	vsel vm11, $0x3AF9, v0;
	v1 =	vsel vm12, $0x112, v1  }
0x34: {  	v2 =	vsel vm12, $0x1432, v2;
	v0 =	vsel vm10, $0x3B81, v0;
	v1 =	vsel vm11, $0x19A, v1  }
0x35: {  	v2 =	vsel vm11, $0x14BA, v2;
	v0 =	vsel vm9, $0x3C09, v0;
	v1 =	vsel vm10, $0x222, v1  }
0x36: {  	v2 =	vsel vm10, $0x1542, v2;
	v0 =	vsel vm8, $0x3C91, v0;
	v1 =	vsel vm9, $0x2AA, v1  }
0x37: {  	v2 =	vsel vm9, $0x15CA, v2;
	v0 =	vsel vm7, $0x3D19, v0;
	v1 =	vsel vm8, $0x332, v1  }
0x38: {  	v2 =	vsel vm8, $0x1652, v2;
	v0 =	vsel vm6, $0x42F1, v0;
	v1 =	vsel vm7, $0x3BA, v1  }
0x39: {  	v2 =	vsel vm7, $0x16DA, v2;
	v0 =	vsel vm5, $0x4379, v0;
	v1 =	vsel vm6, $0x992, v1  }
0x3a: {  	v2 =	vsel vm6, $0x1CB2, v2;
	v0 =	vsel vm4, $0x4401, v0;
	v1 =	vsel vm5, $0xA1A, v1  }
0x3b: {  	v2 =	vsel vm5, $0x1D3A, v2;
	v0 =	vsel vm3, $0x4489, v0;
	v1 =	vsel vm4, $0xAA2, v1  }
0x3c: {  	v2 =	vsel vm4, $0x1DC2, v2;
	v0 =	vsel vm2, $0x4511, v0;
	v1 =	vsel vm3, $0xB2A, v1  }
0x3d: {  	v2 =	vsel vm3, $0x1E4A, v2;
	v0 =	vsel vm1, $0x4599, v0;
	v1 =	vsel vm2, $0xBB2, v1  }
0x3e: {  	v25 =	vsel vm0, $0x4621, v0;
	v0 =	vsel vm1, $0xC3A, v1;
	v1 =	vsel vm2, $0x1ED2, v2  }
0x3f: {  	v36 =	vsel vm0, $0xCC2, v0;
	v0 =	vsel vm1, $0x1F5A, v1;
	v1 =	vimm.s32 $0x338A  }
0x40: {  	v26 =	vsel vm0, $0x1FE2, v0;
	v0 =	vsel vm14, $0x2642, v1;
	v1 =	vimm.s32 $0x46AA  }
0x41: {  	v2 =	vimm.s32 $0xD4B;
	v0 =	vsel vm13, $0x26CA, v0;
	v1 =	vsel vm14, $0x3962, v1  }
0x42: {  	v2 =	vsel vm14, $0x3, v2;
	v0 =	vsel vm12, $0x2752, v0;
	v1 =	vsel vm13, $0x39EA, v1  }
0x43: {  	v2 =	vsel vm13, $0x8B, v2;
	v0 =	vsel vm11, $0x27DA, v0;
	v1 =	vsel vm12, $0x3A72, v1  }
0x44: {  	v2 =	vsel vm12, $0x113, v2;
	v0 =	vsel vm10, $0x2862, v0;
	v1 =	vsel vm11, $0x3AFA, v1  }
0x45: {  	v2 =	vsel vm11, $0x19B, v2;
	v0 =	vsel vm9, $0x28EA, v0;
	v1 =	vsel vm10, $0x3B82, v1  }
0x46: {  	v2 =	vsel vm10, $0x223, v2;
	v0 =	vsel vm8, $0x2972, v0;
	v1 =	vsel vm9, $0x3C0A, v1  }
0x47: {  	v2 =	vsel vm9, $0x2AB, v2;
	v0 =	vsel vm7, $0x29FA, v0;
	v1 =	vsel vm8, $0x3C92, v1  }
0x48: {  	v2 =	vsel vm8, $0x333, v2;
	v0 =	vsel vm6, $0x2FD2, v0;
	v1 =	vsel vm7, $0x3D1A, v1  }
0x49: {  	v2 =	vsel vm7, $0x3BB, v2;
	v0 =	vsel vm5, $0x305A, v0;
	v1 =	vsel vm6, $0x42F2, v1  }
0x4a: {  	v2 =	vsel vm6, $0x993, v2;
	v0 =	vsel vm4, $0x30E2, v0;
	v1 =	vsel vm5, $0x437A, v1  }
0x4b: {  	v2 =	vsel vm5, $0xA1B, v2;
	v0 =	vsel vm3, $0x316A, v0;
	v1 =	vsel vm4, $0x4402, v1  }
0x4c: {  	v2 =	vsel vm4, $0xAA3, v2;
	v0 =	vsel vm2, $0x31F2, v0;
	v1 =	vsel vm3, $0x448A, v1  }
0x4d: {  	v2 =	vsel vm3, $0xB2B, v2;
	v0 =	vsel vm1, $0x327A, v0;
	v1 =	vsel vm2, $0x4512, v1  }
0x4e: {  	v27 =	vsel vm0, $0x3302, v0;
	v0 =	vsel vm1, $0x459A, v1;
	v1 =	vsel vm2, $0xBB3, v2  }
0x4f: {  	v30 =	vsel vm0, $0x4622, v0;
	v0 =	vsel vm1, $0xC3B, v1;
	v1 =	vimm.s32 $0x206B  }
0x50: {  	v31 =	vsel vm0, $0xCC3, v0;
	v0 =	vsel vm14, $0x1323, v1;
	v1 =	vimm.s32 $0x338B  }
0x51: {  	v2 =	vimm.s32 $0x46AB;
	v0 =	vsel vm13, $0x13AB, v0;
	v1 =	vsel vm14, $0x2643, v1  }
0x52: {  	v2 =	vsel vm14, $0x3963, v2;
	v0 =	vsel vm12, $0x1433, v0;
	v1 =	vsel vm13, $0x26CB, v1  }
0x53: {  	v2 =	vsel vm13, $0x39EB, v2;
	v0 =	vsel vm11, $0x14BB, v0;
	v1 =	vsel vm12, $0x2753, v1  }
0x54: {  	v2 =	vsel vm12, $0x3A73, v2;
	v0 =	vsel vm10, $0x1543, v0;
	v1 =	vsel vm11, $0x27DB, v1  }
0x55: {  	v2 =	vsel vm11, $0x3AFB, v2;
	v0 =	vsel vm9, $0x15CB, v0;
	v1 =	vsel vm10, $0x2863, v1  }
0x56: {  	v2 =	vsel vm10, $0x3B83, v2;
	v0 =	vsel vm8, $0x1653, v0;
	v1 =	vsel vm9, $0x28EB, v1  }
0x57: {  	v2 =	vsel vm9, $0x3C0B, v2;
	v0 =	vsel vm7, $0x16DB, v0;
	v1 =	vsel vm8, $0x2973, v1  }
0x58: {  	v2 =	vsel vm8, $0x3C93, v2;
	v0 =	vsel vm6, $0x1CB3, v0;
	v1 =	vsel vm7, $0x29FB, v1  }
0x59: {  	v2 =	vsel vm7, $0x3D1B, v2;
	v0 =	vsel vm5, $0x1D3B, v0;
	v1 =	vsel vm6, $0x2FD3, v1  }
0x5a: {  	v2 =	vsel vm6, $0x42F3, v2;
	v0 =	vsel vm4, $0x1DC3, v0;
	v1 =	vsel vm5, $0x305B, v1  }
0x5b: {  	v2 =	vsel vm5, $0x437B, v2;
	v0 =	vsel vm3, $0x1E4B, v0;
	v1 =	vsel vm4, $0x30E3, v1  }
0x5c: {  	v2 =	vsel vm4, $0x4403, v2;
	v0 =	vsel vm2, $0x1ED3, v0;
	v1 =	vsel vm3, $0x316B, v1  }
0x5d: {  	v2 =	vsel vm3, $0x448B, v2;
	v0 =	vsel vm1, $0x1F5B, v0;
	v1 =	vsel vm2, $0x31F3, v1  }
0x5e: {  	v33 =	vsel vm0, $0x1FE3, v0;
	v0 =	vsel vm1, $0x327B, v1;
	v1 =	vsel vm2, $0x4513, v2  }
0x5f: {  	v53 =	vsel vm0, $0x3303, v0;
	v0 =	vsel vm1, $0x459B, v1;
	v1 =	vimm.s32 $0xD4C  }
0x60: {  	v59 =	vsel vm0, $0x4623, v0;
	v0 =	vsel vm14, $0x4, v1;
	v1 =	vimm.s32 $0x206C  }
0x61: {  	v2 =	vimm.s32 $0x338C;
	v0 =	vsel vm13, $0x8C, v0;
	v1 =	vsel vm14, $0x1324, v1  }
0x62: {  	v2 =	vsel vm14, $0x2644, v2;
	v0 =	vsel vm12, $0x114, v0;
	v1 =	vsel vm13, $0x13AC, v1  }
0x63: {  	v2 =	vsel vm13, $0x26CC, v2;
	v0 =	vsel vm11, $0x19C, v0;
	v1 =	vsel vm12, $0x1434, v1  }
0x64: {  	v2 =	vsel vm12, $0x2754, v2;
	v0 =	vsel vm10, $0x224, v0;
	v1 =	vsel vm11, $0x14BC, v1  }
0x65: {  	v2 =	vsel vm11, $0x27DC, v2;
	v0 =	vsel vm9, $0x2AC, v0;
	v1 =	vsel vm10, $0x1544, v1  }
0x66: {  	v2 =	vsel vm10, $0x2864, v2;
	v0 =	vsel vm8, $0x334, v0;
	v1 =	vsel vm9, $0x15CC, v1  }
0x67: {  	v2 =	vsel vm9, $0x28EC, v2;
	v0 =	vsel vm7, $0x3BC, v0;
	v1 =	vsel vm8, $0x1654, v1  }
0x68: {  	v2 =	vsel vm8, $0x2974, v2;
	v0 =	vsel vm6, $0x994, v0;
	v1 =	vsel vm7, $0x16DC, v1  }
0x69: {  	v2 =	vsel vm7, $0x29FC, v2;
	v0 =	vsel vm5, $0xA1C, v0;
	v1 =	vsel vm6, $0x1CB4, v1  }
0x6a: {  	v2 =	vsel vm6, $0x2FD4, v2;
	v0 =	vsel vm4, $0xAA4, v0;
	v1 =	vsel vm5, $0x1D3C, v1  }
0x6b: {  	v2 =	vsel vm5, $0x305C, v2;
	v0 =	vsel vm3, $0xB2C, v0;
	v1 =	vsel vm4, $0x1DC4, v1  }
0x6c: {  	v2 =	vsel vm4, $0x30E4, v2;
	v0 =	vsel vm2, $0xBB4, v0;
	v1 =	vsel vm3, $0x1E4C, v1  }
0x6d: {  	v2 =	vsel vm3, $0x316C, v2;
	v0 =	vsel vm1, $0xC3C, v0;
	v1 =	vsel vm2, $0x1ED4, v1  }
0x6e: {  	v12 =	vsel vm0, $0xCC4, v0;
	v0 =	vsel vm1, $0x1F5C, v1;
	v1 =	vsel vm2, $0x31F4, v2  }
0x6f: {  	v38 =	vsel vm0, $0x1FE4, v0;
	v0 =	vsel vm1, $0x327C, v1;
	v1 =	vimm.s32 $0x46AC  }
0x70: {  	v39 =	vsel vm0, $0x3304, v0;
	v0 =	vsel vm14, $0x3964, v1;
	v1 =	vimm.s32 $0xD4D  }
0x71: {  	v2 =	vimm.s32 $0x206D;
	v0 =	vsel vm13, $0x39EC, v0;
	v1 =	vsel vm14, $0x5, v1  }
0x72: {  	v2 =	vsel vm14, $0x1325, v2;
	v0 =	vsel vm12, $0x3A74, v0;
	v1 =	vsel vm13, $0x8D, v1  }
0x73: {  	v2 =	vsel vm13, $0x13AD, v2;
	v0 =	vsel vm11, $0x3AFC, v0;
	v1 =	vsel vm12, $0x115, v1  }
0x74: {  	v2 =	vsel vm12, $0x1435, v2;
	v0 =	vsel vm10, $0x3B84, v0;
	v1 =	vsel vm11, $0x19D, v1  }
0x75: {  	v2 =	vsel vm11, $0x14BD, v2;
	v0 =	vsel vm9, $0x3C0C, v0;
	v1 =	vsel vm10, $0x225, v1  }
0x76: {  	v2 =	vsel vm10, $0x1545, v2;
	v0 =	vsel vm8, $0x3C94, v0;
	v1 =	vsel vm9, $0x2AD, v1  }
0x77: {  	v2 =	vsel vm9, $0x15CD, v2;
	v0 =	vsel vm7, $0x3D1C, v0;
	v1 =	vsel vm8, $0x335, v1  }
0x78: {  	v2 =	vsel vm8, $0x1655, v2;
	v0 =	vsel vm6, $0x42F4, v0;
	v1 =	vsel vm7, $0x3BD, v1  }
0x79: {  	v2 =	vsel vm7, $0x16DD, v2;
	v0 =	vsel vm5, $0x437C, v0;
	v1 =	vsel vm6, $0x995, v1  }
0x7a: {  	v2 =	vsel vm6, $0x1CB5, v2;
	v0 =	vsel vm4, $0x4404, v0;
	v1 =	vsel vm5, $0xA1D, v1  }
0x7b: {  	v2 =	vsel vm5, $0x1D3D, v2;
	v0 =	vsel vm3, $0x448C, v0;
	v1 =	vsel vm4, $0xAA5, v1  }
0x7c: {  	v2 =	vsel vm4, $0x1DC5, v2;
	v0 =	vsel vm2, $0x4514, v0;
	v1 =	vsel vm3, $0xB2D, v1  }
0x7d: {  	v2 =	vsel vm3, $0x1E4D, v2;
	v0 =	vsel vm1, $0x459C, v0;
	v1 =	vsel vm2, $0xBB5, v1  }
0x7e: {  	v40 =	vsel vm0, $0x4624, v0;
	v0 =	vsel vm1, $0xC3D, v1;
	v1 =	vsel vm2, $0x1ED5, v2  }
0x7f: {  	v37 =	vsel vm0, $0xCC5, v0;
	v0 =	vsel vm1, $0x1F5D, v1;
	v1 =	vimm.s32 $0x338D  }
0x80: {  	v41 =	vsel vm0, $0x1FE5, v0;
	v0 =	vsel vm14, $0x2645, v1;
	v1 =	vimm.s32 $0x46AD  }
0x81: {  	v2 =	vimm.s32 $0xD4E;
	v0 =	vsel vm13, $0x26CD, v0;
	v1 =	vsel vm14, $0x3965, v1  }
0x82: {  	v2 =	vsel vm14, $0x6, v2;
	v0 =	vsel vm12, $0x2755, v0;
	v1 =	vsel vm13, $0x39ED, v1  }
0x83: {  	v2 =	vsel vm13, $0x8E, v2;
	v0 =	vsel vm11, $0x27DD, v0;
	v1 =	vsel vm12, $0x3A75, v1  }
0x84: {  	v2 =	vsel vm12, $0x116, v2;
	v0 =	vsel vm10, $0x2865, v0;
	v1 =	vsel vm11, $0x3AFD, v1  }
0x85: {  	v2 =	vsel vm11, $0x19E, v2;
	v0 =	vsel vm9, $0x28ED, v0;
	v1 =	vsel vm10, $0x3B85, v1  }
0x86: {  	v2 =	vsel vm10, $0x226, v2;
	v0 =	vsel vm8, $0x2975, v0;
	v1 =	vsel vm9, $0x3C0D, v1  }
0x87: {  	v2 =	vsel vm9, $0x2AE, v2;
	v0 =	vsel vm7, $0x29FD, v0;
	v1 =	vsel vm8, $0x3C95, v1  }
0x88: {  	v2 =	vsel vm8, $0x336, v2;
	v0 =	vsel vm6, $0x2FD5, v0;
	v1 =	vsel vm7, $0x3D1D, v1  }
0x89: {  	v2 =	vsel vm7, $0x3BE, v2;
	v0 =	vsel vm5, $0x305D, v0;
	v1 =	vsel vm6, $0x42F5, v1  }
0x8a: {  	v2 =	vsel vm6, $0x996, v2;
	v0 =	vsel vm4, $0x30E5, v0;
	v1 =	vsel vm5, $0x437D, v1  }
0x8b: {  	v2 =	vsel vm5, $0xA1E, v2;
	v0 =	vsel vm3, $0x316D, v0;
	v1 =	vsel vm4, $0x4405, v1  }
0x8c: {  	v2 =	vsel vm4, $0xAA6, v2;
	v0 =	vsel vm2, $0x31F5, v0;
	v1 =	vsel vm3, $0x448D, v1  }
0x8d: {  	v2 =	vsel vm3, $0xB2E, v2;
	v0 =	vsel vm1, $0x327D, v0;
	v1 =	vsel vm2, $0x4515, v1  }
0x8e: {  	v42 =	vsel vm0, $0x3305, v0;
	v0 =	vsel vm1, $0x459D, v1;
	v1 =	vsel vm2, $0xBB6, v2  }
0x8f: {  	v43 =	vsel vm0, $0x4625, v0;
	v0 =	vsel vm1, $0xC3E, v1;
	v1 =	vimm.s32 $0x206E  }
0x90: {  	v44 =	vsel vm0, $0xCC6, v0;
	v0 =	vsel vm14, $0x1326, v1;
	v1 =	vimm.s32 $0x338E  }
0x91: {  	v2 =	vimm.s32 $0x46AE;
	v0 =	vsel vm13, $0x13AE, v0;
	v1 =	vsel vm14, $0x2646, v1  }
0x92: {  	v2 =	vsel vm14, $0x3966, v2;
	v0 =	vsel vm12, $0x1436, v0;
	v1 =	vsel vm13, $0x26CE, v1  }
0x93: {  	v2 =	vsel vm13, $0x39EE, v2;
	v0 =	vsel vm11, $0x14BE, v0;
	v1 =	vsel vm12, $0x2756, v1  }
0x94: {  	v2 =	vsel vm12, $0x3A76, v2;
	v0 =	vsel vm10, $0x1546, v0;
	v1 =	vsel vm11, $0x27DE, v1  }
0x95: {  	v2 =	vsel vm11, $0x3AFE, v2;
	v0 =	vsel vm9, $0x15CE, v0;
	v1 =	vsel vm10, $0x2866, v1  }
0x96: {  	v2 =	vsel vm10, $0x3B86, v2;
	v0 =	vsel vm8, $0x1656, v0;
	v1 =	vsel vm9, $0x28EE, v1  }
0x97: {  	v2 =	vsel vm9, $0x3C0E, v2;
	v0 =	vsel vm7, $0x16DE, v0;
	v1 =	vsel vm8, $0x2976, v1  }
0x98: {  	v2 =	vsel vm8, $0x3C96, v2;
	v0 =	vsel vm6, $0x1CB6, v0;
	v1 =	vsel vm7, $0x29FE, v1  }
0x99: {  	v2 =	vsel vm7, $0x3D1E, v2;
	v0 =	vsel vm5, $0x1D3E, v0;
	v1 =	vsel vm6, $0x2FD6, v1  }
0x9a: {  	v2 =	vsel vm6, $0x42F6, v2;
	v0 =	vsel vm4, $0x1DC6, v0;
	v1 =	vsel vm5, $0x305E, v1  }
0x9b: {  	v2 =	vsel vm5, $0x437E, v2;
	v0 =	vsel vm3, $0x1E4E, v0;
	v1 =	vsel vm4, $0x30E6, v1  }
0x9c: {  	v2 =	vsel vm4, $0x4406, v2;
	v0 =	vsel vm2, $0x1ED6, v0;
	v1 =	vsel vm3, $0x316E, v1  }
0x9d: {  	v2 =	vsel vm3, $0x448E, v2;
	v0 =	vsel vm1, $0x1F5E, v0;
	v1 =	vsel vm2, $0x31F6, v1  }
0x9e: {  	v45 =	vsel vm0, $0x1FE6, v0;
	v0 =	vsel vm1, $0x327E, v1;
	v1 =	vsel vm2, $0x4516, v2  }
0x9f: {  	v46 =	vsel vm0, $0x3306, v0;
	v0 =	vsel vm1, $0x459E, v1;
	v1 =	vimm.s32 $0xD4F  }
0xa0: {  	v47 =	vsel vm0, $0x4626, v0;
	v0 =	vsel vm14, $0x7, v1;
	v1 =	vimm.s32 $0x206F  }
0xa1: {  	v2 =	vimm.s32 $0x338F;
	v0 =	vsel vm13, $0x8F, v0;
	v1 =	vsel vm14, $0x1327, v1  }
0xa2: {  	v2 =	vsel vm14, $0x2647, v2;
	v0 =	vsel vm12, $0x117, v0;
	v1 =	vsel vm13, $0x13AF, v1  }
0xa3: {  	v2 =	vsel vm13, $0x26CF, v2;
	v0 =	vsel vm11, $0x19F, v0;
	v1 =	vsel vm12, $0x1437, v1  }
0xa4: {  	v2 =	vsel vm12, $0x2757, v2;
	v0 =	vsel vm10, $0x227, v0;
	v1 =	vsel vm11, $0x14BF, v1  }
0xa5: {  	v2 =	vsel vm11, $0x27DF, v2;
	v0 =	vsel vm9, $0x2AF, v0;
	v1 =	vsel vm10, $0x1547, v1  }
0xa6: {  	v2 =	vsel vm10, $0x2867, v2;
	v0 =	vsel vm8, $0x337, v0;
	v1 =	vsel vm9, $0x15CF, v1  }
0xa7: {  	v2 =	vsel vm9, $0x28EF, v2;
	v0 =	vsel vm7, $0x3BF, v0;
	v1 =	vsel vm8, $0x1657, v1  }
0xa8: {  	v2 =	vsel vm8, $0x2977, v2;
	v0 =	vsel vm6, $0x997, v0;
	v1 =	vsel vm7, $0x16DF, v1  }
0xa9: {  	v2 =	vsel vm7, $0x29FF, v2;
	v0 =	vsel vm5, $0xA1F, v0;
	v1 =	vsel vm6, $0x1CB7, v1  }
0xaa: {  	v2 =	vsel vm6, $0x2FD7, v2;
	v0 =	vsel vm4, $0xAA7, v0;
	v1 =	vsel vm5, $0x1D3F, v1  }
0xab: {  	v2 =	vsel vm5, $0x305F, v2;
	v0 =	vsel vm3, $0xB2F, v0;
	v1 =	vsel vm4, $0x1DC7, v1  }
0xac: {  	v2 =	vsel vm4, $0x30E7, v2;
	v0 =	vsel vm2, $0xBB7, v0;
	v1 =	vsel vm3, $0x1E4F, v1  }
0xad: {  	v2 =	vsel vm3, $0x316F, v2;
	v0 =	vsel vm1, $0xC3F, v0;
	v1 =	vsel vm2, $0x1ED7, v1  }
0xae: {  	v49 =	vsel vm0, $0xCC7, v0;
	v0 =	vsel vm1, $0x1F5F, v1;
	v1 =	vsel vm2, $0x31F7, v2  }
0xaf: {  	v50 =	vsel vm0, $0x1FE7, v0;
	v0 =	vsel vm1, $0x327F, v1;
	v1 =	vimm.s32 $0x46AF  }
0xb0: {  	v51 =	vsel vm0, $0x3307, v0;
	v0 =	vsel vm14, $0x3967, v1;
	v1 =	vimm.s32 $0x1210  }
0xb1: {  	v2 =	vimm.s32 $0x2530;
	v0 =	vsel vm13, $0x39EF, v0;
	v1 =	vsel vm14, $0x4C8, v1  }
0xb2: {  	v2 =	vsel vm14, $0x17E8, v2;
	v0 =	vsel vm12, $0x3A77, v0;
	v1 =	vsel vm13, $0x550, v1  }
0xb3: {  	v2 =	vsel vm13, $0x1870, v2;
	v0 =	vsel vm11, $0x3AFF, v0;
	v1 =	vsel vm12, $0x5D8, v1  }
0xb4: {  	v2 =	vsel vm12, $0x18F8, v2;
	v0 =	vsel vm10, $0x3B87, v0;
	v1 =	vsel vm11, $0x660, v1  }
0xb5: {  	v2 =	vsel vm11, $0x1980, v2;
	v0 =	vsel vm9, $0x3C0F, v0;
	v1 =	vsel vm10, $0x6E8, v1  }
0xb6: {  	v2 =	vsel vm10, $0x1A08, v2;
	v0 =	vsel vm8, $0x3C97, v0;
	v1 =	vsel vm9, $0x770, v1  }
0xb7: {  	v2 =	vsel vm9, $0x1A90, v2;
	v0 =	vsel vm7, $0x3D1F, v0;
	v1 =	vsel vm8, $0x7F8, v1  }
0xb8: {  	v2 =	vsel vm8, $0x1B18, v2;
	v0 =	vsel vm6, $0x42F7, v0;
	v1 =	vsel vm7, $0x880, v1  }
0xb9: {  	v2 =	vsel vm7, $0x1BA0, v2;
	v0 =	vsel vm5, $0x437F, v0;
	v1 =	vsel vm6, $0xE58, v1  }
0xba: {  	v2 =	vsel vm6, $0x2178, v2;
	v0 =	vsel vm4, $0x4407, v0;
	v1 =	vsel vm5, $0xEE0, v1  }
0xbb: {  	v2 =	vsel vm5, $0x2200, v2;
	v0 =	vsel vm3, $0x448F, v0;
	v1 =	vsel vm4, $0xF68, v1  }
0xbc: {  	v2 =	vsel vm4, $0x2288, v2;
	v0 =	vsel vm2, $0x4517, v0;
	v1 =	vsel vm3, $0xFF0, v1  }
0xbd: {  	v2 =	vsel vm3, $0x2310, v2;
	v0 =	vsel vm1, $0x459F, v0;
	v1 =	vsel vm2, $0x1078, v1  }
0xbe: {  	v52 =	vsel vm0, $0x4627, v0;
	v0 =	vsel vm1, $0x1100, v1;
	v1 =	vsel vm2, $0x2398, v2  }
0xbf: {  	v34 =	vsel vm0, $0x1188, v0;
	v0 =	vsel vm1, $0x2420, v1;
	v1 =	vimm.s32 $0x3850  }
0xc0: {  	v7 =	vsel vm0, $0x24A8, v0;
	v0 =	vsel vm14, $0x2B08, v1  }
0xc1: {  	v1 =	vimm.s32 $0x4B70;
	v0 =	vsel vm13, $0x2B90, v0  }
0xc2: {  	v2 =	vimm.s32 $0x1211;
	v1 =	vsel vm14, $0x3E28, v1;
	v0 =	vsel vm12, $0x2C18, v0  }
0xc3: {  	v2 =	vsel vm14, $0x4C9, v2;
	v1 =	vsel vm13, $0x3EB0, v1;
	v0 =	vsel vm11, $0x2CA0, v0  }
0xc4: {  	v2 =	vsel vm13, $0x551, v2;
	v1 =	vsel vm12, $0x3F38, v1;
	v0 =	vsel vm10, $0x2D28, v0  }
0xc5: {  	v2 =	vsel vm12, $0x5D9, v2;
	v1 =	vsel vm11, $0x3FC0, v1;
	v0 =	vsel vm9, $0x2DB0, v0  }
0xc6: {  	v2 =	vsel vm11, $0x661, v2;
	v1 =	vsel vm10, $0x4048, v1;
	v0 =	vsel vm8, $0x2E38, v0  }
0xc7: {  	v2 =	vsel vm10, $0x6E9, v2;
	v1 =	vsel vm9, $0x40D0, v1;
	v0 =	vsel vm7, $0x2EC0, v0  }
0xc8: {  	v2 =	vsel vm9, $0x771, v2;
	v1 =	vsel vm8, $0x4158, v1;
	v0 =	vsel vm6, $0x3498, v0  }
0xc9: {  	v2 =	vsel vm8, $0x7F9, v2;
	v1 =	vsel vm7, $0x41E0, v1;
	v0 =	vsel vm5, $0x3520, v0  }
0xca: {  	v2 =	vsel vm7, $0x881, v2;
	v1 =	vsel vm6, $0x47B8, v1;
	v0 =	vsel vm4, $0x35A8, v0  }
0xcb: {  	v2 =	vsel vm6, $0xE59, v2;
	v1 =	vsel vm5, $0x4840, v1;
	v0 =	vsel vm3, $0x3630, v0  }
0xcc: {  	v2 =	vsel vm5, $0xEE1, v2;
	v1 =	vsel vm4, $0x48C8, v1;
	v0 =	vsel vm2, $0x36B8, v0  }
0xcd: {  	v2 =	vsel vm4, $0xF69, v2;
	v1 =	vsel vm3, $0x4950, v1;
	v0 =	vsel vm1, $0x3740, v0  }
0xce: {  	v2 =	vsel vm3, $0xFF1, v2;
	v1 =	vsel vm2, $0x49D8, v1;
	v0 =	vsel vm0, $0x37C8, v0  }
0xcf: {  	[tilespmem:$0x1FBF0] =	vst v0;
	v0 =	vsel vm1, $0x4A60, v1;
	v1 =	vsel vm2, $0x1079, v2  }
0xd0: {  	v57 =	vsel vm0, $0x4AE8, v0;
	v0 =	vsel vm1, $0x1101, v1;
	v1 =	vimm.s32 $0x2531  }
0xd1: {  	v55 =	vsel vm0, $0x1189, v0;
	v0 =	vsel vm14, $0x17E9, v1  }
0xd2: {  	v1 =	vimm.s32 $0x3851;
	v0 =	vsel vm13, $0x1871, v0  }
0xd3: {  	v2 =	vimm.s32 $0x4B71;
	v1 =	vsel vm14, $0x2B09, v1;
	v0 =	vsel vm12, $0x18F9, v0  }
0xd4: {  	v2 =	vsel vm14, $0x3E29, v2;
	v1 =	vsel vm13, $0x2B91, v1;
	v0 =	vsel vm11, $0x1981, v0  }
0xd5: {  	v2 =	vsel vm13, $0x3EB1, v2;
	v1 =	vsel vm12, $0x2C19, v1;
	v0 =	vsel vm10, $0x1A09, v0  }
0xd6: {  	v2 =	vsel vm12, $0x3F39, v2;
	v1 =	vsel vm11, $0x2CA1, v1;
	v0 =	vsel vm9, $0x1A91, v0  }
0xd7: {  	v2 =	vsel vm11, $0x3FC1, v2;
	v1 =	vsel vm10, $0x2D29, v1;
	v0 =	vsel vm8, $0x1B19, v0  }
0xd8: {  	v2 =	vsel vm10, $0x4049, v2;
	v1 =	vsel vm9, $0x2DB1, v1;
	v0 =	vsel vm7, $0x1BA1, v0  }
0xd9: {  	v2 =	vsel vm9, $0x40D1, v2;
	v1 =	vsel vm8, $0x2E39, v1;
	v0 =	vsel vm6, $0x2179, v0  }
0xda: {  	v2 =	vsel vm8, $0x4159, v2;
	v1 =	vsel vm7, $0x2EC1, v1;
	v0 =	vsel vm5, $0x2201, v0  }
0xdb: {  	v2 =	vsel vm7, $0x41E1, v2;
	v1 =	vsel vm6, $0x3499, v1;
	v0 =	vsel vm4, $0x2289, v0  }
0xdc: {  	v2 =	vsel vm6, $0x47B9, v2;
	v1 =	vsel vm5, $0x3521, v1;
	v0 =	vsel vm3, $0x2311, v0  }
0xdd: {  	v2 =	vsel vm5, $0x4841, v2;
	v1 =	vsel vm4, $0x35A9, v1;
	v0 =	vsel vm2, $0x2399, v0  }
0xde: {  	v2 =	vsel vm4, $0x48C9, v2;
	v1 =	vsel vm3, $0x3631, v1;
	v0 =	vsel vm1, $0x2421, v0  }
0xdf: {  	v2 =	vsel vm3, $0x4951, v2;
	v1 =	vsel vm2, $0x36B9, v1;
	v0 =	vsel vm0, $0x24A9, v0  }
0xe0: {  	[tilespmem:$0x1FC00] =	vst v0;
	v0 =	vsel vm1, $0x3741, v1;
	v1 =	vsel vm2, $0x49D9, v2  }
0xe1: {  	v58 =	vsel vm0, $0x37C9, v0;
	v0 =	vsel vm1, $0x4A61, v1;
	v1 =	vimm.s32 $0x1212  }
0xe2: {  	v56 =	vsel vm0, $0x4AE9, v0;
	v0 =	vsel vm14, $0x4CA, v1  }
0xe3: {  	v1 =	vimm.s32 $0x2532;
	v0 =	vsel vm13, $0x552, v0  }
0xe4: {  	v1 =	vsel vm14, $0x17EA, v1;
	v0 =	vsel vm12, $0x5DA, v0  }
0xe5: {  	v2 =	vimm.s32 $0x3852;
	v1 =	vsel vm13, $0x1872, v1;
	v0 =	vsel vm11, $0x662, v0  }
0xe6: {  	v2 =	vsel vm14, $0x2B0A, v2;
	v1 =	vsel vm12, $0x18FA, v1;
	v0 =	vsel vm10, $0x6EA, v0  }
0xe7: {  	v2 =	vsel vm13, $0x2B92, v2;
	v1 =	vsel vm11, $0x1982, v1;
	v0 =	vsel vm9, $0x772, v0  }
0xe8: {  	v2 =	vsel vm12, $0x2C1A, v2;
	v1 =	vsel vm10, $0x1A0A, v1;
	v0 =	vsel vm8, $0x7FA, v0  }
0xe9: {  	v2 =	vsel vm11, $0x2CA2, v2;
	v1 =	vsel vm9, $0x1A92, v1;
	v0 =	vsel vm7, $0x882, v0  }
0xea: {  	v2 =	vsel vm10, $0x2D2A, v2;
	v1 =	vsel vm8, $0x1B1A, v1;
	v0 =	vsel vm6, $0xE5A, v0  }
0xeb: {  	v2 =	vsel vm9, $0x2DB2, v2;
	v1 =	vsel vm7, $0x1BA2, v1;
	v0 =	vsel vm5, $0xEE2, v0  }
0xec: {  	v2 =	vsel vm8, $0x2E3A, v2;
	v1 =	vsel vm6, $0x217A, v1;
	v0 =	vsel vm4, $0xF6A, v0  }
0xed: {  	v2 =	vsel vm7, $0x2EC2, v2;
	v1 =	vsel vm5, $0x2202, v1;
	v0 =	vsel vm3, $0xFF2, v0  }
0xee: {  	v2 =	vsel vm6, $0x349A, v2;
	v1 =	vsel vm4, $0x228A, v1;
	v0 =	vsel vm2, $0x107A, v0  }
0xef: {  	v2 =	vsel vm5, $0x3522, v2;
	v1 =	vsel vm3, $0x2312, v1;
	v0 =	vsel vm1, $0x1102, v0  }
0xf0: {  	v2 =	vsel vm4, $0x35AA, v2;
	v1 =	vsel vm2, $0x239A, v1;
	v0 =	vsel vm0, $0x118A, v0  }
0xf1: {  	v2 =	vsel vm3, $0x3632, v2;
	[tilespmem:$0x1FC10] =	vst v0;
	v0 =	vsel vm1, $0x2422, v1  }
0xf2: {  	v1 =	vsel vm2, $0x36BA, v2;
	v0 =	vsel vm0, $0x24AA, v0  }
0xf3: {  	[tilespmem:$0x1FC20] =	vst v0;
	v0 =	vsel vm1, $0x3742, v1  }
0xf4: {  	v1 =	vimm.s32 $0x4B72;
	v0 =	vsel vm0, $0x37CA, v0  }
0xf5: {  	[tilespmem:$0x1FC30] =	vst v0;
	v0 =	vsel vm14, $0x3E2A, v1;
	v1 =	vimm.s32 $0x1213  }
0xf6: {  	v0 =	vsel vm13, $0x3EB2, v0;
	v1 =	vsel vm14, $0x4CB, v1  }
0xf7: {  	v2 =	vimm.s32 $0x2533;
	v0 =	vsel vm12, $0x3F3A, v0;
	v1 =	vsel vm13, $0x553, v1  }
0xf8: {  	v2 =	vsel vm14, $0x17EB, v2;
	v0 =	vsel vm11, $0x3FC2, v0;
	v1 =	vsel vm12, $0x5DB, v1  }
0xf9: {  	v2 =	vsel vm13, $0x1873, v2;
	v0 =	vsel vm10, $0x404A, v0;
	v1 =	vsel vm11, $0x663, v1  }
0xfa: {  	v2 =	vsel vm12, $0x18FB, v2;
	v0 =	vsel vm9, $0x40D2, v0;
	v1 =	vsel vm10, $0x6EB, v1  }
0xfb: {  	v2 =	vsel vm11, $0x1983, v2;
	v0 =	vsel vm8, $0x415A, v0;
	v1 =	vsel vm9, $0x773, v1  }
0xfc: {  	v2 =	vsel vm10, $0x1A0B, v2;
	v0 =	vsel vm7, $0x41E2, v0;
	v1 =	vsel vm8, $0x7FB, v1  }
0xfd: {  	v2 =	vsel vm9, $0x1A93, v2;
	v0 =	vsel vm6, $0x47BA, v0;
	v1 =	vsel vm7, $0x883, v1  }
0xfe: {  	v2 =	vsel vm8, $0x1B1B, v2;
	v0 =	vsel vm5, $0x4842, v0;
	v1 =	vsel vm6, $0xE5B, v1  }
0xff: {  	v2 =	vsel vm7, $0x1BA3, v2;
	v0 =	vsel vm4, $0x48CA, v0;
	v1 =	vsel vm5, $0xEE3, v1  }
0x100: {  	v2 =	vsel vm6, $0x217B, v2;
	v0 =	vsel vm3, $0x4952, v0;
	v1 =	vsel vm4, $0xF6B, v1  }
0x101: {  	v2 =	vsel vm5, $0x2203, v2;
	v0 =	vsel vm2, $0x49DA, v0;
	v1 =	vsel vm3, $0xFF3, v1  }
0x102: {  	v2 =	vsel vm4, $0x228B, v2;
	v0 =	vsel vm1, $0x4A62, v0;
	v1 =	vsel vm2, $0x107B, v1  }
0x103: {  	v2 =	vsel vm3, $0x2313, v2;
	v54 =	vsel vm0, $0x4AEA, v0;
	v0 =	vsel vm1, $0x1103, v1  }
0x104: {  	v1 =	vsel vm2, $0x239B, v2;
	v0 =	vsel vm0, $0x118B, v0  }
0x105: {  	[tilespmem:$0x1FC40] =	vst v0;
	v0 =	vsel vm1, $0x2423, v1  }
0x106: {  	v1 =	vimm.s32 $0x3853;
	v0 =	vsel vm0, $0x24AB, v0  }
0x107: {  	[tilespmem:$0x1FC50] =	vst v0;
	v0 =	vsel vm14, $0x2B0B, v1  }
0x108: {  	v1 =	vimm.s32 $0x4B73;
	v0 =	vsel vm13, $0x2B93, v0  }
0x109: {  	v2 =	vimm.s32 $0x1214;
	v1 =	vsel vm14, $0x3E2B, v1;
	v0 =	vsel vm12, $0x2C1B, v0  }
0x10a: {  	v2 =	vsel vm14, $0x4CC, v2;
	v1 =	vsel vm13, $0x3EB3, v1;
	v0 =	vsel vm11, $0x2CA3, v0  }
0x10b: {  	v2 =	vsel vm13, $0x554, v2;
	v1 =	vsel vm12, $0x3F3B, v1;
	v0 =	vsel vm10, $0x2D2B, v0  }
0x10c: {  	v2 =	vsel vm12, $0x5DC, v2;
	v1 =	vsel vm11, $0x3FC3, v1;
	v0 =	vsel vm9, $0x2DB3, v0  }
0x10d: {  	v2 =	vsel vm11, $0x664, v2;
	v1 =	vsel vm10, $0x404B, v1;
	v0 =	vsel vm8, $0x2E3B, v0  }
0x10e: {  	v2 =	vsel vm10, $0x6EC, v2;
	v1 =	vsel vm9, $0x40D3, v1;
	v0 =	vsel vm7, $0x2EC3, v0  }
0x10f: {  	v2 =	vsel vm9, $0x774, v2;
	v1 =	vsel vm8, $0x415B, v1;
	v0 =	vsel vm6, $0x349B, v0  }
0x110: {  	v2 =	vsel vm8, $0x7FC, v2;
	v1 =	vsel vm7, $0x41E3, v1;
	v0 =	vsel vm5, $0x3523, v0  }
0x111: {  	v2 =	vsel vm7, $0x884, v2;
	v1 =	vsel vm6, $0x47BB, v1;
	v0 =	vsel vm4, $0x35AB, v0  }
0x112: {  	s0 =	srdreg.scid;
	s2 =	stileid.u32;
	v2 =	vsel vm6, $0xE5C, v2;
	v1 =	vsel vm5, $0x4843, v1;
	v0 =	vsel vm3, $0x3633, v0  }
0x113: {  	s0 =	sand.u32 $0x1, s0;
	s3 =	sshll.u32 s2, $0x1;
	v2 =	vsel vm5, $0xEE4, v2;
	v1 =	vsel vm4, $0x48CB, v1;
	v0 =	vsel vm2, $0x36BB, v0  }
0x114: {  	s1 =	rddreg [dreg:$0x0];
	s5 =	sor.u32 s0, s3;
	s3 =	simm.s32 $0x0;
	v2 =	vsel vm4, $0xF6C, v2;
	v1 =	vsel vm3, $0x4953, v1;
	v0 =	vsel vm1, $0x3743, v0  }
0x115: {  	[smem:$0x7FF] =	sst s3;
	v2 =	vsel vm3, $0xFF4, v2;
	v1 =	vsel vm2, $0x49DB, v1;
	v0 =	vsel vm0, $0x37CB, v0  }
0x116: {  	s2 =	rddreg [dreg:$0x1];
	_ =	strace $0x80000047;
	[tilespmem:$0x1FC60] =	vst v0;
	v0 =	vsel vm1, $0x4A63, v1;
	v1 =	vsel vm2, $0x107C, v2  }
0x117: {  	v29 =	vsel vm0, $0x4AEB, v0;
	v0 =	vsel vm1, $0x1104, v1  }
0x118: {  	v1 =	vimm.s32 $0x2534;
	v0 =	vsel vm0, $0x118C, v0  }
0x119: {  	[tilespmem:$0x1FC70] =	vst v0;
	v0 =	vsel vm14, $0x17EC, v1;
	v1 =	vimm.s32 $0x3854  }
0x11a: {  	v2 =	vimm.s32 $0x4B74;
	v0 =	vsel vm13, $0x1874, v0;
	v1 =	vsel vm14, $0x2B0C, v1  }
0x11b: {  	v2 =	vsel vm14, $0x3E2C, v2;
	v0 =	vsel vm12, $0x18FC, v0;
	v1 =	vsel vm13, $0x2B94, v1  }
0x11c: {  	v2 =	vsel vm13, $0x3EB4, v2;
	v0 =	vsel vm11, $0x1984, v0;
	v1 =	vsel vm12, $0x2C1C, v1  }
0x11d: {  	v2 =	vsel vm12, $0x3F3C, v2;
	v0 =	vsel vm10, $0x1A0C, v0;
	v1 =	vsel vm11, $0x2CA4, v1  }
0x11e: {  	v2 =	vsel vm11, $0x3FC4, v2;
	v0 =	vsel vm9, $0x1A94, v0;
	v1 =	vsel vm10, $0x2D2C, v1  }
0x11f: {  	v2 =	vsel vm10, $0x404C, v2;
	v0 =	vsel vm8, $0x1B1C, v0;
	v1 =	vsel vm9, $0x2DB4, v1  }
0x120: {  	v2 =	vsel vm9, $0x40D4, v2;
	v0 =	vsel vm7, $0x1BA4, v0;
	v1 =	vsel vm8, $0x2E3C, v1  }
0x121: {  	v2 =	vsel vm8, $0x415C, v2;
	v0 =	vsel vm6, $0x217C, v0;
	v1 =	vsel vm7, $0x2EC4, v1  }
0x122: {  	v2 =	vsel vm7, $0x41E4, v2;
	v0 =	vsel vm5, $0x2204, v0;
	v1 =	vsel vm6, $0x349C, v1  }
0x123: {  	v2 =	vsel vm6, $0x47BC, v2;
	v0 =	vsel vm4, $0x228C, v0;
	v1 =	vsel vm5, $0x3524, v1  }
0x124: {  	v2 =	vsel vm5, $0x4844, v2;
	v0 =	vsel vm3, $0x2314, v0;
	v1 =	vsel vm4, $0x35AC, v1  }
0x125: {  	v2 =	vsel vm4, $0x48CC, v2;
	v0 =	vsel vm2, $0x239C, v0;
	v1 =	vsel vm3, $0x3634, v1  }
0x126: {  	v2 =	vsel vm3, $0x4954, v2;
	v0 =	vsel vm1, $0x2424, v0;
	v1 =	vsel vm2, $0x36BC, v1  }
0x127: {  	v9 =	vsel vm0, $0x24AC, v0;
	v0 =	vsel vm1, $0x3744, v1;
	v1 =	vsel vm2, $0x49DC, v2  }
0x128: {  	v14 =	vsel vm0, $0x37CC, v0;
	v0 =	vsel vm1, $0x4A64, v1;
	v1 =	vimm.s32 $0x1215  }
0x129: {  	v13 =	vsel vm0, $0x4AEC, v0;
	v0 =	vsel vm14, $0x4CD, v1;
	v1 =	vimm.s32 $0x2535  }
0x12a: {  	v2 =	vimm.s32 $0x3855;
	v0 =	vsel vm13, $0x555, v0;
	v1 =	vsel vm14, $0x17ED, v1  }
0x12b: {  	v2 =	vsel vm14, $0x2B0D, v2;
	v0 =	vsel vm12, $0x5DD, v0;
	v1 =	vsel vm13, $0x1875, v1  }
0x12c: {  	v2 =	vsel vm13, $0x2B95, v2;
	v0 =	vsel vm11, $0x665, v0;
	v1 =	vsel vm12, $0x18FD, v1  }
0x12d: {  	v2 =	vsel vm12, $0x2C1D, v2;
	v0 =	vsel vm10, $0x6ED, v0;
	v1 =	vsel vm11, $0x1985, v1  }
0x12e: {  	v2 =	vsel vm11, $0x2CA5, v2;
	v0 =	vsel vm9, $0x775, v0;
	v1 =	vsel vm10, $0x1A0D, v1  }
0x12f: {  	v2 =	vsel vm10, $0x2D2D, v2;
	v0 =	vsel vm8, $0x7FD, v0;
	v1 =	vsel vm9, $0x1A95, v1  }
0x130: {  	v2 =	vsel vm9, $0x2DB5, v2;
	v0 =	vsel vm7, $0x885, v0;
	v1 =	vsel vm8, $0x1B1D, v1  }
0x131: {  	v2 =	vsel vm8, $0x2E3D, v2;
	v0 =	vsel vm6, $0xE5D, v0;
	v1 =	vsel vm7, $0x1BA5, v1  }
0x132: {  	v2 =	vsel vm7, $0x2EC5, v2;
	v0 =	vsel vm5, $0xEE5, v0;
	v1 =	vsel vm6, $0x217D, v1  }
0x133: {  	v2 =	vsel vm6, $0x349D, v2;
	v0 =	vsel vm4, $0xF6D, v0;
	v1 =	vsel vm5, $0x2205, v1  }
0x134: {  	v2 =	vsel vm5, $0x3525, v2;
	v0 =	vsel vm3, $0xFF5, v0;
	v1 =	vsel vm4, $0x228D, v1  }
0x135: {  	[tilespmem:$0x1FCA0] =	vst v32;
	v2 =	vsel vm4, $0x35AD, v2;
	v0 =	vsel vm2, $0x107D, v0;
	v1 =	vsel vm3, $0x2315, v1  }
0x136: {  	[tilespmem:$0x1FCB0] =	vst v60;
	v2 =	vsel vm3, $0x3635, v2;
	v0 =	vsel vm1, $0x1105, v0;
	v1 =	vsel vm2, $0x239D, v1  }
0x137: {  	[tilespmem:$0x1FCC0] =	vst v61;
	v15 =	vsel vm0, $0x118D, v0;
	v0 =	vsel vm1, $0x2425, v1;
	v1 =	vsel vm2, $0x36BD, v2  }
0x138: {  	[tilespmem:$0x1FCD0] =	vst v62;
	v17 =	vsel vm0, $0x24AD, v0;
	v0 =	vsel vm1, $0x3745, v1  }
0x139: {  	[tilespmem:$0x1FCE0] =	vst v35;
	v1 =	vimm.s32 $0x4B75;
	v0 =	vsel vm0, $0x37CD, v0  }
0x13a: {  	v28 =	vlaneseq.u32;
	[tilespmem:$0x1FC80] =	vst v0;
	v0 =	vsel vm14, $0x3E2D, v1;
	v1 =	vimm.s32 $0x1216  }
0x13b: {  	[tilespmem:$0x1FCF0] =	vst v63;
	v2 =	vimm.s32 $0x2536;
	v0 =	vsel vm13, $0x3EB5, v0;
	v1 =	vsel vm14, $0x4CE, v1  }
0x13c: {  	[tilespmem:$0x1FD00] =	vst v24;
	v2 =	vsel vm14, $0x17EE, v2;
	v0 =	vsel vm12, $0x3F3D, v0;
	v1 =	vsel vm13, $0x556, v1  }
0x13d: {  	[tilespmem:$0x1FD10] =	vst v25;
	v2 =	vsel vm13, $0x1876, v2;
	v0 =	vsel vm11, $0x3FC5, v0;
	v1 =	vsel vm12, $0x5DE, v1  }
0x13e: {  	[tilespmem:$0x1FD20] =	vst v36;
	v2 =	vsel vm12, $0x18FE, v2;
	v0 =	vsel vm10, $0x404D, v0;
	v1 =	vsel vm11, $0x666, v1  }
0x13f: {  	[tilespmem:$0x1FD30] =	vst v26;
	v2 =	vsel vm11, $0x1986, v2;
	v0 =	vsel vm9, $0x40D5, v0;
	v1 =	vsel vm10, $0x6EE, v1  }
0x140: {  	[tilespmem:$0x1FD40] =	vst v27;
	v2 =	vsel vm10, $0x1A0E, v2;
	v0 =	vsel vm8, $0x415D, v0;
	v1 =	vsel vm9, $0x776, v1  }
0x141: {  	[tilespmem:$0x1FD50] =	vst v30;
	v2 =	vsel vm9, $0x1A96, v2;
	v0 =	vsel vm7, $0x41E5, v0;
	v1 =	vsel vm8, $0x7FE, v1  }
0x142: {  	[tilespmem:$0x1FD60] =	vst v31;
	v2 =	vsel vm8, $0x1B1E, v2;
	v0 =	vsel vm6, $0x47BD, v0;
	v1 =	vsel vm7, $0x886, v1  }
0x143: {  	[tilespmem:$0x1FD70] =	vst v33;
	v2 =	vsel vm7, $0x1BA6, v2;
	v0 =	vsel vm5, $0x4845, v0;
	v1 =	vsel vm6, $0xE5E, v1  }
0x144: {  	[tilespmem:$0x1FD80] =	vst v53;
	v2 =	vsel vm6, $0x217E, v2;
	v0 =	vsel vm4, $0x48CD, v0;
	v1 =	vsel vm5, $0xEE6, v1  }
0x145: {  	[tilespmem:$0x1FD90] =	vst v59;
	v2 =	vsel vm5, $0x2206, v2;
	v0 =	vsel vm3, $0x4955, v0;
	v1 =	vsel vm4, $0xF6E, v1  }
0x146: {  	[tilespmem:$0x1FDA0] =	vst v12;
	v2 =	vsel vm4, $0x228E, v2;
	v0 =	vsel vm2, $0x49DD, v0;
	v1 =	vsel vm3, $0xFF6, v1  }
0x147: {  	[tilespmem:$0x1FDB0] =	vst v38;
	v2 =	vsel vm3, $0x2316, v2;
	v0 =	vsel vm1, $0x4A65, v0;
	v1 =	vsel vm2, $0x107E, v1  }
0x148: {  	[tilespmem:$0x1FDC0] =	vst v39;
	v16 =	vsel vm0, $0x4AED, v0;
	v0 =	vsel vm1, $0x1106, v1;
	v1 =	vsel vm2, $0x239E, v2  }
0x149: {  	[tilespmem:$0x1FDD0] =	vst v40;
	v18 =	vsel vm0, $0x118E, v0;
	v0 =	vsel vm1, $0x2426, v1;
	v1 =	vimm.s32 $0x3856  }
0x14a: {  	[tilespmem:$0x1FDE0] =	vst v37;
	v19 =	vsel vm0, $0x24AE, v0;
	v0 =	vsel vm14, $0x2B0E, v1;
	v1 =	vimm.s32 $0x4B76  }
0x14b: {  	[tilespmem:$0x1FDF0] =	vst v41;
	v2 =	vimm.s32 $0x1217;
	v0 =	vsel vm13, $0x2B96, v0;
	v1 =	vsel vm14, $0x3E2E, v1  }
0x14c: {  	[tilespmem:$0x1FE00] =	vst v42;
	v2 =	vsel vm14, $0x4CF, v2;
	v0 =	vsel vm12, $0x2C1E, v0;
	v1 =	vsel vm13, $0x3EB6, v1  }
0x14d: {  	[tilespmem:$0x1FE10] =	vst v43;
	v2 =	vsel vm13, $0x557, v2;
	v0 =	vsel vm11, $0x2CA6, v0;
	v1 =	vsel vm12, $0x3F3E, v1  }
0x14e: {  	[tilespmem:$0x1FE20] =	vst v44;
	v2 =	vsel vm12, $0x5DF, v2;
	v0 =	vsel vm10, $0x2D2E, v0;
	v1 =	vsel vm11, $0x3FC6, v1  }
0x14f: {  	[tilespmem:$0x1FE30] =	vst v45;
	v2 =	vsel vm11, $0x667, v2;
	v0 =	vsel vm9, $0x2DB6, v0;
	v1 =	vsel vm10, $0x404E, v1  }
0x150: {  	[tilespmem:$0x1FE40] =	vst v46;
	v2 =	vsel vm10, $0x6EF, v2;
	v0 =	vsel vm8, $0x2E3E, v0;
	v1 =	vsel vm9, $0x40D6, v1  }
0x151: {  	[tilespmem:$0x1FE50] =	vst v47;
	v2 =	vsel vm9, $0x777, v2;
	v0 =	vsel vm7, $0x2EC6, v0;
	v1 =	vsel vm8, $0x415E, v1  }
0x152: {  	[tilespmem:$0x1FE60] =	vst v49;
	v2 =	vsel vm8, $0x7FF, v2;
	v0 =	vsel vm6, $0x349E, v0;
	v1 =	vsel vm7, $0x41E6, v1  }
0x153: {  	[tilespmem:$0x1FE70] =	vst v50;
	v2 =	vsel vm7, $0x887, v2;
	v0 =	vsel vm5, $0x3526, v0;
	v1 =	vsel vm6, $0x47BE, v1  }
0x154: {  	[tilespmem:$0x1FE80] =	vst v51;
	v2 =	vsel vm6, $0xE5F, v2;
	v0 =	vsel vm4, $0x35AE, v0;
	v1 =	vsel vm5, $0x4846, v1  }
0x155: {  	[tilespmem:$0x1FE90] =	vst v52;
	v2 =	vsel vm5, $0xEE7, v2;
	v0 =	vsel vm3, $0x3636, v0;
	v1 =	vsel vm4, $0x48CE, v1  }
0x156: {  	[tilespmem:$0x1FEA0] =	vst v34;
	v2 =	vsel vm4, $0xF6F, v2;
	v0 =	vsel vm2, $0x36BE, v0;
	v1 =	vsel vm3, $0x4956, v1  }
0x157: {  	[tilespmem:$0x1FEB0] =	vst v7;
	v2 =	vsel vm3, $0xFF7, v2;
	v0 =	vsel vm1, $0x3746, v0;
	v1 =	vsel vm2, $0x49DE, v1  }
0x158: {  	[tilespmem:$0x1FEC0] =	vst v57;
	v20 =	vsel vm0, $0x37CE, v0;
	v0 =	vsel vm1, $0x4A66, v1;
	v1 =	vsel vm2, $0x107F, v2  }
0x159: {  	v23 =	vmul.u32 $0x32, v28;
	[tilespmem:$0x1FED0] =	vst v55;
	v21 =	vsel vm0, $0x4AEE, v0;
	v0 =	vsel vm1, $0x1107, v1  }
0x15a: {  	v3 =	vor.u32 $0x2000, v28;
	[tilespmem:$0x1FEE0] =	vst v58;
	v1 =	vimm.s32 $0x2537;
	v0 =	vsel vm0, $0x118F, v0  }
0x15b: {  	v4 =	vor.u32 $0x2010, v28;
	[tilespmem:$0x1FC90] =	vst v0;
	v0 =	vsel vm14, $0x17EF, v1;
	v1 =	vimm.s32 $0x3857  }
0x15c: {  	[tilespmem:$0x1FEF0] =	vst v56;
	v2 =	vimm.s32 $0x4B77;
	v0 =	vsel vm13, $0x1877, v0;
	v1 =	vsel vm14, $0x2B0F, v1  }
0x15d: {  	[tilespmem:$0x1FF00] =	vst v54;
	v2 =	vsel vm14, $0x3E2F, v2;
	v0 =	vsel vm12, $0x18FF, v0;
	v1 =	vsel vm13, $0x2B97, v1  }
0x15e: {  	[tilespmem:$0x1FFE0] =	vst v23;
	v2 =	vsel vm13, $0x3EB7, v2;
	v0 =	vsel vm11, $0x1987, v0;
	v1 =	vsel vm12, $0x2C1F, v1  }
0x15f: {  	[tilespmem:$0x1FF10] =	vst v29;
	v2 =	vsel vm12, $0x3F3F, v2;
	v0 =	vsel vm10, $0x1A0F, v0;
	v1 =	vsel vm11, $0x2CA7, v1  }
0x160: {  	[tilespmem:$0x1FF20] =	vst v9;
	v2 =	vsel vm11, $0x3FC7, v2;
	v0 =	vsel vm9, $0x1A97, v0;
	v1 =	vsel vm10, $0x2D2F, v1  }
0x161: {  	[tilespmem:$0x1FF30] =	vst v14;
	v2 =	vsel vm10, $0x404F, v2;
	v0 =	vsel vm8, $0x1B1F, v0;
	v1 =	vsel vm9, $0x2DB7, v1  }
0x162: {  	[tilespmem:$0x1FF40] =	vst v13;
	v2 =	vsel vm9, $0x40D7, v2;
	v0 =	vsel vm7, $0x1BA7, v0;
	v1 =	vsel vm8, $0x2E3F, v1  }
0x163: {  	s19 =	simm.s32 $0xC800;
	[tilespmem:$0x1FF50] =	vst v15;
	v2 =	vsel vm8, $0x415F, v2;
	v0 =	vsel vm6, $0x217F, v0;
	v1 =	vsel vm7, $0x2EC7, v1  }
0x164: {  	s17 =	simm.s32 $0x80;
	s22 =	simm.s32 $0x10800;
	s25 =	simm.s32 $0x14800;
	[tilespmem:$0x1FF60] =	vst v17;
	v2 =	vsel vm7, $0x41E7, v2;
	v0 =	vsel vm5, $0x2207, v0;
	v1 =	vsel vm6, $0x349F, v1  }
0x165: {  	s24 =	simm.s32 $0x1;
	s30 =	simm.s32 $0x19480;
	s8 =	sadd.s32 $0x8000, s2;
	[tilespmem:$0x1FF70] =	vst v16;
	v2 =	vsel vm6, $0x47BF, v2;
	v0 =	vsel vm4, $0x228F, v0;
	v1 =	vsel vm5, $0x3527, v1  }
0x166: {  	s28 =	simm.s32 $0x2;
	s9 =	sadd.s32 $0xC000, s2;
	s10 =	sadd.s32 $0x10000, s2;
	[tilespmem:$0x1FF80] =	vst v18;
	v2 =	vsel vm5, $0x4847, v2;
	v0 =	vsel vm3, $0x2317, v0;
	v1 =	vsel vm4, $0x35AF, v1  }
0x167: {  	s0 =	ssub.s32 $0x2, s0;
	s11 =	sadd.s32 $0x14000, s2;
	s4 =	smul.u32 $0xC80, s5;
	[tilespmem:$0x1FF90] =	vst v19;
	v2 =	vsel vm4, $0x48CF, v2;
	v0 =	vsel vm2, $0x239F, v0;
	v1 =	vsel vm3, $0x3637, v1  }
0x168: {  	s12 =	sadd.s32 $0x18000, s2;
	s13 =	sadd.s32 $0x1C000, s2;
	s7 =	sshrl.u32 s0, $0x1;
	[tilespmem:$0x1FFA0] =	vst v20;
	v2 =	vsel vm3, $0x4957, v2;
	v0 =	vsel vm1, $0x2427, v0;
	v1 =	vsel vm2, $0x36BF, v1  }
0x169: {  	s0 =	ssub.s32 s0, s7;
	s7 =	sadd.s32 $0x4000, s2;
	s6 =	sadd.s32 s4, s1;
	[tilespmem:$0x1FFB0] =	vst v21;
	v22 =	vsel vm0, $0x24AF, v0;
	v0 =	vsel vm1, $0x3747, v1;
	v1 =	vsel vm2, $0x49DF, v2  }
0x16a: {  	s29 =	simm.s32 $0x4;
	s4 =	sadd.s32 $0x1A0200, s1;
	s31 =	sadd.s32 $0x800, s6;
	v48 =	vsel vm0, $0x37CF, v0;
	v10 =	vsel vm1, $0x4A67, v1;
	[tilespmem:$0x1FFC0] =	vst v22  }
0x16b: {  	v5 =	vor.u32 $0x2020, v28;
	v6 =	vor.u32 $0x2030, v28;
	s0 =	smax.u32 s0, $0x1;
	s6 =	sshll.u32 s5, $0xC;
	[dreg:$0x3] =	wrdreg s31;
	v11 =	vsel vm0, $0x4AEF, v10;
	[tilespmem:$0x1FFD0] =	vst v48  }
0x16c: {  	s1 =	simm.s32 $0x0;
	s14 =	sor.u32 $0x800, s6;
	[dreg:$0x4] =	wrdreg s0;
	v2 =	vor.u32 $0x30, v28;
	v0 =	vor.u32 $0x10, v28;
	v1 =	vor.u32 $0x20, v28;
	[tilespmem:$0x1FFF0] =	vst v11  }
.LBB2_1:
0x16d: {  	[dreg:$0x5] =	wrdreg s1  }
0x16e: {  	s0 =	rddreg [dreg:$0x3];
	s31 =	simm.s32 $0x5  }
0x16f: {  	[tilespmem:s3], [sflag:$0x5] =	stream.linear.gather [hbm4b:s0+s3], $0x6400, $0x38;
	[tilespmem:$0x1E100] =	vst v63  }
0x170: {  	_ =	swait.ge [sflag:s31], $0x6400  }
0x171: {  	[sflag:s31] =	ssyncset.done $0x0  }
0x172: {  	s15 =	simm.s32 $0x6400;
	s16 =	simm.s32 $0x0;
	[sflag:s31] =	ssyncadd.s32 $0xFFFF9C00  }
.LBB2_2:
0x173: {  	s21 =	smul.u32 $0x320, s16;
	_ =	sdelay $0x1  }
0x174: {  	v9 =	vadd.s32 s21, v23;
	_ =	sdelay $0x4  }
0x175: {  	v8 =	vmov s15;
	s23 =	simm.s32 $0x800;
	s21 =	simm.s32 $0x0;
	v10 =	vld.idx.msk [tilespmem:v9+s3+$0x0], $0xffff  }
.LBB2_3:
0x176: {  	p0 =	sne.s32 s23, $0x18800  }
0x177: {  	v9 =	vadd.s32 $0x1, v9  }
.Ltmp0:
0x178: {  	(pc) =	sbr.rel @p0 .LBB2_3-.Ltmp0, $4  }
0x179: {  	_ = 	snop  }
0x17a: {  	s26 =	sshra.s32 s21, $0x2;
	s21 =	smov.u32 s23  }
0x17b: {  	[tilespmem:v8+s26+$0x0 ss:$0x1] =	vst.idx.msk $0xffff, v10  }
0x17c: {  	s23 =	sadd.s32 $0x800, s23;
	v10 =	vld.idx.msk [tilespmem:v9+s3+$0x0], $0xffff  }
0x17d: {  	s16 =	sadd.s32 $0x1, s16  }
0x17e: {  	p0 =	sne.s32 s16, $0x20  }
.Ltmp1:
0x17f: {  	_ = 	snop;
	(pc) =	sbr.rel @p0 .LBB2_2-.Ltmp1, $3  }
0x180: {  	_ =	sdelay $0x1  }
0x181: {  	s21 =	sshra.s32 s21, $0x2  }
0x182: {  	s15 =	sadd.s32 $0x10, s15;
	[tilespmem:v8+s21+$0x0 ss:$0x1] =	vst.idx.msk $0xffff, v10  }
0x183: {  	s0 =	simm.s32 $0x6400;
	s31 =	simm.s32 $0x6480  }
0x184: {  	[tilespmem:s19], [sflag:$0x1] =	stream.indirect.gather [hbm4b:s4+s17], $0x40, s0, s17, $0xb8;
	[tilespmem:$0x1E100] =	vst v63  }
0x185: {  	s1 =	simm.s32 $0xE800;
	s15 =	simm.s32 $0x0;
	s16 =	simm.s32 $0x0  }
0x186: {  	[tilespmem:s1], [sflag:$0x1] =	stream.indirect.gather [hbm4b:s4+s17], $0x40, s31, s17, $0xb8;
	[tilespmem:$0x1E100] =	vst v63  }
.LBB2_6:
0x187: {  	s21 =	sshll.u32 s16, $0xB  }
0x188: {  	s21 =	sshra.s32 s21, $0x2  }
0x189: {  	s23 =	sadd.s32 $0x6500, s21  }
0x18a: {  	[tilespmem:s22], [sflag:$0x2] =	stream.indirect.gather [hbm4b:s4+s17], $0x40, s23, s17, $0xb8;
	[tilespmem:$0x1E100] =	vst v63  }
0x18b: {  	s0 =	simm.s32 $0x12800;
	s5 =	sadd.s32 $0x6580, s21  }
0x18c: {  	[tilespmem:s0], [sflag:$0x2] =	stream.indirect.gather [hbm4b:s4+s17], $0x40, s5, s17, $0xb8;
	[tilespmem:$0x1E100] =	vst v63  }
0x18d: {  	_ =	swait.ge [sflag:s24], $0x4000  }
0x18e: {  	p0 =	seq.s32 s16, $0x0;
	[sflag:s24] =	ssyncset.done $0x0  }
0x18f: {  	s23 =	simm.s32 @!p0 $0x3;
	[sflag:s24] =	ssyncadd.s32 $0xFFFFC000  }
0x190: {  	_ =	swait.ge @!p0 [sflag:s23], $0x800  }
0x191: {  	[sflag:s23] =	ssyncset.done @!p0 $0x0  }
0x192: {  	[sflag:s23] =	ssyncadd.s32 @!p0 $0xFFFFF800  }
0x193: {  	_ =	swait.ge @!p0 [sflag:s23], $0x800  }
0x194: {  	[sflag:s23] =	ssyncset.done @!p0 $0x0  }
0x195: {  	[sflag:s23] =	ssyncadd.s32 @!p0 $0xFFFFF800  }
0x196: {  	_ =	swait.ge @!p0 [sflag:s23], $0x800  }
0x197: {  	[sflag:s23] =	ssyncset.done @!p0 $0x0  }
0x198: {  	[sflag:s23] =	ssyncadd.s32 @!p0 $0xFFFFF800  }
0x199: {  	_ =	swait.ge @!p0 [sflag:s23], $0x800  }
0x19a: {  	[sflag:s23] =	ssyncset.done @!p0 $0x0  }
0x19b: {  	[sflag:s23] =	ssyncadd.s32 @!p0 $0xFFFFF800  }
0x19c: {  	_ =	swait.ge @!p0 [sflag:s23], $0x800  }
0x19d: {  	[sflag:s23] =	ssyncset.done @!p0 $0x0  }
0x19e: {  	s26 =	simm.s32 $0x4;
	[sflag:s23] =	ssyncadd.s32 @!p0 $0xFFFFF800  }
0x19f: {  	v8 =	vmov s15;
	s31 =	simm.s32 $0x5;
	s1 =	simm.s32 $0x6;
	v7 =	vlaneseq.u32;
	_ =	swait.ge @!p0 [sflag:s23], $0x800  }
0x1a0: {  	s18 =	simm.s32 $0x1;
	s20 =	simm.s32 $0x2;
	v9 =	vmov s26;
	v11 =	vmov s31;
	v12 =	vmov s1;
	[sflag:s23] =	ssyncset.done @!p0 $0x0  }
0x1a1: {  	v10 =	vmov s18;
	v8 =	vshll.u32 v8, $0x6;
	v13 =	vmov s20;
	[sflag:s23] =	ssyncadd.s32 @!p0 $0xFFFFF800  }
0x1a2: {  	v14 =	vshll.u32 v10, $0x6;
	v15 =	vshll.u32 v13, $0x6;
	v16 =	vshll.u32 v12, $0x6;
	_ =	swait.ge @!p0 [sflag:s23], $0x800  }
0x1a3: {  	s26 =	simm.s32 $0x7;
	s31 =	simm.s32 $0x3;
	v17 =	vor.u32 v28, v8;
	v20 =	vshll.u32 v11, $0x6;
	v18 =	vor.u32 v28, v14;
	[sflag:s23] =	ssyncset.done @!p0 $0x0  }
0x1a4: {  	v21 =	vshll.u32 v9, $0x6;
	v22 =	vmov s26;
	v23 =	vmov s31;
	[sflag:s23] =	ssyncadd.s32 @!p0 $0xFFFFF800  }
0x1a5: {  	v55 =	vmovc v26;
	v58 =	vmovc v33;
	v33 =	vand.u32 $0x78, v13;
	v19 =	vor.u32 v28, v15;
	v26 =	vor.u32 v28, v21;
	_ =	swait.ge @!p0 [sflag:s23], $0x800  }
0x1a6: {  	v48 =	vmovc v24;
	v57 =	vmovc v31;
	v31 =	vshll.u32 v23, $0x6;
	v34 =	vand.u32 $0x78, v23;
	v23 =	vadd.s32 v36, v33;
	[sflag:s23] =	ssyncset.done @!p0 $0x0;
	v36 =	vld [tilespmem:$0x1FDA0]  }
0x1a7: {  	v54 =	vmovc v25;
	v56 =	vmovc v27;
	v29 =	vand.u32 $0x78, v10;
	v25 =	vshll.u32 v22, $0x6;
	v27 =	vor.u32 v28, v20;
	[sflag:s23] =	ssyncadd.s32 @!p0 $0xFFFFF800  }
0x1a8: {  	v24 =	vor.u32 v28, v16;
	v28 =	vor.u32 v28, v25;
	v13 =	vld.idx.msk [tilespmem:v18+s19+$0x0], $0xffff;
	v18 =	vadd.s32 v35, v29  }
0x1a9: {  	v32 =	vadd.s32 s15, v32;
	v30 =	vor.u32 v7, v31;
	v17 =	vld.idx.msk [tilespmem:v17+s19+$0x0], $0xffff  }
0x1aa: {  	v10 =	vand.u32 $0x78, v9;
	v9 =	vand.u32 $0x78, v11;
	v19 =	vld.idx.msk [tilespmem:v19+s19+$0x0], $0xffff  }
0x1ab: {  	v11 =	vor.u32 v0, v8;
	v22 =	vand.u32 $0x78, v22;
	v26 =	vld.idx.msk [tilespmem:v26+s19+$0x0], $0xffff;
	v35 =	vadd.s32 v36, v10  }
0x1ac: {  	v37 =	vadd.s32 v37, v9;
	v27 =	vld.idx.msk [tilespmem:v27+s19+$0x0], $0xffff;
	v36 =	vand.u32 $0x78, v12;
	v12 =	vor.u32 v0, v15  }
0x1ad: {  	[tilespmem:v18+s25+$0x0] =	vst.idx.msk $0xffff, v13;
	v13 =	vor.u32 v0, v14;
	v18 =	vld.idx.msk [tilespmem:v28+s19+$0x0], $0xffff;
	v28 =	vadd.s32 v49, v22  }
0x1ae: {  	v30 =	vld.idx.msk [tilespmem:v30+s19+$0x0], $0xffff;
	[tilespmem:v32+s25+$0x0] =	vst.idx.msk $0xffff, v17;
	v17 =	vor.u32 v0, v21;
	v32 =	vadd.s32 v57, v34  }
0x1af: {  	[tilespmem:v23+s25+$0x0] =	vst.idx.msk $0xffff, v19;
	v23 =	vld.idx.msk [tilespmem:v24+s19+$0x0], $0xffff;
	v24 =	vadd.s32 v44, v36  }
0x1b0: {  	v19 =	vor.u32 v0, v31;
	v11 =	vld.idx.msk [tilespmem:v11+s19+$0x0], $0xffff;
	[tilespmem:v35+s25+$0x0] =	vst.idx.msk $0xffff, v26;
	v35 =	vadd.s32 s15, v60  }
0x1b1: {  	[tilespmem:v37+s25+$0x0] =	vst.idx.msk $0xffff, v27;
	v27 =	vor.u32 v0, v16;
	v57 =	vadd.s32 v55, v33;
	v12 =	vld.idx.msk [tilespmem:v12+s19+$0x0], $0xffff  }
0x1b2: {  	v26 =	vor.u32 v0, v25;
	v13 =	vld.idx.msk [tilespmem:v13+s19+$0x0], $0xffff;
	[tilespmem:v28+s25+$0x0] =	vst.idx.msk $0xffff, v18;
	v28 =	vadd.s32 v63, v29  }
0x1b3: {  	v38 =	vadd.s32 v38, v10;
	[tilespmem:v32+s25+$0x0] =	vst.idx.msk $0xffff, v30;
	v30 =	vor.u32 v1, v8;
	v17 =	vld.idx.msk [tilespmem:v17+s19+$0x0], $0xffff  }
0x1b4: {  	v18 =	vor.u32 v1, v15;
	[tilespmem:v24+s25+$0x0] =	vst.idx.msk $0xffff, v23  }
0x1b5: {  	v23 =	vor.u32 v1, v21;
	v24 =	vadd.s32 v58, v34;
	v19 =	vld.idx.msk [tilespmem:v19+s19+$0x0], $0xffff;
	[tilespmem:v35+s25+$0x0] =	vst.idx.msk $0xffff, v11  }
0x1b6: {  	v55 =	vadd.s32 v45, v36;
	v27 =	vld.idx.msk [tilespmem:v27+s19+$0x0], $0xffff;
	[tilespmem:v57+s25+$0x0] =	vst.idx.msk $0xffff, v12;
	v12 =	vor.u32 v1, v14  }
0x1b7: {  	v11 =	vld.idx.msk [tilespmem:v26+s19+$0x0], $0xffff;
	v26 =	vadd.s32 v50, v22;
	[tilespmem:v28+s25+$0x0] =	vst.idx.msk $0xffff, v13;
	v13 =	vor.u32 v0, v20  }
0x1b8: {  	[tilespmem:v38+s25+$0x0] =	vst.idx.msk $0xffff, v17;
	v17 =	vadd.s32 s15, v61;
	v30 =	vld.idx.msk [tilespmem:v30+s19+$0x0], $0xffff  }
0x1b9: {  	v18 =	vld.idx.msk [tilespmem:v18+s19+$0x0], $0xffff;
	v28 =	vadd.s32 v56, v33  }
0x1ba: {  	[tilespmem:v24+s25+$0x0] =	vst.idx.msk $0xffff, v19;
	v19 =	vld.idx.msk [tilespmem:v23+s19+$0x0], $0xffff;
	v23 =	vadd.s32 v39, v10  }
0x1bb: {  	v56 =	vadd.s32 v48, v29;
	[tilespmem:v55+s25+$0x0] =	vst.idx.msk $0xffff, v27;
	v27 =	vld.idx.msk [tilespmem:v12+s19+$0x0], $0xffff  }
0x1bc: {  	v57 =	vadd.s32 v41, v9;
	[tilespmem:v26+s25+$0x0] =	vst.idx.msk $0xffff, v11;
	v58 =	vld.idx.msk [tilespmem:v13+s19+$0x0], $0xffff  }
0x1bd: {  	[tilespmem:v17+s25+$0x0] =	vst.idx.msk $0xffff, v30  }
0x1be: {  	v24 =	vor.u32 v1, v31;
	[tilespmem:v28+s25+$0x0] =	vst.idx.msk $0xffff, v18  }
0x1bf: {  	v26 =	vor.u32 v1, v16;
	[tilespmem:v23+s25+$0x0] =	vst.idx.msk $0xffff, v19  }
0x1c0: {  	v12 =	vor.u32 v2, v25;
	v30 =	vor.u32 v2, v8;
	[tilespmem:v56+s25+$0x0] =	vst.idx.msk $0xffff, v27  }
0x1c1: {  	v18 =	vor.u32 v2, v15;
	v28 =	vor.u32 v1, v20;
	[tilespmem:v57+s25+$0x0] =	vst.idx.msk $0xffff, v58  }
0x1c2: {  	v19 =	vor.u32 v1, v25;
	v25 =	vor.u32 v2, v20;
	v20 =	vor.u32 v2, v21;
	v21 =	vld [tilespmem:$0x1FD50]  }
0x1c3: {  	v32 =	vadd.s32 v46, v36;
	v8 =	vadd.s32 s15, v62;
	v62 =	vor.u32 v2, v14;
	v17 =	vld.idx.msk [tilespmem:v24+s19+$0x0], $0xffff  }
0x1c4: {  	v48 =	vmovc v60;
	v60 =	vmov v46;
	v31 =	vor.u32 v2, v31;
	v55 =	vmov v41;
	v23 =	vld.idx.msk [tilespmem:v26+s19+$0x0], $0xffff  }
0x1c5: {  	v11 =	vadd.s32 v54, v29;
	v13 =	vor.u32 v2, v16;
	v14 =	vadd.s32 v47, v36;
	v16 =	vld.idx.msk [tilespmem:v30+s19+$0x0], $0xffff  }
0x1c6: {  	v15 =	vadd.s32 v52, v22;
	v27 =	vadd.s32 v42, v9;
	v18 =	vld.idx.msk [tilespmem:v18+s19+$0x0], $0xffff;
	v30 =	vadd.s32 v53, v34  }
0x1c7: {  	v54 =	vmovc v47;
	v26 =	vadd.s32 v59, v34;
	v56 =	vmov v42;
	v24 =	vld.idx.msk [tilespmem:v19+s19+$0x0], $0xffff;
	v29 =	vadd.s32 v21, v33  }
0x1c8: {  	s23 =	simm.s32 $0x8;
	v57 =	vmovc v44;
	v58 =	vmovc v45;
	v19 =	vld.idx.msk [tilespmem:v62+s19+$0x0], $0xffff;
	v62 =	vmov v63;
	v63 =	vmov v39;
	v21 =	vadd.s32 v51, v22  }
.LBB2_7:
0x1c9: {  	_ = 	snop  }
0x1ca: {  	v22 =	vmov s23;
	[tilespmem:v32+s25+$0x0] =	vst.idx.msk $0xffff, v23  }
0x1cb: {  	v28 =	vld.idx.msk [tilespmem:v28+s19+$0x0], $0xffff;
	v32 =	vshll.u32 v22, $0x6;
	[tilespmem:v30+s25+$0x0] =	vst.idx.msk $0xffff, v17  }
0x1cc: {  	[tilespmem:v29+s25+$0x0] =	vst.idx.msk $0xffff, v18;
	v29 =	vld.idx.msk [tilespmem:v31+s19+$0x0], $0xffff;
	v39 =	vor.u32 v7, v32  }
0x1cd: {  	v46 =	vld [tilespmem:$0x1FDE0]  }
0x1ce: {  	s31 =	sadd.s32 $0x6, s23;
	v30 =	vld.idx.msk [tilespmem:v20+s19+$0x0], $0xffff;
	[tilespmem:v21+s25+$0x0] =	vst.idx.msk $0xffff, v24  }
0x1cf: {  	s18 =	sadd.s32 $0x1, s23;
	s20 =	sadd.s32 $0x2, s23;
	v35 =	vmov s31;
	v12 =	vld.idx.msk [tilespmem:v12+s19+$0x0], $0xffff  }
0x1d0: {  	s26 =	smov.u32 s23;
	s5 =	sadd.s32 $0x7, s23;
	v36 =	vmov s20;
	v10 =	vadd.s32 v40, v10;
	v22 =	vmov s18;
	[tilespmem:v11+s25+$0x0] =	vst.idx.msk $0xffff, v19;
	v13 =	vld.idx.msk [tilespmem:v13+s19+$0x0], $0xffff  }
0x1d1: {  	s31 =	sadd.s32 $0x3, s26;
	v23 =	vshll.u32 v36, $0x6;
	v21 =	vmov s5;
	v17 =	vshll.u32 v22, $0x6;
	[tilespmem:v26+s25+$0x0] =	vst.idx.msk $0xffff, v29;
	v26 =	vld.idx.msk [tilespmem:v39+s19+$0x0], $0xffff  }
0x1d2: {  	v11 =	vmov s31;
	v38 =	vor.u32 v7, v23;
	v31 =	vor.u32 v7, v17;
	[tilespmem:v8+s25+$0x0] =	vst.idx.msk $0xffff, v16;
	v8 =	vld [tilespmem:$0x1FCA0]  }
0x1d3: {  	[tilespmem:v27+s25+$0x0] =	vst.idx.msk $0xffff, v28;
	v19 =	vshll.u32 v11, $0x6;
	v42 =	vand.u32 $0x78, v22;
	v22 =	vand.u32 $0x78, v11;
	v11 =	vld [tilespmem:$0x1FD10]  }
0x1d4: {  	v33 =	vadd.s32 v43, v9;
	v41 =	vshll.u32 v21, $0x6;
	v25 =	vld.idx.msk [tilespmem:v25+s19+$0x0], $0xffff;
	v43 =	vor.u32 v7, v19  }
0x1d5: {  	v28 =	vor.u32 v7, v41;
	[tilespmem:v15+s25+$0x0] =	vst.idx.msk $0xffff, v12;
	v12 =	vld [tilespmem:$0x1FCE0]  }
0x1d6: {  	s1 =	sadd.s32 $0x5, s23;
	[tilespmem:v14+s25+$0x0] =	vst.idx.msk $0xffff, v13;
	v13 =	vld [tilespmem:$0x1FD20]  }
0x1d7: {  	v34 =	vmov s1;
	[tilespmem:v10+s25+$0x0] =	vst.idx.msk $0xffff, v30;
	v30 =	vld.idx.msk [tilespmem:v31+s19+$0x0], $0xffff;
	v16 =	vadd.s32 s26, v8  }
0x1d8: {  	s0 =	sadd.s32 $0x4, s23;
	v37 =	vshll.u32 v35, $0x6;
	v20 =	vshll.u32 v34, $0x6;
	v31 =	vld.idx.msk [tilespmem:v38+s19+$0x0], $0xffff  }
0x1d9: {  	v9 =	vmov s0;
	v40 =	vor.u32 v7, v37;
	v27 =	vor.u32 v7, v20;
	v38 =	vld.idx.msk [tilespmem:v43+s19+$0x0], $0xffff  }
0x1da: {  	v24 =	vand.u32 $0x78, v36;
	v18 =	vshll.u32 v9, $0x6;
	v28 =	vld.idx.msk [tilespmem:v28+s19+$0x0], $0xffff;
	v15 =	vadd.s32 v12, v42  }
0x1db: {  	v44 =	vor.u32 v7, v18;
	v45 =	vadd.s32 v13, v24;
	v13 =	vld [tilespmem:$0x1FDA0]  }
0x1dc: {  	v10 =	vand.u32 $0x78, v9;
	v9 =	vand.u32 $0x78, v34;
	[tilespmem:v16+s25+$0x0] =	vst.idx.msk $0xffff, v26;
	v26 =	vld [tilespmem:$0x1FD60]  }
0x1dd: {  	v14 =	vor.u32 v0, v32;
	[tilespmem:v33+s25+$0x0] =	vst.idx.msk $0xffff, v25;
	v43 =	vadd.s32 v46, v9;
	v46 =	vld [tilespmem:$0x1FD30]  }
0x1de: {  	v21 =	vand.u32 $0x78, v21;
	v25 =	vor.u32 v0, v23;
	v27 =	vld.idx.msk [tilespmem:v27+s19+$0x0], $0xffff  }
0x1df: {  	[tilespmem:v15+s25+$0x0] =	vst.idx.msk $0xffff, v30;
	v30 =	vld.idx.msk [tilespmem:v40+s19+$0x0], $0xffff;
	v40 =	vadd.s32 v49, v21  }
0x1e0: {  	v29 =	vand.u32 $0x78, v35;
	v35 =	vld.idx.msk [tilespmem:v44+s19+$0x0], $0xffff;
	v33 =	vadd.s32 v13, v10;
	v16 =	vor.u32 v0, v17  }
0x1e1: {  	v8 =	vld [tilespmem:$0x1FCD0];
	v26 =	vadd.s32 v26, v22  }
0x1e2: {  	v39 =	vor.u32 v0, v18;
	[tilespmem:v45+s25+$0x0] =	vst.idx.msk $0xffff, v31;
	v14 =	vld.idx.msk [tilespmem:v14+s19+$0x0], $0xffff  }
0x1e3: {  	v34 =	vor.u32 v0, v41;
	[tilespmem:v43+s25+$0x0] =	vst.idx.msk $0xffff, v27;
	v31 =	vadd.s32 v57, v29;
	v25 =	vld.idx.msk [tilespmem:v25+s19+$0x0], $0xffff  }
0x1e4: {  	v46 =	vadd.s32 v46, v24;
	v15 =	vor.u32 v0, v19;
	[tilespmem:v40+s25+$0x0] =	vst.idx.msk $0xffff, v28;
	v28 =	vld [tilespmem:$0x1FD70]  }
0x1e5: {  	v27 =	vor.u32 v1, v23;
	[tilespmem:v33+s25+$0x0] =	vst.idx.msk $0xffff, v35;
	v16 =	vld.idx.msk [tilespmem:v16+s19+$0x0], $0xffff  }
0x1e6: {  	[tilespmem:v26+s25+$0x0] =	vst.idx.msk $0xffff, v38;
	v26 =	vld [tilespmem:$0x1FDB0];
	v38 =	vadd.s32 v62, v42  }
0x1e7: {  	v44 =	vadd.s32 s26, v48;
	v33 =	vor.u32 v0, v37;
	v39 =	vld.idx.msk [tilespmem:v39+s19+$0x0], $0xffff  }
0x1e8: {  	v36 =	vor.u32 v1, v32;
	[tilespmem:v31+s25+$0x0] =	vst.idx.msk $0xffff, v30;
	v30 =	vld.idx.msk [tilespmem:v34+s19+$0x0], $0xffff  }
0x1e9: {  	[tilespmem:v46+s25+$0x0] =	vst.idx.msk $0xffff, v25;
	v40 =	vadd.s32 v28, v22;
	v15 =	vld.idx.msk [tilespmem:v15+s19+$0x0], $0xffff  }
0x1ea: {  	v35 =	vor.u32 v1, v17;
	v27 =	vld.idx.msk [tilespmem:v27+s19+$0x0], $0xffff  }
0x1eb: {  	v25 =	vor.u32 v1, v19;
	v26 =	vadd.s32 v26, v10;
	[tilespmem:v38+s25+$0x0] =	vst.idx.msk $0xffff, v16;
	v16 =	vld [tilespmem:$0x1FD40]  }
0x1ec: {  	v43 =	vor.u32 v1, v18;
	[tilespmem:v44+s25+$0x0] =	vst.idx.msk $0xffff, v14;
	v14 =	vld.idx.msk [tilespmem:v33+s19+$0x0], $0xffff  }
0x1ed: {  	v47 =	vor.u32 v0, v20;
	v33 =	vld.idx.msk [tilespmem:v36+s19+$0x0], $0xffff  }
0x1ee: {  	v13 =	vor.u32 v2, v37;
	v45 =	vadd.s32 s26, v61;
	[tilespmem:v40+s25+$0x0] =	vst.idx.msk $0xffff, v15;
	v15 =	vld [tilespmem:$0x1FD00]  }
0x1ef: {  	v31 =	vor.u32 v2, v32;
	v34 =	vadd.s32 v58, v29;
	v44 =	vor.u32 v2, v17;
	v35 =	vld.idx.msk [tilespmem:v35+s19+$0x0], $0xffff  }
0x1f0: {  	v17 =	vld.idx.msk [tilespmem:v25+s19+$0x0], $0xffff;
	[tilespmem:v26+s25+$0x0] =	vst.idx.msk $0xffff, v39;
	v26 =	vor.u32 v1, v37;
	v37 =	vadd.s32 v16, v24  }
0x1f1: {  	v32 =	vadd.s32 v50, v21;
	v39 =	vor.u32 v2, v23;
	v38 =	vld.idx.msk [tilespmem:v43+s19+$0x0], $0xffff  }
0x1f2: {  	v11 =	vadd.s32 v11, v42;
	v12 =	vor.u32 v2, v41;
	v40 =	vadd.s32 v63, v10;
	v43 =	vld.idx.msk [tilespmem:v47+s19+$0x0], $0xffff  }
0x1f3: {  	v41 =	vor.u32 v1, v41;
	[tilespmem:v45+s25+$0x0] =	vst.idx.msk $0xffff, v33;
	v42 =	vadd.s32 v15, v42;
	v47 =	vld [tilespmem:$0x1FD50]  }
0x1f4: {  	v36 =	vadd.s32 v55, v9;
	[tilespmem:v34+s25+$0x0] =	vst.idx.msk $0xffff, v14;
	v16 =	vld.idx.msk [tilespmem:v31+s19+$0x0], $0xffff  }
0x1f5: {  	p1 =	slt.u32 s23, $0x78;
	v28 =	vor.u32 v1, v20;
	v23 =	vld.idx.msk [tilespmem:v26+s19+$0x0], $0xffff;
	[tilespmem:v37+s25+$0x0] =	vst.idx.msk $0xffff, v27  }
.Ltmp2:
0x1f6: {  	[tilespmem:v32+s25+$0x0] =	vst.idx.msk $0xffff, v30;
	v25 =	vor.u32 v2, v20;
	v20 =	vor.u32 v2, v18;
	v18 =	vld.idx.msk [tilespmem:v39+s19+$0x0], $0xffff;
	(pc) =	sbr.rel @p1 .LBB2_7-.Ltmp2, $4  }
0x1f7: {  	v32 =	vadd.s32 v60, v29;
	v30 =	vadd.s32 v53, v22;
	[tilespmem:v40+s25+$0x0] =	vst.idx.msk $0xffff, v38;
	v40 =	vld [tilespmem:$0x1FDD0]  }
0x1f8: {  	v14 =	vadd.s32 v54, v29;
	[tilespmem:v42+s25+$0x0] =	vst.idx.msk $0xffff, v35;
	v29 =	vadd.s32 v47, v24;
	v24 =	vld.idx.msk [tilespmem:v41+s19+$0x0], $0xffff  }
0x1f9: {  	v8 =	vadd.s32 s26, v8;
	v31 =	vor.u32 v2, v19;
	v15 =	vadd.s32 v52, v21;
	[tilespmem:v36+s25+$0x0] =	vst.idx.msk $0xffff, v43;
	v43 =	vld [tilespmem:$0x1FE10]  }
0x1fa: {  	s23 =	sadd.s32 $0x8, s23;
	s26 =	simm.s32 $0x0;
	v21 =	vadd.s32 v51, v21;
	v27 =	vadd.s32 v56, v9;
	v26 =	vadd.s32 v59, v22;
	v19 =	vld.idx.msk [tilespmem:v44+s19+$0x0], $0xffff  }
0x1fb: {  	_ =	sdelay $0x3  }
0x1fc: {  	[tilespmem:v32+s25+$0x0] =	vst.idx.msk $0xffff, v23;
	v22 =	vld.idx.msk [tilespmem:v28+s19+$0x0], $0xffff  }
0x1fd: {  	[tilespmem:v30+s25+$0x0] =	vst.idx.msk $0xffff, v17  }
0x1fe: {  	v17 =	vld.idx.msk [tilespmem:v20+s19+$0x0], $0xffff;
	[tilespmem:v29+s25+$0x0] =	vst.idx.msk $0xffff, v18;
	v10 =	vadd.s32 v40, v10  }
0x1ff: {  	[tilespmem:v8+s25+$0x0] =	vst.idx.msk $0xffff, v16;
	v18 =	vld.idx.msk [tilespmem:v31+s19+$0x0], $0xffff  }
0x200: {  	v13 =	vld.idx.msk [tilespmem:v13+s19+$0x0], $0xffff;
	[tilespmem:v21+s25+$0x0] =	vst.idx.msk $0xffff, v24  }
0x201: {  	v12 =	vld.idx.msk [tilespmem:v12+s19+$0x0], $0xffff;
	[tilespmem:v27+s25+$0x0] =	vst.idx.msk $0xffff, v22  }
0x202: {  	v9 =	vadd.s32 v43, v9;
	[tilespmem:v11+s25+$0x0] =	vst.idx.msk $0xffff, v19;
	v25 =	vld.idx.msk [tilespmem:v25+s19+$0x0], $0xffff  }
0x203: {  	s23 =	simm.s32 $0x2;
	[tilespmem:v10+s25+$0x0] =	vst.idx.msk $0xffff, v17  }
0x204: {  	v23 =	vmov s23;
	[tilespmem:v26+s25+$0x0] =	vst.idx.msk $0xffff, v18  }
0x205: {  	v28 =	vshll.u32 v23, $0x6;
	v11 =	vmov s26;
	[tilespmem:v14+s25+$0x0] =	vst.idx.msk $0xffff, v13  }
0x206: {  	s20 =	simm.s32 $0x1;
	v17 =	vshll.u32 v11, $0x6;
	v11 =	vor.u32 v3, v28;
	[tilespmem:v15+s25+$0x0] =	vst.idx.msk $0xffff, v12  }
0x207: {  	v22 =	vmov s20;
	[tilespmem:v9+s25+$0x0] =	vst.idx.msk $0xffff, v25  }
0x208: {  	s1 =	simm.s32 $0x5;
	v27 =	vshll.u32 v22, $0x6;
	v7 =	vld [tilespmem:$0x1FEA0]  }
0x209: {  	s18 =	simm.s32 $0x6;
	v20 =	vmov s1;
	s23 =	simm.s32 $0x7;
	v18 =	vor.u32 v3, v27  }
0x20a: {  	s0 =	simm.s32 $0x4;
	v21 =	vmov s18;
	v8 =	vmov s23;
	v39 =	vand.u32 $0x78, v23;
	v57 =	vld [tilespmem:$0x1FC10]  }
0x20b: {  	s31 =	simm.s32 $0x3;
	v43 =	vand.u32 $0x78, v21;
	v44 =	vand.u32 $0x78, v8;
	v19 =	vmov s0;
	v25 =	vld.idx.msk [tilespmem:v11+s19+$0x0], $0xffff  }
0x20c: {  	v29 =	vshll.u32 v19, $0x6;
	v10 =	vmov s31;
	v26 =	vshll.u32 v20, $0x6;
	v55 =	vld [tilespmem:$0x1FED0]  }
0x20d: {  	v40 =	vshll.u32 v10, $0x6;
	v11 =	vand.u32 $0x78, v20;
	v20 =	vadd.s32 s26, v7;
	v7 =	vld [tilespmem:$0x1FF80]  }
0x20e: {  	v15 =	vshll.u32 v21, $0x6;
	v21 =	vshll.u32 v8, $0x6;
	v8 =	vor.u32 v3, v40;
	v18 =	vld.idx.msk [tilespmem:v18+s19+$0x0], $0xffff  }
0x20f: {  	v22 =	vand.u32 $0x78, v22;
	v47 =	vand.u32 $0x78, v10;
	v13 =	vor.u32 v3, v15;
	v58 =	vld [tilespmem:$0x1FC40]  }
0x210: {  	v10 =	vand.u32 $0x78, v19;
	v14 =	vor.u32 v3, v21;
	v56 =	vld [tilespmem:$0x1FEF0];
	v19 =	vadd.s32 v57, v39  }
0x211: {  	v9 =	vor.u32 v3, v29;
	v59 =	vld [tilespmem:$0x1FC70];
	v30 =	vadd.s32 v55, v22  }
0x212: {  	v35 =	vadd.s32 v7, v43;
	v7 =	vld [tilespmem:$0x1FC90]  }
0x213: {  	v33 =	vld.idx.msk [tilespmem:v8+s19+$0x0], $0xffff  }
0x214: {  	v16 =	vor.u32 v3, v17;
	v13 =	vld.idx.msk [tilespmem:v13+s19+$0x0], $0xffff;
	v45 =	vadd.s32 v58, v47  }
0x215: {  	v14 =	vld.idx.msk [tilespmem:v14+s19+$0x0], $0xffff;
	[tilespmem:v19+s25+$0x0] =	vst.idx.msk $0xffff, v25  }
0x216: {  	v41 =	vld.idx.msk [tilespmem:v9+s19+$0x0], $0xffff;
	v37 =	vadd.s32 v59, v10;
	[tilespmem:v30+s25+$0x0] =	vst.idx.msk $0xffff, v18  }
0x217: {  	v42 =	vadd.s32 v7, v44;
	v7 =	vld [tilespmem:$0x1FF50];
	_ =	sdelay $0x1  }
0x218: {  	v16 =	vld.idx.msk [tilespmem:v16+s19+$0x0], $0xffff;
	[tilespmem:v45+s25+$0x0] =	vst.idx.msk $0xffff, v33  }
0x219: {  	v61 =	vld [tilespmem:$0x1FC20];
	[tilespmem:v35+s25+$0x0] =	vst.idx.msk $0xffff, v13  }
0x21a: {  	v31 =	vor.u32 v4, v28;
	v60 =	vld [tilespmem:$0x1FC00];
	[tilespmem:v37+s25+$0x0] =	vst.idx.msk $0xffff, v41  }
0x21b: {  	v34 =	vor.u32 v4, v27;
	v49 =	vadd.s32 v7, v11;
	v7 =	vld [tilespmem:$0x1FC50];
	[tilespmem:v42+s25+$0x0] =	vst.idx.msk $0xffff, v14  }
0x21c: {  	v14 =	vld [tilespmem:$0x1FF90];
	_ =	sdelay $0x2  }
0x21d: {  	v38 =	vor.u32 v4, v40;
	v46 =	vld.idx.msk [tilespmem:v31+s19+$0x0], $0xffff  }
0x21e: {  	v19 =	vor.u32 v4, v15;
	v34 =	vld.idx.msk [tilespmem:v34+s19+$0x0], $0xffff;
	v30 =	vadd.s32 v61, v39;
	[tilespmem:v20+s25+$0x0] =	vst.idx.msk $0xffff, v16  }
0x21f: {  	v13 =	vadd.s32 v60, v22;
	v63 =	vadd.s32 v14, v43;
	v14 =	vld [tilespmem:$0x1FF20];
	_ =	sdelay $0x2  }
0x220: {  	v36 =	vor.u32 v4, v17;
	v62 =	vld.idx.msk [tilespmem:v38+s19+$0x0], $0xffff  }
0x221: {  	v18 =	vor.u32 v5, v17;
	v52 =	vld.idx.msk [tilespmem:v19+s19+$0x0], $0xffff;
	v54 =	vadd.s32 v7, v47;
	[tilespmem:v30+s25+$0x0] =	vst.idx.msk $0xffff, v46  }
0x222: {  	v20 =	vadd.s32 v14, v10;
	v14 =	vor.u32 v6, v17;
	v17 =	vld [tilespmem:$0x1FFC0];
	[tilespmem:v13+s25+$0x0] =	vst.idx.msk $0xffff, v34  }
0x223: {  	v13 =	vld [tilespmem:$0x1FEB0];
	_ =	sdelay $0x3  }
0x224: {  	[tilespmem:v54+s25+$0x0] =	vst.idx.msk $0xffff, v62  }
0x225: {  	v19 =	vadd.s32 s26, v13;
	v13 =	vld [tilespmem:$0x1FF60];
	[tilespmem:v63+s25+$0x0] =	vst.idx.msk $0xffff, v52  }
0x226: {  	v7 =	vld [tilespmem:$0x1FC30];
	_ =	sdelay $0x3  }
0x227: {  	v23 =	vor.u32 v3, v26  }
0x228: {  	v37 =	vadd.s32 v7, v39;
	v7 =	vld [tilespmem:$0x1FF30];
	_ =	sdelay $0x1  }
0x229: {  	v25 =	vor.u32 v4, v29;
	_ =	sdelay $0x1  }
0x22a: {  	v23 =	vld.idx.msk [tilespmem:v23+s19+$0x0], $0xffff;
	v33 =	vor.u32 v4, v21  }
0x22b: {  	v50 =	vadd.s32 v17, v44;
	v17 =	vadd.s32 v7, v10;
	v7 =	vld [tilespmem:$0x1FEE0];
	_ =	sdelay $0x1  }
0x22c: {  	v25 =	vld.idx.msk [tilespmem:v25+s19+$0x0], $0xffff  }
0x22d: {  	v34 =	vld.idx.msk [tilespmem:v36+s19+$0x0], $0xffff  }
0x22e: {  	v54 =	vld.idx.msk [tilespmem:v33+s19+$0x0], $0xffff;
	[tilespmem:v49+s25+$0x0] =	vst.idx.msk $0xffff, v23  }
0x22f: {  	v36 =	vadd.s32 v7, v22;
	v7 =	vld [tilespmem:$0x1FBF0];
	_ =	sdelay $0x1  }
0x230: {  	v16 =	vor.u32 v6, v15;
	v46 =	vor.u32 v5, v15;
	v15 =	vld [tilespmem:$0x1FEC0];
	[tilespmem:v20+s25+$0x0] =	vst.idx.msk $0xffff, v25  }
0x231: {  	v62 =	vld [tilespmem:$0x1FFB0]  }
0x232: {  	v63 =	vld [tilespmem:$0x1FFA0]  }
0x233: {  	v30 =	vadd.s32 v13, v11;
	v13 =	vadd.s32 s26, v7;
	v7 =	vld [tilespmem:$0x1FFF0];
	[tilespmem:v50+s25+$0x0] =	vst.idx.msk $0xffff, v54  }
0x234: {  	v12 =	vadd.s32 v56, v22;
	v22 =	vld [tilespmem:$0x1FC60];
	_ =	sdelay $0x4  }
0x235: {  	v48 =	vor.u32 v5, v27;
	v23 =	vor.u32 v6, v27;
	v27 =	vadd.s32 v22, v47;
	v22 =	vld [tilespmem:$0x1FC80];
	_ =	sdelay $0x4  }
0x236: {  	v35 =	vadd.s32 v22, v11;
	v22 =	vld [tilespmem:$0x1FF00];
	_ =	sdelay $0x4  }
0x237: {  	v39 =	vadd.s32 v22, v39;
	v22 =	vld [tilespmem:$0x1FF10];
	_ =	sdelay $0x1  }
0x238: {  	v53 =	vor.u32 v5, v28;
	_ =	sdelay $0x1  }
0x239: {  	v24 =	vor.u32 v5, v40;
	v20 =	vadd.s32 v62, v43;
	v42 =	vadd.s32 v63, v43;
	v43 =	vld.idx.msk [tilespmem:v46+s19+$0x0], $0xffff  }
0x23a: {  	v45 =	vor.u32 v4, v26;
	v46 =	vor.u32 v6, v40;
	v40 =	vadd.s32 v22, v47;
	v22 =	vld [tilespmem:$0x1FFD0];
	_ =	sdelay $0x1  }
0x23b: {  	v8 =	vor.u32 v6, v21;
	v32 =	vld.idx.msk [tilespmem:v53+s19+$0x0], $0xffff  }
0x23c: {  	v9 =	vor.u32 v6, v26;
	v31 =	vor.u32 v5, v29;
	v38 =	vor.u32 v6, v28;
	v28 =	vld.idx.msk [tilespmem:v48+s19+$0x0], $0xffff  }
0x23d: {  	v41 =	vor.u32 v5, v26;
	v33 =	vor.u32 v5, v21;
	v26 =	vld.idx.msk [tilespmem:v24+s19+$0x0], $0xffff;
	v25 =	vor.u32 v6, v29  }
0x23e: {  	s23 =	simm.s32 $0x8;
	v45 =	vld.idx.msk [tilespmem:v45+s19+$0x0], $0xffff;
	v15 =	vadd.s32 s26, v15;
	v21 =	vadd.s32 v7, v44;
	v44 =	vadd.s32 v22, v44  }
.LBB2_9:
0x23f: {  	[tilespmem:v19+s25+$0x0] =	vst.idx.msk $0xffff, v34;
	v19 =	vld [tilespmem:$0x1FF40]  }
0x240: {  	v18 =	vld.idx.msk [tilespmem:v18+s19+$0x0], $0xffff;
	_ =	sdelay $0x1  }
0x241: {  	v31 =	vld.idx.msk [tilespmem:v31+s19+$0x0], $0xffff;
	[tilespmem:v37+s25+$0x0] =	vst.idx.msk $0xffff, v32  }
0x242: {  	v38 =	vld.idx.msk [tilespmem:v38+s19+$0x0], $0xffff  }
0x243: {  	v47 =	vadd.s32 v19, v10;
	v10 =	vld [tilespmem:$0x1FF70]  }
0x244: {  	s31 =	sadd.s32 $0x2, s23;
	v19 =	vld.idx.msk [tilespmem:v33+s19+$0x0], $0xffff;
	[tilespmem:v13+s25+$0x0] =	vst.idx.msk $0xffff, v18  }
0x245: {  	s20 =	sadd.s32 $0x1, s23;
	v49 =	vmov s31;
	[tilespmem:v27+s25+$0x0] =	vst.idx.msk $0xffff, v26;
	v14 =	vld.idx.msk [tilespmem:v14+s19+$0x0], $0xffff  }
0x246: {  	v29 =	vmov s20;
	[tilespmem:v30+s25+$0x0] =	vst.idx.msk $0xffff, v45;
	v33 =	vshll.u32 v49, $0x6;
	v37 =	vld.idx.msk [tilespmem:v46+s19+$0x0], $0xffff  }
0x247: {  	v24 =	vmov s23;
	v26 =	vshll.u32 v29, $0x6;
	[tilespmem:v42+s25+$0x0] =	vst.idx.msk $0xffff, v43;
	v30 =	vld.idx.msk [tilespmem:v41+s19+$0x0], $0xffff;
	v51 =	vor.u32 v3, v33  }
0x248: {  	v50 =	vshll.u32 v24, $0x6;
	[tilespmem:v36+s25+$0x0] =	vst.idx.msk $0xffff, v28;
	v46 =	vor.u32 v3, v26;
	v16 =	vld.idx.msk [tilespmem:v16+s19+$0x0], $0xffff  }
0x249: {  	s0 =	sadd.s32 $0x4, s23;
	v42 =	vor.u32 v3, v50;
	v23 =	vld.idx.msk [tilespmem:v23+s19+$0x0], $0xffff;
	[tilespmem:v17+s25+$0x0] =	vst.idx.msk $0xffff, v31  }
0x24a: {  	v34 =	vadd.s32 v10, v11;
	v10 =	vmov s0;
	[tilespmem:v15+s25+$0x0] =	vst.idx.msk $0xffff, v14;
	v14 =	vld [tilespmem:$0x1FF80]  }
0x24b: {  	v48 =	vmovc v12;
	v32 =	vand.u32 $0x78, v29;
	v49 =	vand.u32 $0x78, v49;
	[tilespmem:v39+s25+$0x0] =	vst.idx.msk $0xffff, v38;
	v25 =	vld.idx.msk [tilespmem:v25+s19+$0x0], $0xffff;
	v27 =	vshll.u32 v10, $0x6  }
0x24c: {  	s18 =	sadd.s32 $0x6, s23;
	[tilespmem:v35+s25+$0x0] =	vst.idx.msk $0xffff, v30;
	v30 =	vadd.s32 v57, v49;
	v31 =	vld.idx.msk [tilespmem:v51+s19+$0x0], $0xffff;
	v43 =	vor.u32 v3, v27  }
0x24d: {  	v12 =	vmov s18;
	v17 =	vor.u32 v4, v33;
	[tilespmem:v40+s25+$0x0] =	vst.idx.msk $0xffff, v37;
	v37 =	vld.idx.msk [tilespmem:v46+s19+$0x0], $0xffff;
	v40 =	vadd.s32 v55, v32  }
0x24e: {  	v22 =	vand.u32 $0x78, v12;
	v15 =	vld.idx.msk [tilespmem:v42+s19+$0x0], $0xffff  }
0x24f: {  	s26 =	smov.u32 s23;
	[tilespmem:v44+s25+$0x0] =	vst.idx.msk $0xffff, v19;
	v42 =	vadd.s32 v14, v22;
	v14 =	vld [tilespmem:$0x1FF20]  }
0x250: {  	s31 =	sadd.s32 $0x3, s26;
	v52 =	vshll.u32 v12, $0x6;
	[tilespmem:v48+s25+$0x0] =	vst.idx.msk $0xffff, v23;
	v38 =	vld.idx.msk [tilespmem:v8+s19+$0x0], $0xffff  }
0x251: {  	v29 =	vmov s31;
	v36 =	vor.u32 v3, v52;
	[tilespmem:v30+s25+$0x0] =	vst.idx.msk $0xffff, v31;
	v43 =	vld.idx.msk [tilespmem:v43+s19+$0x0], $0xffff  }
0x252: {  	v28 =	vshll.u32 v29, $0x6;
	[tilespmem:v40+s25+$0x0] =	vst.idx.msk $0xffff, v37;
	v40 =	vadd.s32 v60, v32;
	v60 =	vld.idx.msk [tilespmem:v17+s19+$0x0], $0xffff  }
0x253: {  	v18 =	vor.u32 v3, v28;
	v10 =	vand.u32 $0x78, v10;
	v17 =	vld [tilespmem:$0x1FFC0]  }
0x254: {  	[tilespmem:v47+s25+$0x0] =	vst.idx.msk $0xffff, v25;
	v47 =	vadd.s32 v14, v10;
	v14 =	vld [tilespmem:$0x1FC50]  }
0x255: {  	s18 =	sadd.s32 $0x7, s23  }
0x256: {  	v12 =	vmov s18;
	[tilespmem:v20+s25+$0x0] =	vst.idx.msk $0xffff, v16;
	v8 =	vld [tilespmem:$0x1FEA0]  }
0x257: {  	v24 =	vand.u32 $0x78, v12;
	v29 =	vand.u32 $0x78, v29;
	v35 =	vor.u32 v4, v50;
	v36 =	vld.idx.msk [tilespmem:v36+s19+$0x0], $0xffff  }
0x258: {  	v23 =	vadd.s32 v61, v49;
	[tilespmem:v21+s25+$0x0] =	vst.idx.msk $0xffff, v38;
	v21 =	vld.idx.msk [tilespmem:v18+s19+$0x0], $0xffff;
	v18 =	vor.u32 v5, v50  }
0x259: {  	v61 =	vadd.s32 v14, v29;
	v14 =	vor.u32 v6, v50;
	v50 =	vadd.s32 v17, v24;
	v17 =	vld [tilespmem:$0x1FF90]  }
0x25a: {  	v44 =	vadd.s32 v59, v10;
	v59 =	vld [tilespmem:$0x1FF50];
	_ =	sdelay $0x1  }
0x25b: {  	s1 =	sadd.s32 $0x5, s23;
	v20 =	vor.u32 v4, v26  }
0x25c: {  	v11 =	vmov s1;
	v39 =	vadd.s32 s26, v8  }
0x25d: {  	v41 =	vshll.u32 v11, $0x6;
	v11 =	vand.u32 $0x78, v11;
	[tilespmem:v42+s25+$0x0] =	vst.idx.msk $0xffff, v36;
	v42 =	vadd.s32 v17, v22;
	v17 =	vld [tilespmem:$0x1FF60]  }
0x25e: {  	v51 =	vadd.s32 v59, v11;
	v59 =	vor.u32 v4, v52;
	_ =	sdelay $0x1  }
0x25f: {  	v20 =	vld.idx.msk [tilespmem:v20+s19+$0x0], $0xffff  }
0x260: {  	[tilespmem:v39+s25+$0x0] =	vst.idx.msk $0xffff, v15;
	v15 =	vld [tilespmem:$0x1FF30]  }
0x261: {  	v30 =	vadd.s32 v17, v11;
	v17 =	vld [tilespmem:$0x1FC30]  }
0x262: {  	[tilespmem:v44+s25+$0x0] =	vst.idx.msk $0xffff, v43;
	v43 =	vld.idx.msk [tilespmem:v59+s19+$0x0], $0xffff;
	_ =	sdelay $0x1  }
0x263: {  	v45 =	vshll.u32 v12, $0x6;
	v12 =	vadd.s32 v56, v32;
	v56 =	vld.idx.msk [tilespmem:v9+s19+$0x0], $0xffff  }
0x264: {  	v53 =	vor.u32 v3, v45;
	v9 =	vld [tilespmem:$0x1FC90];
	v25 =	vor.u32 v5, v33  }
0x265: {  	[tilespmem:v40+s25+$0x0] =	vst.idx.msk $0xffff, v20;
	v37 =	vadd.s32 v17, v49;
	v17 =	vadd.s32 v15, v10;
	v15 =	vld [tilespmem:$0x1FEE0]  }
0x266: {  	v20 =	vadd.s32 v62, v22;
	[tilespmem:v42+s25+$0x0] =	vst.idx.msk $0xffff, v43;
	v42 =	vadd.s32 v63, v22;
	v22 =	vld [tilespmem:$0x1FC60]  }
0x267: {  	v13 =	vld [tilespmem:$0x1FBF0];
	v55 =	vadd.s32 v58, v29;
	v54 =	vor.u32 v3, v41  }
0x268: {  	v8 =	vld [tilespmem:$0x1FEB0];
	v38 =	vor.u32 v4, v28  }
0x269: {  	v57 =	vadd.s32 v9, v24;
	v53 =	vld.idx.msk [tilespmem:v53+s19+$0x0], $0xffff;
	[tilespmem:v23+s25+$0x0] =	vst.idx.msk $0xffff, v60  }
0x26a: {  	v46 =	vor.u32 v4, v27;
	v36 =	vadd.s32 v15, v32;
	v32 =	vld.idx.msk [tilespmem:v25+s19+$0x0], $0xffff  }
0x26b: {  	v31 =	vor.u32 v5, v27;
	v25 =	vor.u32 v6, v27;
	v27 =	vadd.s32 v22, v29;
	v22 =	vld [tilespmem:$0x1FC80]  }
0x26c: {  	v54 =	vld.idx.msk [tilespmem:v54+s19+$0x0], $0xffff;
	[tilespmem:v55+s25+$0x0] =	vst.idx.msk $0xffff, v21  }
0x26d: {  	v21 =	vld.idx.msk [tilespmem:v38+s19+$0x0], $0xffff  }
0x26e: {  	[tilespmem:v57+s25+$0x0] =	vst.idx.msk $0xffff, v53;
	v57 =	vld [tilespmem:$0x1FC10]  }
0x26f: {  	v58 =	vor.u32 v4, v45;
	[tilespmem:v34+s25+$0x0] =	vst.idx.msk $0xffff, v56;
	v34 =	vld.idx.msk [tilespmem:v35+s19+$0x0], $0xffff  }
0x270: {  	v35 =	vadd.s32 v22, v11;
	v22 =	vld [tilespmem:$0x1FF00]  }
0x271: {  	v60 =	vld [tilespmem:$0x1FC00]  }
0x272: {  	v48 =	vor.u32 v5, v26;
	v59 =	vld [tilespmem:$0x1FC70]  }
0x273: {  	v44 =	vor.u32 v4, v41;
	v56 =	vld.idx.msk [tilespmem:v46+s19+$0x0], $0xffff  }
0x274: {  	v53 =	vld.idx.msk [tilespmem:v58+s19+$0x0], $0xffff  }
0x275: {  	v39 =	vadd.s32 v22, v49;
	v22 =	vld [tilespmem:$0x1FF10]  }
0x276: {  	v19 =	vadd.s32 s26, v8;
	v58 =	vld [tilespmem:$0x1FC40]  }
0x277: {  	v55 =	vor.u32 v5, v28;
	[tilespmem:v51+s25+$0x0] =	vst.idx.msk $0xffff, v54;
	v46 =	vor.u32 v6, v28;
	v28 =	vld.idx.msk [tilespmem:v48+s19+$0x0], $0xffff  }
0x278: {  	v8 =	vor.u32 v6, v45;
	v38 =	vor.u32 v6, v33;
	v33 =	vor.u32 v5, v45;
	v45 =	vld.idx.msk [tilespmem:v44+s19+$0x0], $0xffff  }
0x279: {  	v15 =	vld [tilespmem:$0x1FEC0]  }
0x27a: {  	p1 =	slt.u32 s23, $0x78;
	v16 =	vor.u32 v6, v52;
	v52 =	vor.u32 v5, v52;
	v40 =	vadd.s32 v22, v29;
	v22 =	vld [tilespmem:$0x1FFD0]  }
.Ltmp3:
0x27b: {  	[tilespmem:v47+s25+$0x0] =	vst.idx.msk $0xffff, v56;
	v56 =	vld [tilespmem:$0x1FEF0];
	(pc) =	sbr.rel @p1 .LBB2_9-.Ltmp3, $4  }
0x27c: {  	[tilespmem:v61+s25+$0x0] =	vst.idx.msk $0xffff, v21;
	v61 =	vld [tilespmem:$0x1FC20]  }
0x27d: {  	v23 =	vor.u32 v6, v26;
	v26 =	vld.idx.msk [tilespmem:v55+s19+$0x0], $0xffff  }
0x27e: {  	v9 =	vor.u32 v6, v41;
	v41 =	vor.u32 v5, v41;
	v21 =	vadd.s32 v7, v24;
	v55 =	vld [tilespmem:$0x1FED0]  }
0x27f: {  	s23 =	sadd.s32 $0x8, s23;
	v13 =	vadd.s32 s26, v13;
	[tilespmem:v50+s25+$0x0] =	vst.idx.msk $0xffff, v53;
	v43 =	vld.idx.msk [tilespmem:v52+s19+$0x0], $0xffff;
	v15 =	vadd.s32 s26, v15;
	v44 =	vadd.s32 v22, v24  }
0x280: {  	_ =	sdelay $0x3  }
0x281: {  	[tilespmem:v19+s25+$0x0] =	vst.idx.msk $0xffff, v34  }
0x282: {  	v59 =	vld.idx.msk [tilespmem:v33+s19+$0x0], $0xffff;
	[tilespmem:v37+s25+$0x0] =	vst.idx.msk $0xffff, v32  }
0x283: {  	[tilespmem:v30+s25+$0x0] =	vst.idx.msk $0xffff, v45;
	v60 =	vld.idx.msk [tilespmem:v31+s19+$0x0], $0xffff  }
0x284: {  	[tilespmem:v36+s25+$0x0] =	vst.idx.msk $0xffff, v28;
	v18 =	vld.idx.msk [tilespmem:v18+s19+$0x0], $0xffff  }
0x285: {  	v22 =	vld.idx.msk [tilespmem:v38+s19+$0x0], $0xffff;
	[tilespmem:v27+s25+$0x0] =	vst.idx.msk $0xffff, v26  }
0x286: {  	v24 =	vld.idx.msk [tilespmem:v46+s19+$0x0], $0xffff;
	[tilespmem:v42+s25+$0x0] =	vst.idx.msk $0xffff, v43  }
0x287: {  	[tilespmem:v44+s25+$0x0] =	vst.idx.msk $0xffff, v59  }
0x288: {  	[tilespmem:v17+s25+$0x0] =	vst.idx.msk $0xffff, v60  }
0x289: {  	[tilespmem:v13+s25+$0x0] =	vst.idx.msk $0xffff, v18  }
0x28a: {  	[tilespmem:v39+s25+$0x0] =	vst.idx.msk $0xffff, v22  }
0x28b: {  	v61 =	vld.idx.msk [tilespmem:v41+s19+$0x0], $0xffff;
	[tilespmem:v40+s25+$0x0] =	vst.idx.msk $0xffff, v24  }
0x28c: {  	v7 =	vld [tilespmem:$0x1FF40];
	_ =	sdelay $0x3  }
0x28d: {  	v62 =	vld.idx.msk [tilespmem:v16+s19+$0x0], $0xffff;
	[tilespmem:v35+s25+$0x0] =	vst.idx.msk $0xffff, v61  }
0x28e: {  	v10 =	vadd.s32 v7, v10;
	v7 =	vld [tilespmem:$0x1FF70]  }
0x28f: {  	v8 =	vld.idx.msk [tilespmem:v8+s19+$0x0], $0xffff  }
0x290: {  	v14 =	vld.idx.msk [tilespmem:v14+s19+$0x0], $0xffff  }
0x291: {  	v63 =	vld.idx.msk [tilespmem:v23+s19+$0x0], $0xffff  }
0x292: {  	v17 =	vld.idx.msk [tilespmem:v25+s19+$0x0], $0xffff  }
0x293: {  	v9 =	vld.idx.msk [tilespmem:v9+s19+$0x0], $0xffff;
	[tilespmem:v20+s25+$0x0] =	vst.idx.msk $0xffff, v62;
	v11 =	vadd.s32 v7, v11  }
0x294: {  	[tilespmem:v21+s25+$0x0] =	vst.idx.msk $0xffff, v8  }
0x295: {  	s23 =	sshll.u32 s16, $0x14;
	[tilespmem:v15+s25+$0x0] =	vst.idx.msk $0xffff, v14  }
0x296: {  	s0 =	sor.u32 s6, s23;
	[tilespmem:v12+s25+$0x0] =	vst.idx.msk $0xffff, v63  }
0x297: {  	s26 =	sshrl.u32 s0, $0x3;
	[tilespmem:v10+s25+$0x0] =	vst.idx.msk $0xffff, v17  }
0x298: {  	s0 =	sadd.s32 s2, s26;
	[tilespmem:v11+s25+$0x0] =	vst.idx.msk $0xffff, v9  }
0x299: {  	[hbm4b:s0+s3] =	stream.linear.scatter [tilespmem:s25], [sflag:$0x3], $0x80, $0x38;
	[tilespmem:$0x1E100] =	vst v63  }
0x29a: {  	s5 =	simm.s32 $0x14888;
	s1 =	sadd.s32 $0x10, s0  }
0x29b: {  	[hbm4b:s1+s3] =	stream.linear.scatter [tilespmem:s5], [sflag:$0x3], $0x80, $0x38;
	[tilespmem:$0x1E100] =	vst v63  }
0x29c: {  	s18 =	simm.s32 $0x14910;
	s5 =	sadd.s32 $0x20, s0  }
0x29d: {  	[hbm4b:s5+s3] =	stream.linear.scatter [tilespmem:s18], [sflag:$0x3], $0x80, $0x38;
	[tilespmem:$0x1E100] =	vst v63  }
0x29e: {  	s31 =	simm.s32 $0x14998;
	s20 =	sadd.s32 $0x30, s0  }
0x29f: {  	[hbm4b:s20+s3] =	stream.linear.scatter [tilespmem:s31], [sflag:$0x3], $0x80, $0x38;
	[tilespmem:$0x1E100] =	vst v63  }
0x2a0: {  	s5 =	sadd.s32 $0x40, s0;
	s18 =	simm.s32 $0x14A20  }
0x2a1: {  	[hbm4b:s5+s3] =	stream.linear.scatter [tilespmem:s18], [sflag:$0x3], $0x80, $0x38;
	[tilespmem:$0x1E100] =	vst v63  }
0x2a2: {  	s20 =	sadd.s32 $0x50, s0;
	s31 =	simm.s32 $0x14AA8  }
0x2a3: {  	[hbm4b:s20+s3] =	stream.linear.scatter [tilespmem:s31], [sflag:$0x3], $0x80, $0x38;
	[tilespmem:$0x1E100] =	vst v63  }
0x2a4: {  	s5 =	sadd.s32 $0x60, s0;
	s18 =	simm.s32 $0x14B30  }
0x2a5: {  	[hbm4b:s5+s3] =	stream.linear.scatter [tilespmem:s18], [sflag:$0x3], $0x80, $0x38;
	[tilespmem:$0x1E100] =	vst v63  }
0x2a6: {  	s20 =	sadd.s32 $0x70, s0;
	s31 =	simm.s32 $0x14BB8  }
0x2a7: {  	[hbm4b:s20+s3] =	stream.linear.scatter [tilespmem:s31], [sflag:$0x3], $0x80, $0x38;
	[tilespmem:$0x1E100] =	vst v63  }
0x2a8: {  	s5 =	sadd.s32 $0x80, s0;
	s18 =	simm.s32 $0x14CC8  }
0x2a9: {  	[hbm4b:s5+s3] =	stream.linear.scatter [tilespmem:s18], [sflag:$0x3], $0x80, $0x38;
	[tilespmem:$0x1E100] =	vst v63  }
0x2aa: {  	s20 =	sadd.s32 $0x90, s0;
	s31 =	simm.s32 $0x14D50  }
0x2ab: {  	[hbm4b:s20+s3] =	stream.linear.scatter [tilespmem:s31], [sflag:$0x3], $0x80, $0x38;
	[tilespmem:$0x1E100] =	vst v63  }
0x2ac: {  	s5 =	sadd.s32 $0xA0, s0;
	s18 =	simm.s32 $0x14DD8  }
0x2ad: {  	[hbm4b:s5+s3] =	stream.linear.scatter [tilespmem:s18], [sflag:$0x3], $0x80, $0x38;
	[tilespmem:$0x1E100] =	vst v63  }
0x2ae: {  	s20 =	sadd.s32 $0xB0, s0;
	s31 =	simm.s32 $0x14E60  }
0x2af: {  	[hbm4b:s20+s3] =	stream.linear.scatter [tilespmem:s31], [sflag:$0x3], $0x80, $0x38;
	[tilespmem:$0x1E100] =	vst v63  }
0x2b0: {  	s5 =	sadd.s32 $0xC0, s0;
	s18 =	simm.s32 $0x14EE8  }
0x2b1: {  	[hbm4b:s5+s3] =	stream.linear.scatter [tilespmem:s18], [sflag:$0x3], $0x80, $0x38;
	[tilespmem:$0x1E100] =	vst v63  }
0x2b2: {  	s20 =	sadd.s32 $0xD0, s0;
	s31 =	simm.s32 $0x14F70  }
0x2b3: {  	[hbm4b:s20+s3] =	stream.linear.scatter [tilespmem:s31], [sflag:$0x3], $0x80, $0x38;
	[tilespmem:$0x1E100] =	vst v63  }
0x2b4: {  	s5 =	sadd.s32 $0xE0, s0;
	s18 =	simm.s32 $0x14FF8  }
0x2b5: {  	[hbm4b:s5+s3] =	stream.linear.scatter [tilespmem:s18], [sflag:$0x3], $0x80, $0x38;
	[tilespmem:$0x1E100] =	vst v63  }
0x2b6: {  	s0 =	sadd.s32 $0xF0, s0;
	s20 =	simm.s32 $0x15080  }
0x2b7: {  	[hbm4b:s0+s3] =	stream.linear.scatter [tilespmem:s20], [sflag:$0x3], $0x80, $0x38;
	[tilespmem:$0x1E100] =	vst v63  }
0x2b8: {  	s31 =	simm.s32 $0x15190;
	s0 =	sadd.s32 s26, s7  }
0x2b9: {  	[hbm4b:s0+s3] =	stream.linear.scatter [tilespmem:s31], [sflag:$0x3], $0x80, $0x38;
	[tilespmem:$0x1E100] =	vst v63  }
0x2ba: {  	s18 =	simm.s32 $0x15218;
	s5 =	sadd.s32 $0x10, s0  }
0x2bb: {  	[hbm4b:s5+s3] =	stream.linear.scatter [tilespmem:s18], [sflag:$0x3], $0x80, $0x38;
	[tilespmem:$0x1E100] =	vst v63  }
0x2bc: {  	s20 =	sadd.s32 $0x20, s0;
	s31 =	simm.s32 $0x152A0  }
0x2bd: {  	[hbm4b:s20+s3] =	stream.linear.scatter [tilespmem:s31], [sflag:$0x3], $0x80, $0x38;
	[tilespmem:$0x1E100] =	vst v63  }
0x2be: {  	s5 =	sadd.s32 $0x30, s0;
	s18 =	simm.s32 $0x15328  }
0x2bf: {  	[hbm4b:s5+s3] =	stream.linear.scatter [tilespmem:s18], [sflag:$0x3], $0x80, $0x38;
	[tilespmem:$0x1E100] =	vst v63  }
0x2c0: {  	s20 =	sadd.s32 $0x40, s0;
	s31 =	simm.s32 $0x153B0  }
0x2c1: {  	[hbm4b:s20+s3] =	stream.linear.scatter [tilespmem:s31], [sflag:$0x3], $0x80, $0x38;
	[tilespmem:$0x1E100] =	vst v63  }
0x2c2: {  	s5 =	sadd.s32 $0x50, s0;
	s18 =	simm.s32 $0x15438  }
0x2c3: {  	[hbm4b:s5+s3] =	stream.linear.scatter [tilespmem:s18], [sflag:$0x3], $0x80, $0x38;
	[tilespmem:$0x1E100] =	vst v63  }
0x2c4: {  	s20 =	sadd.s32 $0x60, s0;
	s31 =	simm.s32 $0x154C0  }
0x2c5: {  	[hbm4b:s20+s3] =	stream.linear.scatter [tilespmem:s31], [sflag:$0x3], $0x80, $0x38;
	[tilespmem:$0x1E100] =	vst v63  }
0x2c6: {  	s5 =	sadd.s32 $0x70, s0;
	s18 =	simm.s32 $0x15548  }
0x2c7: {  	[hbm4b:s5+s3] =	stream.linear.scatter [tilespmem:s18], [sflag:$0x3], $0x80, $0x38;
	[tilespmem:$0x1E100] =	vst v63  }
0x2c8: {  	s20 =	sadd.s32 $0x80, s0;
	s31 =	simm.s32 $0x15658  }
0x2c9: {  	[hbm4b:s20+s3] =	stream.linear.scatter [tilespmem:s31], [sflag:$0x3], $0x80, $0x38;
	[tilespmem:$0x1E100] =	vst v63  }
0x2ca: {  	s5 =	sadd.s32 $0x90, s0;
	s18 =	simm.s32 $0x156E0  }
0x2cb: {  	[hbm4b:s5+s3] =	stream.linear.scatter [tilespmem:s18], [sflag:$0x3], $0x80, $0x38;
	[tilespmem:$0x1E100] =	vst v63  }
0x2cc: {  	s20 =	sadd.s32 $0xA0, s0;
	s31 =	simm.s32 $0x15768  }
0x2cd: {  	[hbm4b:s20+s3] =	stream.linear.scatter [tilespmem:s31], [sflag:$0x3], $0x80, $0x38;
	[tilespmem:$0x1E100] =	vst v63  }
0x2ce: {  	s5 =	sadd.s32 $0xB0, s0;
	s18 =	simm.s32 $0x157F0  }
0x2cf: {  	[hbm4b:s5+s3] =	stream.linear.scatter [tilespmem:s18], [sflag:$0x3], $0x80, $0x38;
	[tilespmem:$0x1E100] =	vst v63  }
0x2d0: {  	s20 =	sadd.s32 $0xC0, s0;
	s31 =	simm.s32 $0x15878  }
0x2d1: {  	[hbm4b:s20+s3] =	stream.linear.scatter [tilespmem:s31], [sflag:$0x3], $0x80, $0x38;
	[tilespmem:$0x1E100] =	vst v63  }
0x2d2: {  	s5 =	sadd.s32 $0xD0, s0;
	s18 =	simm.s32 $0x15900  }
0x2d3: {  	[hbm4b:s5+s3] =	stream.linear.scatter [tilespmem:s18], [sflag:$0x3], $0x80, $0x38;
	[tilespmem:$0x1E100] =	vst v63  }
0x2d4: {  	s20 =	sadd.s32 $0xE0, s0;
	s31 =	simm.s32 $0x15988  }
0x2d5: {  	[hbm4b:s20+s3] =	stream.linear.scatter [tilespmem:s31], [sflag:$0x3], $0x80, $0x38;
	[tilespmem:$0x1E100] =	vst v63  }
0x2d6: {  	s0 =	sadd.s32 $0xF0, s0;
	s5 =	simm.s32 $0x15A10  }
0x2d7: {  	[hbm4b:s0+s3] =	stream.linear.scatter [tilespmem:s5], [sflag:$0x3], $0x80, $0x38;
	[tilespmem:$0x1E100] =	vst v63  }
0x2d8: {  	s18 =	simm.s32 $0x15B20;
	s0 =	sadd.s32 s26, s8  }
0x2d9: {  	[hbm4b:s0+s3] =	stream.linear.scatter [tilespmem:s18], [sflag:$0x3], $0x80, $0x38;
	[tilespmem:$0x1E100] =	vst v63  }
0x2da: {  	s31 =	simm.s32 $0x15BA8;
	s20 =	sadd.s32 $0x10, s0  }
0x2db: {  	[hbm4b:s20+s3] =	stream.linear.scatter [tilespmem:s31], [sflag:$0x3], $0x80, $0x38;
	[tilespmem:$0x1E100] =	vst v63  }
0x2dc: {  	s5 =	sadd.s32 $0x20, s0;
	s18 =	simm.s32 $0x15C30  }
0x2dd: {  	[hbm4b:s5+s3] =	stream.linear.scatter [tilespmem:s18], [sflag:$0x3], $0x80, $0x38;
	[tilespmem:$0x1E100] =	vst v63  }
0x2de: {  	s20 =	sadd.s32 $0x30, s0;
	s31 =	simm.s32 $0x15CB8  }
0x2df: {  	[hbm4b:s20+s3] =	stream.linear.scatter [tilespmem:s31], [sflag:$0x3], $0x80, $0x38;
	[tilespmem:$0x1E100] =	vst v63  }
0x2e0: {  	s5 =	sadd.s32 $0x40, s0;
	s18 =	simm.s32 $0x15D40  }
0x2e1: {  	[hbm4b:s5+s3] =	stream.linear.scatter [tilespmem:s18], [sflag:$0x3], $0x80, $0x38;
	[tilespmem:$0x1E100] =	vst v63  }
0x2e2: {  	s20 =	sadd.s32 $0x50, s0;
	s31 =	simm.s32 $0x15DC8  }
0x2e3: {  	[hbm4b:s20+s3] =	stream.linear.scatter [tilespmem:s31], [sflag:$0x3], $0x80, $0x38;
	[tilespmem:$0x1E100] =	vst v63  }
0x2e4: {  	s5 =	sadd.s32 $0x60, s0;
	s18 =	simm.s32 $0x15E50  }
0x2e5: {  	[hbm4b:s5+s3] =	stream.linear.scatter [tilespmem:s18], [sflag:$0x3], $0x80, $0x38;
	[tilespmem:$0x1E100] =	vst v63  }
0x2e6: {  	s20 =	sadd.s32 $0x70, s0;
	s31 =	simm.s32 $0x15ED8  }
0x2e7: {  	[hbm4b:s20+s3] =	stream.linear.scatter [tilespmem:s31], [sflag:$0x3], $0x80, $0x38;
	[tilespmem:$0x1E100] =	vst v63  }
0x2e8: {  	s5 =	sadd.s32 $0x80, s0;
	s18 =	simm.s32 $0x15FE8  }
0x2e9: {  	[hbm4b:s5+s3] =	stream.linear.scatter [tilespmem:s18], [sflag:$0x3], $0x80, $0x38;
	[tilespmem:$0x1E100] =	vst v63  }
0x2ea: {  	s20 =	sadd.s32 $0x90, s0;
	s31 =	simm.s32 $0x16070  }
0x2eb: {  	[hbm4b:s20+s3] =	stream.linear.scatter [tilespmem:s31], [sflag:$0x3], $0x80, $0x38;
	[tilespmem:$0x1E100] =	vst v63  }
0x2ec: {  	s5 =	sadd.s32 $0xA0, s0;
	s18 =	simm.s32 $0x160F8  }
0x2ed: {  	[hbm4b:s5+s3] =	stream.linear.scatter [tilespmem:s18], [sflag:$0x3], $0x80, $0x38;
	[tilespmem:$0x1E100] =	vst v63  }
0x2ee: {  	s20 =	sadd.s32 $0xB0, s0;
	s31 =	simm.s32 $0x16180  }
0x2ef: {  	[hbm4b:s20+s3] =	stream.linear.scatter [tilespmem:s31], [sflag:$0x3], $0x80, $0x38;
	[tilespmem:$0x1E100] =	vst v63  }
0x2f0: {  	s5 =	sadd.s32 $0xC0, s0;
	s18 =	simm.s32 $0x16208  }
0x2f1: {  	[hbm4b:s5+s3] =	stream.linear.scatter [tilespmem:s18], [sflag:$0x3], $0x80, $0x38;
	[tilespmem:$0x1E100] =	vst v63  }
0x2f2: {  	s20 =	sadd.s32 $0xD0, s0;
	s31 =	simm.s32 $0x16290  }
0x2f3: {  	[hbm4b:s20+s3] =	stream.linear.scatter [tilespmem:s31], [sflag:$0x3], $0x80, $0x38;
	[tilespmem:$0x1E100] =	vst v63  }
0x2f4: {  	s5 =	sadd.s32 $0xE0, s0;
	s18 =	simm.s32 $0x16318  }
0x2f5: {  	[hbm4b:s5+s3] =	stream.linear.scatter [tilespmem:s18], [sflag:$0x3], $0x80, $0x38;
	[tilespmem:$0x1E100] =	vst v63  }
0x2f6: {  	s0 =	sadd.s32 $0xF0, s0;
	s20 =	simm.s32 $0x163A0  }
0x2f7: {  	[hbm4b:s0+s3] =	stream.linear.scatter [tilespmem:s20], [sflag:$0x3], $0x80, $0x38;
	[tilespmem:$0x1E100] =	vst v63  }
0x2f8: {  	s31 =	simm.s32 $0x164B0;
	s0 =	sadd.s32 s26, s9  }
0x2f9: {  	[hbm4b:s0+s3] =	stream.linear.scatter [tilespmem:s31], [sflag:$0x3], $0x80, $0x38;
	[tilespmem:$0x1E100] =	vst v63  }
0x2fa: {  	s18 =	simm.s32 $0x16538;
	s5 =	sadd.s32 $0x10, s0  }
0x2fb: {  	[hbm4b:s5+s3] =	stream.linear.scatter [tilespmem:s18], [sflag:$0x3], $0x80, $0x38;
	[tilespmem:$0x1E100] =	vst v63  }
0x2fc: {  	s20 =	sadd.s32 $0x20, s0;
	s31 =	simm.s32 $0x165C0  }
0x2fd: {  	[hbm4b:s20+s3] =	stream.linear.scatter [tilespmem:s31], [sflag:$0x3], $0x80, $0x38;
	[tilespmem:$0x1E100] =	vst v63  }
0x2fe: {  	s5 =	sadd.s32 $0x30, s0;
	s18 =	simm.s32 $0x16648  }
0x2ff: {  	[hbm4b:s5+s3] =	stream.linear.scatter [tilespmem:s18], [sflag:$0x3], $0x80, $0x38;
	[tilespmem:$0x1E100] =	vst v63  }
0x300: {  	s20 =	sadd.s32 $0x40, s0;
	s31 =	simm.s32 $0x166D0  }
0x301: {  	[hbm4b:s20+s3] =	stream.linear.scatter [tilespmem:s31], [sflag:$0x3], $0x80, $0x38;
	[tilespmem:$0x1E100] =	vst v63  }
0x302: {  	s5 =	sadd.s32 $0x50, s0;
	s18 =	simm.s32 $0x16758  }
0x303: {  	[hbm4b:s5+s3] =	stream.linear.scatter [tilespmem:s18], [sflag:$0x3], $0x80, $0x38;
	[tilespmem:$0x1E100] =	vst v63  }
0x304: {  	s20 =	sadd.s32 $0x60, s0;
	s31 =	simm.s32 $0x167E0  }
0x305: {  	[hbm4b:s20+s3] =	stream.linear.scatter [tilespmem:s31], [sflag:$0x3], $0x80, $0x38;
	[tilespmem:$0x1E100] =	vst v63  }
0x306: {  	s5 =	sadd.s32 $0x70, s0;
	s18 =	simm.s32 $0x16868  }
0x307: {  	[hbm4b:s5+s3] =	stream.linear.scatter [tilespmem:s18], [sflag:$0x3], $0x80, $0x38;
	[tilespmem:$0x1E100] =	vst v63  }
0x308: {  	s20 =	sadd.s32 $0x80, s0;
	s31 =	simm.s32 $0x16978  }
0x309: {  	[hbm4b:s20+s3] =	stream.linear.scatter [tilespmem:s31], [sflag:$0x3], $0x80, $0x38;
	[tilespmem:$0x1E100] =	vst v63  }
0x30a: {  	s5 =	sadd.s32 $0x90, s0;
	s18 =	simm.s32 $0x16A00  }
0x30b: {  	[hbm4b:s5+s3] =	stream.linear.scatter [tilespmem:s18], [sflag:$0x3], $0x80, $0x38;
	[tilespmem:$0x1E100] =	vst v63  }
0x30c: {  	s20 =	sadd.s32 $0xA0, s0;
	s31 =	simm.s32 $0x16A88  }
0x30d: {  	[hbm4b:s20+s3] =	stream.linear.scatter [tilespmem:s31], [sflag:$0x3], $0x80, $0x38;
	[tilespmem:$0x1E100] =	vst v63  }
0x30e: {  	s5 =	sadd.s32 $0xB0, s0;
	s18 =	simm.s32 $0x16B10  }
0x30f: {  	[hbm4b:s5+s3] =	stream.linear.scatter [tilespmem:s18], [sflag:$0x3], $0x80, $0x38;
	[tilespmem:$0x1E100] =	vst v63  }
0x310: {  	s20 =	sadd.s32 $0xC0, s0;
	s31 =	simm.s32 $0x16B98  }
0x311: {  	[hbm4b:s20+s3] =	stream.linear.scatter [tilespmem:s31], [sflag:$0x3], $0x80, $0x38;
	[tilespmem:$0x1E100] =	vst v63  }
0x312: {  	s5 =	sadd.s32 $0xD0, s0;
	s18 =	simm.s32 $0x16C20  }
0x313: {  	[hbm4b:s5+s3] =	stream.linear.scatter [tilespmem:s18], [sflag:$0x3], $0x80, $0x38;
	[tilespmem:$0x1E100] =	vst v63  }
0x314: {  	s20 =	sadd.s32 $0xE0, s0;
	s31 =	simm.s32 $0x16CA8  }
0x315: {  	[hbm4b:s20+s3] =	stream.linear.scatter [tilespmem:s31], [sflag:$0x3], $0x80, $0x38;
	[tilespmem:$0x1E100] =	vst v63  }
0x316: {  	s0 =	sadd.s32 $0xF0, s0;
	s5 =	simm.s32 $0x16D30  }
0x317: {  	[hbm4b:s0+s3] =	stream.linear.scatter [tilespmem:s5], [sflag:$0x3], $0x80, $0x38;
	[tilespmem:$0x1E100] =	vst v63  }
0x318: {  	s18 =	simm.s32 $0x16E40;
	s0 =	sadd.s32 s26, s10  }
0x319: {  	[hbm4b:s0+s3] =	stream.linear.scatter [tilespmem:s18], [sflag:$0x3], $0x80, $0x38;
	[tilespmem:$0x1E100] =	vst v63  }
0x31a: {  	s31 =	simm.s32 $0x16EC8;
	s20 =	sadd.s32 $0x10, s0  }
0x31b: {  	[hbm4b:s20+s3] =	stream.linear.scatter [tilespmem:s31], [sflag:$0x3], $0x80, $0x38;
	[tilespmem:$0x1E100] =	vst v63  }
0x31c: {  	s5 =	sadd.s32 $0x20, s0;
	s18 =	simm.s32 $0x16F50  }
0x31d: {  	[hbm4b:s5+s3] =	stream.linear.scatter [tilespmem:s18], [sflag:$0x3], $0x80, $0x38;
	[tilespmem:$0x1E100] =	vst v63  }
0x31e: {  	s20 =	sadd.s32 $0x30, s0;
	s31 =	simm.s32 $0x16FD8  }
0x31f: {  	[hbm4b:s20+s3] =	stream.linear.scatter [tilespmem:s31], [sflag:$0x3], $0x80, $0x38;
	[tilespmem:$0x1E100] =	vst v63  }
0x320: {  	s5 =	sadd.s32 $0x40, s0;
	s18 =	simm.s32 $0x17060  }
0x321: {  	[hbm4b:s5+s3] =	stream.linear.scatter [tilespmem:s18], [sflag:$0x3], $0x80, $0x38;
	[tilespmem:$0x1E100] =	vst v63  }
0x322: {  	s20 =	sadd.s32 $0x50, s0;
	s31 =	simm.s32 $0x170E8  }
0x323: {  	[hbm4b:s20+s3] =	stream.linear.scatter [tilespmem:s31], [sflag:$0x3], $0x80, $0x38;
	[tilespmem:$0x1E100] =	vst v63  }
0x324: {  	s5 =	sadd.s32 $0x60, s0;
	s18 =	simm.s32 $0x17170  }
0x325: {  	[hbm4b:s5+s3] =	stream.linear.scatter [tilespmem:s18], [sflag:$0x3], $0x80, $0x38;
	[tilespmem:$0x1E100] =	vst v63  }
0x326: {  	s20 =	sadd.s32 $0x70, s0;
	s31 =	simm.s32 $0x171F8  }
0x327: {  	[hbm4b:s20+s3] =	stream.linear.scatter [tilespmem:s31], [sflag:$0x3], $0x80, $0x38;
	[tilespmem:$0x1E100] =	vst v63  }
0x328: {  	s5 =	sadd.s32 $0x80, s0;
	s18 =	simm.s32 $0x17308  }
0x329: {  	[hbm4b:s5+s3] =	stream.linear.scatter [tilespmem:s18], [sflag:$0x3], $0x80, $0x38;
	[tilespmem:$0x1E100] =	vst v63  }
0x32a: {  	s20 =	sadd.s32 $0x90, s0;
	s31 =	simm.s32 $0x17390  }
0x32b: {  	[hbm4b:s20+s3] =	stream.linear.scatter [tilespmem:s31], [sflag:$0x3], $0x80, $0x38;
	[tilespmem:$0x1E100] =	vst v63  }
0x32c: {  	s5 =	sadd.s32 $0xA0, s0;
	s18 =	simm.s32 $0x17418  }
0x32d: {  	[hbm4b:s5+s3] =	stream.linear.scatter [tilespmem:s18], [sflag:$0x3], $0x80, $0x38;
	[tilespmem:$0x1E100] =	vst v63  }
0x32e: {  	s20 =	sadd.s32 $0xB0, s0;
	s31 =	simm.s32 $0x174A0  }
0x32f: {  	[hbm4b:s20+s3] =	stream.linear.scatter [tilespmem:s31], [sflag:$0x3], $0x80, $0x38;
	[tilespmem:$0x1E100] =	vst v63  }
0x330: {  	s5 =	sadd.s32 $0xC0, s0;
	s18 =	simm.s32 $0x17528  }
0x331: {  	[hbm4b:s5+s3] =	stream.linear.scatter [tilespmem:s18], [sflag:$0x3], $0x80, $0x38;
	[tilespmem:$0x1E100] =	vst v63  }
0x332: {  	s20 =	sadd.s32 $0xD0, s0;
	s31 =	simm.s32 $0x175B0  }
0x333: {  	[hbm4b:s20+s3] =	stream.linear.scatter [tilespmem:s31], [sflag:$0x3], $0x80, $0x38;
	[tilespmem:$0x1E100] =	vst v63  }
0x334: {  	s5 =	sadd.s32 $0xE0, s0;
	s18 =	simm.s32 $0x17638  }
0x335: {  	[hbm4b:s5+s3] =	stream.linear.scatter [tilespmem:s18], [sflag:$0x3], $0x80, $0x38;
	[tilespmem:$0x1E100] =	vst v63  }
0x336: {  	s0 =	sadd.s32 $0xF0, s0;
	s20 =	simm.s32 $0x176C0  }
0x337: {  	[hbm4b:s0+s3] =	stream.linear.scatter [tilespmem:s20], [sflag:$0x3], $0x80, $0x38;
	[tilespmem:$0x1E100] =	vst v63  }
0x338: {  	s31 =	simm.s32 $0x177D0;
	s0 =	sadd.s32 s26, s11  }
0x339: {  	[hbm4b:s0+s3] =	stream.linear.scatter [tilespmem:s31], [sflag:$0x3], $0x80, $0x38;
	[tilespmem:$0x1E100] =	vst v63  }
0x33a: {  	s18 =	simm.s32 $0x17858;
	s5 =	sadd.s32 $0x10, s0  }
0x33b: {  	[hbm4b:s5+s3] =	stream.linear.scatter [tilespmem:s18], [sflag:$0x3], $0x80, $0x38;
	[tilespmem:$0x1E100] =	vst v63  }
0x33c: {  	s20 =	sadd.s32 $0x20, s0;
	s31 =	simm.s32 $0x178E0  }
0x33d: {  	[hbm4b:s20+s3] =	stream.linear.scatter [tilespmem:s31], [sflag:$0x3], $0x80, $0x38;
	[tilespmem:$0x1E100] =	vst v63  }
0x33e: {  	s5 =	sadd.s32 $0x30, s0;
	s18 =	simm.s32 $0x17968  }
0x33f: {  	[hbm4b:s5+s3] =	stream.linear.scatter [tilespmem:s18], [sflag:$0x3], $0x80, $0x38;
	[tilespmem:$0x1E100] =	vst v63  }
0x340: {  	s20 =	sadd.s32 $0x40, s0;
	s31 =	simm.s32 $0x179F0  }
0x341: {  	[hbm4b:s20+s3] =	stream.linear.scatter [tilespmem:s31], [sflag:$0x3], $0x80, $0x38;
	[tilespmem:$0x1E100] =	vst v63  }
0x342: {  	s5 =	sadd.s32 $0x50, s0;
	s18 =	simm.s32 $0x17A78  }
0x343: {  	[hbm4b:s5+s3] =	stream.linear.scatter [tilespmem:s18], [sflag:$0x3], $0x80, $0x38;
	[tilespmem:$0x1E100] =	vst v63  }
0x344: {  	s20 =	sadd.s32 $0x60, s0;
	s31 =	simm.s32 $0x17B00  }
0x345: {  	[hbm4b:s20+s3] =	stream.linear.scatter [tilespmem:s31], [sflag:$0x3], $0x80, $0x38;
	[tilespmem:$0x1E100] =	vst v63  }
0x346: {  	s5 =	sadd.s32 $0x70, s0;
	s18 =	simm.s32 $0x17B88  }
0x347: {  	[hbm4b:s5+s3] =	stream.linear.scatter [tilespmem:s18], [sflag:$0x3], $0x80, $0x38;
	[tilespmem:$0x1E100] =	vst v63  }
0x348: {  	s20 =	sadd.s32 $0x80, s0;
	s31 =	simm.s32 $0x17C98  }
0x349: {  	[hbm4b:s20+s3] =	stream.linear.scatter [tilespmem:s31], [sflag:$0x3], $0x80, $0x38;
	[tilespmem:$0x1E100] =	vst v63  }
0x34a: {  	s5 =	sadd.s32 $0x90, s0;
	s18 =	simm.s32 $0x17D20  }
0x34b: {  	[hbm4b:s5+s3] =	stream.linear.scatter [tilespmem:s18], [sflag:$0x3], $0x80, $0x38;
	[tilespmem:$0x1E100] =	vst v63  }
0x34c: {  	s20 =	sadd.s32 $0xA0, s0;
	s31 =	simm.s32 $0x17DA8  }
0x34d: {  	[hbm4b:s20+s3] =	stream.linear.scatter [tilespmem:s31], [sflag:$0x3], $0x80, $0x38;
	[tilespmem:$0x1E100] =	vst v63  }
0x34e: {  	s5 =	sadd.s32 $0xB0, s0;
	s18 =	simm.s32 $0x17E30  }
0x34f: {  	[hbm4b:s5+s3] =	stream.linear.scatter [tilespmem:s18], [sflag:$0x3], $0x80, $0x38;
	[tilespmem:$0x1E100] =	vst v63  }
0x350: {  	s20 =	sadd.s32 $0xC0, s0;
	s31 =	simm.s32 $0x17EB8  }
0x351: {  	[hbm4b:s20+s3] =	stream.linear.scatter [tilespmem:s31], [sflag:$0x3], $0x80, $0x38;
	[tilespmem:$0x1E100] =	vst v63  }
0x352: {  	s5 =	sadd.s32 $0xD0, s0;
	s18 =	simm.s32 $0x17F40  }
0x353: {  	[hbm4b:s5+s3] =	stream.linear.scatter [tilespmem:s18], [sflag:$0x3], $0x80, $0x38;
	[tilespmem:$0x1E100] =	vst v63  }
0x354: {  	s20 =	sadd.s32 $0xE0, s0;
	s31 =	simm.s32 $0x17FC8  }
0x355: {  	[hbm4b:s20+s3] =	stream.linear.scatter [tilespmem:s31], [sflag:$0x3], $0x80, $0x38;
	[tilespmem:$0x1E100] =	vst v63  }
0x356: {  	s0 =	sadd.s32 $0xF0, s0;
	s5 =	simm.s32 $0x18050  }
0x357: {  	[hbm4b:s0+s3] =	stream.linear.scatter [tilespmem:s5], [sflag:$0x3], $0x80, $0x38;
	[tilespmem:$0x1E100] =	vst v63  }
0x358: {  	s18 =	simm.s32 $0x18160;
	s0 =	sadd.s32 s26, s12  }
0x359: {  	[hbm4b:s0+s3] =	stream.linear.scatter [tilespmem:s18], [sflag:$0x3], $0x80, $0x38;
	[tilespmem:$0x1E100] =	vst v63  }
0x35a: {  	s31 =	simm.s32 $0x181E8;
	s20 =	sadd.s32 $0x10, s0  }
0x35b: {  	[hbm4b:s20+s3] =	stream.linear.scatter [tilespmem:s31], [sflag:$0x3], $0x80, $0x38;
	[tilespmem:$0x1E100] =	vst v63  }
0x35c: {  	s5 =	sadd.s32 $0x20, s0;
	s18 =	simm.s32 $0x18270  }
0x35d: {  	[hbm4b:s5+s3] =	stream.linear.scatter [tilespmem:s18], [sflag:$0x3], $0x80, $0x38;
	[tilespmem:$0x1E100] =	vst v63  }
0x35e: {  	s20 =	sadd.s32 $0x30, s0;
	s31 =	simm.s32 $0x182F8  }
0x35f: {  	[hbm4b:s20+s3] =	stream.linear.scatter [tilespmem:s31], [sflag:$0x3], $0x80, $0x38;
	[tilespmem:$0x1E100] =	vst v63  }
0x360: {  	s5 =	sadd.s32 $0x40, s0;
	s18 =	simm.s32 $0x18380  }
0x361: {  	[hbm4b:s5+s3] =	stream.linear.scatter [tilespmem:s18], [sflag:$0x3], $0x80, $0x38;
	[tilespmem:$0x1E100] =	vst v63  }
0x362: {  	s20 =	sadd.s32 $0x50, s0;
	s31 =	simm.s32 $0x18408  }
0x363: {  	[hbm4b:s20+s3] =	stream.linear.scatter [tilespmem:s31], [sflag:$0x3], $0x80, $0x38;
	[tilespmem:$0x1E100] =	vst v63  }
0x364: {  	s5 =	sadd.s32 $0x60, s0;
	s18 =	simm.s32 $0x18490  }
0x365: {  	[hbm4b:s5+s3] =	stream.linear.scatter [tilespmem:s18], [sflag:$0x3], $0x80, $0x38;
	[tilespmem:$0x1E100] =	vst v63  }
0x366: {  	s20 =	sadd.s32 $0x70, s0;
	s31 =	simm.s32 $0x18518  }
0x367: {  	[hbm4b:s20+s3] =	stream.linear.scatter [tilespmem:s31], [sflag:$0x3], $0x80, $0x38;
	[tilespmem:$0x1E100] =	vst v63  }
0x368: {  	s5 =	sadd.s32 $0x80, s0;
	s18 =	simm.s32 $0x18628  }
0x369: {  	[hbm4b:s5+s3] =	stream.linear.scatter [tilespmem:s18], [sflag:$0x3], $0x80, $0x38;
	[tilespmem:$0x1E100] =	vst v63  }
0x36a: {  	s20 =	sadd.s32 $0x90, s0;
	s31 =	simm.s32 $0x186B0  }
0x36b: {  	[hbm4b:s20+s3] =	stream.linear.scatter [tilespmem:s31], [sflag:$0x3], $0x80, $0x38;
	[tilespmem:$0x1E100] =	vst v63  }
0x36c: {  	s5 =	sadd.s32 $0xA0, s0;
	s18 =	simm.s32 $0x18738  }
0x36d: {  	[hbm4b:s5+s3] =	stream.linear.scatter [tilespmem:s18], [sflag:$0x3], $0x80, $0x38;
	[tilespmem:$0x1E100] =	vst v63  }
0x36e: {  	s20 =	sadd.s32 $0xB0, s0;
	s31 =	simm.s32 $0x187C0  }
0x36f: {  	[hbm4b:s20+s3] =	stream.linear.scatter [tilespmem:s31], [sflag:$0x3], $0x80, $0x38;
	[tilespmem:$0x1E100] =	vst v63  }
0x370: {  	s5 =	sadd.s32 $0xC0, s0;
	s18 =	simm.s32 $0x18848  }
0x371: {  	[hbm4b:s5+s3] =	stream.linear.scatter [tilespmem:s18], [sflag:$0x3], $0x80, $0x38;
	[tilespmem:$0x1E100] =	vst v63  }
0x372: {  	s20 =	sadd.s32 $0xD0, s0;
	s31 =	simm.s32 $0x188D0  }
0x373: {  	[hbm4b:s20+s3] =	stream.linear.scatter [tilespmem:s31], [sflag:$0x3], $0x80, $0x38;
	[tilespmem:$0x1E100] =	vst v63  }
0x374: {  	s18 =	sadd.s32 $0xE0, s0;
	s20 =	simm.s32 $0x18958  }
0x375: {  	[hbm4b:s18+s3] =	stream.linear.scatter [tilespmem:s20], [sflag:$0x3], $0x80, $0x38;
	[tilespmem:$0x1E100] =	vst v63  }
0x376: {  	s0 =	sadd.s32 $0xF0, s0;
	s31 =	simm.s32 $0x189E0  }
0x377: {  	[hbm4b:s0+s3] =	stream.linear.scatter [tilespmem:s31], [sflag:$0x3], $0x80, $0x38;
	[tilespmem:$0x1E100] =	vst v63  }
0x378: {  	s5 =	simm.s32 $0x18AF0;
	s0 =	sadd.s32 s26, s13  }
0x379: {  	[hbm4b:s0+s3] =	stream.linear.scatter [tilespmem:s5], [sflag:$0x3], $0x80, $0x38;
	[tilespmem:$0x1E100] =	vst v63  }
0x37a: {  	s20 =	simm.s32 $0x18B78;
	s18 =	sadd.s32 $0x10, s0  }
0x37b: {  	[hbm4b:s18+s3] =	stream.linear.scatter [tilespmem:s20], [sflag:$0x3], $0x80, $0x38;
	[tilespmem:$0x1E100] =	vst v63  }
0x37c: {  	s31 =	simm.s32 $0x18C00;
	s26 =	sadd.s32 $0x20, s0  }
0x37d: {  	[hbm4b:s26+s3] =	stream.linear.scatter [tilespmem:s31], [sflag:$0x3], $0x80, $0x38;
	[tilespmem:$0x1E100] =	vst v63  }
0x37e: {  	s18 =	sadd.s32 $0x30, s0;
	s20 =	simm.s32 $0x18C88  }
0x37f: {  	[hbm4b:s18+s3] =	stream.linear.scatter [tilespmem:s20], [sflag:$0x3], $0x80, $0x38;
	[tilespmem:$0x1E100] =	vst v63  }
0x380: {  	s26 =	sadd.s32 $0x40, s0;
	s31 =	simm.s32 $0x18D10  }
0x381: {  	[hbm4b:s26+s3] =	stream.linear.scatter [tilespmem:s31], [sflag:$0x3], $0x80, $0x38;
	[tilespmem:$0x1E100] =	vst v63  }
0x382: {  	s18 =	sadd.s32 $0x50, s0;
	s20 =	simm.s32 $0x18D98  }
0x383: {  	[hbm4b:s18+s3] =	stream.linear.scatter [tilespmem:s20], [sflag:$0x3], $0x80, $0x38;
	[tilespmem:$0x1E100] =	vst v63  }
0x384: {  	s26 =	sadd.s32 $0x60, s0;
	s31 =	simm.s32 $0x18E20  }
0x385: {  	[hbm4b:s26+s3] =	stream.linear.scatter [tilespmem:s31], [sflag:$0x3], $0x80, $0x38;
	[tilespmem:$0x1E100] =	vst v63  }
0x386: {  	s18 =	sadd.s32 $0x70, s0;
	s20 =	simm.s32 $0x18EA8  }
0x387: {  	[hbm4b:s18+s3] =	stream.linear.scatter [tilespmem:s20], [sflag:$0x3], $0x80, $0x38;
	[tilespmem:$0x1E100] =	vst v63  }
0x388: {  	s26 =	sadd.s32 $0x80, s0;
	s31 =	simm.s32 $0x18FB8  }
0x389: {  	[hbm4b:s26+s3] =	stream.linear.scatter [tilespmem:s31], [sflag:$0x3], $0x80, $0x38;
	[tilespmem:$0x1E100] =	vst v63  }
0x38a: {  	s18 =	sadd.s32 $0x90, s0;
	s20 =	simm.s32 $0x19040  }
0x38b: {  	[hbm4b:s18+s3] =	stream.linear.scatter [tilespmem:s20], [sflag:$0x3], $0x80, $0x38;
	[tilespmem:$0x1E100] =	vst v63  }
0x38c: {  	s26 =	sadd.s32 $0xA0, s0;
	s31 =	simm.s32 $0x190C8  }
0x38d: {  	[hbm4b:s26+s3] =	stream.linear.scatter [tilespmem:s31], [sflag:$0x3], $0x80, $0x38;
	[tilespmem:$0x1E100] =	vst v63  }
0x38e: {  	s18 =	sadd.s32 $0xB0, s0;
	s20 =	simm.s32 $0x19150  }
0x38f: {  	[hbm4b:s18+s3] =	stream.linear.scatter [tilespmem:s20], [sflag:$0x3], $0x80, $0x38;
	[tilespmem:$0x1E100] =	vst v63  }
0x390: {  	s26 =	sadd.s32 $0xC0, s0;
	s31 =	simm.s32 $0x191D8  }
0x391: {  	[hbm4b:s26+s3] =	stream.linear.scatter [tilespmem:s31], [sflag:$0x3], $0x80, $0x38;
	[tilespmem:$0x1E100] =	vst v63  }
0x392: {  	p1 =	sne.s32 s16, $0x31;
	s5 =	sadd.s32 $0xD0, s0;
	s18 =	simm.s32 $0x19260  }
0x393: {  	[hbm4b:s5+s3] =	stream.linear.scatter [tilespmem:s18], [sflag:$0x3], $0x80, $0x38;
	[tilespmem:$0x1E100] =	vst v63  }
.Ltmp4:
0x394: {  	_ = 	snop;
	(pc) =	sbr.rel @p1 .LBB2_12-.Ltmp4, $4  }
0x395: {  	s20 =	sadd.s32 $0xE0, s0;
	s26 =	simm.s32 $0x192E8  }
0x396: {  	[hbm4b:s20+s3] =	stream.linear.scatter [tilespmem:s26], [sflag:$0x3], $0x80, $0x38;
	[tilespmem:$0x1E100] =	vst v63  }
0x397: {  	s0 =	sadd.s32 $0xF0, s0;
	s31 =	simm.s32 $0x19370  }
0x398: {  	[hbm4b:s0+s3] =	stream.linear.scatter [tilespmem:s31], [sflag:$0x3], $0x80, $0x38;
	[tilespmem:$0x1E100] =	vst v63  }
0x399: {  	_ =	swait.ge [sflag:s28], $0x4000  }
0x39a: {  	v14 =	vld [tilespmem:$0x1FCA0]  }
0x39b: {  	v22 =	vld [tilespmem:$0x1FCB0]  }
0x39c: {  	v26 =	vld [tilespmem:$0x1FCC0]  }
0x39d: {  	v23 =	vld [tilespmem:$0x1FCE0]  }
0x39e: {  	v43 =	vld [tilespmem:$0x1FCF0]  }
0x39f: {  	v52 =	vld [tilespmem:$0x1FD00]  }
0x3a0: {  	v24 =	vld [tilespmem:$0x1FD10]  }
0x3a1: {  	v25 =	vld [tilespmem:$0x1FD20]  }
0x3a2: {  	v42 =	vld [tilespmem:$0x1FD30]  }
0x3a3: {  	v50 =	vld [tilespmem:$0x1FD40]  }
0x3a4: {  	v63 =	vld [tilespmem:$0x1FD60]  }
0x3a5: {  	v62 =	vld [tilespmem:$0x1FD70]  }
.Ltmp5:
0x3a6: {  	v27 =	vld [tilespmem:$0x1FDE0];
	(pc) =	sbr.rel .LBB2_13-.Ltmp5, $4  }
0x3a7: {  	v36 =	vld [tilespmem:$0x1FE20]  }
0x3a8: {  	v45 =	vld [tilespmem:$0x1FE30]  }
0x3a9: {  	[sflag:s28] =	ssyncset.done $0x0;
	v35 =	vld [tilespmem:$0x1FE60]  }
0x3aa: {  	v7 =	vlaneseq.u32;
	v49 =	vld [tilespmem:$0x1FE70];
	[sflag:s28] =	ssyncadd.s32 $0xFFFFC000  }
.LBB2_12:
0x3ab: {  	s0 =	sadd.s32 $0x6600, s21  }
0x3ac: {  	[tilespmem:s19], [sflag:$0x1] =	stream.indirect.gather [hbm4b:s4+s17], $0x40, s0, s17, $0xb8;
	[tilespmem:$0x1E100] =	vst v63  }
0x3ad: {  	s31 =	sadd.s32 $0x6680, s21;
	s1 =	simm.s32 $0xE800  }
0x3ae: {  	[tilespmem:s1], [sflag:$0x1] =	stream.indirect.gather [hbm4b:s4+s17], $0x40, s31, s17, $0xb8;
	[tilespmem:$0x1E100] =	vst v63  }
0x3af: {  	_ =	swait.ge [sflag:s28], $0x4000  }
0x3b0: {  	v14 =	vld [tilespmem:$0x1FCA0]  }
0x3b1: {  	v22 =	vld [tilespmem:$0x1FCB0]  }
0x3b2: {  	v26 =	vld [tilespmem:$0x1FCC0]  }
0x3b3: {  	v23 =	vld [tilespmem:$0x1FCE0]  }
0x3b4: {  	v43 =	vld [tilespmem:$0x1FCF0]  }
0x3b5: {  	v52 =	vld [tilespmem:$0x1FD00]  }
0x3b6: {  	v24 =	vld [tilespmem:$0x1FD10]  }
0x3b7: {  	v25 =	vld [tilespmem:$0x1FD20]  }
0x3b8: {  	v42 =	vld [tilespmem:$0x1FD30]  }
0x3b9: {  	v50 =	vld [tilespmem:$0x1FD40]  }
0x3ba: {  	v63 =	vld [tilespmem:$0x1FD60]  }
0x3bb: {  	v62 =	vld [tilespmem:$0x1FD70]  }
.Ltmp6:
0x3bc: {  	v27 =	vld [tilespmem:$0x1FDE0];
	(pc) =	sbr.rel @p0 .LBB2_14-.Ltmp6, $4  }
0x3bd: {  	v36 =	vld [tilespmem:$0x1FE20]  }
0x3be: {  	v45 =	vld [tilespmem:$0x1FE30]  }
0x3bf: {  	[sflag:s28] =	ssyncset.done $0x0;
	v35 =	vld [tilespmem:$0x1FE60]  }
0x3c0: {  	v7 =	vlaneseq.u32;
	v49 =	vld [tilespmem:$0x1FE70];
	[sflag:s28] =	ssyncadd.s32 $0xFFFFC000  }
.LBB2_13:
0x3c1: {  	_ =	swait.ge [sflag:s29], $0x800  }
0x3c2: {  	[sflag:s29] =	ssyncset.done $0x0  }
0x3c3: {  	[sflag:s29] =	ssyncadd.s32 $0xFFFFF800  }
0x3c4: {  	_ =	swait.ge [sflag:s29], $0x800  }
0x3c5: {  	[sflag:s29] =	ssyncset.done $0x0  }
0x3c6: {  	[sflag:s29] =	ssyncadd.s32 $0xFFFFF800  }
0x3c7: {  	_ =	swait.ge [sflag:s29], $0x800  }
0x3c8: {  	[sflag:s29] =	ssyncset.done $0x0  }
0x3c9: {  	[sflag:s29] =	ssyncadd.s32 $0xFFFFF800  }
0x3ca: {  	_ =	swait.ge [sflag:s29], $0x800  }
0x3cb: {  	[sflag:s29] =	ssyncset.done $0x0  }
0x3cc: {  	[sflag:s29] =	ssyncadd.s32 $0xFFFFF800  }
0x3cd: {  	_ =	swait.ge [sflag:s29], $0x800  }
0x3ce: {  	[sflag:s29] =	ssyncset.done $0x0  }
0x3cf: {  	[sflag:s29] =	ssyncadd.s32 $0xFFFFF800  }
0x3d0: {  	_ =	swait.ge [sflag:s29], $0x800  }
0x3d1: {  	[sflag:s29] =	ssyncset.done $0x0  }
0x3d2: {  	[sflag:s29] =	ssyncadd.s32 $0xFFFFF800  }
0x3d3: {  	_ =	swait.ge [sflag:s29], $0x800  }
0x3d4: {  	[sflag:s29] =	ssyncset.done $0x0  }
0x3d5: {  	[sflag:s29] =	ssyncadd.s32 $0xFFFFF800  }
0x3d6: {  	_ =	swait.ge [sflag:s29], $0x800  }
0x3d7: {  	[sflag:s29] =	ssyncset.done $0x0  }
0x3d8: {  	[sflag:s29] =	ssyncadd.s32 $0xFFFFF800  }
.LBB2_14:
0x3d9: {  	s21 =	simm.s32 $0x0  }
0x3da: {  	s0 =	simm.s32 $0x4;
	s1 =	simm.s32 $0x5;
	s18 =	simm.s32 $0x6;
	v8 =	vmov s21  }
0x3db: {  	s20 =	simm.s32 $0x1;
	s5 =	simm.s32 $0x2;
	v12 =	vmov s0;
	v13 =	vmov s1;
	v9 =	vmov s18  }
0x3dc: {  	v10 =	vmov s20;
	v11 =	vmov s5;
	v21 =	vadd.s32 s21, v14  }
0x3dd: {  	v53 =	vand.u32 $0x78, v9;
	v55 =	vshll.u32 v10, $0x6;
	v47 =	vshll.u32 v8, $0x6  }
0x3de: {  	s26 =	simm.s32 $0x7;
	v51 =	vshll.u32 v11, $0x6;
	v61 =	vand.u32 $0x78, v10;
	v56 =	vshll.u32 v12, $0x6  }
0x3df: {  	s31 =	simm.s32 $0x3;
	v48 =	vshll.u32 v9, $0x6;
	v9 =	vmov s26;
	v8 =	vor.u32 v7, v55  }
0x3e0: {  	v10 =	vmov s31;
	v60 =	vshll.u32 v13, $0x6;
	v15 =	vor.u32 v7, v51  }
0x3e1: {  	v46 =	vshll.u32 v9, $0x6;
	v54 =	vand.u32 $0x78, v9;
	v9 =	vor.u32 v7, v47  }
0x3e2: {  	[tilespmem:$0x1FB00] =	vst v12;
	v16 =	vor.u32 v7, v48;
	v57 =	vshll.u32 v10, $0x6;
	v19 =	vor.u32 v7, v56  }
0x3e3: {  	[tilespmem:$0x1FB10] =	vst v13;
	v20 =	vor.u32 v7, v60;
	v17 =	vor.u32 v7, v46;
	v18 =	vor.u32 v7, v57;
	v7 =	vld [tilespmem:$0x1FDA0]  }
0x3e4: {  	v14 =	vadd.s32 s21, v22;
	v59 =	vand.u32 $0x78, v11;
	v22 =	vadd.s32 v23, v61;
	v23 =	vld.idx.msk [tilespmem:v8+s22+$0x0], $0xffff  }
0x3e5: {  	v25 =	vadd.s32 v25, v59;
	v15 =	vld.idx.msk [tilespmem:v15+s22+$0x0], $0xffff  }
0x3e6: {  	v37 =	vld.idx.msk [tilespmem:v9+s22+$0x0], $0xffff  }
0x3e7: {  	v38 =	vld.idx.msk [tilespmem:v16+s22+$0x0], $0xffff  }
0x3e8: {  	v58 =	vand.u32 $0x78, v10;
	v10 =	vadd.s32 s21, v26;
	v26 =	vor.u32 v0, v51;
	v19 =	vld.idx.msk [tilespmem:v19+s22+$0x0], $0xffff  }
0x3e9: {  	v33 =	vadd.s32 v63, v58;
	v32 =	vld.idx.msk [tilespmem:v18+s22+$0x0], $0xffff  }
0x3ea: {  	v29 =	vor.u32 v0, v55;
	v36 =	vadd.s32 v36, v53;
	v17 =	vld.idx.msk [tilespmem:v17+s22+$0x0], $0xffff;
	[tilespmem:v25+s30+$0x0] =	vst.idx.msk $0xffff, v15  }
0x3eb: {  	v12 =	vand.u32 $0x78, v12;
	v34 =	vor.u32 v0, v57;
	v15 =	vld [tilespmem:$0x1FDB0]  }
0x3ec: {  	v40 =	vor.u32 v0, v48;
	v28 =	vadd.s32 v7, v12;
	[tilespmem:v22+s30+$0x0] =	vst.idx.msk $0xffff, v23;
	v23 =	vld.idx.msk [tilespmem:v20+s22+$0x0], $0xffff  }
0x3ed: {  	v35 =	vadd.s32 v35, v54;
	v20 =	vld.idx.msk [tilespmem:v26+s22+$0x0], $0xffff;
	[tilespmem:$0x1FB20] =	vst v47  }
0x3ee: {  	v30 =	vor.u32 v0, v56;
	[tilespmem:v33+s30+$0x0] =	vst.idx.msk $0xffff, v32  }
0x3ef: {  	v22 =	vadd.s32 v43, v61;
	v43 =	vld.idx.msk [tilespmem:v29+s22+$0x0], $0xffff;
	[tilespmem:v36+s30+$0x0] =	vst.idx.msk $0xffff, v38  }
0x3f0: {  	v11 =	vand.u32 $0x78, v13;
	v39 =	vor.u32 v0, v46;
	v32 =	vld.idx.msk [tilespmem:v34+s22+$0x0], $0xffff;
	[tilespmem:$0x1FB30] =	vst v48  }
0x3f1: {  	v13 =	vadd.s32 v24, v61;
	v24 =	vor.u32 v0, v47;
	[tilespmem:v28+s30+$0x0] =	vst.idx.msk $0xffff, v19;
	v28 =	vld.idx.msk [tilespmem:v40+s22+$0x0], $0xffff  }
0x3f2: {  	v42 =	vadd.s32 v42, v59;
	v19 =	vld [tilespmem:$0x1FDF0];
	[tilespmem:v35+s30+$0x0] =	vst.idx.msk $0xffff, v17  }
0x3f3: {  	v30 =	vld.idx.msk [tilespmem:v30+s22+$0x0], $0xffff;
	[tilespmem:v21+s30+$0x0] =	vst.idx.msk $0xffff, v37  }
0x3f4: {  	[tilespmem:$0x1FB40] =	vst v51;
	v17 =	vld [tilespmem:$0x1FDC0]  }
0x3f5: {  	v36 =	vadd.s32 v50, v59;
	v50 =	vld.idx.msk [tilespmem:v39+s22+$0x0], $0xffff  }
0x3f6: {  	v26 =	vadd.s32 v62, v58;
	v35 =	vld.idx.msk [tilespmem:v24+s22+$0x0], $0xffff;
	[tilespmem:$0x1FB50] =	vst v61  }
0x3f7: {  	v25 =	vor.u32 v1, v51;
	[tilespmem:v42+s30+$0x0] =	vst.idx.msk $0xffff, v20  }
0x3f8: {  	v45 =	vadd.s32 v45, v53;
	v40 =	vor.u32 v1, v57;
	[tilespmem:$0x1FB60] =	vst v46  }
0x3f9: {  	v29 =	vadd.s32 v19, v11;
	v19 =	vadd.s32 v17, v12;
	v17 =	vld [tilespmem:$0x1FCD0];
	[tilespmem:v22+s30+$0x0] =	vst.idx.msk $0xffff, v43  }
0x3fa: {  	[tilespmem:$0x1FB70] =	vst v55  }
0x3fb: {  	v31 =	vadd.s32 v27, v11;
	v20 =	vld [tilespmem:$0x1FE50];
	[tilespmem:v26+s30+$0x0] =	vst.idx.msk $0xffff, v32  }
0x3fc: {  	v33 =	vld.idx.msk [tilespmem:v25+s22+$0x0], $0xffff;
	[tilespmem:$0x1FB80] =	vst v60  }
0x3fd: {  	v21 =	vld [tilespmem:$0x1FE90];
	[tilespmem:v45+s30+$0x0] =	vst.idx.msk $0xffff, v28  }
0x3fe: {  	v26 =	vld.idx.msk [tilespmem:v40+s22+$0x0], $0xffff;
	[tilespmem:$0x1FB90] =	vst v56  }
0x3ff: {  	[tilespmem:$0x1FBA0] =	vst v53  }
0x400: {  	v25 =	vld [tilespmem:$0x1FE40];
	[tilespmem:v31+s30+$0x0] =	vst.idx.msk $0xffff, v23  }
0x401: {  	v23 =	vld [tilespmem:$0x1FD80];
	_ =	sdelay $0x3  }
0x402: {  	v44 =	vadd.s32 v15, v12  }
0x403: {  	v8 =	vor.u32 v2, v46;
	v34 =	vor.u32 v1, v46;
	v46 =	vadd.s32 v23, v58;
	v23 =	vld [tilespmem:$0x1FE00];
	_ =	sdelay $0x1  }
0x404: {  	v16 =	vor.u32 v2, v48;
	v48 =	vor.u32 v1, v48  }
0x405: {  	v18 =	vor.u32 v1, v47  }
0x406: {  	v15 =	vor.u32 v2, v47;
	v47 =	vadd.s32 v49, v54;
	[tilespmem:v44+s30+$0x0] =	vst.idx.msk $0xffff, v30  }
0x407: {  	v32 =	vadd.s32 v23, v11;
	v23 =	vld [tilespmem:$0x1FD50];
	_ =	sdelay $0x1  }
0x408: {  	v43 =	vld.idx.msk [tilespmem:v48+s22+$0x0], $0xffff;
	[tilespmem:$0x1FBB0] =	vst v59  }
0x409: {  	[tilespmem:$0x1FBC0] =	vst v57  }
0x40a: {  	v41 =	vor.u32 v1, v55;
	[tilespmem:v47+s30+$0x0] =	vst.idx.msk $0xffff, v50  }
0x40b: {  	v40 =	vadd.s32 v23, v59;
	v23 =	vld [tilespmem:$0x1FD90];
	_ =	sdelay $0x3  }
0x40c: {  	v49 =	vor.u32 v0, v60;
	v30 =	vld.idx.msk [tilespmem:v41+s22+$0x0], $0xffff  }
0x40d: {  	v41 =	vadd.s32 v23, v58;
	v23 =	vld [tilespmem:$0x1FE80]  }
0x40e: {  	v27 =	vor.u32 v1, v56;
	v9 =	vor.u32 v2, v60  }
0x40f: {  	v7 =	vlaneseq.u32;
	v38 =	vor.u32 v2, v51;
	v37 =	vadd.s32 v52, v61  }
0x410: {  	v39 =	vor.u32 v1, v60;
	v24 =	vor.u32 v2, v56;
	v22 =	vor.u32 v2, v55  }
0x411: {  	v28 =	vor.u32 v2, v57;
	v17 =	vadd.s32 s21, v17;
	v20 =	vadd.s32 v20, v53;
	v45 =	vld.idx.msk [tilespmem:v49+s22+$0x0], $0xffff;
	[tilespmem:$0x1FBD0] =	vst v58  }
0x412: {  	s16 =	sadd.s32 $0x1, s16;
	s26 =	simm.s32 $0x8;
	v21 =	vadd.s32 v21, v54;
	v42 =	vadd.s32 v25, v53;
	[tilespmem:$0x1FBE0] =	vst v54;
	v44 =	vadd.s32 v23, v54  }
.LBB2_15:
0x413: {  	[tilespmem:v14+s30+$0x0] =	vst.idx.msk $0xffff, v35;
	v14 =	vld [tilespmem:$0x1FDD0];
	_ =	sdelay $0x4  }
0x414: {  	[tilespmem:v36+s30+$0x0] =	vst.idx.msk $0xffff, v33;
	v47 =	vadd.s32 v14, v12;
	v14 =	vld.idx.msk [tilespmem:v34+s22+$0x0], $0xffff  }
0x415: {  	v38 =	vld.idx.msk [tilespmem:v38+s22+$0x0], $0xffff;
	_ =	sdelay $0x3  }
0x416: {  	[tilespmem:v44+s30+$0x0] =	vst.idx.msk $0xffff, v14  }
0x417: {  	[tilespmem:v40+s30+$0x0] =	vst.idx.msk $0xffff, v38;
	v38 =	vld.idx.msk [tilespmem:v8+s22+$0x0], $0xffff  }
0x418: {  	v8 =	vld [tilespmem:$0x1FCA0];
	_ =	sdelay $0x3  }
0x419: {  	s31 =	smov.u32 s26  }
0x41a: {  	v40 =	vadd.s32 s31, v8;
	v8 =	vld [tilespmem:$0x1FCB0];
	_ =	sdelay $0x1  }
0x41b: {  	s1 =	sadd.s32 $0x5, s26;
	s20 =	sadd.s32 $0x1, s26;
	v12 =	vld [tilespmem:$0x1FE10]  }
0x41c: {  	v25 =	vmov s26;
	v27 =	vld.idx.msk [tilespmem:v27+s22+$0x0], $0xffff;
	v48 =	vmovc v13;
	s5 =	sadd.s32 $0x2, s26;
	v13 =	vmov s1;
	v31 =	vmov s20  }
0x41d: {  	v49 =	vmov s5;
	v18 =	vld.idx.msk [tilespmem:v18+s22+$0x0], $0xffff;
	v33 =	vand.u32 $0x78, v31;
	[tilespmem:v46+s30+$0x0] =	vst.idx.msk $0xffff, v26;
	v46 =	vshll.u32 v25, $0x6  }
0x41e: {  	v26 =	vshll.u32 v31, $0x6;
	[tilespmem:v29+s30+$0x0] =	vst.idx.msk $0xffff, v45;
	v34 =	vshll.u32 v49, $0x6;
	v14 =	vadd.s32 s31, v8;
	v8 =	vld [tilespmem:$0x1FD10]  }
0x41f: {  	s0 =	sadd.s32 $0x4, s26;
	s18 =	sadd.s32 $0x6, s26;
	v50 =	vor.u32 v7, v26;
	v59 =	vld.idx.msk [tilespmem:v39+s22+$0x0], $0xffff;
	v39 =	vshll.u32 v13, $0x6;
	v51 =	vor.u32 v7, v34  }
0x420: {  	v58 =	vld.idx.msk [tilespmem:v28+s22+$0x0], $0xffff;
	v35 =	vadd.s32 v12, v11;
	v11 =	vmov s0;
	v12 =	vmov s18;
	s18 =	sadd.s32 $0x7, s26  }
0x421: {  	[tilespmem:v19+s30+$0x0] =	vst.idx.msk $0xffff, v27;
	v27 =	vld [tilespmem:$0x1FDA0];
	v23 =	vand.u32 $0x78, v12;
	v52 =	vshll.u32 v12, $0x6;
	v12 =	vmov s18  }
0x422: {  	[tilespmem:v10+s30+$0x0] =	vst.idx.msk $0xffff, v18;
	v10 =	vld [tilespmem:$0x1FD20];
	v28 =	vshll.u32 v11, $0x6;
	v45 =	vshll.u32 v12, $0x6;
	v25 =	vand.u32 $0x78, v12  }
0x423: {  	[tilespmem:v37+s30+$0x0] =	vst.idx.msk $0xffff, v30;
	v12 =	vand.u32 $0x78, v11;
	v11 =	vand.u32 $0x78, v13;
	v13 =	vadd.s32 v8, v33;
	v8 =	vld [tilespmem:$0x1FCE0]  }
0x424: {  	s20 =	sadd.s32 $0x3, s31;
	v22 =	vld.idx.msk [tilespmem:v22+s22+$0x0], $0xffff  }
0x425: {  	v29 =	vmov s20;
	v15 =	vld.idx.msk [tilespmem:v15+s22+$0x0], $0xffff  }
0x426: {  	[tilespmem:v42+s30+$0x0] =	vst.idx.msk $0xffff, v43;
	v30 =	vshll.u32 v29, $0x6;
	v49 =	vand.u32 $0x78, v49  }
0x427: {  	v18 =	vor.u32 v7, v30;
	v61 =	vadd.s32 v10, v49;
	v44 =	vadd.s32 v27, v12;
	v27 =	vld.idx.msk [tilespmem:v51+s22+$0x0], $0xffff  }
0x428: {  	v19 =	vor.u32 v0, v34;
	[tilespmem:v41+s30+$0x0] =	vst.idx.msk $0xffff, v58;
	v36 =	vld.idx.msk [tilespmem:v50+s22+$0x0], $0xffff;
	v60 =	vadd.s32 v8, v33  }
0x429: {  	v55 =	vld [tilespmem:$0x1FDE0];
	[tilespmem:v48+s30+$0x0] =	vst.idx.msk $0xffff, v22  }
0x42a: {  	v16 =	vld.idx.msk [tilespmem:v16+s22+$0x0], $0xffff;
	[tilespmem:v17+s30+$0x0] =	vst.idx.msk $0xffff, v15  }
0x42b: {  	v42 =	vor.u32 v7, v46;
	v15 =	vld [tilespmem:$0x1FE20];
	[tilespmem:v21+s30+$0x0] =	vst.idx.msk $0xffff, v38  }
0x42c: {  	v53 =	vor.u32 v7, v52;
	v21 =	vld.idx.msk [tilespmem:v18+s22+$0x0], $0xffff;
	[tilespmem:v61+s30+$0x0] =	vst.idx.msk $0xffff, v27  }
0x42d: {  	v31 =	vand.u32 $0x78, v29;
	[tilespmem:v60+s30+$0x0] =	vst.idx.msk $0xffff, v36;
	v60 =	vld.idx.msk [tilespmem:v19+s22+$0x0], $0xffff  }
0x42e: {  	v51 =	vadd.s32 v55, v11;
	v55 =	vadd.s32 v63, v31;
	v19 =	vld [tilespmem:$0x1FE70]  }
0x42f: {  	v24 =	vld.idx.msk [tilespmem:v24+s22+$0x0], $0xffff  }
0x430: {  	[tilespmem:v20+s30+$0x0] =	vst.idx.msk $0xffff, v16;
	v17 =	vld.idx.msk [tilespmem:v42+s22+$0x0], $0xffff  }
0x431: {  	v43 =	vor.u32 v7, v28;
	v53 =	vld.idx.msk [tilespmem:v53+s22+$0x0], $0xffff  }
0x432: {  	[tilespmem:v32+s30+$0x0] =	vst.idx.msk $0xffff, v59;
	v42 =	vadd.s32 v15, v23;
	v15 =	vld [tilespmem:$0x1FD30]  }
0x433: {  	[tilespmem:v55+s30+$0x0] =	vst.idx.msk $0xffff, v21;
	v55 =	vadd.s32 v19, v25;
	v19 =	vld [tilespmem:$0x1FE30]  }
0x434: {  	v56 =	vld.idx.msk [tilespmem:v9+s22+$0x0], $0xffff;
	v54 =	vor.u32 v7, v45  }
0x435: {  	v29 =	vor.u32 v7, v39;
	v9 =	vld [tilespmem:$0x1FE60]  }
0x436: {  	v43 =	vld.idx.msk [tilespmem:v43+s22+$0x0], $0xffff  }
0x437: {  	v22 =	vadd.s32 v15, v49;
	v15 =	vld [tilespmem:$0x1FDB0]  }
0x438: {  	[tilespmem:v42+s30+$0x0] =	vst.idx.msk $0xffff, v53;
	v42 =	vadd.s32 v19, v23;
	v19 =	vld [tilespmem:$0x1FDF0]  }
0x439: {  	v37 =	vld.idx.msk [tilespmem:v54+s22+$0x0], $0xffff  }
0x43a: {  	v54 =	vld.idx.msk [tilespmem:v29+s22+$0x0], $0xffff  }
0x43b: {  	[tilespmem:v40+s30+$0x0] =	vst.idx.msk $0xffff, v17;
	v17 =	vld [tilespmem:$0x1FDC0]  }
0x43c: {  	v20 =	vor.u32 v0, v26;
	[tilespmem:v47+s30+$0x0] =	vst.idx.msk $0xffff, v24;
	v47 =	vadd.s32 v15, v12;
	v15 =	vld [tilespmem:$0x1FCF0]  }
0x43d: {  	v29 =	vadd.s32 v19, v11;
	v19 =	vld [tilespmem:$0x1FD40];
	_ =	sdelay $0x2  }
0x43e: {  	v59 =	vor.u32 v0, v52  }
0x43f: {  	v57 =	vadd.s32 v9, v25;
	v41 =	vadd.s32 v15, v33;
	v20 =	vld.idx.msk [tilespmem:v20+s22+$0x0], $0xffff  }
0x440: {  	v24 =	vor.u32 v1, v34;
	v36 =	vadd.s32 v19, v49;
	v19 =	vadd.s32 v17, v12;
	v17 =	vld [tilespmem:$0x1FD00];
	_ =	sdelay $0x1  }
0x441: {  	[tilespmem:v44+s30+$0x0] =	vst.idx.msk $0xffff, v43  }
0x442: {  	v43 =	vld.idx.msk [tilespmem:v59+s22+$0x0], $0xffff;
	[tilespmem:v22+s30+$0x0] =	vst.idx.msk $0xffff, v60  }
0x443: {  	[tilespmem:v41+s30+$0x0] =	vst.idx.msk $0xffff, v20;
	v20 =	vld [tilespmem:$0x1FE50]  }
0x444: {  	[tilespmem:v57+s30+$0x0] =	vst.idx.msk $0xffff, v37;
	v37 =	vadd.s32 v17, v33;
	v33 =	vld.idx.msk [tilespmem:v24+s22+$0x0], $0xffff  }
0x445: {  	v50 =	vor.u32 v0, v28;
	v27 =	vor.u32 v1, v28;
	v24 =	vor.u32 v2, v28;
	v28 =	vld [tilespmem:$0x1FE40];
	_ =	sdelay $0x4  }
0x446: {  	v20 =	vadd.s32 v20, v23;
	[tilespmem:v42+s30+$0x0] =	vst.idx.msk $0xffff, v43;
	v42 =	vadd.s32 v28, v23;
	v23 =	vld [tilespmem:$0x1FD80];
	_ =	sdelay $0x3  }
0x447: {  	v32 =	vor.u32 v0, v46  }
0x448: {  	v18 =	vor.u32 v1, v46;
	v15 =	vor.u32 v2, v46;
	v46 =	vadd.s32 v23, v31;
	v23 =	vld [tilespmem:$0x1FE00];
	_ =	sdelay $0x2  }
0x449: {  	v38 =	vor.u32 v0, v30  }
0x44a: {  	[tilespmem:v35+s30+$0x0] =	vst.idx.msk $0xffff, v56;
	v35 =	vld.idx.msk [tilespmem:v32+s22+$0x0], $0xffff  }
0x44b: {  	v32 =	vadd.s32 v23, v11;
	v23 =	vld [tilespmem:$0x1FD50];
	_ =	sdelay $0x1  }
0x44c: {  	v58 =	vor.u32 v0, v45  }
0x44d: {  	v61 =	vadd.s32 v62, v31;
	v21 =	vld.idx.msk [tilespmem:v38+s22+$0x0], $0xffff  }
0x44e: {  	v10 =	vld [tilespmem:$0x1FCC0]  }
0x44f: {  	v40 =	vadd.s32 v23, v49;
	v23 =	vld [tilespmem:$0x1FD90]  }
0x450: {  	v50 =	vld.idx.msk [tilespmem:v50+s22+$0x0], $0xffff  }
0x451: {  	v44 =	vor.u32 v0, v39;
	v59 =	vld.idx.msk [tilespmem:v58+s22+$0x0], $0xffff  }
0x452: {  	v56 =	vor.u32 v1, v30;
	[tilespmem:v61+s30+$0x0] =	vst.idx.msk $0xffff, v21;
	v21 =	vld [tilespmem:$0x1FE90]  }
0x453: {  	v16 =	vor.u32 v2, v52;
	v52 =	vor.u32 v1, v52;
	v17 =	vld [tilespmem:$0x1FCD0]  }
0x454: {  	p0 =	slt.u32 s26, $0x78;
	v48 =	vor.u32 v1, v26;
	v41 =	vadd.s32 v23, v31;
	v23 =	vld [tilespmem:$0x1FE80]  }
.Ltmp7:
0x455: {  	v10 =	vadd.s32 s31, v10;
	[tilespmem:v51+s30+$0x0] =	vst.idx.msk $0xffff, v54;
	(pc) =	sbr.rel @p0 .LBB2_15-.Ltmp7, $4  }
0x456: {  	v38 =	vor.u32 v2, v34;
	v34 =	vor.u32 v1, v45;
	v8 =	vor.u32 v2, v45;
	v45 =	vld.idx.msk [tilespmem:v44+s22+$0x0], $0xffff  }
0x457: {  	v9 =	vor.u32 v2, v39;
	[tilespmem:v47+s30+$0x0] =	vst.idx.msk $0xffff, v50;
	v22 =	vor.u32 v2, v26;
	v26 =	vld.idx.msk [tilespmem:v56+s22+$0x0], $0xffff  }
0x458: {  	v39 =	vor.u32 v1, v39;
	v21 =	vadd.s32 v21, v25;
	[tilespmem:v55+s30+$0x0] =	vst.idx.msk $0xffff, v59;
	v43 =	vld.idx.msk [tilespmem:v52+s22+$0x0], $0xffff  }
0x459: {  	s26 =	sadd.s32 $0x8, s26;
	v17 =	vadd.s32 s31, v17;
	v28 =	vor.u32 v2, v30;
	v30 =	vld.idx.msk [tilespmem:v48+s22+$0x0], $0xffff;
	v44 =	vadd.s32 v23, v25  }
0x45a: {  	_ =	sdelay $0x3  }
0x45b: {  	[tilespmem:v14+s30+$0x0] =	vst.idx.msk $0xffff, v35  }
0x45c: {  	[tilespmem:v36+s30+$0x0] =	vst.idx.msk $0xffff, v33;
	v14 =	vld.idx.msk [tilespmem:v18+s22+$0x0], $0xffff  }
0x45d: {  	v18 =	vld.idx.msk [tilespmem:v34+s22+$0x0], $0xffff;
	[tilespmem:v29+s30+$0x0] =	vst.idx.msk $0xffff, v45  }
0x45e: {  	v23 =	vld.idx.msk [tilespmem:v38+s22+$0x0], $0xffff;
	[tilespmem:v46+s30+$0x0] =	vst.idx.msk $0xffff, v26  }
0x45f: {  	v26 =	vld.idx.msk [tilespmem:v27+s22+$0x0], $0xffff;
	[tilespmem:v42+s30+$0x0] =	vst.idx.msk $0xffff, v43  }
0x460: {  	v25 =	vld.idx.msk [tilespmem:v28+s22+$0x0], $0xffff;
	[tilespmem:v37+s30+$0x0] =	vst.idx.msk $0xffff, v30  }
0x461: {  	[tilespmem:v10+s30+$0x0] =	vst.idx.msk $0xffff, v14  }
0x462: {  	[tilespmem:v44+s30+$0x0] =	vst.idx.msk $0xffff, v18  }
0x463: {  	[tilespmem:v40+s30+$0x0] =	vst.idx.msk $0xffff, v23  }
0x464: {  	[tilespmem:v19+s30+$0x0] =	vst.idx.msk $0xffff, v26  }
0x465: {  	v10 =	vld.idx.msk [tilespmem:v39+s22+$0x0], $0xffff;
	[tilespmem:v41+s30+$0x0] =	vst.idx.msk $0xffff, v25  }
0x466: {  	v7 =	vld [tilespmem:$0x1FDD0];
	_ =	sdelay $0x3  }
0x467: {  	v14 =	vld.idx.msk [tilespmem:v16+s22+$0x0], $0xffff;
	[tilespmem:v32+s30+$0x0] =	vst.idx.msk $0xffff, v10  }
0x468: {  	v12 =	vadd.s32 v7, v12;
	v7 =	vld [tilespmem:$0x1FE10]  }
0x469: {  	v8 =	vld.idx.msk [tilespmem:v8+s22+$0x0], $0xffff  }
0x46a: {  	v15 =	vld.idx.msk [tilespmem:v15+s22+$0x0], $0xffff  }
0x46b: {  	v16 =	vld.idx.msk [tilespmem:v22+s22+$0x0], $0xffff  }
0x46c: {  	v10 =	vld.idx.msk [tilespmem:v24+s22+$0x0], $0xffff  }
0x46d: {  	v9 =	vld.idx.msk [tilespmem:v9+s22+$0x0], $0xffff;
	[tilespmem:v20+s30+$0x0] =	vst.idx.msk $0xffff, v14;
	v11 =	vadd.s32 v7, v11  }
0x46e: {  	[tilespmem:v21+s30+$0x0] =	vst.idx.msk $0xffff, v8  }
0x46f: {  	[tilespmem:v17+s30+$0x0] =	vst.idx.msk $0xffff, v15  }
0x470: {  	v33 =	vld [tilespmem:$0x1FB40];
	[tilespmem:v13+s30+$0x0] =	vst.idx.msk $0xffff, v16  }
0x471: {  	v41 =	vld [tilespmem:$0x1FB70];
	[tilespmem:v12+s30+$0x0] =	vst.idx.msk $0xffff, v10  }
0x472: {  	v46 =	vld [tilespmem:$0x1FBC0];
	[tilespmem:v11+s30+$0x0] =	vst.idx.msk $0xffff, v9  }
0x473: {  	v7 =	vld [tilespmem:$0x1FB00];
	_ =	sdelay $0x3  }
0x474: {  	v45 =	vld [tilespmem:$0x1FBB0]  }
0x475: {  	v10 =	vand.u32 $0x78, v7;
	v7 =	vld [tilespmem:$0x1FC10];
	_ =	sdelay $0x4  }
0x476: {  	v18 =	vadd.s32 v7, v45;
	v7 =	vld [tilespmem:$0x1FB10];
	_ =	sdelay $0x4  }
0x477: {  	v11 =	vand.u32 $0x78, v7;
	v7 =	vld [tilespmem:$0x1FEA0];
	_ =	sdelay $0x3  }
0x478: {  	v48 =	vld [tilespmem:$0x1FBD0]  }
0x479: {  	v21 =	vadd.s32 s21, v7;
	v7 =	vld [tilespmem:$0x1FC40];
	_ =	sdelay $0x3  }
0x47a: {  	v42 =	vld [tilespmem:$0x1FBA0]  }
0x47b: {  	v24 =	vadd.s32 v7, v48;
	v7 =	vld [tilespmem:$0x1FF80]  }
0x47c: {  	v37 =	vld [tilespmem:$0x1FB30]  }
0x47d: {  	v8 =	vor.u32 v3, v33;
	v50 =	vld [tilespmem:$0x1FB60]  }
0x47e: {  	v55 =	vld [tilespmem:$0x1FED0]  }
0x47f: {  	v13 =	vor.u32 v3, v41;
	v36 =	vld [tilespmem:$0x1FB50]  }
0x480: {  	v26 =	vadd.s32 v7, v42;
	v7 =	vld [tilespmem:$0x1FC70]  }
0x481: {  	v63 =	vld [tilespmem:$0x1FB20]  }
0x482: {  	v20 =	vld.idx.msk [tilespmem:v8+s22+$0x0], $0xffff  }
0x483: {  	v47 =	vld [tilespmem:$0x1FBE0]  }
0x484: {  	v14 =	vor.u32 v3, v46;
	v13 =	vld.idx.msk [tilespmem:v13+s22+$0x0], $0xffff;
	v22 =	vadd.s32 v55, v36  }
0x485: {  	v29 =	vadd.s32 v7, v10;
	v7 =	vld [tilespmem:$0x1FC90]  }
0x486: {  	v43 =	vld [tilespmem:$0x1FB90]  }
0x487: {  	v49 =	vld [tilespmem:$0x1FB80]  }
0x488: {  	v56 =	vld [tilespmem:$0x1FEF0];
	[tilespmem:v18+s30+$0x0] =	vst.idx.msk $0xffff, v20  }
0x489: {  	v9 =	vor.u32 v3, v37;
	v14 =	vld.idx.msk [tilespmem:v14+s22+$0x0], $0xffff;
	[tilespmem:v22+s30+$0x0] =	vst.idx.msk $0xffff, v13  }
0x48a: {  	v31 =	vadd.s32 v7, v47;
	v7 =	vld [tilespmem:$0x1FF50];
	_ =	sdelay $0x3  }
0x48b: {  	v17 =	vor.u32 v3, v43;
	v27 =	vld.idx.msk [tilespmem:v9+s22+$0x0], $0xffff;
	[tilespmem:v24+s30+$0x0] =	vst.idx.msk $0xffff, v14  }
0x48c: {  	v13 =	vadd.s32 v7, v11;
	v7 =	vld [tilespmem:$0x1FC20];
	_ =	sdelay $0x3  }
0x48d: {  	v15 =	vor.u32 v3, v50;
	v17 =	vld.idx.msk [tilespmem:v17+s22+$0x0], $0xffff;
	[tilespmem:v26+s30+$0x0] =	vst.idx.msk $0xffff, v27  }
0x48e: {  	v14 =	vadd.s32 v7, v45;
	v7 =	vld [tilespmem:$0x1FC00];
	_ =	sdelay $0x3  }
0x48f: {  	v16 =	vor.u32 v3, v63;
	v15 =	vld.idx.msk [tilespmem:v15+s22+$0x0], $0xffff;
	[tilespmem:v29+s30+$0x0] =	vst.idx.msk $0xffff, v17  }
0x490: {  	v24 =	vadd.s32 v7, v36;
	v7 =	vld [tilespmem:$0x1FC50];
	_ =	sdelay $0x3  }
0x491: {  	v23 =	vor.u32 v4, v33;
	v16 =	vld.idx.msk [tilespmem:v16+s22+$0x0], $0xffff;
	[tilespmem:v31+s30+$0x0] =	vst.idx.msk $0xffff, v15  }
0x492: {  	v17 =	vadd.s32 v7, v48;
	v7 =	vld [tilespmem:$0x1FF90];
	_ =	sdelay $0x3  }
0x493: {  	v25 =	vor.u32 v4, v41;
	v22 =	vld.idx.msk [tilespmem:v23+s22+$0x0], $0xffff;
	[tilespmem:v21+s30+$0x0] =	vst.idx.msk $0xffff, v16  }
0x494: {  	v15 =	vadd.s32 v7, v42;
	v7 =	vld [tilespmem:$0x1FF20];
	_ =	sdelay $0x3  }
0x495: {  	v30 =	vor.u32 v4, v46;
	v25 =	vld.idx.msk [tilespmem:v25+s22+$0x0], $0xffff;
	[tilespmem:v14+s30+$0x0] =	vst.idx.msk $0xffff, v22  }
0x496: {  	v21 =	vadd.s32 v7, v10;
	v7 =	vld [tilespmem:$0x1FFC0];
	_ =	sdelay $0x2  }
0x497: {  	v19 =	vor.u32 v3, v49  }
0x498: {  	v20 =	vor.u32 v4, v37;
	v26 =	vld.idx.msk [tilespmem:v30+s22+$0x0], $0xffff;
	[tilespmem:v24+s30+$0x0] =	vst.idx.msk $0xffff, v25  }
0x499: {  	v22 =	vadd.s32 v7, v47;
	v7 =	vld [tilespmem:$0x1FEB0];
	_ =	sdelay $0x2  }
0x49a: {  	v35 =	vld.idx.msk [tilespmem:v19+s22+$0x0], $0xffff  }
0x49b: {  	v20 =	vld.idx.msk [tilespmem:v20+s22+$0x0], $0xffff;
	[tilespmem:v17+s30+$0x0] =	vst.idx.msk $0xffff, v26  }
0x49c: {  	v19 =	vadd.s32 s21, v7;
	v7 =	vld [tilespmem:$0x1FF60];
	_ =	sdelay $0x3  }
0x49d: {  	[tilespmem:v15+s30+$0x0] =	vst.idx.msk $0xffff, v20  }
0x49e: {  	v30 =	vadd.s32 v7, v11;
	v7 =	vld [tilespmem:$0x1FC30];
	_ =	sdelay $0x4  }
0x49f: {  	v16 =	vor.u32 v6, v37;
	v24 =	vor.u32 v5, v37;
	v37 =	vadd.s32 v7, v45;
	v7 =	vld [tilespmem:$0x1FF30];
	_ =	sdelay $0x3  }
0x4a0: {  	v57 =	vor.u32 v4, v43  }
0x4a1: {  	v17 =	vadd.s32 v7, v10;
	v7 =	vld [tilespmem:$0x1FEE0];
	_ =	sdelay $0x3  }
0x4a2: {  	v58 =	vld.idx.msk [tilespmem:v57+s22+$0x0], $0xffff;
	[tilespmem:v13+s30+$0x0] =	vst.idx.msk $0xffff, v35  }
0x4a3: {  	v12 =	vadd.s32 v56, v36;
	v36 =	vadd.s32 v7, v36;
	v7 =	vld [tilespmem:$0x1FBF0];
	_ =	sdelay $0x3  }
0x4a4: {  	v23 =	vor.u32 v4, v50;
	v15 =	vld [tilespmem:$0x1FEC0];
	[tilespmem:v21+s30+$0x0] =	vst.idx.msk $0xffff, v58  }
0x4a5: {  	v13 =	vadd.s32 s21, v7;
	v7 =	vld [tilespmem:$0x1FFB0];
	_ =	sdelay $0x3  }
0x4a6: {  	v44 =	vld.idx.msk [tilespmem:v23+s22+$0x0], $0xffff  }
0x4a7: {  	v20 =	vadd.s32 v7, v42;
	v7 =	vld [tilespmem:$0x1FFF0];
	_ =	sdelay $0x4  }
0x4a8: {  	v21 =	vadd.s32 v7, v47;
	v7 =	vld [tilespmem:$0x1FFA0];
	[tilespmem:v22+s30+$0x0] =	vst.idx.msk $0xffff, v44  }
0x4a9: {  	v22 =	vld [tilespmem:$0x1FF00];
	_ =	sdelay $0x1  }
0x4aa: {  	v28 =	vor.u32 v4, v63;
	_ =	sdelay $0x2  }
0x4ab: {  	v39 =	vadd.s32 v22, v45;
	v22 =	vld [tilespmem:$0x1FF10]  }
0x4ac: {  	v27 =	vor.u32 v5, v33  }
0x4ad: {  	v29 =	vor.u32 v5, v41;
	v34 =	vld.idx.msk [tilespmem:v28+s22+$0x0], $0xffff  }
0x4ae: {  	v25 =	vor.u32 v5, v46;
	v62 =	vld [tilespmem:$0x1FC60]  }
0x4af: {  	v18 =	vor.u32 v5, v63;
	v14 =	vor.u32 v6, v63;
	v63 =	vld [tilespmem:$0x1FC80]  }
0x4b0: {  	v59 =	vor.u32 v4, v49;
	v40 =	vadd.s32 v22, v48;
	v22 =	vld [tilespmem:$0x1FFD0]  }
0x4b1: {  	v38 =	vor.u32 v6, v33;
	v31 =	vor.u32 v5, v43;
	v32 =	vld.idx.msk [tilespmem:v27+s22+$0x0], $0xffff  }
0x4b2: {  	v8 =	vor.u32 v6, v50;
	v9 =	vor.u32 v6, v49;
	v33 =	vor.u32 v5, v50;
	v28 =	vld.idx.msk [tilespmem:v29+s22+$0x0], $0xffff  }
0x4b3: {  	v23 =	vor.u32 v6, v41;
	v41 =	vor.u32 v5, v49;
	v46 =	vor.u32 v6, v46;
	v26 =	vld.idx.msk [tilespmem:v25+s22+$0x0], $0xffff  }
0x4b4: {  	v25 =	vor.u32 v6, v43;
	v43 =	vld.idx.msk [tilespmem:v24+s22+$0x0], $0xffff;
	v15 =	vadd.s32 s21, v15;
	v27 =	vadd.s32 v62, v48  }
0x4b5: {  	s21 =	simm.s32 $0x8;
	v42 =	vadd.s32 v7, v42;
	v35 =	vadd.s32 v63, v11;
	v45 =	vld.idx.msk [tilespmem:v59+s22+$0x0], $0xffff;
	v44 =	vadd.s32 v22, v47  }
.LBB2_17:
0x4b6: {  	v31 =	vld.idx.msk [tilespmem:v31+s22+$0x0], $0xffff  }
0x4b7: {  	v61 =	vld [tilespmem:$0x1FF50]  }
0x4b8: {  	[tilespmem:v19+s30+$0x0] =	vst.idx.msk $0xffff, v34;
	v19 =	vld [tilespmem:$0x1FF40]  }
0x4b9: {  	[tilespmem:v27+s30+$0x0] =	vst.idx.msk $0xffff, v26;
	v18 =	vld.idx.msk [tilespmem:v18+s22+$0x0], $0xffff  }
0x4ba: {  	[tilespmem:v37+s30+$0x0] =	vst.idx.msk $0xffff, v32;
	v58 =	vld.idx.msk [tilespmem:v46+s22+$0x0], $0xffff  }
0x4bb: {  	s18 =	sadd.s32 $0x1, s21;
	[tilespmem:v30+s30+$0x0] =	vst.idx.msk $0xffff, v45;
	v38 =	vld.idx.msk [tilespmem:v38+s22+$0x0], $0xffff  }
0x4bc: {  	v29 =	vmov s18;
	[tilespmem:v42+s30+$0x0] =	vst.idx.msk $0xffff, v43;
	v30 =	vld.idx.msk [tilespmem:v41+s22+$0x0], $0xffff  }
0x4bd: {  	v26 =	vshll.u32 v29, $0x6;
	[tilespmem:v36+s30+$0x0] =	vst.idx.msk $0xffff, v28;
	v16 =	vld.idx.msk [tilespmem:v16+s22+$0x0], $0xffff  }
0x4be: {  	v59 =	vor.u32 v3, v26;
	v23 =	vld.idx.msk [tilespmem:v23+s22+$0x0], $0xffff  }
0x4bf: {  	[tilespmem:v17+s30+$0x0] =	vst.idx.msk $0xffff, v31;
	v31 =	vld [tilespmem:$0x1FC70]  }
0x4c0: {  	v25 =	vld.idx.msk [tilespmem:v25+s22+$0x0], $0xffff  }
0x4c1: {  	v47 =	vadd.s32 v19, v10;
	v10 =	vld [tilespmem:$0x1FF70]  }
0x4c2: {  	s5 =	sadd.s32 $0x6, s21;
	v19 =	vld.idx.msk [tilespmem:v33+s22+$0x0], $0xffff  }
0x4c3: {  	v48 =	vmov v12;
	v12 =	vmov s5;
	[tilespmem:v13+s30+$0x0] =	vst.idx.msk $0xffff, v18;
	v37 =	vld.idx.msk [tilespmem:v59+s22+$0x0], $0xffff  }
0x4c4: {  	v24 =	vmov s21;
	v52 =	vshll.u32 v12, $0x6;
	v14 =	vld.idx.msk [tilespmem:v14+s22+$0x0], $0xffff  }
0x4c5: {  	s5 =	sadd.s32 $0x7, s21;
	v50 =	vshll.u32 v24, $0x6;
	v36 =	vor.u32 v3, v52;
	[tilespmem:v35+s30+$0x0] =	vst.idx.msk $0xffff, v30;
	v13 =	vld [tilespmem:$0x1FC10]  }
0x4c6: {  	v22 =	vand.u32 $0x78, v12;
	v12 =	vmov s5;
	v32 =	vand.u32 $0x78, v29;
	[tilespmem:v20+s30+$0x0] =	vst.idx.msk $0xffff, v16;
	v16 =	vld [tilespmem:$0x1FC40]  }
0x4c7: {  	v24 =	vand.u32 $0x78, v12;
	v45 =	vshll.u32 v12, $0x6;
	v12 =	vadd.s32 v56, v32;
	v56 =	vld.idx.msk [tilespmem:v9+s22+$0x0], $0xffff  }
0x4c8: {  	s20 =	sadd.s32 $0x2, s21;
	v42 =	vor.u32 v3, v50;
	v9 =	vld [tilespmem:$0x1FC90]  }
0x4c9: {  	s26 =	smov.u32 s21;
	v49 =	vmov s20;
	[tilespmem:v15+s30+$0x0] =	vst.idx.msk $0xffff, v14;
	v14 =	vld [tilespmem:$0x1FF80]  }
0x4ca: {  	s31 =	sadd.s32 $0x3, s26;
	v33 =	vshll.u32 v49, $0x6;
	v36 =	vld.idx.msk [tilespmem:v36+s22+$0x0], $0xffff;
	[tilespmem:v44+s30+$0x0] =	vst.idx.msk $0xffff, v19  }
0x4cb: {  	v29 =	vmov s31;
	v60 =	vadd.s32 v55, v32;
	v51 =	vor.u32 v3, v33;
	[tilespmem:v39+s30+$0x0] =	vst.idx.msk $0xffff, v38;
	v38 =	vld.idx.msk [tilespmem:v8+s22+$0x0], $0xffff  }
0x4cc: {  	v28 =	vshll.u32 v29, $0x6;
	v20 =	vor.u32 v4, v26;
	v8 =	vld [tilespmem:$0x1FEA0]  }
0x4cd: {  	s0 =	sadd.s32 $0x4, s21;
	v49 =	vand.u32 $0x78, v49;
	v18 =	vor.u32 v3, v28;
	v15 =	vld.idx.msk [tilespmem:v42+s22+$0x0], $0xffff  }
0x4ce: {  	v34 =	vadd.s32 v10, v11;
	v10 =	vmov s0;
	v42 =	vadd.s32 v14, v22;
	v14 =	vld [tilespmem:$0x1FC20]  }
0x4cf: {  	s1 =	sadd.s32 $0x5, s21;
	[tilespmem:v48+s30+$0x0] =	vst.idx.msk $0xffff, v23;
	v27 =	vshll.u32 v10, $0x6;
	v10 =	vand.u32 $0x78, v10;
	v30 =	vadd.s32 v13, v49;
	v13 =	vld [tilespmem:$0x1FBF0]  }
0x4d0: {  	v11 =	vmov s1;
	[tilespmem:v60+s30+$0x0] =	vst.idx.msk $0xffff, v37;
	v43 =	vor.u32 v3, v27;
	v44 =	vadd.s32 v31, v10;
	v31 =	vld.idx.msk [tilespmem:v51+s22+$0x0], $0xffff  }
0x4d1: {  	v53 =	vor.u32 v3, v45;
	v41 =	vshll.u32 v11, $0x6;
	v20 =	vld.idx.msk [tilespmem:v20+s22+$0x0], $0xffff  }
0x4d2: {  	v54 =	vor.u32 v3, v41;
	v39 =	vadd.s32 s26, v8;
	v8 =	vld [tilespmem:$0x1FEB0]  }
0x4d3: {  	[tilespmem:v40+s30+$0x0] =	vst.idx.msk $0xffff, v58;
	v23 =	vadd.s32 v14, v49;
	v14 =	vld [tilespmem:$0x1FF20]  }
0x4d4: {  	v29 =	vand.u32 $0x78, v29;
	v17 =	vor.u32 v4, v33;
	[tilespmem:v21+s30+$0x0] =	vst.idx.msk $0xffff, v38;
	v21 =	vld.idx.msk [tilespmem:v18+s22+$0x0], $0xffff  }
0x4d5: {  	v55 =	vadd.s32 v16, v29;
	v43 =	vld.idx.msk [tilespmem:v43+s22+$0x0], $0xffff  }
0x4d6: {  	v53 =	vld.idx.msk [tilespmem:v53+s22+$0x0], $0xffff  }
0x4d7: {  	v38 =	vor.u32 v4, v28;
	[tilespmem:v47+s30+$0x0] =	vst.idx.msk $0xffff, v25;
	v54 =	vld.idx.msk [tilespmem:v54+s22+$0x0], $0xffff  }
0x4d8: {  	[tilespmem:v30+s30+$0x0] =	vst.idx.msk $0xffff, v31;
	v47 =	vadd.s32 v14, v10;
	v14 =	vld [tilespmem:$0x1FC00]  }
0x4d9: {  	v57 =	vadd.s32 v9, v24;
	v60 =	vld.idx.msk [tilespmem:v17+s22+$0x0], $0xffff  }
0x4da: {  	v35 =	vor.u32 v4, v50;
	v17 =	vld [tilespmem:$0x1FFC0];
	[tilespmem:v55+s30+$0x0] =	vst.idx.msk $0xffff, v21  }
0x4db: {  	v59 =	vor.u32 v4, v52;
	[tilespmem:v39+s30+$0x0] =	vst.idx.msk $0xffff, v15;
	v15 =	vld [tilespmem:$0x1FF30]  }
0x4dc: {  	v46 =	vor.u32 v4, v27;
	v21 =	vld.idx.msk [tilespmem:v38+s22+$0x0], $0xffff  }
0x4dd: {  	[tilespmem:v34+s30+$0x0] =	vst.idx.msk $0xffff, v56;
	v40 =	vadd.s32 v14, v32;
	v14 =	vld [tilespmem:$0x1FC50]  }
0x4de: {  	v58 =	vor.u32 v4, v45;
	v11 =	vand.u32 $0x78, v11;
	[tilespmem:v57+s30+$0x0] =	vst.idx.msk $0xffff, v53;
	v57 =	vld [tilespmem:$0x1FEC0]  }
0x4df: {  	v51 =	vadd.s32 v61, v11;
	[tilespmem:v42+s30+$0x0] =	vst.idx.msk $0xffff, v36;
	v34 =	vld.idx.msk [tilespmem:v35+s22+$0x0], $0xffff  }
0x4e0: {  	[tilespmem:v44+s30+$0x0] =	vst.idx.msk $0xffff, v43;
	v43 =	vld.idx.msk [tilespmem:v59+s22+$0x0], $0xffff  }
0x4e1: {  	v18 =	vor.u32 v5, v50;
	v44 =	vor.u32 v4, v41;
	v56 =	vld.idx.msk [tilespmem:v46+s22+$0x0], $0xffff  }
0x4e2: {  	v61 =	vadd.s32 v14, v29;
	v14 =	vor.u32 v6, v50;
	v50 =	vadd.s32 v17, v24;
	v17 =	vld [tilespmem:$0x1FF90]  }
0x4e3: {  	v53 =	vld.idx.msk [tilespmem:v58+s22+$0x0], $0xffff  }
0x4e4: {  	v25 =	vor.u32 v5, v33;
	[tilespmem:v51+s30+$0x0] =	vst.idx.msk $0xffff, v54;
	v46 =	vld [tilespmem:$0x1FEE0]  }
0x4e5: {  	v19 =	vadd.s32 s26, v8;
	[tilespmem:v23+s30+$0x0] =	vst.idx.msk $0xffff, v60;
	v60 =	vld [tilespmem:$0x1FF00]  }
0x4e6: {  	v8 =	vor.u32 v6, v45;
	v38 =	vor.u32 v6, v33;
	v33 =	vor.u32 v5, v45;
	v45 =	vld.idx.msk [tilespmem:v44+s22+$0x0], $0xffff  }
0x4e7: {  	v42 =	vadd.s32 v17, v22;
	v17 =	vld [tilespmem:$0x1FF60]  }
0x4e8: {  	[tilespmem:v40+s30+$0x0] =	vst.idx.msk $0xffff, v20;
	v20 =	vld [tilespmem:$0x1FFB0]  }
0x4e9: {  	v36 =	vadd.s32 v46, v32;
	v32 =	vld.idx.msk [tilespmem:v25+s22+$0x0], $0xffff  }
0x4ea: {  	v48 =	vor.u32 v5, v26;
	[tilespmem:v61+s30+$0x0] =	vst.idx.msk $0xffff, v21;
	v21 =	vld [tilespmem:$0x1FFF0]  }
0x4eb: {  	v16 =	vor.u32 v6, v52;
	v52 =	vor.u32 v5, v52;
	v55 =	vor.u32 v5, v28;
	v61 =	vld [tilespmem:$0x1FFD0]  }
0x4ec: {  	v9 =	vor.u32 v6, v41;
	v31 =	vor.u32 v5, v27;
	v30 =	vadd.s32 v17, v11;
	v17 =	vld [tilespmem:$0x1FC30]  }
0x4ed: {  	p0 =	slt.u32 s21, $0x78;
	v20 =	vadd.s32 v20, v22;
	[tilespmem:v42+s30+$0x0] =	vst.idx.msk $0xffff, v43;
	v42 =	vadd.s32 v7, v22;
	v22 =	vld [tilespmem:$0x1FF10]  }
.Ltmp8:
0x4ee: {  	v13 =	vadd.s32 s26, v13;
	v41 =	vor.u32 v5, v41;
	v35 =	vadd.s32 v63, v11;
	[tilespmem:v47+s30+$0x0] =	vst.idx.msk $0xffff, v56;
	v56 =	vld [tilespmem:$0x1FEF0];
	(pc) =	sbr.rel @p0 .LBB2_17-.Ltmp8, $4  }
0x4ef: {  	v23 =	vor.u32 v6, v26;
	v46 =	vor.u32 v6, v28;
	v25 =	vor.u32 v6, v27;
	v28 =	vld.idx.msk [tilespmem:v48+s22+$0x0], $0xffff  }
0x4f0: {  	v27 =	vadd.s32 v62, v29;
	v39 =	vadd.s32 v60, v49;
	[tilespmem:v50+s30+$0x0] =	vst.idx.msk $0xffff, v53;
	v26 =	vld.idx.msk [tilespmem:v55+s22+$0x0], $0xffff  }
0x4f1: {  	v55 =	vld [tilespmem:$0x1FED0];
	v21 =	vadd.s32 v21, v24;
	v44 =	vadd.s32 v61, v24;
	v37 =	vadd.s32 v17, v49  }
0x4f2: {  	s21 =	sadd.s32 $0x8, s21;
	v43 =	vld.idx.msk [tilespmem:v52+s22+$0x0], $0xffff;
	v17 =	vadd.s32 v15, v10;
	v15 =	vadd.s32 s26, v57;
	v40 =	vadd.s32 v22, v29  }
0x4f3: {  	_ =	sdelay $0x3  }
0x4f4: {  	[tilespmem:v19+s30+$0x0] =	vst.idx.msk $0xffff, v34  }
0x4f5: {  	v61 =	vld.idx.msk [tilespmem:v33+s22+$0x0], $0xffff;
	[tilespmem:v37+s30+$0x0] =	vst.idx.msk $0xffff, v32  }
0x4f6: {  	[tilespmem:v30+s30+$0x0] =	vst.idx.msk $0xffff, v45;
	v18 =	vld.idx.msk [tilespmem:v18+s22+$0x0], $0xffff  }
0x4f7: {  	v22 =	vld.idx.msk [tilespmem:v38+s22+$0x0], $0xffff;
	[tilespmem:v36+s30+$0x0] =	vst.idx.msk $0xffff, v28  }
0x4f8: {  	[tilespmem:v27+s30+$0x0] =	vst.idx.msk $0xffff, v26;
	v26 =	vld.idx.msk [tilespmem:v31+s22+$0x0], $0xffff  }
0x4f9: {  	v24 =	vld.idx.msk [tilespmem:v46+s22+$0x0], $0xffff;
	[tilespmem:v42+s30+$0x0] =	vst.idx.msk $0xffff, v43  }
0x4fa: {  	v27 =	vld.idx.msk [tilespmem:v41+s22+$0x0], $0xffff;
	[tilespmem:v44+s30+$0x0] =	vst.idx.msk $0xffff, v61  }
0x4fb: {  	[tilespmem:v13+s30+$0x0] =	vst.idx.msk $0xffff, v18  }
0x4fc: {  	[tilespmem:v39+s30+$0x0] =	vst.idx.msk $0xffff, v22  }
0x4fd: {  	[tilespmem:v17+s30+$0x0] =	vst.idx.msk $0xffff, v26  }
0x4fe: {  	v62 =	vld.idx.msk [tilespmem:v16+s22+$0x0], $0xffff;
	[tilespmem:v40+s30+$0x0] =	vst.idx.msk $0xffff, v24  }
0x4ff: {  	v19 =	vld [tilespmem:$0x1FF40];
	[tilespmem:v35+s30+$0x0] =	vst.idx.msk $0xffff, v27  }
0x500: {  	v18 =	vld [tilespmem:$0x1FF70]  }
0x501: {  	v63 =	vld.idx.msk [tilespmem:v23+s22+$0x0], $0xffff  }
0x502: {  	v8 =	vld.idx.msk [tilespmem:v8+s22+$0x0], $0xffff  }
0x503: {  	v14 =	vld.idx.msk [tilespmem:v14+s22+$0x0], $0xffff  }
0x504: {  	v17 =	vld.idx.msk [tilespmem:v25+s22+$0x0], $0xffff;
	v10 =	vadd.s32 v19, v10  }
0x505: {  	[tilespmem:v20+s30+$0x0] =	vst.idx.msk $0xffff, v62;
	v9 =	vld.idx.msk [tilespmem:v9+s22+$0x0], $0xffff;
	v11 =	vadd.s32 v18, v11  }
0x506: {  	[tilespmem:v12+s30+$0x0] =	vst.idx.msk $0xffff, v63  }
0x507: {  	[tilespmem:v21+s30+$0x0] =	vst.idx.msk $0xffff, v8  }
0x508: {  	s0 =	sor.u32 s14, s23;
	[tilespmem:v15+s30+$0x0] =	vst.idx.msk $0xffff, v14  }
0x509: {  	s21 =	sshrl.u32 s0, $0x3;
	[tilespmem:v10+s30+$0x0] =	vst.idx.msk $0xffff, v17  }
0x50a: {  	s0 =	sadd.s32 s2, s21;
	[tilespmem:v11+s30+$0x0] =	vst.idx.msk $0xffff, v9  }
0x50b: {  	[hbm4b:s0+s3] =	stream.linear.scatter [tilespmem:s30], [sflag:$0x4], $0x80, $0x38;
	[tilespmem:$0x1E100] =	vst v63  }
0x50c: {  	s5 =	simm.s32 $0x19508;
	s1 =	sadd.s32 $0x10, s0  }
0x50d: {  	[hbm4b:s1+s3] =	stream.linear.scatter [tilespmem:s5], [sflag:$0x4], $0x80, $0x38;
	[tilespmem:$0x1E100] =	vst v63  }
0x50e: {  	s31 =	simm.s32 $0x19590;
	s26 =	sadd.s32 $0x20, s0  }
0x50f: {  	[hbm4b:s26+s3] =	stream.linear.scatter [tilespmem:s31], [sflag:$0x4], $0x80, $0x38;
	[tilespmem:$0x1E100] =	vst v63  }
0x510: {  	s18 =	simm.s32 $0x19618;
	s5 =	sadd.s32 $0x30, s0  }
0x511: {  	[hbm4b:s5+s3] =	stream.linear.scatter [tilespmem:s18], [sflag:$0x4], $0x80, $0x38;
	[tilespmem:$0x1E100] =	vst v63  }
0x512: {  	s23 =	simm.s32 $0x196A0;
	s20 =	sadd.s32 $0x40, s0  }
0x513: {  	[hbm4b:s20+s3] =	stream.linear.scatter [tilespmem:s23], [sflag:$0x4], $0x80, $0x38;
	[tilespmem:$0x1E100] =	vst v63  }
0x514: {  	s26 =	sadd.s32 $0x50, s0;
	s31 =	simm.s32 $0x19728  }
0x515: {  	[hbm4b:s26+s3] =	stream.linear.scatter [tilespmem:s31], [sflag:$0x4], $0x80, $0x38;
	[tilespmem:$0x1E100] =	vst v63  }
0x516: {  	s5 =	sadd.s32 $0x60, s0;
	s18 =	simm.s32 $0x197B0  }
0x517: {  	[hbm4b:s5+s3] =	stream.linear.scatter [tilespmem:s18], [sflag:$0x4], $0x80, $0x38;
	[tilespmem:$0x1E100] =	vst v63  }
0x518: {  	s20 =	sadd.s32 $0x70, s0;
	s23 =	simm.s32 $0x19838  }
0x519: {  	[hbm4b:s20+s3] =	stream.linear.scatter [tilespmem:s23], [sflag:$0x4], $0x80, $0x38;
	[tilespmem:$0x1E100] =	vst v63  }
0x51a: {  	s26 =	sadd.s32 $0x80, s0;
	s31 =	simm.s32 $0x19948  }
0x51b: {  	[hbm4b:s26+s3] =	stream.linear.scatter [tilespmem:s31], [sflag:$0x4], $0x80, $0x38;
	[tilespmem:$0x1E100] =	vst v63  }
0x51c: {  	s5 =	sadd.s32 $0x90, s0;
	s18 =	simm.s32 $0x199D0  }
0x51d: {  	[hbm4b:s5+s3] =	stream.linear.scatter [tilespmem:s18], [sflag:$0x4], $0x80, $0x38;
	[tilespmem:$0x1E100] =	vst v63  }
0x51e: {  	s20 =	sadd.s32 $0xA0, s0;
	s23 =	simm.s32 $0x19A58  }
0x51f: {  	[hbm4b:s20+s3] =	stream.linear.scatter [tilespmem:s23], [sflag:$0x4], $0x80, $0x38;
	[tilespmem:$0x1E100] =	vst v63  }
0x520: {  	s26 =	sadd.s32 $0xB0, s0;
	s31 =	simm.s32 $0x19AE0  }
0x521: {  	[hbm4b:s26+s3] =	stream.linear.scatter [tilespmem:s31], [sflag:$0x4], $0x80, $0x38;
	[tilespmem:$0x1E100] =	vst v63  }
0x522: {  	s5 =	sadd.s32 $0xC0, s0;
	s18 =	simm.s32 $0x19B68  }
0x523: {  	[hbm4b:s5+s3] =	stream.linear.scatter [tilespmem:s18], [sflag:$0x4], $0x80, $0x38;
	[tilespmem:$0x1E100] =	vst v63  }
0x524: {  	s20 =	sadd.s32 $0xD0, s0;
	s23 =	simm.s32 $0x19BF0  }
0x525: {  	[hbm4b:s20+s3] =	stream.linear.scatter [tilespmem:s23], [sflag:$0x4], $0x80, $0x38;
	[tilespmem:$0x1E100] =	vst v63  }
0x526: {  	s26 =	sadd.s32 $0xE0, s0;
	s31 =	simm.s32 $0x19C78  }
0x527: {  	[hbm4b:s26+s3] =	stream.linear.scatter [tilespmem:s31], [sflag:$0x4], $0x80, $0x38;
	[tilespmem:$0x1E100] =	vst v63  }
0x528: {  	s0 =	sadd.s32 $0xF0, s0;
	s18 =	simm.s32 $0x19D00;
	s20 =	sor.u32 $0x4000, s21  }
0x529: {  	[hbm4b:s0+s3] =	stream.linear.scatter [tilespmem:s18], [sflag:$0x4], $0x80, $0x38;
	[tilespmem:$0x1E100] =	vst v63  }
0x52a: {  	s23 =	simm.s32 $0x19E10;
	s0 =	sadd.s32 s2, s20  }
0x52b: {  	[hbm4b:s0+s3] =	stream.linear.scatter [tilespmem:s23], [sflag:$0x4], $0x80, $0x38;
	[tilespmem:$0x1E100] =	vst v63  }
0x52c: {  	s31 =	simm.s32 $0x19E98;
	s26 =	sadd.s32 $0x10, s0  }
0x52d: {  	[hbm4b:s26+s3] =	stream.linear.scatter [tilespmem:s31], [sflag:$0x4], $0x80, $0x38;
	[tilespmem:$0x1E100] =	vst v63  }
0x52e: {  	s18 =	simm.s32 $0x19F20;
	s5 =	sadd.s32 $0x20, s0  }
0x52f: {  	[hbm4b:s5+s3] =	stream.linear.scatter [tilespmem:s18], [sflag:$0x4], $0x80, $0x38;
	[tilespmem:$0x1E100] =	vst v63  }
0x530: {  	s20 =	sadd.s32 $0x30, s0;
	s23 =	simm.s32 $0x19FA8  }
0x531: {  	[hbm4b:s20+s3] =	stream.linear.scatter [tilespmem:s23], [sflag:$0x4], $0x80, $0x38;
	[tilespmem:$0x1E100] =	vst v63  }
0x532: {  	s26 =	sadd.s32 $0x40, s0;
	s31 =	simm.s32 $0x1A030  }
0x533: {  	[hbm4b:s26+s3] =	stream.linear.scatter [tilespmem:s31], [sflag:$0x4], $0x80, $0x38;
	[tilespmem:$0x1E100] =	vst v63  }
0x534: {  	s5 =	sadd.s32 $0x50, s0;
	s18 =	simm.s32 $0x1A0B8  }
0x535: {  	[hbm4b:s5+s3] =	stream.linear.scatter [tilespmem:s18], [sflag:$0x4], $0x80, $0x38;
	[tilespmem:$0x1E100] =	vst v63  }
0x536: {  	s20 =	sadd.s32 $0x60, s0;
	s23 =	simm.s32 $0x1A140  }
0x537: {  	[hbm4b:s20+s3] =	stream.linear.scatter [tilespmem:s23], [sflag:$0x4], $0x80, $0x38;
	[tilespmem:$0x1E100] =	vst v63  }
0x538: {  	s26 =	sadd.s32 $0x70, s0;
	s31 =	simm.s32 $0x1A1C8  }
0x539: {  	[hbm4b:s26+s3] =	stream.linear.scatter [tilespmem:s31], [sflag:$0x4], $0x80, $0x38;
	[tilespmem:$0x1E100] =	vst v63  }
0x53a: {  	s5 =	sadd.s32 $0x80, s0;
	s18 =	simm.s32 $0x1A2D8  }
0x53b: {  	[hbm4b:s5+s3] =	stream.linear.scatter [tilespmem:s18], [sflag:$0x4], $0x80, $0x38;
	[tilespmem:$0x1E100] =	vst v63  }
0x53c: {  	s20 =	sadd.s32 $0x90, s0;
	s23 =	simm.s32 $0x1A360  }
0x53d: {  	[hbm4b:s20+s3] =	stream.linear.scatter [tilespmem:s23], [sflag:$0x4], $0x80, $0x38;
	[tilespmem:$0x1E100] =	vst v63  }
0x53e: {  	s26 =	sadd.s32 $0xA0, s0;
	s31 =	simm.s32 $0x1A3E8  }
0x53f: {  	[hbm4b:s26+s3] =	stream.linear.scatter [tilespmem:s31], [sflag:$0x4], $0x80, $0x38;
	[tilespmem:$0x1E100] =	vst v63  }
0x540: {  	s5 =	sadd.s32 $0xB0, s0;
	s18 =	simm.s32 $0x1A470  }
0x541: {  	[hbm4b:s5+s3] =	stream.linear.scatter [tilespmem:s18], [sflag:$0x4], $0x80, $0x38;
	[tilespmem:$0x1E100] =	vst v63  }
0x542: {  	s20 =	sadd.s32 $0xC0, s0;
	s23 =	simm.s32 $0x1A4F8  }
0x543: {  	[hbm4b:s20+s3] =	stream.linear.scatter [tilespmem:s23], [sflag:$0x4], $0x80, $0x38;
	[tilespmem:$0x1E100] =	vst v63  }
0x544: {  	s26 =	sadd.s32 $0xD0, s0;
	s31 =	simm.s32 $0x1A580  }
0x545: {  	[hbm4b:s26+s3] =	stream.linear.scatter [tilespmem:s31], [sflag:$0x4], $0x80, $0x38;
	[tilespmem:$0x1E100] =	vst v63  }
0x546: {  	s18 =	sadd.s32 $0xE0, s0;
	s20 =	simm.s32 $0x1A608  }
0x547: {  	[hbm4b:s18+s3] =	stream.linear.scatter [tilespmem:s20], [sflag:$0x4], $0x80, $0x38;
	[tilespmem:$0x1E100] =	vst v63  }
0x548: {  	s0 =	sadd.s32 $0xF0, s0;
	s23 =	simm.s32 $0x1A690;
	s26 =	sor.u32 $0x8000, s21  }
0x549: {  	[hbm4b:s0+s3] =	stream.linear.scatter [tilespmem:s23], [sflag:$0x4], $0x80, $0x38;
	[tilespmem:$0x1E100] =	vst v63  }
0x54a: {  	s31 =	simm.s32 $0x1A7A0;
	s0 =	sadd.s32 s2, s26  }
0x54b: {  	[hbm4b:s0+s3] =	stream.linear.scatter [tilespmem:s31], [sflag:$0x4], $0x80, $0x38;
	[tilespmem:$0x1E100] =	vst v63  }
0x54c: {  	s18 =	simm.s32 $0x1A828;
	s5 =	sadd.s32 $0x10, s0  }
0x54d: {  	[hbm4b:s5+s3] =	stream.linear.scatter [tilespmem:s18], [sflag:$0x4], $0x80, $0x38;
	[tilespmem:$0x1E100] =	vst v63  }
0x54e: {  	s23 =	simm.s32 $0x1A8B0;
	s20 =	sadd.s32 $0x20, s0  }
0x54f: {  	[hbm4b:s20+s3] =	stream.linear.scatter [tilespmem:s23], [sflag:$0x4], $0x80, $0x38;
	[tilespmem:$0x1E100] =	vst v63  }
0x550: {  	s26 =	sadd.s32 $0x30, s0;
	s31 =	simm.s32 $0x1A938  }
0x551: {  	[hbm4b:s26+s3] =	stream.linear.scatter [tilespmem:s31], [sflag:$0x4], $0x80, $0x38;
	[tilespmem:$0x1E100] =	vst v63  }
0x552: {  	s5 =	sadd.s32 $0x40, s0;
	s18 =	simm.s32 $0x1A9C0  }
0x553: {  	[hbm4b:s5+s3] =	stream.linear.scatter [tilespmem:s18], [sflag:$0x4], $0x80, $0x38;
	[tilespmem:$0x1E100] =	vst v63  }
0x554: {  	s20 =	sadd.s32 $0x50, s0;
	s23 =	simm.s32 $0x1AA48  }
0x555: {  	[hbm4b:s20+s3] =	stream.linear.scatter [tilespmem:s23], [sflag:$0x4], $0x80, $0x38;
	[tilespmem:$0x1E100] =	vst v63  }
0x556: {  	s26 =	sadd.s32 $0x60, s0;
	s31 =	simm.s32 $0x1AAD0  }
0x557: {  	[hbm4b:s26+s3] =	stream.linear.scatter [tilespmem:s31], [sflag:$0x4], $0x80, $0x38;
	[tilespmem:$0x1E100] =	vst v63  }
0x558: {  	s5 =	sadd.s32 $0x70, s0;
	s18 =	simm.s32 $0x1AB58  }
0x559: {  	[hbm4b:s5+s3] =	stream.linear.scatter [tilespmem:s18], [sflag:$0x4], $0x80, $0x38;
	[tilespmem:$0x1E100] =	vst v63  }
0x55a: {  	s20 =	sadd.s32 $0x80, s0;
	s23 =	simm.s32 $0x1AC68  }
0x55b: {  	[hbm4b:s20+s3] =	stream.linear.scatter [tilespmem:s23], [sflag:$0x4], $0x80, $0x38;
	[tilespmem:$0x1E100] =	vst v63  }
0x55c: {  	s26 =	sadd.s32 $0x90, s0;
	s31 =	simm.s32 $0x1ACF0  }
0x55d: {  	[hbm4b:s26+s3] =	stream.linear.scatter [tilespmem:s31], [sflag:$0x4], $0x80, $0x38;
	[tilespmem:$0x1E100] =	vst v63  }
0x55e: {  	s5 =	sadd.s32 $0xA0, s0;
	s18 =	simm.s32 $0x1AD78  }
0x55f: {  	[hbm4b:s5+s3] =	stream.linear.scatter [tilespmem:s18], [sflag:$0x4], $0x80, $0x38;
	[tilespmem:$0x1E100] =	vst v63  }
0x560: {  	s20 =	sadd.s32 $0xB0, s0;
	s23 =	simm.s32 $0x1AE00  }
0x561: {  	[hbm4b:s20+s3] =	stream.linear.scatter [tilespmem:s23], [sflag:$0x4], $0x80, $0x38;
	[tilespmem:$0x1E100] =	vst v63  }
0x562: {  	s26 =	sadd.s32 $0xC0, s0;
	s31 =	simm.s32 $0x1AE88  }
0x563: {  	[hbm4b:s26+s3] =	stream.linear.scatter [tilespmem:s31], [sflag:$0x4], $0x80, $0x38;
	[tilespmem:$0x1E100] =	vst v63  }
0x564: {  	s18 =	sadd.s32 $0xD0, s0;
	s20 =	simm.s32 $0x1AF10  }
0x565: {  	[hbm4b:s18+s3] =	stream.linear.scatter [tilespmem:s20], [sflag:$0x4], $0x80, $0x38;
	[tilespmem:$0x1E100] =	vst v63  }
0x566: {  	s23 =	sadd.s32 $0xE0, s0;
	s26 =	simm.s32 $0x1AF98  }
0x567: {  	[hbm4b:s23+s3] =	stream.linear.scatter [tilespmem:s26], [sflag:$0x4], $0x80, $0x38;
	[tilespmem:$0x1E100] =	vst v63  }
0x568: {  	s5 =	sor.u32 $0xC000, s21;
	s0 =	sadd.s32 $0xF0, s0;
	s31 =	simm.s32 $0x1B020  }
0x569: {  	[hbm4b:s0+s3] =	stream.linear.scatter [tilespmem:s31], [sflag:$0x4], $0x80, $0x38;
	[tilespmem:$0x1E100] =	vst v63  }
0x56a: {  	s18 =	simm.s32 $0x1B130;
	s0 =	sadd.s32 s2, s5  }
0x56b: {  	[hbm4b:s0+s3] =	stream.linear.scatter [tilespmem:s18], [sflag:$0x4], $0x80, $0x38;
	[tilespmem:$0x1E100] =	vst v63  }
0x56c: {  	s23 =	simm.s32 $0x1B1B8;
	s20 =	sadd.s32 $0x10, s0  }
0x56d: {  	[hbm4b:s20+s3] =	stream.linear.scatter [tilespmem:s23], [sflag:$0x4], $0x80, $0x38;
	[tilespmem:$0x1E100] =	vst v63  }
0x56e: {  	s31 =	simm.s32 $0x1B240;
	s26 =	sadd.s32 $0x20, s0  }
0x56f: {  	[hbm4b:s26+s3] =	stream.linear.scatter [tilespmem:s31], [sflag:$0x4], $0x80, $0x38;
	[tilespmem:$0x1E100] =	vst v63  }
0x570: {  	s5 =	sadd.s32 $0x30, s0;
	s18 =	simm.s32 $0x1B2C8  }
0x571: {  	[hbm4b:s5+s3] =	stream.linear.scatter [tilespmem:s18], [sflag:$0x4], $0x80, $0x38;
	[tilespmem:$0x1E100] =	vst v63  }
0x572: {  	s20 =	sadd.s32 $0x40, s0;
	s23 =	simm.s32 $0x1B350  }
0x573: {  	[hbm4b:s20+s3] =	stream.linear.scatter [tilespmem:s23], [sflag:$0x4], $0x80, $0x38;
	[tilespmem:$0x1E100] =	vst v63  }
0x574: {  	s26 =	sadd.s32 $0x50, s0;
	s31 =	simm.s32 $0x1B3D8  }
0x575: {  	[hbm4b:s26+s3] =	stream.linear.scatter [tilespmem:s31], [sflag:$0x4], $0x80, $0x38;
	[tilespmem:$0x1E100] =	vst v63  }
0x576: {  	s5 =	sadd.s32 $0x60, s0;
	s18 =	simm.s32 $0x1B460  }
0x577: {  	[hbm4b:s5+s3] =	stream.linear.scatter [tilespmem:s18], [sflag:$0x4], $0x80, $0x38;
	[tilespmem:$0x1E100] =	vst v63  }
0x578: {  	s20 =	sadd.s32 $0x70, s0;
	s23 =	simm.s32 $0x1B4E8  }
0x579: {  	[hbm4b:s20+s3] =	stream.linear.scatter [tilespmem:s23], [sflag:$0x4], $0x80, $0x38;
	[tilespmem:$0x1E100] =	vst v63  }
0x57a: {  	s26 =	sadd.s32 $0x80, s0;
	s31 =	simm.s32 $0x1B5F8  }
0x57b: {  	[hbm4b:s26+s3] =	stream.linear.scatter [tilespmem:s31], [sflag:$0x4], $0x80, $0x38;
	[tilespmem:$0x1E100] =	vst v63  }
0x57c: {  	s5 =	sadd.s32 $0x90, s0;
	s18 =	simm.s32 $0x1B680  }
0x57d: {  	[hbm4b:s5+s3] =	stream.linear.scatter [tilespmem:s18], [sflag:$0x4], $0x80, $0x38;
	[tilespmem:$0x1E100] =	vst v63  }
0x57e: {  	s20 =	sadd.s32 $0xA0, s0;
	s23 =	simm.s32 $0x1B708  }
0x57f: {  	[hbm4b:s20+s3] =	stream.linear.scatter [tilespmem:s23], [sflag:$0x4], $0x80, $0x38;
	[tilespmem:$0x1E100] =	vst v63  }
0x580: {  	s26 =	sadd.s32 $0xB0, s0;
	s31 =	simm.s32 $0x1B790  }
0x581: {  	[hbm4b:s26+s3] =	stream.linear.scatter [tilespmem:s31], [sflag:$0x4], $0x80, $0x38;
	[tilespmem:$0x1E100] =	vst v63  }
0x582: {  	s5 =	sadd.s32 $0xC0, s0;
	s18 =	simm.s32 $0x1B818  }
0x583: {  	[hbm4b:s5+s3] =	stream.linear.scatter [tilespmem:s18], [sflag:$0x4], $0x80, $0x38;
	[tilespmem:$0x1E100] =	vst v63  }
0x584: {  	s20 =	sadd.s32 $0xD0, s0;
	s23 =	simm.s32 $0x1B8A0  }
0x585: {  	[hbm4b:s20+s3] =	stream.linear.scatter [tilespmem:s23], [sflag:$0x4], $0x80, $0x38;
	[tilespmem:$0x1E100] =	vst v63  }
0x586: {  	s26 =	sadd.s32 $0xE0, s0;
	s31 =	simm.s32 $0x1B928  }
0x587: {  	[hbm4b:s26+s3] =	stream.linear.scatter [tilespmem:s31], [sflag:$0x4], $0x80, $0x38;
	[tilespmem:$0x1E100] =	vst v63  }
0x588: {  	s0 =	sadd.s32 $0xF0, s0;
	s18 =	simm.s32 $0x1B9B0;
	s20 =	sor.u32 $0x10000, s21  }
0x589: {  	[hbm4b:s0+s3] =	stream.linear.scatter [tilespmem:s18], [sflag:$0x4], $0x80, $0x38;
	[tilespmem:$0x1E100] =	vst v63  }
0x58a: {  	s23 =	simm.s32 $0x1BAC0;
	s0 =	sadd.s32 s2, s20  }
0x58b: {  	[hbm4b:s0+s3] =	stream.linear.scatter [tilespmem:s23], [sflag:$0x4], $0x80, $0x38;
	[tilespmem:$0x1E100] =	vst v63  }
0x58c: {  	s31 =	simm.s32 $0x1BB48;
	s26 =	sadd.s32 $0x10, s0  }
0x58d: {  	[hbm4b:s26+s3] =	stream.linear.scatter [tilespmem:s31], [sflag:$0x4], $0x80, $0x38;
	[tilespmem:$0x1E100] =	vst v63  }
0x58e: {  	s18 =	simm.s32 $0x1BBD0;
	s5 =	sadd.s32 $0x20, s0  }
0x58f: {  	[hbm4b:s5+s3] =	stream.linear.scatter [tilespmem:s18], [sflag:$0x4], $0x80, $0x38;
	[tilespmem:$0x1E100] =	vst v63  }
0x590: {  	s20 =	sadd.s32 $0x30, s0;
	s23 =	simm.s32 $0x1BC58  }
0x591: {  	[hbm4b:s20+s3] =	stream.linear.scatter [tilespmem:s23], [sflag:$0x4], $0x80, $0x38;
	[tilespmem:$0x1E100] =	vst v63  }
0x592: {  	s26 =	sadd.s32 $0x40, s0;
	s31 =	simm.s32 $0x1BCE0  }
0x593: {  	[hbm4b:s26+s3] =	stream.linear.scatter [tilespmem:s31], [sflag:$0x4], $0x80, $0x38;
	[tilespmem:$0x1E100] =	vst v63  }
0x594: {  	s5 =	sadd.s32 $0x50, s0;
	s18 =	simm.s32 $0x1BD68  }
0x595: {  	[hbm4b:s5+s3] =	stream.linear.scatter [tilespmem:s18], [sflag:$0x4], $0x80, $0x38;
	[tilespmem:$0x1E100] =	vst v63  }
0x596: {  	s20 =	sadd.s32 $0x60, s0;
	s23 =	simm.s32 $0x1BDF0  }
0x597: {  	[hbm4b:s20+s3] =	stream.linear.scatter [tilespmem:s23], [sflag:$0x4], $0x80, $0x38;
	[tilespmem:$0x1E100] =	vst v63  }
0x598: {  	s26 =	sadd.s32 $0x70, s0;
	s31 =	simm.s32 $0x1BE78  }
0x599: {  	[hbm4b:s26+s3] =	stream.linear.scatter [tilespmem:s31], [sflag:$0x4], $0x80, $0x38;
	[tilespmem:$0x1E100] =	vst v63  }
0x59a: {  	s5 =	sadd.s32 $0x80, s0;
	s18 =	simm.s32 $0x1BF88  }
0x59b: {  	[hbm4b:s5+s3] =	stream.linear.scatter [tilespmem:s18], [sflag:$0x4], $0x80, $0x38;
	[tilespmem:$0x1E100] =	vst v63  }
0x59c: {  	s20 =	sadd.s32 $0x90, s0;
	s23 =	simm.s32 $0x1C010  }
0x59d: {  	[hbm4b:s20+s3] =	stream.linear.scatter [tilespmem:s23], [sflag:$0x4], $0x80, $0x38;
	[tilespmem:$0x1E100] =	vst v63  }
0x59e: {  	s26 =	sadd.s32 $0xA0, s0;
	s31 =	simm.s32 $0x1C098  }
0x59f: {  	[hbm4b:s26+s3] =	stream.linear.scatter [tilespmem:s31], [sflag:$0x4], $0x80, $0x38;
	[tilespmem:$0x1E100] =	vst v63  }
0x5a0: {  	s5 =	sadd.s32 $0xB0, s0;
	s18 =	simm.s32 $0x1C120  }
0x5a1: {  	[hbm4b:s5+s3] =	stream.linear.scatter [tilespmem:s18], [sflag:$0x4], $0x80, $0x38;
	[tilespmem:$0x1E100] =	vst v63  }
0x5a2: {  	s20 =	sadd.s32 $0xC0, s0;
	s23 =	simm.s32 $0x1C1A8  }
0x5a3: {  	[hbm4b:s20+s3] =	stream.linear.scatter [tilespmem:s23], [sflag:$0x4], $0x80, $0x38;
	[tilespmem:$0x1E100] =	vst v63  }
0x5a4: {  	s26 =	sadd.s32 $0xD0, s0;
	s31 =	simm.s32 $0x1C230  }
0x5a5: {  	[hbm4b:s26+s3] =	stream.linear.scatter [tilespmem:s31], [sflag:$0x4], $0x80, $0x38;
	[tilespmem:$0x1E100] =	vst v63  }
0x5a6: {  	s18 =	sadd.s32 $0xE0, s0;
	s20 =	simm.s32 $0x1C2B8  }
0x5a7: {  	[hbm4b:s18+s3] =	stream.linear.scatter [tilespmem:s20], [sflag:$0x4], $0x80, $0x38;
	[tilespmem:$0x1E100] =	vst v63  }
0x5a8: {  	s0 =	sadd.s32 $0xF0, s0;
	s23 =	simm.s32 $0x1C340;
	s26 =	sor.u32 $0x14000, s21  }
0x5a9: {  	[hbm4b:s0+s3] =	stream.linear.scatter [tilespmem:s23], [sflag:$0x4], $0x80, $0x38;
	[tilespmem:$0x1E100] =	vst v63  }
0x5aa: {  	s31 =	simm.s32 $0x1C450;
	s0 =	sadd.s32 s2, s26  }
0x5ab: {  	[hbm4b:s0+s3] =	stream.linear.scatter [tilespmem:s31], [sflag:$0x4], $0x80, $0x38;
	[tilespmem:$0x1E100] =	vst v63  }
0x5ac: {  	s18 =	simm.s32 $0x1C4D8;
	s5 =	sadd.s32 $0x10, s0  }
0x5ad: {  	[hbm4b:s5+s3] =	stream.linear.scatter [tilespmem:s18], [sflag:$0x4], $0x80, $0x38;
	[tilespmem:$0x1E100] =	vst v63  }
0x5ae: {  	s23 =	simm.s32 $0x1C560;
	s20 =	sadd.s32 $0x20, s0  }
0x5af: {  	[hbm4b:s20+s3] =	stream.linear.scatter [tilespmem:s23], [sflag:$0x4], $0x80, $0x38;
	[tilespmem:$0x1E100] =	vst v63  }
0x5b0: {  	s26 =	sadd.s32 $0x30, s0;
	s31 =	simm.s32 $0x1C5E8  }
0x5b1: {  	[hbm4b:s26+s3] =	stream.linear.scatter [tilespmem:s31], [sflag:$0x4], $0x80, $0x38;
	[tilespmem:$0x1E100] =	vst v63  }
0x5b2: {  	s5 =	sadd.s32 $0x40, s0;
	s18 =	simm.s32 $0x1C670  }
0x5b3: {  	[hbm4b:s5+s3] =	stream.linear.scatter [tilespmem:s18], [sflag:$0x4], $0x80, $0x38;
	[tilespmem:$0x1E100] =	vst v63  }
0x5b4: {  	s20 =	sadd.s32 $0x50, s0;
	s23 =	simm.s32 $0x1C6F8  }
0x5b5: {  	[hbm4b:s20+s3] =	stream.linear.scatter [tilespmem:s23], [sflag:$0x4], $0x80, $0x38;
	[tilespmem:$0x1E100] =	vst v63  }
0x5b6: {  	s26 =	sadd.s32 $0x60, s0;
	s31 =	simm.s32 $0x1C780  }
0x5b7: {  	[hbm4b:s26+s3] =	stream.linear.scatter [tilespmem:s31], [sflag:$0x4], $0x80, $0x38;
	[tilespmem:$0x1E100] =	vst v63  }
0x5b8: {  	s5 =	sadd.s32 $0x70, s0;
	s18 =	simm.s32 $0x1C808  }
0x5b9: {  	[hbm4b:s5+s3] =	stream.linear.scatter [tilespmem:s18], [sflag:$0x4], $0x80, $0x38;
	[tilespmem:$0x1E100] =	vst v63  }
0x5ba: {  	s20 =	sadd.s32 $0x80, s0;
	s23 =	simm.s32 $0x1C918  }
0x5bb: {  	[hbm4b:s20+s3] =	stream.linear.scatter [tilespmem:s23], [sflag:$0x4], $0x80, $0x38;
	[tilespmem:$0x1E100] =	vst v63  }
0x5bc: {  	s26 =	sadd.s32 $0x90, s0;
	s31 =	simm.s32 $0x1C9A0  }
0x5bd: {  	[hbm4b:s26+s3] =	stream.linear.scatter [tilespmem:s31], [sflag:$0x4], $0x80, $0x38;
	[tilespmem:$0x1E100] =	vst v63  }
0x5be: {  	s5 =	sadd.s32 $0xA0, s0;
	s18 =	simm.s32 $0x1CA28  }
0x5bf: {  	[hbm4b:s5+s3] =	stream.linear.scatter [tilespmem:s18], [sflag:$0x4], $0x80, $0x38;
	[tilespmem:$0x1E100] =	vst v63  }
0x5c0: {  	s20 =	sadd.s32 $0xB0, s0;
	s23 =	simm.s32 $0x1CAB0  }
0x5c1: {  	[hbm4b:s20+s3] =	stream.linear.scatter [tilespmem:s23], [sflag:$0x4], $0x80, $0x38;
	[tilespmem:$0x1E100] =	vst v63  }
0x5c2: {  	s26 =	sadd.s32 $0xC0, s0;
	s31 =	simm.s32 $0x1CB38  }
0x5c3: {  	[hbm4b:s26+s3] =	stream.linear.scatter [tilespmem:s31], [sflag:$0x4], $0x80, $0x38;
	[tilespmem:$0x1E100] =	vst v63  }
0x5c4: {  	s18 =	sadd.s32 $0xD0, s0;
	s20 =	simm.s32 $0x1CBC0  }
0x5c5: {  	[hbm4b:s18+s3] =	stream.linear.scatter [tilespmem:s20], [sflag:$0x4], $0x80, $0x38;
	[tilespmem:$0x1E100] =	vst v63  }
0x5c6: {  	s23 =	sadd.s32 $0xE0, s0;
	s26 =	simm.s32 $0x1CC48  }
0x5c7: {  	[hbm4b:s23+s3] =	stream.linear.scatter [tilespmem:s26], [sflag:$0x4], $0x80, $0x38;
	[tilespmem:$0x1E100] =	vst v63  }
0x5c8: {  	s5 =	sor.u32 $0x18000, s21;
	s0 =	sadd.s32 $0xF0, s0;
	s31 =	simm.s32 $0x1CCD0  }
0x5c9: {  	[hbm4b:s0+s3] =	stream.linear.scatter [tilespmem:s31], [sflag:$0x4], $0x80, $0x38;
	[tilespmem:$0x1E100] =	vst v63  }
0x5ca: {  	s18 =	simm.s32 $0x1CDE0;
	s0 =	sadd.s32 s2, s5  }
0x5cb: {  	[hbm4b:s0+s3] =	stream.linear.scatter [tilespmem:s18], [sflag:$0x4], $0x80, $0x38;
	[tilespmem:$0x1E100] =	vst v63  }
0x5cc: {  	s23 =	simm.s32 $0x1CE68;
	s20 =	sadd.s32 $0x10, s0  }
0x5cd: {  	[hbm4b:s20+s3] =	stream.linear.scatter [tilespmem:s23], [sflag:$0x4], $0x80, $0x38;
	[tilespmem:$0x1E100] =	vst v63  }
0x5ce: {  	s31 =	simm.s32 $0x1CEF0;
	s26 =	sadd.s32 $0x20, s0  }
0x5cf: {  	[hbm4b:s26+s3] =	stream.linear.scatter [tilespmem:s31], [sflag:$0x4], $0x80, $0x38;
	[tilespmem:$0x1E100] =	vst v63  }
0x5d0: {  	s5 =	sadd.s32 $0x30, s0;
	s18 =	simm.s32 $0x1CF78  }
0x5d1: {  	[hbm4b:s5+s3] =	stream.linear.scatter [tilespmem:s18], [sflag:$0x4], $0x80, $0x38;
	[tilespmem:$0x1E100] =	vst v63  }
0x5d2: {  	s20 =	sadd.s32 $0x40, s0;
	s23 =	simm.s32 $0x1D000  }
0x5d3: {  	[hbm4b:s20+s3] =	stream.linear.scatter [tilespmem:s23], [sflag:$0x4], $0x80, $0x38;
	[tilespmem:$0x1E100] =	vst v63  }
0x5d4: {  	s26 =	sadd.s32 $0x50, s0;
	s31 =	simm.s32 $0x1D088  }
0x5d5: {  	[hbm4b:s26+s3] =	stream.linear.scatter [tilespmem:s31], [sflag:$0x4], $0x80, $0x38;
	[tilespmem:$0x1E100] =	vst v63  }
0x5d6: {  	s5 =	sadd.s32 $0x60, s0;
	s18 =	simm.s32 $0x1D110  }
0x5d7: {  	[hbm4b:s5+s3] =	stream.linear.scatter [tilespmem:s18], [sflag:$0x4], $0x80, $0x38;
	[tilespmem:$0x1E100] =	vst v63  }
0x5d8: {  	s20 =	sadd.s32 $0x70, s0;
	s23 =	simm.s32 $0x1D198  }
0x5d9: {  	[hbm4b:s20+s3] =	stream.linear.scatter [tilespmem:s23], [sflag:$0x4], $0x80, $0x38;
	[tilespmem:$0x1E100] =	vst v63  }
0x5da: {  	s26 =	sadd.s32 $0x80, s0;
	s31 =	simm.s32 $0x1D2A8  }
0x5db: {  	[hbm4b:s26+s3] =	stream.linear.scatter [tilespmem:s31], [sflag:$0x4], $0x80, $0x38;
	[tilespmem:$0x1E100] =	vst v63  }
0x5dc: {  	s5 =	sadd.s32 $0x90, s0;
	s18 =	simm.s32 $0x1D330  }
0x5dd: {  	[hbm4b:s5+s3] =	stream.linear.scatter [tilespmem:s18], [sflag:$0x4], $0x80, $0x38;
	[tilespmem:$0x1E100] =	vst v63  }
0x5de: {  	s20 =	sadd.s32 $0xA0, s0;
	s23 =	simm.s32 $0x1D3B8  }
0x5df: {  	[hbm4b:s20+s3] =	stream.linear.scatter [tilespmem:s23], [sflag:$0x4], $0x80, $0x38;
	[tilespmem:$0x1E100] =	vst v63  }
0x5e0: {  	s26 =	sadd.s32 $0xB0, s0;
	s31 =	simm.s32 $0x1D440  }
0x5e1: {  	[hbm4b:s26+s3] =	stream.linear.scatter [tilespmem:s31], [sflag:$0x4], $0x80, $0x38;
	[tilespmem:$0x1E100] =	vst v63  }
0x5e2: {  	s5 =	sadd.s32 $0xC0, s0;
	s18 =	simm.s32 $0x1D4C8  }
0x5e3: {  	[hbm4b:s5+s3] =	stream.linear.scatter [tilespmem:s18], [sflag:$0x4], $0x80, $0x38;
	[tilespmem:$0x1E100] =	vst v63  }
0x5e4: {  	s20 =	sadd.s32 $0xD0, s0;
	s23 =	simm.s32 $0x1D550  }
0x5e5: {  	[hbm4b:s20+s3] =	stream.linear.scatter [tilespmem:s23], [sflag:$0x4], $0x80, $0x38;
	[tilespmem:$0x1E100] =	vst v63  }
0x5e6: {  	s26 =	sadd.s32 $0xE0, s0;
	s31 =	simm.s32 $0x1D5D8  }
0x5e7: {  	[hbm4b:s26+s3] =	stream.linear.scatter [tilespmem:s31], [sflag:$0x4], $0x80, $0x38;
	[tilespmem:$0x1E100] =	vst v63  }
0x5e8: {  	s0 =	sadd.s32 $0xF0, s0;
	s5 =	simm.s32 $0x1D660;
	s18 =	sor.u32 $0x1C000, s21  }
0x5e9: {  	[hbm4b:s0+s3] =	stream.linear.scatter [tilespmem:s5], [sflag:$0x4], $0x80, $0x38;
	[tilespmem:$0x1E100] =	vst v63  }
0x5ea: {  	s20 =	simm.s32 $0x1D770;
	s0 =	sadd.s32 s2, s18  }
0x5eb: {  	[hbm4b:s0+s3] =	stream.linear.scatter [tilespmem:s20], [sflag:$0x4], $0x80, $0x38;
	[tilespmem:$0x1E100] =	vst v63  }
0x5ec: {  	s23 =	simm.s32 $0x1D7F8;
	s21 =	sadd.s32 $0x10, s0  }
0x5ed: {  	v32 =	vld [tilespmem:$0x1FCA0];
	[hbm4b:s21+s3] =	stream.linear.scatter [tilespmem:s23], [sflag:$0x4], $0x80, $0x38  }
0x5ee: {  	v60 =	vld [tilespmem:$0x1FCB0];
	s31 =	simm.s32 $0x1D880;
	s26 =	sadd.s32 $0x20, s0  }
0x5ef: {  	v61 =	vld [tilespmem:$0x1FCC0];
	[hbm4b:s26+s3] =	stream.linear.scatter [tilespmem:s31], [sflag:$0x4], $0x80, $0x38  }
0x5f0: {  	v62 =	vld [tilespmem:$0x1FCD0];
	s18 =	sadd.s32 $0x30, s0;
	s20 =	simm.s32 $0x1D908  }
0x5f1: {  	v35 =	vld [tilespmem:$0x1FCE0];
	[hbm4b:s18+s3] =	stream.linear.scatter [tilespmem:s20], [sflag:$0x4], $0x80, $0x38  }
0x5f2: {  	v63 =	vld [tilespmem:$0x1FCF0];
	s21 =	sadd.s32 $0x40, s0;
	s23 =	simm.s32 $0x1D990  }
0x5f3: {  	v24 =	vld [tilespmem:$0x1FD00];
	[hbm4b:s21+s3] =	stream.linear.scatter [tilespmem:s23], [sflag:$0x4], $0x80, $0x38  }
0x5f4: {  	v25 =	vld [tilespmem:$0x1FD10];
	s26 =	sadd.s32 $0x50, s0;
	s31 =	simm.s32 $0x1DA18  }
0x5f5: {  	v36 =	vld [tilespmem:$0x1FD20];
	[hbm4b:s26+s3] =	stream.linear.scatter [tilespmem:s31], [sflag:$0x4], $0x80, $0x38  }
0x5f6: {  	v26 =	vld [tilespmem:$0x1FD30];
	s18 =	sadd.s32 $0x60, s0;
	s20 =	simm.s32 $0x1DAA0  }
0x5f7: {  	v27 =	vld [tilespmem:$0x1FD40];
	[hbm4b:s18+s3] =	stream.linear.scatter [tilespmem:s20], [sflag:$0x4], $0x80, $0x38  }
0x5f8: {  	v31 =	vld [tilespmem:$0x1FD60];
	s21 =	sadd.s32 $0x70, s0;
	s23 =	simm.s32 $0x1DB28  }
0x5f9: {  	v33 =	vld [tilespmem:$0x1FD70];
	[hbm4b:s21+s3] =	stream.linear.scatter [tilespmem:s23], [sflag:$0x4], $0x80, $0x38  }
0x5fa: {  	v53 =	vld [tilespmem:$0x1FD80];
	s26 =	sadd.s32 $0x80, s0;
	s31 =	simm.s32 $0x1DC38  }
0x5fb: {  	v59 =	vld [tilespmem:$0x1FD90];
	[hbm4b:s26+s3] =	stream.linear.scatter [tilespmem:s31], [sflag:$0x4], $0x80, $0x38  }
0x5fc: {  	v38 =	vld [tilespmem:$0x1FDB0];
	s18 =	sadd.s32 $0x90, s0;
	s20 =	simm.s32 $0x1DCC0  }
0x5fd: {  	v39 =	vld [tilespmem:$0x1FDC0];
	[hbm4b:s18+s3] =	stream.linear.scatter [tilespmem:s20], [sflag:$0x4], $0x80, $0x38  }
0x5fe: {  	v40 =	vld [tilespmem:$0x1FDD0];
	s21 =	sadd.s32 $0xA0, s0;
	s23 =	simm.s32 $0x1DD48  }
0x5ff: {  	v37 =	vld [tilespmem:$0x1FDE0];
	[hbm4b:s21+s3] =	stream.linear.scatter [tilespmem:s23], [sflag:$0x4], $0x80, $0x38  }
0x600: {  	v41 =	vld [tilespmem:$0x1FDF0];
	s26 =	sadd.s32 $0xB0, s0;
	s31 =	simm.s32 $0x1DDD0  }
0x601: {  	v42 =	vld [tilespmem:$0x1FE00];
	[hbm4b:s26+s3] =	stream.linear.scatter [tilespmem:s31], [sflag:$0x4], $0x80, $0x38  }
0x602: {  	v43 =	vld [tilespmem:$0x1FE10];
	s5 =	sadd.s32 $0xC0, s0;
	s18 =	simm.s32 $0x1DE58  }
0x603: {  	v44 =	vld [tilespmem:$0x1FE20];
	[hbm4b:s5+s3] =	stream.linear.scatter [tilespmem:s18], [sflag:$0x4], $0x80, $0x38  }
0x604: {  	p0 =	sne.s32 s16, $0x32;
	v45 =	vld [tilespmem:$0x1FE30];
	s20 =	sadd.s32 $0xD0, s0;
	s21 =	simm.s32 $0x1DEE0  }
0x605: {  	v46 =	vld [tilespmem:$0x1FE40];
	[hbm4b:s20+s3] =	stream.linear.scatter [tilespmem:s21], [sflag:$0x4], $0x80, $0x38  }
.Ltmp9:
0x606: {  	v47 =	vld [tilespmem:$0x1FE50];
	(pc) =	sbr.rel @p0 .LBB2_6-.Ltmp9, $4  }
0x607: {  	v49 =	vld [tilespmem:$0x1FE60];
	s23 =	sadd.s32 $0xE0, s0;
	s26 =	simm.s32 $0x1DF68  }
0x608: {  	v50 =	vld [tilespmem:$0x1FE70];
	[hbm4b:s23+s3] =	stream.linear.scatter [tilespmem:s26], [sflag:$0x4], $0x80, $0x38  }
0x609: {  	v51 =	vld [tilespmem:$0x1FE80];
	s0 =	sadd.s32 $0xF0, s0;
	s31 =	simm.s32 $0x1DFF0  }
0x60a: {  	v28 =	vlaneseq.u32;
	v52 =	vld [tilespmem:$0x1FE90];
	[hbm4b:s0+s3] =	stream.linear.scatter [tilespmem:s31], [sflag:$0x4], $0x80, $0x38  }
0x60b: {  	s0 =	simm.s32 $0x3  }
0x60c: {  	_ =	swait.ge [sflag:s0], $0x800  }
0x60d: {  	[sflag:s0] =	ssyncset.done $0x0  }
0x60e: {  	[sflag:s0] =	ssyncadd.s32 $0xFFFFF800  }
0x60f: {  	_ =	swait.ge [sflag:s0], $0x800  }
0x610: {  	[sflag:s0] =	ssyncset.done $0x0  }
0x611: {  	[sflag:s0] =	ssyncadd.s32 $0xFFFFF800  }
0x612: {  	_ =	swait.ge [sflag:s0], $0x800  }
0x613: {  	[sflag:s0] =	ssyncset.done $0x0  }
0x614: {  	[sflag:s0] =	ssyncadd.s32 $0xFFFFF800  }
0x615: {  	_ =	swait.ge [sflag:s0], $0x800  }
0x616: {  	[sflag:s0] =	ssyncset.done $0x0  }
0x617: {  	[sflag:s0] =	ssyncadd.s32 $0xFFFFF800  }
0x618: {  	_ =	swait.ge [sflag:s0], $0x800  }
0x619: {  	[sflag:s0] =	ssyncset.done $0x0  }
0x61a: {  	[sflag:s0] =	ssyncadd.s32 $0xFFFFF800  }
0x61b: {  	_ =	swait.ge [sflag:s0], $0x800  }
0x61c: {  	[sflag:s0] =	ssyncset.done $0x0  }
0x61d: {  	[sflag:s0] =	ssyncadd.s32 $0xFFFFF800  }
0x61e: {  	_ =	swait.ge [sflag:s0], $0x800  }
0x61f: {  	[sflag:s0] =	ssyncset.done $0x0  }
0x620: {  	[sflag:s0] =	ssyncadd.s32 $0xFFFFF800  }
0x621: {  	_ =	swait.ge [sflag:s0], $0x800  }
0x622: {  	[sflag:s0] =	ssyncset.done $0x0  }
0x623: {  	[sflag:s0] =	ssyncadd.s32 $0xFFFFF800  }
0x624: {  	_ =	swait.ge [sflag:s29], $0x800  }
0x625: {  	[sflag:s29] =	ssyncset.done $0x0  }
0x626: {  	[sflag:s29] =	ssyncadd.s32 $0xFFFFF800  }
0x627: {  	_ =	swait.ge [sflag:s29], $0x800  }
0x628: {  	[sflag:s29] =	ssyncset.done $0x0  }
0x629: {  	[sflag:s29] =	ssyncadd.s32 $0xFFFFF800  }
0x62a: {  	_ =	swait.ge [sflag:s29], $0x800  }
0x62b: {  	[sflag:s29] =	ssyncset.done $0x0  }
0x62c: {  	[sflag:s29] =	ssyncadd.s32 $0xFFFFF800  }
0x62d: {  	_ =	swait.ge [sflag:s29], $0x800  }
0x62e: {  	[sflag:s29] =	ssyncset.done $0x0  }
0x62f: {  	[sflag:s29] =	ssyncadd.s32 $0xFFFFF800  }
0x630: {  	_ =	swait.ge [sflag:s29], $0x800  }
0x631: {  	[sflag:s29] =	ssyncset.done $0x0  }
0x632: {  	[sflag:s29] =	ssyncadd.s32 $0xFFFFF800  }
0x633: {  	_ =	swait.ge [sflag:s29], $0x800  }
0x634: {  	[sflag:s29] =	ssyncset.done $0x0  }
0x635: {  	[sflag:s29] =	ssyncadd.s32 $0xFFFFF800  }
0x636: {  	_ =	swait.ge [sflag:s29], $0x800  }
0x637: {  	[sflag:s29] =	ssyncset.done $0x0  }
0x638: {  	[sflag:s29] =	ssyncadd.s32 $0xFFFFF800  }
0x639: {  	_ =	swait.ge [sflag:s29], $0x800  }
0x63a: {  	s1 =	rddreg [dreg:$0x5]  }
0x63b: {  	s31 =	rddreg [dreg:$0x4];
	s1 =	sadd.s32 $0x1, s1  }
0x63c: {  	p0 =	sne.s32 s1, s31  }
.Ltmp10:
0x63d: {  	_ = 	snop;
	(pc) =	sbr.rel @p0 .LBB2_1-.Ltmp10, $3  }
0x63e: {  	_ =	sdelay $0x1  }
0x63f: {  	[sflag:s29] =	ssyncset.done $0x0  }
0x640: {  	v23 =	vld [tilespmem:$0x1FFE0];
	[sflag:s29] =	ssyncadd.s32 $0xFFFFF800  }
0x641: {  	_ =	sfence.sel $0x180000  }
0x642: {  	[bflag:$0x0] =	sbarrier.arrive $0xFFFF  }
0x643: {  	_ =	strace $0x90000047  }
0x644: {  	s0 =	stileid.u32;
	[bflag:$0x2] =	sbarrier.arrive $0xFFFF  }
0x645: {  	p0 =	sne.s32 s0, $0x0;
	s0 =	rddreg [dreg:$0x2]  }
0x646: {  	s0 =	sadd.s32 @!p0 $0x100000, s0  }
0x647: {  	[sflag:s0] =	ssyncadd.tile.s32 @!p0 $0x1;
	_ =	shalt  }
.Lfunc_end2:
_tile_overlayer_lowered:
.L_overlay_start_2:
0x648: {  	(tag) =	ssettag $0x2  }
0x649: {  	s0 =	rddreg [dreg:$0x0];
	s2 =	stileid.u32  }
0x64a: {  	s1 =	rddreg [dreg:$0x1];
	p0 =	sne.s32 s2, $0x0  }
0x64b: {  	s3 =	rddreg [dreg:$0x2];
	[bflag:$0x3] =	sbarrier.arrive $0xFFFF;
	s2 =	simm.s32 @!p0 $0x1C05  }
0x64c: {  	[timem:s3], [sflag:s2] =	dma.local @!p0 [hbm:s0], s1  }
0x64d: {  	s0 =	simm.s32 @!p0 $0x5  }
0x64e: {  	_ =	swait.ge @!p0 [sflag:s0], s1  }
0x64f: {  	s1 =	ssub.s32 @!p0 $0x0, s1;
	[sflag:s0] =	ssyncset.done @!p0 $0x0  }
0x650: {  	[sflag:s0] =	ssyncadd.s32 @!p0 s1  }
0x651: {  	[bflag:$0x3] =	sbarrier.arrive $0xFFFF  }
0x652: {  	_ =	shalt  }

</sc_bundles>
